<compile_context>
chip_gen: v7x
topology: tpu7x:2x2x1
jax: 0.10.2.dev20260603
libtpu: 0.0.44.dev20260713+nightly
codegen_flags: <defaults>
</compile_context>

<pallas_src>
import functools

import jax
import jax.numpy as jnp
from jax import lax
from jax.experimental import pallas as pl
from jax.experimental.pallas import tpu as pltpu
from jax.experimental.pallas import tpu_sc as plsc

_BASE = 1000
_DIM = 64
_NC = 2
_NS = 16


def _prep_body(fw_ref, t0_ref, t1_ref, out_ref):
    fw = fw_ref[...]
    e = jnp.exp(fw - jnp.max(fw))
    s = jnp.sum(e)
    ci = lax.broadcasted_iota(jnp.int32, (1, 2), 1)
    w0 = jnp.sum(jnp.where(ci == 0, e, 0.0)) / s
    w1 = jnp.sum(jnp.where(ci == 1, e, 0.0)) / s
    out_ref[0:_BASE, :] = t0_ref[...] * w0
    out_ref[_BASE:, :] = t1_ref[...] * w1


def _make_fused_table(table0, table1, fusion_weights, interpret=False):
    return pl.pallas_call(
        _prep_body,
        out_shape=jax.ShapeDtypeStruct((2 * _BASE, _DIM), jnp.float32),
        interpret=interpret,
    )(fusion_weights.reshape(1, 2), table0, table1)


def _build_sc(n_items, chunk, interpret=False):
    nw = _NC * _NS
    per_w = n_items // nw
    assert per_w * nw == n_items and per_w % chunk == 0
    chunks = per_w // chunk
    ng = chunk // 128
    assert ng * 128 == chunk
    mesh = plsc.VectorSubcoreMesh(
        core_axis_name="c", subcore_axis_name="s",
        num_cores=_NC, num_subcores=_NS,
    )

    @functools.partial(
        pl.kernel,
        out_type=jax.ShapeDtypeStruct((n_items, _DIM), jnp.float32),
        mesh=mesh,
        scratch_types=[
            pltpu.VMEM((chunk,), jnp.int32),
            tuple(pltpu.VMEM((128,), jnp.int32) for _ in range(ng)),
            tuple(pltpu.VMEM((128,), jnp.int32) for _ in range(ng)),
            pltpu.VMEM((chunk, _DIM), jnp.float32),
            pltpu.VMEM((chunk, _DIM), jnp.float32),
            pltpu.SemaphoreType.DMA,
            pltpu.SemaphoreType.DMA,
        ],
        compiler_params=pltpu.CompilerParams(use_tc_tiling_on_sc=False),
        interpret=interpret,
    )
    def sc_fn(idx_hbm, fused_hbm, out_hbm, idx_v, i0_refs, i1_refs,
              r0_v, r1_v, sem0, sem1):
        wid = lax.axis_index("s") * _NC + lax.axis_index("c")
        base = wid * per_w

        @pl.loop(0, chunks)
        def _chunk(g):
            cb = base + g * chunk
            pltpu.sync_copy(idx_hbm.at[pl.ds(cb, chunk)], idx_v)
            for k in range(ng):
                for jj in range(8):
                    j = k * 8 + jj
                    v = idx_v[pl.ds(j * 16, 16)]
                    base_v = jnp.full((16,), _BASE, jnp.int32)
                    hi = lax.div(v, base_v)
                    lo = v - hi * base_v
                    i0_refs[k][pl.ds(jj * 16, 16)] = lo
                    i1_refs[k][pl.ds(jj * 16, 16)] = hi + base_v
            cps = [
                pltpu.async_copy(fused_hbm.at[i0_refs[k]],
                                 r0_v.at[pl.ds(k * 128, 128)], sem0)
                for k in range(ng)
            ]
            for d in cps:
                d.wait()
            cps = [
                pltpu.async_copy(fused_hbm.at[i1_refs[k]],
                                 r0_v.at[pl.ds(k * 128, 128)], sem1,
                                 add=True)
                for k in range(ng)
            ]
            for d in cps:
                d.wait()

            pltpu.sync_copy(r0_v, out_hbm.at[pl.ds(cb, chunk)])

    return sc_fn


def kernel(item_seq, table0, table1, fusion_weights):
    fused = _make_fused_table(table0, table1, fusion_weights)
    n = item_seq.shape[0] * item_seq.shape[1]
    out = _build_sc(n, 512)(item_seq.reshape(n), fused)
    return out.reshape(item_seq.shape + (_DIM,))

# --- scband reference (transcript-rebuilt; emitter-appended) ---
"""Pipeline reference for scband-s3-rec-tce-79809082294281 (READ-ONLY COPY).

The authoritative reference and input builder live on the scoring server;
editing this copy changes nothing except your own understanding.
"""

import jax, jax.numpy as jnp
import numpy as np

BATCH = 4096
SEQ = 200
VOCAB = 1000000
NUM_TABLES = 2
BASE = 1000
DIM = 64
PAD = 0


def setup_inputs(seed: int = 0) -> dict:
    key = jax.random.key(seed)
    k1, k2, k3, k4 = jax.random.split(key, 4)
    item_seq = jax.random.randint(k1, (BATCH, SEQ), 0, VOCAB, dtype=jnp.int64 if jax.config.jax_enable_x64 else jnp.int32).astype(jnp.int32)
    table0 = jax.random.normal(k2, (BASE, DIM), dtype=jnp.float32) * 0.01
    table0 = table0.at[PAD].set(0.0)
    table1 = jax.random.normal(k3, (BASE, DIM), dtype=jnp.float32) * 0.01
    table1 = table1.at[PAD].set(0.0)
    # xavier_uniform for fusion_weights shape (NUM_TABLES, 1): a = sqrt(6/(fan_in+fan_out))
    a = float(np.sqrt(6.0 / (NUM_TABLES + 1)))
    fusion_weights = jax.random.uniform(k4, (NUM_TABLES, 1), minval=-a, maxval=a, dtype=jnp.float32)
    return {"item_seq": item_seq, "table0": table0, "table1": table1, "fusion_weights": fusion_weights}


def reference(item_seq, table0, table1, fusion_weights):
    # non-padding mask
    non_padding_mask = (item_seq != PAD)[..., None].astype(jnp.float32)
    # decompose item ids into per-table indices via remainder / floor-div
    q = item_seq
    idx0 = jnp.remainder(q, BASE)
    q = q // BASE
    idx0 = jnp.where(item_seq == PAD, PAD, idx0)
    idx1 = jnp.remainder(q, BASE)
    q = q // BASE
    idx1 = jnp.where(item_seq == PAD, PAD, idx1)
    # softmax-normalized fusion weights over tables
    w = jax.nn.softmax(fusion_weights, axis=0)
    # gather from each base table and fuse
    emb0 = jnp.take(table0, idx0, axis=0)
    emb1 = jnp.take(table1, idx1, axis=0)
    composed = w[0, 0] * emb0 + w[1, 0] * emb1
    composed = composed * non_padding_mask
    return composed

if __name__ == "__main__":
    import jax
    _d = setup_inputs()
    print(jax.jit(kernel)(*tuple(_d.values())))

</pallas_src>

<mosaic_0001>
#map = affine_map<(d0, d1) -> (0)>
#map1 = affine_map<(d0, d1) -> (0, 0)>
module attributes {stable_mosaic.version = 14 : i64} {
  func.func @sc_fn(%arg0: i32, %arg1: i32, %arg2: memref<819200xi32, #tpu.memory_space<hbm>>, %arg3: memref<2000x64xf32, #tpu.memory_space<hbm>>, %arg4: memref<819200x64xf32, #tpu.memory_space<hbm>>, %arg5: memref<512xi32, #tpu.memory_space<vmem>>, %arg6: memref<128xi32, #tpu.memory_space<vmem>>, %arg7: memref<128xi32, #tpu.memory_space<vmem>>, %arg8: memref<128xi32, #tpu.memory_space<vmem>>, %arg9: memref<128xi32, #tpu.memory_space<vmem>>, %arg10: memref<128xi32, #tpu.memory_space<vmem>>, %arg11: memref<128xi32, #tpu.memory_space<vmem>>, %arg12: memref<128xi32, #tpu.memory_space<vmem>>, %arg13: memref<128xi32, #tpu.memory_space<vmem>>, %arg14: memref<512x64xf32, #tpu.memory_space<vmem>>, %arg15: memref<512x64xf32, #tpu.memory_space<vmem>>, %arg16: memref<!tpu.dma_semaphore, #tpu.memory_space<semaphore_mem>>, %arg17: memref<!tpu.dma_semaphore, #tpu.memory_space<semaphore_mem>>) attributes {dimension_semantics = [#tpu.dimension_semantics<core_parallel>, #tpu.dimension_semantics<subcore_parallel>], iteration_bounds = array<i64: 2, 16>, scalar_prefetch = 0 : i64, scratch_operands = 13 : i64, tpu.core_type = #tpu.core_type<sc_vector_subcore>, window_params = [{transform_indices = #map}, {transform_indices = #map1}, {transform_indices = #map1}]} {
    %mul3A = arith.constant 2 : i32
    %mul3A_0 = arith.muli %arg1, %mul3A : i32
    %add3A = arith.addi %mul3A_0, %arg0 : i32
    %mul3A_1 = arith.constant 25600 : i32
    %mul3A_2 = arith.muli %add3A, %mul3A_1 : i32
    %scan3A = arith.constant 0 : i32
    %scan3A_3 = arith.constant 50 : i32
    %scan3A_4 = arith.addi %scan3A, %scan3A_3 : i32
    %scan3A_5 = arith.constant 1 : i32
    scf.for %scan3A_7 = %scan3A to %scan3A_4 step %scan3A_5  : i32 {
      %mul3A_8 = arith.constant 1 : i32
      %mul3A_9 = arith.muli %scan3A_7, %mul3A_8 : i32
      %add3A_10 = arith.constant 0 : i32
      %add3A_11 = arith.addi %add3A_10, %mul3A_9 : i32
      %mul3A_12 = arith.constant 512 : i32
      %mul3A_13 = arith.muli %add3A_11, %mul3A_12 : i32
      %add3A_14 = arith.addi %mul3A_2, %mul3A_13 : i32
      "tpu.region"() ({
        %run_scoped3A = tpu.sem_alloc : memref<!tpu.dma_semaphore, #tpu.memory_space<semaphore_mem>>
        %dma_start3A_648 = tpu.memref_slice %arg2[%add3A_14] : memref<819200xi32, #tpu.memory_space<hbm>> -> memref<512xi32, #tpu.memory_space<hbm>>
        %dma_start3A_649 = tpu.memref_slice %arg2[%add3A_14] : memref<819200xi32, #tpu.memory_space<hbm>> -> memref<512xi32, #tpu.memory_space<hbm>>
        tpu.enqueue_dma source(%dma_start3A_649 : memref<512xi32, #tpu.memory_space<hbm>>) target(%arg5 : memref<512xi32, #tpu.memory_space<vmem>>) target_semaphore(%run_scoped3A : memref<!tpu.dma_semaphore, #tpu.memory_space<semaphore_mem>>)
        %dma_wait3A_650 = tpu.memref_slice %arg2[%add3A_14] : memref<819200xi32, #tpu.memory_space<hbm>> -> memref<512xi32, #tpu.memory_space<hbm>>
        %dma_wait3A_651 = tpu.memref_slice %arg2[%add3A_14] : memref<819200xi32, #tpu.memory_space<hbm>> -> memref<512xi32, #tpu.memory_space<hbm>>
        tpu.wait_dma2 semaphore(%run_scoped3A : memref<!tpu.dma_semaphore, #tpu.memory_space<semaphore_mem>>) src(%dma_wait3A_651 : memref<512xi32, #tpu.memory_space<hbm>>) dst(%arg5 : memref<512xi32, #tpu.memory_space<vmem>>)
        tpu.yield
      }) : () -> ()
      %get3A = arith.constant 0 : index
      %get3A_15 = tpu.vector_load %arg5[%get3A] {strides = array<i32>} : memref<512xi32, #tpu.memory_space<vmem>>, vector<16xi32>,
      %get3A_16 = vector.shape_cast %get3A_15 : vector<16xi32> to vector<16xi32>
      %broadcast_in_dim3A = arith.constant 1000 : i32
      %broadcast_in_dim3A_17 = vector.broadcast %broadcast_in_dim3A : i32 to vector<16xi32>
      %div3A = arith.divsi %get3A_16, %broadcast_in_dim3A_17 : vector<16xi32>
      %mul3A_18 = arith.muli %div3A, %broadcast_in_dim3A_17 : vector<16xi32>
      %sub3A = arith.subi %get3A_16, %mul3A_18 : vector<16xi32>
      %swap3A = arith.constant 0 : index
      %swap3A_19 = tpu.vector_load %arg6[%swap3A] {strides = array<i32>} : memref<128xi32, #tpu.memory_space<vmem>>, vector<16xi32>,
      %swap3A_20 = vector.shape_cast %swap3A_19 : vector<16xi32> to vector<16xi32>
      %swap3A_21 = vector.shape_cast %sub3A : vector<16xi32> to vector<16xi32>
      tpu.vector_store %arg6[%swap3A], %swap3A_21 {strides = array<i32>} : memref<128xi32, #tpu.memory_space<vmem>>, vector<16xi32>,
      %add3A_22 = arith.addi %div3A, %broadcast_in_dim3A_17 : vector<16xi32>
      %swap3A_23 = arith.constant 0 : index
      %swap3A_24 = tpu.vector_load %arg10[%swap3A_23] {strides = array<i32>} : memref<128xi32, #tpu.memory_space<vmem>>, vector<16xi32>,
      %swap3A_25 = vector.shape_cast %swap3A_24 : vector<16xi32> to vector<16xi32>
      %swap3A_26 = vector.shape_cast %add3A_22 : vector<16xi32> to vector<16xi32>
      tpu.vector_store %arg10[%swap3A_23], %swap3A_26 {strides = array<i32>} : memref<128xi32, #tpu.memory_space<vmem>>, vector<16xi32>,
      %get3A_27 = arith.constant 16 : index
      %get3A_28 = tpu.vector_load %arg5[%get3A_27] {strides = array<i32>} : memref<512xi32, #tpu.memory_space<vmem>>, vector<16xi32>,
      %get3A_29 = vector.shape_cast %get3A_28 : vector<16xi32> to vector<16xi32>
      %broadcast_in_dim3A_30 = arith.constant 1000 : i32
      %broadcast_in_dim3A_31 = vector.broadcast %broadcast_in_dim3A_30 : i32 to vector<16xi32>
      %div3A_32 = arith.divsi %get3A_29, %broadcast_in_dim3A_31 : vector<16xi32>
      %mul3A_33 = arith.muli %div3A_32, %broadcast_in_dim3A_31 : vector<16xi32>
      %sub3A_34 = arith.subi %get3A_29, %mul3A_33 : vector<16xi32>
      %swap3A_35 = arith.constant 16 : index
      %swap3A_36 = tpu.vector_load %arg6[%swap3A_35] {strides = array<i32>} : memref<128xi32, #tpu.memory_space<vmem>>, vector<16xi32>,
      %swap3A_37 = vector.shape_cast %swap3A_36 : vector<16xi32> to vector<16xi32>
      %swap3A_38 = vector.shape_cast %sub3A_34 : vector<16xi32> to vector<16xi32>
      tpu.vector_store %arg6[%swap3A_35], %swap3A_38 {strides = array<i32>} : memref<128xi32, #tpu.memory_space<vmem>>, vector<16xi32>,
      %add3A_39 = arith.addi %div3A_32, %broadcast_in_dim3A_31 : vector<16xi32>
      %swap3A_40 = arith.constant 16 : index
      %swap3A_41 = tpu.vector_load %arg10[%swap3A_40] {strides = array<i32>} : memref<128xi32, #tpu.memory_space<vmem>>, vector<16xi32>,
      %swap3A_42 = vector.shape_cast %swap3A_41 : vector<16xi32> to vector<16xi32>
      %swap3A_43 = vector.shape_cast %add3A_39 : vector<16xi32> to vector<16xi32>
      tpu.vector_store %arg10[%swap3A_40], %swap3A_43 {strides = array<i32>} : memref<128xi32, #tpu.memory_space<vmem>>, vector<16xi32>,
      %get3A_44 = arith.constant 32 : index
      %get3A_45 = tpu.vector_load %arg5[%get3A_44] {strides = array<i32>} : memref<512xi32, #tpu.memory_space<vmem>>, vector<16xi32>,
      %get3A_46 = vector.shape_cast %get3A_45 : vector<16xi32> to vector<16xi32>
      %broadcast_in_dim3A_47 = arith.constant 1000 : i32
      %broadcast_in_dim3A_48 = vector.broadcast %broadcast_in_dim3A_47 : i32 to vector<16xi32>
      %div3A_49 = arith.divsi %get3A_46, %broadcast_in_dim3A_48 : vector<16xi32>
      %mul3A_50 = arith.muli %div3A_49, %broadcast_in_dim3A_48 : vector<16xi32>
      %sub3A_51 = arith.subi %get3A_46, %mul3A_50 : vector<16xi32>
      %swap3A_52 = arith.constant 32 : index
      %swap3A_53 = tpu.vector_load %arg6[%swap3A_52] {strides = array<i32>} : memref<128xi32, #tpu.memory_space<vmem>>, vector<16xi32>,
      %swap3A_54 = vector.shape_cast %swap3A_53 : vector<16xi32> to vector<16xi32>
      %swap3A_55 = vector.shape_cast %sub3A_51 : vector<16xi32> to vector<16xi32>
      tpu.vector_store %arg6[%swap3A_52], %swap3A_55 {strides = array<i32>} : memref<128xi32, #tpu.memory_space<vmem>>, vector<16xi32>,
      %add3A_56 = arith.addi %div3A_49, %broadcast_in_dim3A_48 : vector<16xi32>
      %swap3A_57 = arith.constant 32 : index
      %swap3A_58 = tpu.vector_load %arg10[%swap3A_57] {strides = array<i32>} : memref<128xi32, #tpu.memory_space<vmem>>, vector<16xi32>,
      %swap3A_59 = vector.shape_cast %swap3A_58 : vector<16xi32> to vector<16xi32>
      %swap3A_60 = vector.shape_cast %add3A_56 : vector<16xi32> to vector<16xi32>
      tpu.vector_store %arg10[%swap3A_57], %swap3A_60 {strides = array<i32>} : memref<128xi32, #tpu.memory_space<vmem>>, vector<16xi32>,
      %get3A_61 = arith.constant 48 : index
      %get3A_62 = tpu.vector_load %arg5[%get3A_61] {strides = array<i32>} : memref<512xi32, #tpu.memory_space<vmem>>, vector<16xi32>,
      %get3A_63 = vector.shape_cast %get3A_62 : vector<16xi32> to vector<16xi32>
      %broadcast_in_dim3A_64 = arith.constant 1000 : i32
      %broadcast_in_dim3A_65 = vector.broadcast %broadcast_in_dim3A_64 : i32 to vector<16xi32>
      %div3A_66 = arith.divsi %get3A_63, %broadcast_in_dim3A_65 : vector<16xi32>
      %mul3A_67 = arith.muli %div3A_66, %broadcast_in_dim3A_65 : vector<16xi32>
      %sub3A_68 = arith.subi %get3A_63, %mul3A_67 : vector<16xi32>
      %swap3A_69 = arith.constant 48 : index
      %swap3A_70 = tpu.vector_load %arg6[%swap3A_69] {strides = array<i32>} : memref<128xi32, #tpu.memory_space<vmem>>, vector<16xi32>,
      %swap3A_71 = vector.shape_cast %swap3A_70 : vector<16xi32> to vector<16xi32>
      %swap3A_72 = vector.shape_cast %sub3A_68 : vector<16xi32> to vector<16xi32>
      tpu.vector_store %arg6[%swap3A_69], %swap3A_72 {strides = array<i32>} : memref<128xi32, #tpu.memory_space<vmem>>, vector<16xi32>,
      %add3A_73 = arith.addi %div3A_66, %broadcast_in_dim3A_65 : vector<16xi32>
      %swap3A_74 = arith.constant 48 : index
      %swap3A_75 = tpu.vector_load %arg10[%swap3A_74] {strides = array<i32>} : memref<128xi32, #tpu.memory_space<vmem>>, vector<16xi32>,
      %swap3A_76 = vector.shape_cast %swap3A_75 : vector<16xi32> to vector<16xi32>
      %swap3A_77 = vector.shape_cast %add3A_73 : vector<16xi32> to vector<16xi32>
      tpu.vector_store %arg10[%swap3A_74], %swap3A_77 {strides = array<i32>} : memref<128xi32, #tpu.memory_space<vmem>>, vector<16xi32>,
      %get3A_78 = arith.constant 64 : index
      %get3A_79 = tpu.vector_load %arg5[%get3A_78] {strides = array<i32>} : memref<512xi32, #tpu.memory_space<vmem>>, vector<16xi32>,
      %get3A_80 = vector.shape_cast %get3A_79 : vector<16xi32> to vector<16xi32>
      %broadcast_in_dim3A_81 = arith.constant 1000 : i32
      %broadcast_in_dim3A_82 = vector.broadcast %broadcast_in_dim3A_81 : i32 to vector<16xi32>
      %div3A_83 = arith.divsi %get3A_80, %broadcast_in_dim3A_82 : vector<16xi32>
      %mul3A_84 = arith.muli %div3A_83, %broadcast_in_dim3A_82 : vector<16xi32>
      %sub3A_85 = arith.subi %get3A_80, %mul3A_84 : vector<16xi32>
      %swap3A_86 = arith.constant 64 : index
      %swap3A_87 = tpu.vector_load %arg6[%swap3A_86] {strides = array<i32>} : memref<128xi32, #tpu.memory_space<vmem>>, vector<16xi32>,
      %swap3A_88 = vector.shape_cast %swap3A_87 : vector<16xi32> to vector<16xi32>
      %swap3A_89 = vector.shape_cast %sub3A_85 : vector<16xi32> to vector<16xi32>
      tpu.vector_store %arg6[%swap3A_86], %swap3A_89 {strides = array<i32>} : memref<128xi32, #tpu.memory_space<vmem>>, vector<16xi32>,
      %add3A_90 = arith.addi %div3A_83, %broadcast_in_dim3A_82 : vector<16xi32>
      %swap3A_91 = arith.constant 64 : index
      %swap3A_92 = tpu.vector_load %arg10[%swap3A_91] {strides = array<i32>} : memref<128xi32, #tpu.memory_space<vmem>>, vector<16xi32>,
      %swap3A_93 = vector.shape_cast %swap3A_92 : vector<16xi32> to vector<16xi32>
      %swap3A_94 = vector.shape_cast %add3A_90 : vector<16xi32> to vector<16xi32>
      tpu.vector_store %arg10[%swap3A_91], %swap3A_94 {strides = array<i32>} : memref<128xi32, #tpu.memory_space<vmem>>, vector<16xi32>,
      %get3A_95 = arith.constant 80 : index
      %get3A_96 = tpu.vector_load %arg5[%get3A_95] {strides = array<i32>} : memref<512xi32, #tpu.memory_space<vmem>>, vector<16xi32>,
      %get3A_97 = vector.shape_cast %get3A_96 : vector<16xi32> to vector<16xi32>
      %broadcast_in_dim3A_98 = arith.constant 1000 : i32
      %broadcast_in_dim3A_99 = vector.broadcast %broadcast_in_dim3A_98 : i32 to vector<16xi32>
      %div3A_100 = arith.divsi %get3A_97, %broadcast_in_dim3A_99 : vector<16xi32>
      %mul3A_101 = arith.muli %div3A_100, %broadcast_in_dim3A_99 : vector<16xi32>
      %sub3A_102 = arith.subi %get3A_97, %mul3A_101 : vector<16xi32>
      %swap3A_103 = arith.constant 80 : index
      %swap3A_104 = tpu.vector_load %arg6[%swap3A_103] {strides = array<i32>} : memref<128xi32, #tpu.memory_space<vmem>>, vector<16xi32>,
      %swap3A_105 = vector.shape_cast %swap3A_104 : vector<16xi32> to vector<16xi32>
      %swap3A_106 = vector.shape_cast %sub3A_102 : vector<16xi32> to vector<16xi32>
      tpu.vector_store %arg6[%swap3A_103], %swap3A_106 {strides = array<i32>} : memref<128xi32, #tpu.memory_space<vmem>>, vector<16xi32>,
      %add3A_107 = arith.addi %div3A_100, %broadcast_in_dim3A_99 : vector<16xi32>
      %swap3A_108 = arith.constant 80 : index
      %swap3A_109 = tpu.vector_load %arg10[%swap3A_108] {strides = array<i32>} : memref<128xi32, #tpu.memory_space<vmem>>, vector<16xi32>,
      %swap3A_110 = vector.shape_cast %swap3A_109 : vector<16xi32> to vector<16xi32>
      %swap3A_111 = vector.shape_cast %add3A_107 : vector<16xi32> to vector<16xi32>
      tpu.vector_store %arg10[%swap3A_108], %swap3A_111 {strides = array<i32>} : memref<128xi32, #tpu.memory_space<vmem>>, vector<16xi32>,
      %get3A_112 = arith.constant 96 : index
      %get3A_113 = tpu.vector_load %arg5[%get3A_112] {strides = array<i32>} : memref<512xi32, #tpu.memory_space<vmem>>, vector<16xi32>,
      %get3A_114 = vector.shape_cast %get3A_113 : vector<16xi32> to vector<16xi32>
      %broadcast_in_dim3A_115 = arith.constant 1000 : i32
      %broadcast_in_dim3A_116 = vector.broadcast %broadcast_in_dim3A_115 : i32 to vector<16xi32>
      %div3A_117 = arith.divsi %get3A_114, %broadcast_in_dim3A_116 : vector<16xi32>
      %mul3A_118 = arith.muli %div3A_117, %broadcast_in_dim3A_116 : vector<16xi32>
      %sub3A_119 = arith.subi %get3A_114, %mul3A_118 : vector<16xi32>
      %swap3A_120 = arith.constant 96 : index
      %swap3A_121 = tpu.vector_load %arg6[%swap3A_120] {strides = array<i32>} : memref<128xi32, #tpu.memory_space<vmem>>, vector<16xi32>,
      %swap3A_122 = vector.shape_cast %swap3A_121 : vector<16xi32> to vector<16xi32>
      %swap3A_123 = vector.shape_cast %sub3A_119 : vector<16xi32> to vector<16xi32>
      tpu.vector_store %arg6[%swap3A_120], %swap3A_123 {strides = array<i32>} : memref<128xi32, #tpu.memory_space<vmem>>, vector<16xi32>,
      %add3A_124 = arith.addi %div3A_117, %broadcast_in_dim3A_116 : vector<16xi32>
      %swap3A_125 = arith.constant 96 : index
      %swap3A_126 = tpu.vector_load %arg10[%swap3A_125] {strides = array<i32>} : memref<128xi32, #tpu.memory_space<vmem>>, vector<16xi32>,
      %swap3A_127 = vector.shape_cast %swap3A_126 : vector<16xi32> to vector<16xi32>
      %swap3A_128 = vector.shape_cast %add3A_124 : vector<16xi32> to vector<16xi32>
      tpu.vector_store %arg10[%swap3A_125], %swap3A_128 {strides = array<i32>} : memref<128xi32, #tpu.memory_space<vmem>>, vector<16xi32>,
      %get3A_129 = arith.constant 112 : index
      %get3A_130 = tpu.vector_load %arg5[%get3A_129] {strides = array<i32>} : memref<512xi32, #tpu.memory_space<vmem>>, vector<16xi32>,
      %get3A_131 = vector.shape_cast %get3A_130 : vector<16xi32> to vector<16xi32>
      %broadcast_in_dim3A_132 = arith.constant 1000 : i32
      %broadcast_in_dim3A_133 = vector.broadcast %broadcast_in_dim3A_132 : i32 to vector<16xi32>
      %div3A_134 = arith.divsi %get3A_131, %broadcast_in_dim3A_133 : vector<16xi32>
      %mul3A_135 = arith.muli %div3A_134, %broadcast_in_dim3A_133 : vector<16xi32>
      %sub3A_136 = arith.subi %get3A_131, %mul3A_135 : vector<16xi32>
      %swap3A_137 = arith.constant 112 : index
      %swap3A_138 = tpu.vector_load %arg6[%swap3A_137] {strides = array<i32>} : memref<128xi32, #tpu.memory_space<vmem>>, vector<16xi32>,
      %swap3A_139 = vector.shape_cast %swap3A_138 : vector<16xi32> to vector<16xi32>
      %swap3A_140 = vector.shape_cast %sub3A_136 : vector<16xi32> to vector<16xi32>
      tpu.vector_store %arg6[%swap3A_137], %swap3A_140 {strides = array<i32>} : memref<128xi32, #tpu.memory_space<vmem>>, vector<16xi32>,
      %add3A_141 = arith.addi %div3A_134, %broadcast_in_dim3A_133 : vector<16xi32>
      %swap3A_142 = arith.constant 112 : index
      %swap3A_143 = tpu.vector_load %arg10[%swap3A_142] {strides = array<i32>} : memref<128xi32, #tpu.memory_space<vmem>>, vector<16xi32>,
      %swap3A_144 = vector.shape_cast %swap3A_143 : vector<16xi32> to vector<16xi32>
      %swap3A_145 = vector.shape_cast %add3A_141 : vector<16xi32> to vector<16xi32>
      tpu.vector_store %arg10[%swap3A_142], %swap3A_145 {strides = array<i32>} : memref<128xi32, #tpu.memory_space<vmem>>, vector<16xi32>,
      %get3A_146 = arith.constant 128 : index
      %get3A_147 = tpu.vector_load %arg5[%get3A_146] {strides = array<i32>} : memref<512xi32, #tpu.memory_space<vmem>>, vector<16xi32>,
      %get3A_148 = vector.shape_cast %get3A_147 : vector<16xi32> to vector<16xi32>
      %broadcast_in_dim3A_149 = arith.constant 1000 : i32
      %broadcast_in_dim3A_150 = vector.broadcast %broadcast_in_dim3A_149 : i32 to vector<16xi32>
      %div3A_151 = arith.divsi %get3A_148, %broadcast_in_dim3A_150 : vector<16xi32>
      %mul3A_152 = arith.muli %div3A_151, %broadcast_in_dim3A_150 : vector<16xi32>
      %sub3A_153 = arith.subi %get3A_148, %mul3A_152 : vector<16xi32>
      %swap3A_154 = arith.constant 0 : index
      %swap3A_155 = tpu.vector_load %arg7[%swap3A_154] {strides = array<i32>} : memref<128xi32, #tpu.memory_space<vmem>>, vector<16xi32>,
      %swap3A_156 = vector.shape_cast %swap3A_155 : vector<16xi32> to vector<16xi32>
      %swap3A_157 = vector.shape_cast %sub3A_153 : vector<16xi32> to vector<16xi32>
      tpu.vector_store %arg7[%swap3A_154], %swap3A_157 {strides = array<i32>} : memref<128xi32, #tpu.memory_space<vmem>>, vector<16xi32>,
      %add3A_158 = arith.addi %div3A_151, %broadcast_in_dim3A_150 : vector<16xi32>
      %swap3A_159 = arith.constant 0 : index
      %swap3A_160 = tpu.vector_load %arg11[%swap3A_159] {strides = array<i32>} : memref<128xi32, #tpu.memory_space<vmem>>, vector<16xi32>,
      %swap3A_161 = vector.shape_cast %swap3A_160 : vector<16xi32> to vector<16xi32>
      %swap3A_162 = vector.shape_cast %add3A_158 : vector<16xi32> to vector<16xi32>
      tpu.vector_store %arg11[%swap3A_159], %swap3A_162 {strides = array<i32>} : memref<128xi32, #tpu.memory_space<vmem>>, vector<16xi32>,
      %get3A_163 = arith.constant 144 : index
      %get3A_164 = tpu.vector_load %arg5[%get3A_163] {strides = array<i32>} : memref<512xi32, #tpu.memory_space<vmem>>, vector<16xi32>,
      %get3A_165 = vector.shape_cast %get3A_164 : vector<16xi32> to vector<16xi32>
      %broadcast_in_dim3A_166 = arith.constant 1000 : i32
      %broadcast_in_dim3A_167 = vector.broadcast %broadcast_in_dim3A_166 : i32 to vector<16xi32>
      %div3A_168 = arith.divsi %get3A_165, %broadcast_in_dim3A_167 : vector<16xi32>
      %mul3A_169 = arith.muli %div3A_168, %broadcast_in_dim3A_167 : vector<16xi32>
      %sub3A_170 = arith.subi %get3A_165, %mul3A_169 : vector<16xi32>
      %swap3A_171 = arith.constant 16 : index
      %swap3A_172 = tpu.vector_load %arg7[%swap3A_171] {strides = array<i32>} : memref<128xi32, #tpu.memory_space<vmem>>, vector<16xi32>,
      %swap3A_173 = vector.shape_cast %swap3A_172 : vector<16xi32> to vector<16xi32>
      %swap3A_174 = vector.shape_cast %sub3A_170 : vector<16xi32> to vector<16xi32>
      tpu.vector_store %arg7[%swap3A_171], %swap3A_174 {strides = array<i32>} : memref<128xi32, #tpu.memory_space<vmem>>, vector<16xi32>,
      %add3A_175 = arith.addi %div3A_168, %broadcast_in_dim3A_167 : vector<16xi32>
      %swap3A_176 = arith.constant 16 : index
      %swap3A_177 = tpu.vector_load %arg11[%swap3A_176] {strides = array<i32>} : memref<128xi32, #tpu.memory_space<vmem>>, vector<16xi32>,
      %swap3A_178 = vector.shape_cast %swap3A_177 : vector<16xi32> to vector<16xi32>
      %swap3A_179 = vector.shape_cast %add3A_175 : vector<16xi32> to vector<16xi32>
      tpu.vector_store %arg11[%swap3A_176], %swap3A_179 {strides = array<i32>} : memref<128xi32, #tpu.memory_space<vmem>>, vector<16xi32>,
      %get3A_180 = arith.constant 160 : index
      %get3A_181 = tpu.vector_load %arg5[%get3A_180] {strides = array<i32>} : memref<512xi32, #tpu.memory_space<vmem>>, vector<16xi32>,
      %get3A_182 = vector.shape_cast %get3A_181 : vector<16xi32> to vector<16xi32>
      %broadcast_in_dim3A_183 = arith.constant 1000 : i32
      %broadcast_in_dim3A_184 = vector.broadcast %broadcast_in_dim3A_183 : i32 to vector<16xi32>
      %div3A_185 = arith.divsi %get3A_182, %broadcast_in_dim3A_184 : vector<16xi32>
      %mul3A_186 = arith.muli %div3A_185, %broadcast_in_dim3A_184 : vector<16xi32>
      %sub3A_187 = arith.subi %get3A_182, %mul3A_186 : vector<16xi32>
      %swap3A_188 = arith.constant 32 : index
      %swap3A_189 = tpu.vector_load %arg7[%swap3A_188] {strides = array<i32>} : memref<128xi32, #tpu.memory_space<vmem>>, vector<16xi32>,
      %swap3A_190 = vector.shape_cast %swap3A_189 : vector<16xi32> to vector<16xi32>
      %swap3A_191 = vector.shape_cast %sub3A_187 : vector<16xi32> to vector<16xi32>
      tpu.vector_store %arg7[%swap3A_188], %swap3A_191 {strides = array<i32>} : memref<128xi32, #tpu.memory_space<vmem>>, vector<16xi32>,
      %add3A_192 = arith.addi %div3A_185, %broadcast_in_dim3A_184 : vector<16xi32>
      %swap3A_193 = arith.constant 32 : index
      %swap3A_194 = tpu.vector_load %arg11[%swap3A_193] {strides = array<i32>} : memref<128xi32, #tpu.memory_space<vmem>>, vector<16xi32>,
      %swap3A_195 = vector.shape_cast %swap3A_194 : vector<16xi32> to vector<16xi32>
      %swap3A_196 = vector.shape_cast %add3A_192 : vector<16xi32> to vector<16xi32>
      tpu.vector_store %arg11[%swap3A_193], %swap3A_196 {strides = array<i32>} : memref<128xi32, #tpu.memory_space<vmem>>, vector<16xi32>,
      %get3A_197 = arith.constant 176 : index
      %get3A_198 = tpu.vector_load %arg5[%get3A_197] {strides = array<i32>} : memref<512xi32, #tpu.memory_space<vmem>>, vector<16xi32>,
      %get3A_199 = vector.shape_cast %get3A_198 : vector<16xi32> to vector<16xi32>
      %broadcast_in_dim3A_200 = arith.constant 1000 : i32
      %broadcast_in_dim3A_201 = vector.broadcast %broadcast_in_dim3A_200 : i32 to vector<16xi32>
      %div3A_202 = arith.divsi %get3A_199, %broadcast_in_dim3A_201 : vector<16xi32>
      %mul3A_203 = arith.muli %div3A_202, %broadcast_in_dim3A_201 : vector<16xi32>
      %sub3A_204 = arith.subi %get3A_199, %mul3A_203 : vector<16xi32>
      %swap3A_205 = arith.constant 48 : index
      %swap3A_206 = tpu.vector_load %arg7[%swap3A_205] {strides = array<i32>} : memref<128xi32, #tpu.memory_space<vmem>>, vector<16xi32>,
      %swap3A_207 = vector.shape_cast %swap3A_206 : vector<16xi32> to vector<16xi32>
      %swap3A_208 = vector.shape_cast %sub3A_204 : vector<16xi32> to vector<16xi32>
      tpu.vector_store %arg7[%swap3A_205], %swap3A_208 {strides = array<i32>} : memref<128xi32, #tpu.memory_space<vmem>>, vector<16xi32>,
      %add3A_209 = arith.addi %div3A_202, %broadcast_in_dim3A_201 : vector<16xi32>
      %swap3A_210 = arith.constant 48 : index
      %swap3A_211 = tpu.vector_load %arg11[%swap3A_210] {strides = array<i32>} : memref<128xi32, #tpu.memory_space<vmem>>, vector<16xi32>,
      %swap3A_212 = vector.shape_cast %swap3A_211 : vector<16xi32> to vector<16xi32>
      %swap3A_213 = vector.shape_cast %add3A_209 : vector<16xi32> to vector<16xi32>
      tpu.vector_store %arg11[%swap3A_210], %swap3A_213 {strides = array<i32>} : memref<128xi32, #tpu.memory_space<vmem>>, vector<16xi32>,
      %get3A_214 = arith.constant 192 : index
      %get3A_215 = tpu.vector_load %arg5[%get3A_214] {strides = array<i32>} : memref<512xi32, #tpu.memory_space<vmem>>, vector<16xi32>,
      %get3A_216 = vector.shape_cast %get3A_215 : vector<16xi32> to vector<16xi32>
      %broadcast_in_dim3A_217 = arith.constant 1000 : i32
      %broadcast_in_dim3A_218 = vector.broadcast %broadcast_in_dim3A_217 : i32 to vector<16xi32>
      %div3A_219 = arith.divsi %get3A_216, %broadcast_in_dim3A_218 : vector<16xi32>
      %mul3A_220 = arith.muli %div3A_219, %broadcast_in_dim3A_218 : vector<16xi32>
      %sub3A_221 = arith.subi %get3A_216, %mul3A_220 : vector<16xi32>
      %swap3A_222 = arith.constant 64 : index
      %swap3A_223 = tpu.vector_load %arg7[%swap3A_222] {strides = array<i32>} : memref<128xi32, #tpu.memory_space<vmem>>, vector<16xi32>,
      %swap3A_224 = vector.shape_cast %swap3A_223 : vector<16xi32> to vector<16xi32>
      %swap3A_225 = vector.shape_cast %sub3A_221 : vector<16xi32> to vector<16xi32>
      tpu.vector_store %arg7[%swap3A_222], %swap3A_225 {strides = array<i32>} : memref<128xi32, #tpu.memory_space<vmem>>, vector<16xi32>,
      %add3A_226 = arith.addi %div3A_219, %broadcast_in_dim3A_218 : vector<16xi32>
      %swap3A_227 = arith.constant 64 : index
      %swap3A_228 = tpu.vector_load %arg11[%swap3A_227] {strides = array<i32>} : memref<128xi32, #tpu.memory_space<vmem>>, vector<16xi32>,
      %swap3A_229 = vector.shape_cast %swap3A_228 : vector<16xi32> to vector<16xi32>
      %swap3A_230 = vector.shape_cast %add3A_226 : vector<16xi32> to vector<16xi32>
      tpu.vector_store %arg11[%swap3A_227], %swap3A_230 {strides = array<i32>} : memref<128xi32, #tpu.memory_space<vmem>>, vector<16xi32>,
      %get3A_231 = arith.constant 208 : index
      %get3A_232 = tpu.vector_load %arg5[%get3A_231] {strides = array<i32>} : memref<512xi32, #tpu.memory_space<vmem>>, vector<16xi32>,
      %get3A_233 = vector.shape_cast %get3A_232 : vector<16xi32> to vector<16xi32>
      %broadcast_in_dim3A_234 = arith.constant 1000 : i32
      %broadcast_in_dim3A_235 = vector.broadcast %broadcast_in_dim3A_234 : i32 to vector<16xi32>
      %div3A_236 = arith.divsi %get3A_233, %broadcast_in_dim3A_235 : vector<16xi32>
      %mul3A_237 = arith.muli %div3A_236, %broadcast_in_dim3A_235 : vector<16xi32>
      %sub3A_238 = arith.subi %get3A_233, %mul3A_237 : vector<16xi32>
      %swap3A_239 = arith.constant 80 : index
      %swap3A_240 = tpu.vector_load %arg7[%swap3A_239] {strides = array<i32>} : memref<128xi32, #tpu.memory_space<vmem>>, vector<16xi32>,
      %swap3A_241 = vector.shape_cast %swap3A_240 : vector<16xi32> to vector<16xi32>
      %swap3A_242 = vector.shape_cast %sub3A_238 : vector<16xi32> to vector<16xi32>
      tpu.vector_store %arg7[%swap3A_239], %swap3A_242 {strides = array<i32>} : memref<128xi32, #tpu.memory_space<vmem>>, vector<16xi32>,
      %add3A_243 = arith.addi %div3A_236, %broadcast_in_dim3A_235 : vector<16xi32>
      %swap3A_244 = arith.constant 80 : index
      %swap3A_245 = tpu.vector_load %arg11[%swap3A_244] {strides = array<i32>} : memref<128xi32, #tpu.memory_space<vmem>>, vector<16xi32>,
      %swap3A_246 = vector.shape_cast %swap3A_245 : vector<16xi32> to vector<16xi32>
      %swap3A_247 = vector.shape_cast %add3A_243 : vector<16xi32> to vector<16xi32>
      tpu.vector_store %arg11[%swap3A_244], %swap3A_247 {strides = array<i32>} : memref<128xi32, #tpu.memory_space<vmem>>, vector<16xi32>,
      %get3A_248 = arith.constant 224 : index
      %get3A_249 = tpu.vector_load %arg5[%get3A_248] {strides = array<i32>} : memref<512xi32, #tpu.memory_space<vmem>>, vector<16xi32>,
      %get3A_250 = vector.shape_cast %get3A_249 : vector<16xi32> to vector<16xi32>
      %broadcast_in_dim3A_251 = arith.constant 1000 : i32
      %broadcast_in_dim3A_252 = vector.broadcast %broadcast_in_dim3A_251 : i32 to vector<16xi32>
      %div3A_253 = arith.divsi %get3A_250, %broadcast_in_dim3A_252 : vector<16xi32>
      %mul3A_254 = arith.muli %div3A_253, %broadcast_in_dim3A_252 : vector<16xi32>
      %sub3A_255 = arith.subi %get3A_250, %mul3A_254 : vector<16xi32>
      %swap3A_256 = arith.constant 96 : index
      %swap3A_257 = tpu.vector_load %arg7[%swap3A_256] {strides = array<i32>} : memref<128xi32, #tpu.memory_space<vmem>>, vector<16xi32>,
      %swap3A_258 = vector.shape_cast %swap3A_257 : vector<16xi32> to vector<16xi32>
      %swap3A_259 = vector.shape_cast %sub3A_255 : vector<16xi32> to vector<16xi32>
      tpu.vector_store %arg7[%swap3A_256], %swap3A_259 {strides = array<i32>} : memref<128xi32, #tpu.memory_space<vmem>>, vector<16xi32>,
      %add3A_260 = arith.addi %div3A_253, %broadcast_in_dim3A_252 : vector<16xi32>
      %swap3A_261 = arith.constant 96 : index
      %swap3A_262 = tpu.vector_load %arg11[%swap3A_261] {strides = array<i32>} : memref<128xi32, #tpu.memory_space<vmem>>, vector<16xi32>,
      %swap3A_263 = vector.shape_cast %swap3A_262 : vector<16xi32> to vector<16xi32>
      %swap3A_264 = vector.shape_cast %add3A_260 : vector<16xi32> to vector<16xi32>
      tpu.vector_store %arg11[%swap3A_261], %swap3A_264 {strides = array<i32>} : memref<128xi32, #tpu.memory_space<vmem>>, vector<16xi32>,
      %get3A_265 = arith.constant 240 : index
      %get3A_266 = tpu.vector_load %arg5[%get3A_265] {strides = array<i32>} : memref<512xi32, #tpu.memory_space<vmem>>, vector<16xi32>,
      %get3A_267 = vector.shape_cast %get3A_266 : vector<16xi32> to vector<16xi32>
      %broadcast_in_dim3A_268 = arith.constant 1000 : i32
      %broadcast_in_dim3A_269 = vector.broadcast %broadcast_in_dim3A_268 : i32 to vector<16xi32>
      %div3A_270 = arith.divsi %get3A_267, %broadcast_in_dim3A_269 : vector<16xi32>
      %mul3A_271 = arith.muli %div3A_270, %broadcast_in_dim3A_269 : vector<16xi32>
      %sub3A_272 = arith.subi %get3A_267, %mul3A_271 : vector<16xi32>
      %swap3A_273 = arith.constant 112 : index
      %swap3A_274 = tpu.vector_load %arg7[%swap3A_273] {strides = array<i32>} : memref<128xi32, #tpu.memory_space<vmem>>, vector<16xi32>,
      %swap3A_275 = vector.shape_cast %swap3A_274 : vector<16xi32> to vector<16xi32>
      %swap3A_276 = vector.shape_cast %sub3A_272 : vector<16xi32> to vector<16xi32>
      tpu.vector_store %arg7[%swap3A_273], %swap3A_276 {strides = array<i32>} : memref<128xi32, #tpu.memory_space<vmem>>, vector<16xi32>,
      %add3A_277 = arith.addi %div3A_270, %broadcast_in_dim3A_269 : vector<16xi32>
      %swap3A_278 = arith.constant 112 : index
      %swap3A_279 = tpu.vector_load %arg11[%swap3A_278] {strides = array<i32>} : memref<128xi32, #tpu.memory_space<vmem>>, vector<16xi32>,
      %swap3A_280 = vector.shape_cast %swap3A_279 : vector<16xi32> to vector<16xi32>
      %swap3A_281 = vector.shape_cast %add3A_277 : vector<16xi32> to vector<16xi32>
      tpu.vector_store %arg11[%swap3A_278], %swap3A_281 {strides = array<i32>} : memref<128xi32, #tpu.memory_space<vmem>>, vector<16xi32>,
      %get3A_282 = arith.constant 256 : index
      %get3A_283 = tpu.vector_load %arg5[%get3A_282] {strides = array<i32>} : memref<512xi32, #tpu.memory_space<vmem>>, vector<16xi32>,
      %get3A_284 = vector.shape_cast %get3A_283 : vector<16xi32> to vector<16xi32>
      %broadcast_in_dim3A_285 = arith.constant 1000 : i32
      %broadcast_in_dim3A_286 = vector.broadcast %broadcast_in_dim3A_285 : i32 to vector<16xi32>
      %div3A_287 = arith.divsi %get3A_284, %broadcast_in_dim3A_286 : vector<16xi32>
      %mul3A_288 = arith.muli %div3A_287, %broadcast_in_dim3A_286 : vector<16xi32>
      %sub3A_289 = arith.subi %get3A_284, %mul3A_288 : vector<16xi32>
      %swap3A_290 = arith.constant 0 : index
      %swap3A_291 = tpu.vector_load %arg8[%swap3A_290] {strides = array<i32>} : memref<128xi32, #tpu.memory_space<vmem>>, vector<16xi32>,
      %swap3A_292 = vector.shape_cast %swap3A_291 : vector<16xi32> to vector<16xi32>
      %swap3A_293 = vector.shape_cast %sub3A_289 : vector<16xi32> to vector<16xi32>
      tpu.vector_store %arg8[%swap3A_290], %swap3A_293 {strides = array<i32>} : memref<128xi32, #tpu.memory_space<vmem>>, vector<16xi32>,
      %add3A_294 = arith.addi %div3A_287, %broadcast_in_dim3A_286 : vector<16xi32>
      %swap3A_295 = arith.constant 0 : index
      %swap3A_296 = tpu.vector_load %arg12[%swap3A_295] {strides = array<i32>} : memref<128xi32, #tpu.memory_space<vmem>>, vector<16xi32>,
      %swap3A_297 = vector.shape_cast %swap3A_296 : vector<16xi32> to vector<16xi32>
      %swap3A_298 = vector.shape_cast %add3A_294 : vector<16xi32> to vector<16xi32>
      tpu.vector_store %arg12[%swap3A_295], %swap3A_298 {strides = array<i32>} : memref<128xi32, #tpu.memory_space<vmem>>, vector<16xi32>,
      %get3A_299 = arith.constant 272 : index
      %get3A_300 = tpu.vector_load %arg5[%get3A_299] {strides = array<i32>} : memref<512xi32, #tpu.memory_space<vmem>>, vector<16xi32>,
      %get3A_301 = vector.shape_cast %get3A_300 : vector<16xi32> to vector<16xi32>
      %broadcast_in_dim3A_302 = arith.constant 1000 : i32
      %broadcast_in_dim3A_303 = vector.broadcast %broadcast_in_dim3A_302 : i32 to vector<16xi32>
      %div3A_304 = arith.divsi %get3A_301, %broadcast_in_dim3A_303 : vector<16xi32>
      %mul3A_305 = arith.muli %div3A_304, %broadcast_in_dim3A_303 : vector<16xi32>
      %sub3A_306 = arith.subi %get3A_301, %mul3A_305 : vector<16xi32>
      %swap3A_307 = arith.constant 16 : index
      %swap3A_308 = tpu.vector_load %arg8[%swap3A_307] {strides = array<i32>} : memref<128xi32, #tpu.memory_space<vmem>>, vector<16xi32>,
      %swap3A_309 = vector.shape_cast %swap3A_308 : vector<16xi32> to vector<16xi32>
      %swap3A_310 = vector.shape_cast %sub3A_306 : vector<16xi32> to vector<16xi32>
      tpu.vector_store %arg8[%swap3A_307], %swap3A_310 {strides = array<i32>} : memref<128xi32, #tpu.memory_space<vmem>>, vector<16xi32>,
      %add3A_311 = arith.addi %div3A_304, %broadcast_in_dim3A_303 : vector<16xi32>
      %swap3A_312 = arith.constant 16 : index
      %swap3A_313 = tpu.vector_load %arg12[%swap3A_312] {strides = array<i32>} : memref<128xi32, #tpu.memory_space<vmem>>, vector<16xi32>,
      %swap3A_314 = vector.shape_cast %swap3A_313 : vector<16xi32> to vector<16xi32>
      %swap3A_315 = vector.shape_cast %add3A_311 : vector<16xi32> to vector<16xi32>
      tpu.vector_store %arg12[%swap3A_312], %swap3A_315 {strides = array<i32>} : memref<128xi32, #tpu.memory_space<vmem>>, vector<16xi32>,
      %get3A_316 = arith.constant 288 : index
      %get3A_317 = tpu.vector_load %arg5[%get3A_316] {strides = array<i32>} : memref<512xi32, #tpu.memory_space<vmem>>, vector<16xi32>,
      %get3A_318 = vector.shape_cast %get3A_317 : vector<16xi32> to vector<16xi32>
      %broadcast_in_dim3A_319 = arith.constant 1000 : i32
      %broadcast_in_dim3A_320 = vector.broadcast %broadcast_in_dim3A_319 : i32 to vector<16xi32>
      %div3A_321 = arith.divsi %get3A_318, %broadcast_in_dim3A_320 : vector<16xi32>
      %mul3A_322 = arith.muli %div3A_321, %broadcast_in_dim3A_320 : vector<16xi32>
      %sub3A_323 = arith.subi %get3A_318, %mul3A_322 : vector<16xi32>
      %swap3A_324 = arith.constant 32 : index
      %swap3A_325 = tpu.vector_load %arg8[%swap3A_324] {strides = array<i32>} : memref<128xi32, #tpu.memory_space<vmem>>, vector<16xi32>,
      %swap3A_326 = vector.shape_cast %swap3A_325 : vector<16xi32> to vector<16xi32>
      %swap3A_327 = vector.shape_cast %sub3A_323 : vector<16xi32> to vector<16xi32>
      tpu.vector_store %arg8[%swap3A_324], %swap3A_327 {strides = array<i32>} : memref<128xi32, #tpu.memory_space<vmem>>, vector<16xi32>,
      %add3A_328 = arith.addi %div3A_321, %broadcast_in_dim3A_320 : vector<16xi32>
      %swap3A_329 = arith.constant 32 : index
      %swap3A_330 = tpu.vector_load %arg12[%swap3A_329] {strides = array<i32>} : memref<128xi32, #tpu.memory_space<vmem>>, vector<16xi32>,
      %swap3A_331 = vector.shape_cast %swap3A_330 : vector<16xi32> to vector<16xi32>
      %swap3A_332 = vector.shape_cast %add3A_328 : vector<16xi32> to vector<16xi32>
      tpu.vector_store %arg12[%swap3A_329], %swap3A_332 {strides = array<i32>} : memref<128xi32, #tpu.memory_space<vmem>>, vector<16xi32>,
      %get3A_333 = arith.constant 304 : index
      %get3A_334 = tpu.vector_load %arg5[%get3A_333] {strides = array<i32>} : memref<512xi32, #tpu.memory_space<vmem>>, vector<16xi32>,
      %get3A_335 = vector.shape_cast %get3A_334 : vector<16xi32> to vector<16xi32>
      %broadcast_in_dim3A_336 = arith.constant 1000 : i32
      %broadcast_in_dim3A_337 = vector.broadcast %broadcast_in_dim3A_336 : i32 to vector<16xi32>
      %div3A_338 = arith.divsi %get3A_335, %broadcast_in_dim3A_337 : vector<16xi32>
      %mul3A_339 = arith.muli %div3A_338, %broadcast_in_dim3A_337 : vector<16xi32>
      %sub3A_340 = arith.subi %get3A_335, %mul3A_339 : vector<16xi32>
      %swap3A_341 = arith.constant 48 : index
      %swap3A_342 = tpu.vector_load %arg8[%swap3A_341] {strides = array<i32>} : memref<128xi32, #tpu.memory_space<vmem>>, vector<16xi32>,
      %swap3A_343 = vector.shape_cast %swap3A_342 : vector<16xi32> to vector<16xi32>
      %swap3A_344 = vector.shape_cast %sub3A_340 : vector<16xi32> to vector<16xi32>
      tpu.vector_store %arg8[%swap3A_341], %swap3A_344 {strides = array<i32>} : memref<128xi32, #tpu.memory_space<vmem>>, vector<16xi32>,
      %add3A_345 = arith.addi %div3A_338, %broadcast_in_dim3A_337 : vector<16xi32>
      %swap3A_346 = arith.constant 48 : index
      %swap3A_347 = tpu.vector_load %arg12[%swap3A_346] {strides = array<i32>} : memref<128xi32, #tpu.memory_space<vmem>>, vector<16xi32>,
      %swap3A_348 = vector.shape_cast %swap3A_347 : vector<16xi32> to vector<16xi32>
      %swap3A_349 = vector.shape_cast %add3A_345 : vector<16xi32> to vector<16xi32>
      tpu.vector_store %arg12[%swap3A_346], %swap3A_349 {strides = array<i32>} : memref<128xi32, #tpu.memory_space<vmem>>, vector<16xi32>,
      %get3A_350 = arith.constant 320 : index
      %get3A_351 = tpu.vector_load %arg5[%get3A_350] {strides = array<i32>} : memref<512xi32, #tpu.memory_space<vmem>>, vector<16xi32>,
      %get3A_352 = vector.shape_cast %get3A_351 : vector<16xi32> to vector<16xi32>
      %broadcast_in_dim3A_353 = arith.constant 1000 : i32
      %broadcast_in_dim3A_354 = vector.broadcast %broadcast_in_dim3A_353 : i32 to vector<16xi32>
      %div3A_355 = arith.divsi %get3A_352, %broadcast_in_dim3A_354 : vector<16xi32>
      %mul3A_356 = arith.muli %div3A_355, %broadcast_in_dim3A_354 : vector<16xi32>
      %sub3A_357 = arith.subi %get3A_352, %mul3A_356 : vector<16xi32>
      %swap3A_358 = arith.constant 64 : index
      %swap3A_359 = tpu.vector_load %arg8[%swap3A_358] {strides = array<i32>} : memref<128xi32, #tpu.memory_space<vmem>>, vector<16xi32>,
      %swap3A_360 = vector.shape_cast %swap3A_359 : vector<16xi32> to vector<16xi32>
      %swap3A_361 = vector.shape_cast %sub3A_357 : vector<16xi32> to vector<16xi32>
      tpu.vector_store %arg8[%swap3A_358], %swap3A_361 {strides = array<i32>} : memref<128xi32, #tpu.memory_space<vmem>>, vector<16xi32>,
      %add3A_362 = arith.addi %div3A_355, %broadcast_in_dim3A_354 : vector<16xi32>
      %swap3A_363 = arith.constant 64 : index
      %swap3A_364 = tpu.vector_load %arg12[%swap3A_363] {strides = array<i32>} : memref<128xi32, #tpu.memory_space<vmem>>, vector<16xi32>,
      %swap3A_365 = vector.shape_cast %swap3A_364 : vector<16xi32> to vector<16xi32>
      %swap3A_366 = vector.shape_cast %add3A_362 : vector<16xi32> to vector<16xi32>
      tpu.vector_store %arg12[%swap3A_363], %swap3A_366 {strides = array<i32>} : memref<128xi32, #tpu.memory_space<vmem>>, vector<16xi32>,
      %get3A_367 = arith.constant 336 : index
      %get3A_368 = tpu.vector_load %arg5[%get3A_367] {strides = array<i32>} : memref<512xi32, #tpu.memory_space<vmem>>, vector<16xi32>,
      %get3A_369 = vector.shape_cast %get3A_368 : vector<16xi32> to vector<16xi32>
      %broadcast_in_dim3A_370 = arith.constant 1000 : i32
      %broadcast_in_dim3A_371 = vector.broadcast %broadcast_in_dim3A_370 : i32 to vector<16xi32>
      %div3A_372 = arith.divsi %get3A_369, %broadcast_in_dim3A_371 : vector<16xi32>
      %mul3A_373 = arith.muli %div3A_372, %broadcast_in_dim3A_371 : vector<16xi32>
      %sub3A_374 = arith.subi %get3A_369, %mul3A_373 : vector<16xi32>
      %swap3A_375 = arith.constant 80 : index
      %swap3A_376 = tpu.vector_load %arg8[%swap3A_375] {strides = array<i32>} : memref<128xi32, #tpu.memory_space<vmem>>, vector<16xi32>,
      %swap3A_377 = vector.shape_cast %swap3A_376 : vector<16xi32> to vector<16xi32>
      %swap3A_378 = vector.shape_cast %sub3A_374 : vector<16xi32> to vector<16xi32>
      tpu.vector_store %arg8[%swap3A_375], %swap3A_378 {strides = array<i32>} : memref<128xi32, #tpu.memory_space<vmem>>, vector<16xi32>,
      %add3A_379 = arith.addi %div3A_372, %broadcast_in_dim3A_371 : vector<16xi32>
      %swap3A_380 = arith.constant 80 : index
      %swap3A_381 = tpu.vector_load %arg12[%swap3A_380] {strides = array<i32>} : memref<128xi32, #tpu.memory_space<vmem>>, vector<16xi32>,
      %swap3A_382 = vector.shape_cast %swap3A_381 : vector<16xi32> to vector<16xi32>
      %swap3A_383 = vector.shape_cast %add3A_379 : vector<16xi32> to vector<16xi32>
      tpu.vector_store %arg12[%swap3A_380], %swap3A_383 {strides = array<i32>} : memref<128xi32, #tpu.memory_space<vmem>>, vector<16xi32>,
      %get3A_384 = arith.constant 352 : index
      %get3A_385 = tpu.vector_load %arg5[%get3A_384] {strides = array<i32>} : memref<512xi32, #tpu.memory_space<vmem>>, vector<16xi32>,
      %get3A_386 = vector.shape_cast %get3A_385 : vector<16xi32> to vector<16xi32>
      %broadcast_in_dim3A_387 = arith.constant 1000 : i32
      %broadcast_in_dim3A_388 = vector.broadcast %broadcast_in_dim3A_387 : i32 to vector<16xi32>
      %div3A_389 = arith.divsi %get3A_386, %broadcast_in_dim3A_388 : vector<16xi32>
      %mul3A_390 = arith.muli %div3A_389, %broadcast_in_dim3A_388 : vector<16xi32>
      %sub3A_391 = arith.subi %get3A_386, %mul3A_390 : vector<16xi32>
      %swap3A_392 = arith.constant 96 : index
      %swap3A_393 = tpu.vector_load %arg8[%swap3A_392] {strides = array<i32>} : memref<128xi32, #tpu.memory_space<vmem>>, vector<16xi32>,
      %swap3A_394 = vector.shape_cast %swap3A_393 : vector<16xi32> to vector<16xi32>
      %swap3A_395 = vector.shape_cast %sub3A_391 : vector<16xi32> to vector<16xi32>
      tpu.vector_store %arg8[%swap3A_392], %swap3A_395 {strides = array<i32>} : memref<128xi32, #tpu.memory_space<vmem>>, vector<16xi32>,
      %add3A_396 = arith.addi %div3A_389, %broadcast_in_dim3A_388 : vector<16xi32>
      %swap3A_397 = arith.constant 96 : index
      %swap3A_398 = tpu.vector_load %arg12[%swap3A_397] {strides = array<i32>} : memref<128xi32, #tpu.memory_space<vmem>>, vector<16xi32>,
      %swap3A_399 = vector.shape_cast %swap3A_398 : vector<16xi32> to vector<16xi32>
      %swap3A_400 = vector.shape_cast %add3A_396 : vector<16xi32> to vector<16xi32>
      tpu.vector_store %arg12[%swap3A_397], %swap3A_400 {strides = array<i32>} : memref<128xi32, #tpu.memory_space<vmem>>, vector<16xi32>,
      %get3A_401 = arith.constant 368 : index
      %get3A_402 = tpu.vector_load %arg5[%get3A_401] {strides = array<i32>} : memref<512xi32, #tpu.memory_space<vmem>>, vector<16xi32>,
      %get3A_403 = vector.shape_cast %get3A_402 : vector<16xi32> to vector<16xi32>
      %broadcast_in_dim3A_404 = arith.constant 1000 : i32
      %broadcast_in_dim3A_405 = vector.broadcast %broadcast_in_dim3A_404 : i32 to vector<16xi32>
      %div3A_406 = arith.divsi %get3A_403, %broadcast_in_dim3A_405 : vector<16xi32>
      %mul3A_407 = arith.muli %div3A_406, %broadcast_in_dim3A_405 : vector<16xi32>
      %sub3A_408 = arith.subi %get3A_403, %mul3A_407 : vector<16xi32>
      %swap3A_409 = arith.constant 112 : index
      %swap3A_410 = tpu.vector_load %arg8[%swap3A_409] {strides = array<i32>} : memref<128xi32, #tpu.memory_space<vmem>>, vector<16xi32>,
      %swap3A_411 = vector.shape_cast %swap3A_410 : vector<16xi32> to vector<16xi32>
      %swap3A_412 = vector.shape_cast %sub3A_408 : vector<16xi32> to vector<16xi32>
      tpu.vector_store %arg8[%swap3A_409], %swap3A_412 {strides = array<i32>} : memref<128xi32, #tpu.memory_space<vmem>>, vector<16xi32>,
      %add3A_413 = arith.addi %div3A_406, %broadcast_in_dim3A_405 : vector<16xi32>
      %swap3A_414 = arith.constant 112 : index
      %swap3A_415 = tpu.vector_load %arg12[%swap3A_414] {strides = array<i32>} : memref<128xi32, #tpu.memory_space<vmem>>, vector<16xi32>,
      %swap3A_416 = vector.shape_cast %swap3A_415 : vector<16xi32> to vector<16xi32>
      %swap3A_417 = vector.shape_cast %add3A_413 : vector<16xi32> to vector<16xi32>
      tpu.vector_store %arg12[%swap3A_414], %swap3A_417 {strides = array<i32>} : memref<128xi32, #tpu.memory_space<vmem>>, vector<16xi32>,
      %get3A_418 = arith.constant 384 : index
      %get3A_419 = tpu.vector_load %arg5[%get3A_418] {strides = array<i32>} : memref<512xi32, #tpu.memory_space<vmem>>, vector<16xi32>,
      %get3A_420 = vector.shape_cast %get3A_419 : vector<16xi32> to vector<16xi32>
      %broadcast_in_dim3A_421 = arith.constant 1000 : i32
      %broadcast_in_dim3A_422 = vector.broadcast %broadcast_in_dim3A_421 : i32 to vector<16xi32>
      %div3A_423 = arith.divsi %get3A_420, %broadcast_in_dim3A_422 : vector<16xi32>
      %mul3A_424 = arith.muli %div3A_423, %broadcast_in_dim3A_422 : vector<16xi32>
      %sub3A_425 = arith.subi %get3A_420, %mul3A_424 : vector<16xi32>
      %swap3A_426 = arith.constant 0 : index
      %swap3A_427 = tpu.vector_load %arg9[%swap3A_426] {strides = array<i32>} : memref<128xi32, #tpu.memory_space<vmem>>, vector<16xi32>,
      %swap3A_428 = vector.shape_cast %swap3A_427 : vector<16xi32> to vector<16xi32>
      %swap3A_429 = vector.shape_cast %sub3A_425 : vector<16xi32> to vector<16xi32>
      tpu.vector_store %arg9[%swap3A_426], %swap3A_429 {strides = array<i32>} : memref<128xi32, #tpu.memory_space<vmem>>, vector<16xi32>,
      %add3A_430 = arith.addi %div3A_423, %broadcast_in_dim3A_422 : vector<16xi32>
      %swap3A_431 = arith.constant 0 : index
      %swap3A_432 = tpu.vector_load %arg13[%swap3A_431] {strides = array<i32>} : memref<128xi32, #tpu.memory_space<vmem>>, vector<16xi32>,
      %swap3A_433 = vector.shape_cast %swap3A_432 : vector<16xi32> to vector<16xi32>
      %swap3A_434 = vector.shape_cast %add3A_430 : vector<16xi32> to vector<16xi32>
      tpu.vector_store %arg13[%swap3A_431], %swap3A_434 {strides = array<i32>} : memref<128xi32, #tpu.memory_space<vmem>>, vector<16xi32>,
      %get3A_435 = arith.constant 400 : index
      %get3A_436 = tpu.vector_load %arg5[%get3A_435] {strides = array<i32>} : memref<512xi32, #tpu.memory_space<vmem>>, vector<16xi32>,
      %get3A_437 = vector.shape_cast %get3A_436 : vector<16xi32> to vector<16xi32>
      %broadcast_in_dim3A_438 = arith.constant 1000 : i32
      %broadcast_in_dim3A_439 = vector.broadcast %broadcast_in_dim3A_438 : i32 to vector<16xi32>
      %div3A_440 = arith.divsi %get3A_437, %broadcast_in_dim3A_439 : vector<16xi32>
      %mul3A_441 = arith.muli %div3A_440, %broadcast_in_dim3A_439 : vector<16xi32>
      %sub3A_442 = arith.subi %get3A_437, %mul3A_441 : vector<16xi32>
      %swap3A_443 = arith.constant 16 : index
      %swap3A_444 = tpu.vector_load %arg9[%swap3A_443] {strides = array<i32>} : memref<128xi32, #tpu.memory_space<vmem>>, vector<16xi32>,
      %swap3A_445 = vector.shape_cast %swap3A_444 : vector<16xi32> to vector<16xi32>
      %swap3A_446 = vector.shape_cast %sub3A_442 : vector<16xi32> to vector<16xi32>
      tpu.vector_store %arg9[%swap3A_443], %swap3A_446 {strides = array<i32>} : memref<128xi32, #tpu.memory_space<vmem>>, vector<16xi32>,
      %add3A_447 = arith.addi %div3A_440, %broadcast_in_dim3A_439 : vector<16xi32>
      %swap3A_448 = arith.constant 16 : index
      %swap3A_449 = tpu.vector_load %arg13[%swap3A_448] {strides = array<i32>} : memref<128xi32, #tpu.memory_space<vmem>>, vector<16xi32>,
      %swap3A_450 = vector.shape_cast %swap3A_449 : vector<16xi32> to vector<16xi32>
      %swap3A_451 = vector.shape_cast %add3A_447 : vector<16xi32> to vector<16xi32>
      tpu.vector_store %arg13[%swap3A_448], %swap3A_451 {strides = array<i32>} : memref<128xi32, #tpu.memory_space<vmem>>, vector<16xi32>,
      %get3A_452 = arith.constant 416 : index
      %get3A_453 = tpu.vector_load %arg5[%get3A_452] {strides = array<i32>} : memref<512xi32, #tpu.memory_space<vmem>>, vector<16xi32>,
      %get3A_454 = vector.shape_cast %get3A_453 : vector<16xi32> to vector<16xi32>
      %broadcast_in_dim3A_455 = arith.constant 1000 : i32
      %broadcast_in_dim3A_456 = vector.broadcast %broadcast_in_dim3A_455 : i32 to vector<16xi32>
      %div3A_457 = arith.divsi %get3A_454, %broadcast_in_dim3A_456 : vector<16xi32>
      %mul3A_458 = arith.muli %div3A_457, %broadcast_in_dim3A_456 : vector<16xi32>
      %sub3A_459 = arith.subi %get3A_454, %mul3A_458 : vector<16xi32>
      %swap3A_460 = arith.constant 32 : index
      %swap3A_461 = tpu.vector_load %arg9[%swap3A_460] {strides = array<i32>} : memref<128xi32, #tpu.memory_space<vmem>>, vector<16xi32>,
      %swap3A_462 = vector.shape_cast %swap3A_461 : vector<16xi32> to vector<16xi32>
      %swap3A_463 = vector.shape_cast %sub3A_459 : vector<16xi32> to vector<16xi32>
      tpu.vector_store %arg9[%swap3A_460], %swap3A_463 {strides = array<i32>} : memref<128xi32, #tpu.memory_space<vmem>>, vector<16xi32>,
      %add3A_464 = arith.addi %div3A_457, %broadcast_in_dim3A_456 : vector<16xi32>
      %swap3A_465 = arith.constant 32 : index
      %swap3A_466 = tpu.vector_load %arg13[%swap3A_465] {strides = array<i32>} : memref<128xi32, #tpu.memory_space<vmem>>, vector<16xi32>,
      %swap3A_467 = vector.shape_cast %swap3A_466 : vector<16xi32> to vector<16xi32>
      %swap3A_468 = vector.shape_cast %add3A_464 : vector<16xi32> to vector<16xi32>
      tpu.vector_store %arg13[%swap3A_465], %swap3A_468 {strides = array<i32>} : memref<128xi32, #tpu.memory_space<vmem>>, vector<16xi32>,
      %get3A_469 = arith.constant 432 : index
      %get3A_470 = tpu.vector_load %arg5[%get3A_469] {strides = array<i32>} : memref<512xi32, #tpu.memory_space<vmem>>, vector<16xi32>,
      %get3A_471 = vector.shape_cast %get3A_470 : vector<16xi32> to vector<16xi32>
      %broadcast_in_dim3A_472 = arith.constant 1000 : i32
      %broadcast_in_dim3A_473 = vector.broadcast %broadcast_in_dim3A_472 : i32 to vector<16xi32>
      %div3A_474 = arith.divsi %get3A_471, %broadcast_in_dim3A_473 : vector<16xi32>
      %mul3A_475 = arith.muli %div3A_474, %broadcast_in_dim3A_473 : vector<16xi32>
      %sub3A_476 = arith.subi %get3A_471, %mul3A_475 : vector<16xi32>
      %swap3A_477 = arith.constant 48 : index
      %swap3A_478 = tpu.vector_load %arg9[%swap3A_477] {strides = array<i32>} : memref<128xi32, #tpu.memory_space<vmem>>, vector<16xi32>,
      %swap3A_479 = vector.shape_cast %swap3A_478 : vector<16xi32> to vector<16xi32>
      %swap3A_480 = vector.shape_cast %sub3A_476 : vector<16xi32> to vector<16xi32>
      tpu.vector_store %arg9[%swap3A_477], %swap3A_480 {strides = array<i32>} : memref<128xi32, #tpu.memory_space<vmem>>, vector<16xi32>,
      %add3A_481 = arith.addi %div3A_474, %broadcast_in_dim3A_473 : vector<16xi32>
      %swap3A_482 = arith.constant 48 : index
      %swap3A_483 = tpu.vector_load %arg13[%swap3A_482] {strides = array<i32>} : memref<128xi32, #tpu.memory_space<vmem>>, vector<16xi32>,
      %swap3A_484 = vector.shape_cast %swap3A_483 : vector<16xi32> to vector<16xi32>
      %swap3A_485 = vector.shape_cast %add3A_481 : vector<16xi32> to vector<16xi32>
      tpu.vector_store %arg13[%swap3A_482], %swap3A_485 {strides = array<i32>} : memref<128xi32, #tpu.memory_space<vmem>>, vector<16xi32>,
      %get3A_486 = arith.constant 448 : index
      %get3A_487 = tpu.vector_load %arg5[%get3A_486] {strides = array<i32>} : memref<512xi32, #tpu.memory_space<vmem>>, vector<16xi32>,
      %get3A_488 = vector.shape_cast %get3A_487 : vector<16xi32> to vector<16xi32>
      %broadcast_in_dim3A_489 = arith.constant 1000 : i32
      %broadcast_in_dim3A_490 = vector.broadcast %broadcast_in_dim3A_489 : i32 to vector<16xi32>
      %div3A_491 = arith.divsi %get3A_488, %broadcast_in_dim3A_490 : vector<16xi32>
      %mul3A_492 = arith.muli %div3A_491, %broadcast_in_dim3A_490 : vector<16xi32>
      %sub3A_493 = arith.subi %get3A_488, %mul3A_492 : vector<16xi32>
      %swap3A_494 = arith.constant 64 : index
      %swap3A_495 = tpu.vector_load %arg9[%swap3A_494] {strides = array<i32>} : memref<128xi32, #tpu.memory_space<vmem>>, vector<16xi32>,
      %swap3A_496 = vector.shape_cast %swap3A_495 : vector<16xi32> to vector<16xi32>
      %swap3A_497 = vector.shape_cast %sub3A_493 : vector<16xi32> to vector<16xi32>
      tpu.vector_store %arg9[%swap3A_494], %swap3A_497 {strides = array<i32>} : memref<128xi32, #tpu.memory_space<vmem>>, vector<16xi32>,
      %add3A_498 = arith.addi %div3A_491, %broadcast_in_dim3A_490 : vector<16xi32>
      %swap3A_499 = arith.constant 64 : index
      %swap3A_500 = tpu.vector_load %arg13[%swap3A_499] {strides = array<i32>} : memref<128xi32, #tpu.memory_space<vmem>>, vector<16xi32>,
      %swap3A_501 = vector.shape_cast %swap3A_500 : vector<16xi32> to vector<16xi32>
      %swap3A_502 = vector.shape_cast %add3A_498 : vector<16xi32> to vector<16xi32>
      tpu.vector_store %arg13[%swap3A_499], %swap3A_502 {strides = array<i32>} : memref<128xi32, #tpu.memory_space<vmem>>, vector<16xi32>,
      %get3A_503 = arith.constant 464 : index
      %get3A_504 = tpu.vector_load %arg5[%get3A_503] {strides = array<i32>} : memref<512xi32, #tpu.memory_space<vmem>>, vector<16xi32>,
      %get3A_505 = vector.shape_cast %get3A_504 : vector<16xi32> to vector<16xi32>
      %broadcast_in_dim3A_506 = arith.constant 1000 : i32
      %broadcast_in_dim3A_507 = vector.broadcast %broadcast_in_dim3A_506 : i32 to vector<16xi32>
      %div3A_508 = arith.divsi %get3A_505, %broadcast_in_dim3A_507 : vector<16xi32>
      %mul3A_509 = arith.muli %div3A_508, %broadcast_in_dim3A_507 : vector<16xi32>
      %sub3A_510 = arith.subi %get3A_505, %mul3A_509 : vector<16xi32>
      %swap3A_511 = arith.constant 80 : index
      %swap3A_512 = tpu.vector_load %arg9[%swap3A_511] {strides = array<i32>} : memref<128xi32, #tpu.memory_space<vmem>>, vector<16xi32>,
      %swap3A_513 = vector.shape_cast %swap3A_512 : vector<16xi32> to vector<16xi32>
      %swap3A_514 = vector.shape_cast %sub3A_510 : vector<16xi32> to vector<16xi32>
      tpu.vector_store %arg9[%swap3A_511], %swap3A_514 {strides = array<i32>} : memref<128xi32, #tpu.memory_space<vmem>>, vector<16xi32>,
      %add3A_515 = arith.addi %div3A_508, %broadcast_in_dim3A_507 : vector<16xi32>
      %swap3A_516 = arith.constant 80 : index
      %swap3A_517 = tpu.vector_load %arg13[%swap3A_516] {strides = array<i32>} : memref<128xi32, #tpu.memory_space<vmem>>, vector<16xi32>,
      %swap3A_518 = vector.shape_cast %swap3A_517 : vector<16xi32> to vector<16xi32>
      %swap3A_519 = vector.shape_cast %add3A_515 : vector<16xi32> to vector<16xi32>
      tpu.vector_store %arg13[%swap3A_516], %swap3A_519 {strides = array<i32>} : memref<128xi32, #tpu.memory_space<vmem>>, vector<16xi32>,
      %get3A_520 = arith.constant 480 : index
      %get3A_521 = tpu.vector_load %arg5[%get3A_520] {strides = array<i32>} : memref<512xi32, #tpu.memory_space<vmem>>, vector<16xi32>,
      %get3A_522 = vector.shape_cast %get3A_521 : vector<16xi32> to vector<16xi32>
      %broadcast_in_dim3A_523 = arith.constant 1000 : i32
      %broadcast_in_dim3A_524 = vector.broadcast %broadcast_in_dim3A_523 : i32 to vector<16xi32>
      %div3A_525 = arith.divsi %get3A_522, %broadcast_in_dim3A_524 : vector<16xi32>
      %mul3A_526 = arith.muli %div3A_525, %broadcast_in_dim3A_524 : vector<16xi32>
      %sub3A_527 = arith.subi %get3A_522, %mul3A_526 : vector<16xi32>
      %swap3A_528 = arith.constant 96 : index
      %swap3A_529 = tpu.vector_load %arg9[%swap3A_528] {strides = array<i32>} : memref<128xi32, #tpu.memory_space<vmem>>, vector<16xi32>,
      %swap3A_530 = vector.shape_cast %swap3A_529 : vector<16xi32> to vector<16xi32>
      %swap3A_531 = vector.shape_cast %sub3A_527 : vector<16xi32> to vector<16xi32>
      tpu.vector_store %arg9[%swap3A_528], %swap3A_531 {strides = array<i32>} : memref<128xi32, #tpu.memory_space<vmem>>, vector<16xi32>,
      %add3A_532 = arith.addi %div3A_525, %broadcast_in_dim3A_524 : vector<16xi32>
      %swap3A_533 = arith.constant 96 : index
      %swap3A_534 = tpu.vector_load %arg13[%swap3A_533] {strides = array<i32>} : memref<128xi32, #tpu.memory_space<vmem>>, vector<16xi32>,
      %swap3A_535 = vector.shape_cast %swap3A_534 : vector<16xi32> to vector<16xi32>
      %swap3A_536 = vector.shape_cast %add3A_532 : vector<16xi32> to vector<16xi32>
      tpu.vector_store %arg13[%swap3A_533], %swap3A_536 {strides = array<i32>} : memref<128xi32, #tpu.memory_space<vmem>>, vector<16xi32>,
      %get3A_537 = arith.constant 496 : index
      %get3A_538 = tpu.vector_load %arg5[%get3A_537] {strides = array<i32>} : memref<512xi32, #tpu.memory_space<vmem>>, vector<16xi32>,
      %get3A_539 = vector.shape_cast %get3A_538 : vector<16xi32> to vector<16xi32>
      %broadcast_in_dim3A_540 = arith.constant 1000 : i32
      %broadcast_in_dim3A_541 = vector.broadcast %broadcast_in_dim3A_540 : i32 to vector<16xi32>
      %div3A_542 = arith.divsi %get3A_539, %broadcast_in_dim3A_541 : vector<16xi32>
      %mul3A_543 = arith.muli %div3A_542, %broadcast_in_dim3A_541 : vector<16xi32>
      %sub3A_544 = arith.subi %get3A_539, %mul3A_543 : vector<16xi32>
      %swap3A_545 = arith.constant 112 : index
      %swap3A_546 = tpu.vector_load %arg9[%swap3A_545] {strides = array<i32>} : memref<128xi32, #tpu.memory_space<vmem>>, vector<16xi32>,
      %swap3A_547 = vector.shape_cast %swap3A_546 : vector<16xi32> to vector<16xi32>
      %swap3A_548 = vector.shape_cast %sub3A_544 : vector<16xi32> to vector<16xi32>
      tpu.vector_store %arg9[%swap3A_545], %swap3A_548 {strides = array<i32>} : memref<128xi32, #tpu.memory_space<vmem>>, vector<16xi32>,
      %add3A_549 = arith.addi %div3A_542, %broadcast_in_dim3A_541 : vector<16xi32>
      %swap3A_550 = arith.constant 112 : index
      %swap3A_551 = tpu.vector_load %arg13[%swap3A_550] {strides = array<i32>} : memref<128xi32, #tpu.memory_space<vmem>>, vector<16xi32>,
      %swap3A_552 = vector.shape_cast %swap3A_551 : vector<16xi32> to vector<16xi32>
      %swap3A_553 = vector.shape_cast %add3A_549 : vector<16xi32> to vector<16xi32>
      tpu.vector_store %arg13[%swap3A_550], %swap3A_553 {strides = array<i32>} : memref<128xi32, #tpu.memory_space<vmem>>, vector<16xi32>,
      %dma_start3A = arith.constant 0 : i32
      %dma_start3A_554 = arith.constant 0 : i32
      %dma_start3A_555 = tpu.memref_slice %arg14[%dma_start3A, %dma_start3A_554] : memref<512x64xf32, #tpu.memory_space<vmem>> -> memref<128x64xf32, #tpu.memory_space<vmem>>
      %dma_start3A_556 = arith.constant 0 : i32
      %dma_start3A_557 = arith.constant 0 : i32
      %dma_start3A_558 = tpu.memref_slice %arg3[%dma_start3A_556, %dma_start3A_557] : memref<2000x64xf32, #tpu.memory_space<hbm>> -> memref<2000x64xf32, #tpu.memory_space<hbm>>
      tpu.enqueue_indirect_dma source(%dma_start3A_558 : memref<2000x64xf32, #tpu.memory_space<hbm>>) target(%dma_start3A_555 : memref<128x64xf32, #tpu.memory_space<vmem>>) offsets(%arg6 : memref<128xi32, #tpu.memory_space<vmem>>) semaphore(%arg16 : memref<!tpu.dma_semaphore, #tpu.memory_space<semaphore_mem>>)
      %dma_start3A_559 = arith.constant 128 : i32
      %dma_start3A_560 = arith.constant 0 : i32
      %dma_start3A_561 = tpu.memref_slice %arg14[%dma_start3A_559, %dma_start3A_560] : memref<512x64xf32, #tpu.memory_space<vmem>> -> memref<128x64xf32, #tpu.memory_space<vmem>>
      %dma_start3A_562 = arith.constant 0 : i32
      %dma_start3A_563 = arith.constant 0 : i32
      %dma_start3A_564 = tpu.memref_slice %arg3[%dma_start3A_562, %dma_start3A_563] : memref<2000x64xf32, #tpu.memory_space<hbm>> -> memref<2000x64xf32, #tpu.memory_space<hbm>>
      tpu.enqueue_indirect_dma source(%dma_start3A_564 : memref<2000x64xf32, #tpu.memory_space<hbm>>) target(%dma_start3A_561 : memref<128x64xf32, #tpu.memory_space<vmem>>) offsets(%arg7 : memref<128xi32, #tpu.memory_space<vmem>>) semaphore(%arg16 : memref<!tpu.dma_semaphore, #tpu.memory_space<semaphore_mem>>)
      %dma_start3A_565 = arith.constant 256 : i32
      %dma_start3A_566 = arith.constant 0 : i32
      %dma_start3A_567 = tpu.memref_slice %arg14[%dma_start3A_565, %dma_start3A_566] : memref<512x64xf32, #tpu.memory_space<vmem>> -> memref<128x64xf32, #tpu.memory_space<vmem>>
      %dma_start3A_568 = arith.constant 0 : i32
      %dma_start3A_569 = arith.constant 0 : i32
      %dma_start3A_570 = tpu.memref_slice %arg3[%dma_start3A_568, %dma_start3A_569] : memref<2000x64xf32, #tpu.memory_space<hbm>> -> memref<2000x64xf32, #tpu.memory_space<hbm>>
      tpu.enqueue_indirect_dma source(%dma_start3A_570 : memref<2000x64xf32, #tpu.memory_space<hbm>>) target(%dma_start3A_567 : memref<128x64xf32, #tpu.memory_space<vmem>>) offsets(%arg8 : memref<128xi32, #tpu.memory_space<vmem>>) semaphore(%arg16 : memref<!tpu.dma_semaphore, #tpu.memory_space<semaphore_mem>>)
      %dma_start3A_571 = arith.constant 384 : i32
      %dma_start3A_572 = arith.constant 0 : i32
      %dma_start3A_573 = tpu.memref_slice %arg14[%dma_start3A_571, %dma_start3A_572] : memref<512x64xf32, #tpu.memory_space<vmem>> -> memref<128x64xf32, #tpu.memory_space<vmem>>
      %dma_start3A_574 = arith.constant 0 : i32
      %dma_start3A_575 = arith.constant 0 : i32
      %dma_start3A_576 = tpu.memref_slice %arg3[%dma_start3A_574, %dma_start3A_575] : memref<2000x64xf32, #tpu.memory_space<hbm>> -> memref<2000x64xf32, #tpu.memory_space<hbm>>
      tpu.enqueue_indirect_dma source(%dma_start3A_576 : memref<2000x64xf32, #tpu.memory_space<hbm>>) target(%dma_start3A_573 : memref<128x64xf32, #tpu.memory_space<vmem>>) offsets(%arg9 : memref<128xi32, #tpu.memory_space<vmem>>) semaphore(%arg16 : memref<!tpu.dma_semaphore, #tpu.memory_space<semaphore_mem>>)
      %dma_wait3A = arith.constant 0 : i32
      %dma_wait3A_577 = arith.constant 0 : i32
      %dma_wait3A_578 = tpu.memref_slice %arg14[%dma_wait3A, %dma_wait3A_577] : memref<512x64xf32, #tpu.memory_space<vmem>> -> memref<128x64xf32, #tpu.memory_space<vmem>>
      %dma_wait3A_579 = arith.constant 0 : i32
      %dma_wait3A_580 = arith.constant 0 : i32
      %dma_wait3A_581 = tpu.memref_slice %arg3[%dma_wait3A_579, %dma_wait3A_580] : memref<2000x64xf32, #tpu.memory_space<hbm>> -> memref<2000x64xf32, #tpu.memory_space<hbm>>
      tpu.wait_indirect_dma semaphore(%arg16 : memref<!tpu.dma_semaphore, #tpu.memory_space<semaphore_mem>>) src(%dma_wait3A_581 : memref<2000x64xf32, #tpu.memory_space<hbm>>) dst(%dma_wait3A_578 : memref<128x64xf32, #tpu.memory_space<vmem>>)
      %dma_wait3A_582 = arith.constant 128 : i32
      %dma_wait3A_583 = arith.constant 0 : i32
      %dma_wait3A_584 = tpu.memref_slice %arg14[%dma_wait3A_582, %dma_wait3A_583] : memref<512x64xf32, #tpu.memory_space<vmem>> -> memref<128x64xf32, #tpu.memory_space<vmem>>
      %dma_wait3A_585 = arith.constant 0 : i32
      %dma_wait3A_586 = arith.constant 0 : i32
      %dma_wait3A_587 = tpu.memref_slice %arg3[%dma_wait3A_585, %dma_wait3A_586] : memref<2000x64xf32, #tpu.memory_space<hbm>> -> memref<2000x64xf32, #tpu.memory_space<hbm>>
      tpu.wait_indirect_dma semaphore(%arg16 : memref<!tpu.dma_semaphore, #tpu.memory_space<semaphore_mem>>) src(%dma_wait3A_587 : memref<2000x64xf32, #tpu.memory_space<hbm>>) dst(%dma_wait3A_584 : memref<128x64xf32, #tpu.memory_space<vmem>>)
      %dma_wait3A_588 = arith.constant 256 : i32
      %dma_wait3A_589 = arith.constant 0 : i32
      %dma_wait3A_590 = tpu.memref_slice %arg14[%dma_wait3A_588, %dma_wait3A_589] : memref<512x64xf32, #tpu.memory_space<vmem>> -> memref<128x64xf32, #tpu.memory_space<vmem>>
      %dma_wait3A_591 = arith.constant 0 : i32
      %dma_wait3A_592 = arith.constant 0 : i32
      %dma_wait3A_593 = tpu.memref_slice %arg3[%dma_wait3A_591, %dma_wait3A_592] : memref<2000x64xf32, #tpu.memory_space<hbm>> -> memref<2000x64xf32, #tpu.memory_space<hbm>>
      tpu.wait_indirect_dma semaphore(%arg16 : memref<!tpu.dma_semaphore, #tpu.memory_space<semaphore_mem>>) src(%dma_wait3A_593 : memref<2000x64xf32, #tpu.memory_space<hbm>>) dst(%dma_wait3A_590 : memref<128x64xf32, #tpu.memory_space<vmem>>)
      %dma_wait3A_594 = arith.constant 384 : i32
      %dma_wait3A_595 = arith.constant 0 : i32
      %dma_wait3A_596 = tpu.memref_slice %arg14[%dma_wait3A_594, %dma_wait3A_595] : memref<512x64xf32, #tpu.memory_space<vmem>> -> memref<128x64xf32, #tpu.memory_space<vmem>>
      %dma_wait3A_597 = arith.constant 0 : i32
      %dma_wait3A_598 = arith.constant 0 : i32
      %dma_wait3A_599 = tpu.memref_slice %arg3[%dma_wait3A_597, %dma_wait3A_598] : memref<2000x64xf32, #tpu.memory_space<hbm>> -> memref<2000x64xf32, #tpu.memory_space<hbm>>
      tpu.wait_indirect_dma semaphore(%arg16 : memref<!tpu.dma_semaphore, #tpu.memory_space<semaphore_mem>>) src(%dma_wait3A_599 : memref<2000x64xf32, #tpu.memory_space<hbm>>) dst(%dma_wait3A_596 : memref<128x64xf32, #tpu.memory_space<vmem>>)
      %dma_start3A_600 = arith.constant 0 : i32
      %dma_start3A_601 = arith.constant 0 : i32
      %dma_start3A_602 = tpu.memref_slice %arg14[%dma_start3A_600, %dma_start3A_601] : memref<512x64xf32, #tpu.memory_space<vmem>> -> memref<128x64xf32, #tpu.memory_space<vmem>>
      %dma_start3A_603 = arith.constant 0 : i32
      %dma_start3A_604 = arith.constant 0 : i32
      %dma_start3A_605 = tpu.memref_slice %arg3[%dma_start3A_603, %dma_start3A_604] : memref<2000x64xf32, #tpu.memory_space<hbm>> -> memref<2000x64xf32, #tpu.memory_space<hbm>>
      tpu.enqueue_indirect_dma source(%dma_start3A_605 : memref<2000x64xf32, #tpu.memory_space<hbm>>) target(%dma_start3A_602 : memref<128x64xf32, #tpu.memory_space<vmem>>) offsets(%arg10 : memref<128xi32, #tpu.memory_space<vmem>>) semaphore(%arg17 : memref<!tpu.dma_semaphore, #tpu.memory_space<semaphore_mem>>) {add = true}
      %dma_start3A_606 = arith.constant 128 : i32
      %dma_start3A_607 = arith.constant 0 : i32
      %dma_start3A_608 = tpu.memref_slice %arg14[%dma_start3A_606, %dma_start3A_607] : memref<512x64xf32, #tpu.memory_space<vmem>> -> memref<128x64xf32, #tpu.memory_space<vmem>>
      %dma_start3A_609 = arith.constant 0 : i32
      %dma_start3A_610 = arith.constant 0 : i32
      %dma_start3A_611 = tpu.memref_slice %arg3[%dma_start3A_609, %dma_start3A_610] : memref<2000x64xf32, #tpu.memory_space<hbm>> -> memref<2000x64xf32, #tpu.memory_space<hbm>>
      tpu.enqueue_indirect_dma source(%dma_start3A_611 : memref<2000x64xf32, #tpu.memory_space<hbm>>) target(%dma_start3A_608 : memref<128x64xf32, #tpu.memory_space<vmem>>) offsets(%arg11 : memref<128xi32, #tpu.memory_space<vmem>>) semaphore(%arg17 : memref<!tpu.dma_semaphore, #tpu.memory_space<semaphore_mem>>) {add = true}
      %dma_start3A_612 = arith.constant 256 : i32
      %dma_start3A_613 = arith.constant 0 : i32
      %dma_start3A_614 = tpu.memref_slice %arg14[%dma_start3A_612, %dma_start3A_613] : memref<512x64xf32, #tpu.memory_space<vmem>> -> memref<128x64xf32, #tpu.memory_space<vmem>>
      %dma_start3A_615 = arith.constant 0 : i32
      %dma_start3A_616 = arith.constant 0 : i32
      %dma_start3A_617 = tpu.memref_slice %arg3[%dma_start3A_615, %dma_start3A_616] : memref<2000x64xf32, #tpu.memory_space<hbm>> -> memref<2000x64xf32, #tpu.memory_space<hbm>>
      tpu.enqueue_indirect_dma source(%dma_start3A_617 : memref<2000x64xf32, #tpu.memory_space<hbm>>) target(%dma_start3A_614 : memref<128x64xf32, #tpu.memory_space<vmem>>) offsets(%arg12 : memref<128xi32, #tpu.memory_space<vmem>>) semaphore(%arg17 : memref<!tpu.dma_semaphore, #tpu.memory_space<semaphore_mem>>) {add = true}
      %dma_start3A_618 = arith.constant 384 : i32
      %dma_start3A_619 = arith.constant 0 : i32
      %dma_start3A_620 = tpu.memref_slice %arg14[%dma_start3A_618, %dma_start3A_619] : memref<512x64xf32, #tpu.memory_space<vmem>> -> memref<128x64xf32, #tpu.memory_space<vmem>>
      %dma_start3A_621 = arith.constant 0 : i32
      %dma_start3A_622 = arith.constant 0 : i32
      %dma_start3A_623 = tpu.memref_slice %arg3[%dma_start3A_621, %dma_start3A_622] : memref<2000x64xf32, #tpu.memory_space<hbm>> -> memref<2000x64xf32, #tpu.memory_space<hbm>>
      tpu.enqueue_indirect_dma source(%dma_start3A_623 : memref<2000x64xf32, #tpu.memory_space<hbm>>) target(%dma_start3A_620 : memref<128x64xf32, #tpu.memory_space<vmem>>) offsets(%arg13 : memref<128xi32, #tpu.memory_space<vmem>>) semaphore(%arg17 : memref<!tpu.dma_semaphore, #tpu.memory_space<semaphore_mem>>) {add = true}
      %dma_wait3A_624 = arith.constant 0 : i32
      %dma_wait3A_625 = arith.constant 0 : i32
      %dma_wait3A_626 = tpu.memref_slice %arg14[%dma_wait3A_624, %dma_wait3A_625] : memref<512x64xf32, #tpu.memory_space<vmem>> -> memref<128x64xf32, #tpu.memory_space<vmem>>
      %dma_wait3A_627 = arith.constant 0 : i32
      %dma_wait3A_628 = arith.constant 0 : i32
      %dma_wait3A_629 = tpu.memref_slice %arg3[%dma_wait3A_627, %dma_wait3A_628] : memref<2000x64xf32, #tpu.memory_space<hbm>> -> memref<2000x64xf32, #tpu.memory_space<hbm>>
      tpu.wait_indirect_dma semaphore(%arg17 : memref<!tpu.dma_semaphore, #tpu.memory_space<semaphore_mem>>) src(%dma_wait3A_629 : memref<2000x64xf32, #tpu.memory_space<hbm>>) dst(%dma_wait3A_626 : memref<128x64xf32, #tpu.memory_space<vmem>>)
      %dma_wait3A_630 = arith.constant 128 : i32
      %dma_wait3A_631 = arith.constant 0 : i32
      %dma_wait3A_632 = tpu.memref_slice %arg14[%dma_wait3A_630, %dma_wait3A_631] : memref<512x64xf32, #tpu.memory_space<vmem>> -> memref<128x64xf32, #tpu.memory_space<vmem>>
      %dma_wait3A_633 = arith.constant 0 : i32
      %dma_wait3A_634 = arith.constant 0 : i32
      %dma_wait3A_635 = tpu.memref_slice %arg3[%dma_wait3A_633, %dma_wait3A_634] : memref<2000x64xf32, #tpu.memory_space<hbm>> -> memref<2000x64xf32, #tpu.memory_space<hbm>>
      tpu.wait_indirect_dma semaphore(%arg17 : memref<!tpu.dma_semaphore, #tpu.memory_space<semaphore_mem>>) src(%dma_wait3A_635 : memref<2000x64xf32, #tpu.memory_space<hbm>>) dst(%dma_wait3A_632 : memref<128x64xf32, #tpu.memory_space<vmem>>)
      %dma_wait3A_636 = arith.constant 256 : i32
      %dma_wait3A_637 = arith.constant 0 : i32
      %dma_wait3A_638 = tpu.memref_slice %arg14[%dma_wait3A_636, %dma_wait3A_637] : memref<512x64xf32, #tpu.memory_space<vmem>> -> memref<128x64xf32, #tpu.memory_space<vmem>>
      %dma_wait3A_639 = arith.constant 0 : i32
      %dma_wait3A_640 = arith.constant 0 : i32
      %dma_wait3A_641 = tpu.memref_slice %arg3[%dma_wait3A_639, %dma_wait3A_640] : memref<2000x64xf32, #tpu.memory_space<hbm>> -> memref<2000x64xf32, #tpu.memory_space<hbm>>
      tpu.wait_indirect_dma semaphore(%arg17 : memref<!tpu.dma_semaphore, #tpu.memory_space<semaphore_mem>>) src(%dma_wait3A_641 : memref<2000x64xf32, #tpu.memory_space<hbm>>) dst(%dma_wait3A_638 : memref<128x64xf32, #tpu.memory_space<vmem>>)
      %dma_wait3A_642 = arith.constant 384 : i32
      %dma_wait3A_643 = arith.constant 0 : i32
      %dma_wait3A_644 = tpu.memref_slice %arg14[%dma_wait3A_642, %dma_wait3A_643] : memref<512x64xf32, #tpu.memory_space<vmem>> -> memref<128x64xf32, #tpu.memory_space<vmem>>
      %dma_wait3A_645 = arith.constant 0 : i32
      %dma_wait3A_646 = arith.constant 0 : i32
      %dma_wait3A_647 = tpu.memref_slice %arg3[%dma_wait3A_645, %dma_wait3A_646] : memref<2000x64xf32, #tpu.memory_space<hbm>> -> memref<2000x64xf32, #tpu.memory_space<hbm>>
      tpu.wait_indirect_dma semaphore(%arg17 : memref<!tpu.dma_semaphore, #tpu.memory_space<semaphore_mem>>) src(%dma_wait3A_647 : memref<2000x64xf32, #tpu.memory_space<hbm>>) dst(%dma_wait3A_644 : memref<128x64xf32, #tpu.memory_space<vmem>>)
      "tpu.region"() ({
        %run_scoped3A = tpu.sem_alloc : memref<!tpu.dma_semaphore, #tpu.memory_space<semaphore_mem>>
        %dma_start3A_648 = arith.constant 0 : i32
        %dma_start3A_649 = tpu.memref_slice %arg4[%add3A_14, %dma_start3A_648] : memref<819200x64xf32, #tpu.memory_space<hbm>> -> memref<512x64xf32, #tpu.memory_space<hbm>>
        %dma_start3A_650 = arith.constant 0 : i32
        %dma_start3A_651 = tpu.memref_slice %arg4[%add3A_14, %dma_start3A_650] : memref<819200x64xf32, #tpu.memory_space<hbm>> -> memref<512x64xf32, #tpu.memory_space<hbm>>
        tpu.enqueue_dma source(%arg14 : memref<512x64xf32, #tpu.memory_space<vmem>>) target(%dma_start3A_651 : memref<512x64xf32, #tpu.memory_space<hbm>>) target_semaphore(%run_scoped3A : memref<!tpu.dma_semaphore, #tpu.memory_space<semaphore_mem>>)
        %dma_wait3A_652 = arith.constant 0 : i32
        %dma_wait3A_653 = tpu.memref_slice %arg4[%add3A_14, %dma_wait3A_652] : memref<819200x64xf32, #tpu.memory_space<hbm>> -> memref<512x64xf32, #tpu.memory_space<hbm>>
        %dma_wait3A_654 = arith.constant 0 : i32
        %dma_wait3A_655 = tpu.memref_slice %arg4[%add3A_14, %dma_wait3A_654] : memref<819200x64xf32, #tpu.memory_space<hbm>> -> memref<512x64xf32, #tpu.memory_space<hbm>>
        tpu.wait_dma2 semaphore(%run_scoped3A : memref<!tpu.dma_semaphore, #tpu.memory_space<semaphore_mem>>) src(%arg14 : memref<512x64xf32, #tpu.memory_space<vmem>>) dst(%dma_wait3A_655 : memref<512x64xf32, #tpu.memory_space<hbm>>)
        tpu.yield
      }) : () -> ()
    }
    %scan3A_6 = arith.constant 50 : i32
    return
  }
}

module attributes {stable_mosaic.version = 14 : i64} {
  func.func @_prep_body(%arg0: memref<1x2xf32, #tpu.memory_space<vmem>>, %arg1: memref<1000x64xf32, #tpu.memory_space<vmem>>, %arg2: memref<1000x64xf32, #tpu.memory_space<vmem>>, %arg3: memref<2000x64xf32, #tpu.memory_space<vmem>>) attributes {dimension_semantics = [], scalar_prefetch = 0 : i64, scratch_operands = 0 : i64, tpu.core_type = #tpu.core_type<tc>} {
    %get3A = arith.constant 0 : index
    %get3A_0 = arith.constant 0 : index
    %get3A_1 = vector.load %arg0[%get3A, %get3A_0] : memref<1x2xf32, #tpu.memory_space<vmem>>, vector<1x2xf32>
    %reduce_max3A = vector.shape_cast %get3A_1 : vector<1x2xf32> to vector<1x1x2xf32>
    %reduce_max3A_2 = arith.constant dense<0xFF800000> : vector<1xf32>
    %reduce_max3A_3 = vector.multi_reduction <maximumf>, %reduce_max3A, %reduce_max3A_2 [1, 2] : vector<1x1x2xf32> to vector<1xf32>
    %reduce_max3A_4 = vector.shape_cast %reduce_max3A_3 : vector<1xf32> to vector<1x1x1xf32>
    %reduce_max3A_5 = vector.extract %reduce_max3A_4[0, 0, 0] : f32 from vector<1x1x1xf32>
    %sub3A = vector.broadcast %reduce_max3A_5 : f32 to vector<1x2xf32>
    %sub3A_6 = arith.subf %get3A_1, %sub3A : vector<1x2xf32>
    %exp3A = math.exp %sub3A_6 : vector<1x2xf32>
    %reduce_sum3A = vector.shape_cast %exp3A : vector<1x2xf32> to vector<1x1x2xf32>
    %reduce_sum3A_7 = arith.constant dense<0.000000e+00> : vector<1xf32>
    %reduce_sum3A_8 = vector.multi_reduction <add>, %reduce_sum3A, %reduce_sum3A_7 [1, 2] : vector<1x1x2xf32> to vector<1xf32>
    %reduce_sum3A_9 = vector.shape_cast %reduce_sum3A_8 : vector<1xf32> to vector<1x1x1xf32>
    %reduce_sum3A_10 = vector.extract %reduce_sum3A_9[0, 0, 0] : f32 from vector<1x1x1xf32>
    %iota3A = tpu.iota {dimensions = array<i32: 1>} : vector<1x2xi32>
    %eq3A = arith.constant 0 : i32
    %eq3A_11 = vector.broadcast %eq3A : i32 to vector<1x2xi32>
    %eq3A_12 = arith.cmpi eq, %iota3A, %eq3A_11 : vector<1x2xi32>
    %jit3A = arith.constant 0.000000e+00 : f32
    %broadcast_in_dim3A = vector.broadcast %jit3A : f32 to vector<1x2xf32>
    %select_n3A = arith.select %eq3A_12, %exp3A, %broadcast_in_dim3A : vector<1x2xi1>, vector<1x2xf32>
    %reduce_sum3A_13 = vector.shape_cast %select_n3A : vector<1x2xf32> to vector<1x1x2xf32>
    %reduce_sum3A_14 = arith.constant dense<0.000000e+00> : vector<1xf32>
    %reduce_sum3A_15 = vector.multi_reduction <add>, %reduce_sum3A_13, %reduce_sum3A_14 [1, 2] : vector<1x1x2xf32> to vector<1xf32>
    %reduce_sum3A_16 = vector.shape_cast %reduce_sum3A_15 : vector<1xf32> to vector<1x1x1xf32>
    %reduce_sum3A_17 = vector.extract %reduce_sum3A_16[0, 0, 0] : f32 from vector<1x1x1xf32>
    %div3A = arith.divf %reduce_sum3A_17, %reduce_sum3A_10 : f32
    %eq3A_18 = arith.constant 1 : i32
    %eq3A_19 = vector.broadcast %eq3A_18 : i32 to vector<1x2xi32>
    %eq3A_20 = arith.cmpi eq, %iota3A, %eq3A_19 : vector<1x2xi32>
    %jit3A_21 = arith.constant 0.000000e+00 : f32
    %broadcast_in_dim3A_22 = vector.broadcast %jit3A_21 : f32 to vector<1x2xf32>
    %select_n3A_23 = arith.select %eq3A_20, %exp3A, %broadcast_in_dim3A_22 : vector<1x2xi1>, vector<1x2xf32>
    %reduce_sum3A_24 = vector.shape_cast %select_n3A_23 : vector<1x2xf32> to vector<1x1x2xf32>
    %reduce_sum3A_25 = arith.constant dense<0.000000e+00> : vector<1xf32>
    %reduce_sum3A_26 = vector.multi_reduction <add>, %reduce_sum3A_24, %reduce_sum3A_25 [1, 2] : vector<1x1x2xf32> to vector<1xf32>
    %reduce_sum3A_27 = vector.shape_cast %reduce_sum3A_26 : vector<1xf32> to vector<1x1x1xf32>
    %reduce_sum3A_28 = vector.extract %reduce_sum3A_27[0, 0, 0] : f32 from vector<1x1x1xf32>
    %div3A_29 = arith.divf %reduce_sum3A_28, %reduce_sum3A_10 : f32
    %get3A_30 = arith.constant 0 : index
    %get3A_31 = arith.constant 0 : index
    %get3A_32 = vector.load %arg1[%get3A_30, %get3A_31] : memref<1000x64xf32, #tpu.memory_space<vmem>>, vector<1000x64xf32>
    %mul3A = vector.broadcast %div3A : f32 to vector<1000x64xf32>
    %mul3A_33 = arith.mulf %get3A_32, %mul3A : vector<1000x64xf32>
    %swap3A = arith.constant 0 : index
    %swap3A_34 = arith.constant 0 : index
    %swap3A_35 = vector.load %arg3[%swap3A, %swap3A_34] : memref<2000x64xf32, #tpu.memory_space<vmem>>, vector<1000x64xf32>
    tpu.vector_store %arg3[%swap3A, %swap3A_34], %mul3A_33 {strides = array<i32>} : memref<2000x64xf32, #tpu.memory_space<vmem>>, vector<1000x64xf32>,
    %get3A_36 = arith.constant 0 : index
    %get3A_37 = arith.constant 0 : index
    %get3A_38 = vector.load %arg2[%get3A_36, %get3A_37] : memref<1000x64xf32, #tpu.memory_space<vmem>>, vector<1000x64xf32>
    %mul3A_39 = vector.broadcast %div3A_29 : f32 to vector<1000x64xf32>
    %mul3A_40 = arith.mulf %get3A_38, %mul3A_39 : vector<1000x64xf32>
    %swap3A_41 = arith.constant 1000 : index
    %swap3A_42 = arith.constant 0 : index
    %swap3A_43 = vector.load %arg3[%swap3A_41, %swap3A_42] : memref<2000x64xf32, #tpu.memory_space<vmem>>, vector<1000x64xf32>
    tpu.vector_store %arg3[%swap3A_41, %swap3A_42], %mul3A_40 {strides = array<i32>} : memref<2000x64xf32, #tpu.memory_space<vmem>>, vector<1000x64xf32>,
    return
  }
}

</mosaic_0001>

<sc_bundles>
// kernel: kernel.4.cloned.1.call-start
scs
__scs_entry_jumppad:
0x0: {  	(pc) =	sbr.rel $0x88, $3  }
0x1: {  	(tag) =	ssettag $0x0;
	lr =	simm.s32 $0x1  }
0x2: {  	[smem:$0x3F9D] =	sst lr;
	_ =	strace $0xD0000000  }
0x3: {  	_ = 	snop  }
0x4: {  	_ = 	snop  }
0x5: {  	_ = 	snop  }
0x6: {  	_ = 	snop  }
0x7: {  	_ = 	snop  }
__scs_overlays_trampoline_lowered:
0x8: {  	[smem:$0x3FAC] =	sst s0  }
0x9: {  	[smem:$0x3FAD] =	sst s1  }
0xa: {  	[smem:$0x3FAE] =	sst s2  }
0xb: {  	[smem:$0x3FAF] =	sst s3  }
0xc: {  	[smem:$0x3FB0] =	sst s4  }
0xd: {  	[smem:$0x3FB1] =	sst s5  }
0xe: {  	[smem:$0x3FB2] =	sst s6  }
0xf: {  	[smem:$0x3FB3] =	sst s7  }
0x10: {  	[smem:$0x3FB4] =	sst s8  }
0x11: {  	[smem:$0x3FB5] =	sst s9;
	s0 =	simm.s32 @!p0 $0x0  }
0x12: {  	s1 =	sld [smem:$0x3F9B];
	s0 =	simm.s32 @p0 $0x1  }
0x13: {  	[smem:$0x3FB6] =	sst s0;
	s0 =	simm.s32 @!p1 $0x0  }
0x14: {  	s2 =	sld [smem:$0x3F9A];
	s0 =	simm.s32 @p1 $0x1  }
0x15: {  	[smem:$0x3FB7] =	sst s0;
	s0 =	simm.s32 @!p2 $0x0  }
0x16: {  	s3 =	sld [smem:$0x3FDB];
	s0 =	simm.s32 @p2 $0x1  }
0x17: {  	s4 =	simm.s32 $0x1BF5;
	[smem:$0x3FB9] =	sst s0  }
0x18: {  	s0 =	sld [smem:$0x3F9C];
	_ =	swait.ge [sflag:s4], $0x0  }
0x19: {  	s7 =	sld [smem:$0x3F9D]  }
0x1a: {  	s8 =	sadd.s32 $0xFFFFE003, lr  }
0x1b: {  	s9 =	sadd.s32 $0xFFFFFEF7, lr;
	s5 =	simm.s32 $0xFFFFFFFF;
	p2 =	slt.u32 s8, $0xFFFFF086  }
0x1c: {  	p1 =	slt.u32 s9, $0xF7A;
	s5 =	simm.s32 @!p2 $0x0  }
0x1d: {  	s5 =	simm.s32 @p1 $0x1;
	p0 =	seq.s32 s7, s2  }
0x1e: {  	s7 =	smul.u32 @!p0 $0xF7A, s2;
	p2 =	seq.s32 @!p0 s5, $0x0  }
0x1f: {  	s9 =	smul.u32 $0xF7A, s1;
	s8 =	simm.s32 @!p0 $0x1BF5;
	p2 =	por !p2, p0  }
0x20: {  	[sflag:s8] =	ssyncset.s32 @!p0 $0xFFFFF086;
	s6 =	sadd.s32 @!p0 s3, s7;
	s7 =	simm.s32 @!p0 $0x108  }
0x21: {  	s3 =	sadd.s32 s3, s9;
	s6 =	sadd.s32 @!p0 $0x88, s6;
	s7 =	simm.s32 @p2 $0x1082  }
0x22: {  	[simem:s7], [sflag:s8] =	dma.local @!p0 [hbm:s6], $0xF7A  }
0x23: {  	s9 =	sor.u32 $0xD0000000, s2;
	s6 =	simm.s32 $0x108;
	_ =	swait.ge @!p0 [sflag:s8], $0x0  }
0x24: {  	s3 =	sadd.s32 $0x88, s3;
	s6 =	simm.s32 @!p1 $0x1082;
	[sflag:s4] =	ssyncset.s32 $0xFFFFF086  }
0x25: {  	[simem:s6], [sflag:s4] =	dma.local [hbm:s3], $0xF7A  }
0x26: {  	[smem:$0x3F9D] =	sst s1;
	(tag) =	ssettag s2;
	_ =	strace s9  }
0x27: {  	s1 =	sld [smem:$0x3FAD]  }
0x28: {  	s2 =	sld [smem:$0x3FAE]  }
0x29: {  	s4 =	sld [smem:$0x3FB0]  }
0x2a: {  	p0 =	seq.s32 s5, $0x0;
	s5 =	sld [smem:$0x3FB1]  }
0x2b: {  	s6 =	sld [smem:$0x3FB2]  }
0x2c: {  	s7 =	sld [smem:$0x3FB3]  }
0x2d: {  	s3 =	simm.s32 $0x108;
	s8 =	sld [smem:$0x3FB4]  }
0x2e: {  	s3 =	simm.s32 @!p0 $0x1082;
	s9 =	sld [smem:$0x3FB5]  }
0x2f: {  	lr =	sadd.s32 s0, s3;
	s0 =	sld [smem:$0x3FAC]  }
0x30: {  	s3 =	sld [smem:$0x3FAF]  }
0x31: {  	[smem:$0x3FB8] =	sst s10  }
0x32: {  	s10 =	sld [smem:$0x3FB6];
	_ =	sdelay $0x3  }
0x33: {  	p0 =	seq.s32 s10, $0x1;
	s10 =	sld [smem:$0x3FB8];
	_ =	sdelay $0x3  }
0x34: {  	[smem:$0x3FB8] =	sst s10  }
0x35: {  	s10 =	sld [smem:$0x3FB7];
	_ =	sdelay $0x3  }
0x36: {  	p1 =	seq.s32 s10, $0x1;
	s10 =	sld [smem:$0x3FB8];
	_ =	sdelay $0x3  }
0x37: {  	[smem:$0x3FB8] =	sst s10  }
0x38: {  	s10 =	sld [smem:$0x3FB9]  }
0x39: {  	_ = 	snop;
	(pc) =	sbr.ind lr, $3  }
0x3a: {  	_ = 	snop  }
0x3b: {  	_ = 	snop  }
0x3c: {  	p2 =	seq.s32 s10, $0x1;
	s10 =	sld [smem:$0x3FB8]  }
0x3d: {  	_ =	shalt  }
0x3e: {  	_ =	shalt  }
0x3f: {  	_ =	shalt  }
0x40: {  	_ =	shalt  }
0x41: {  	_ =	shalt  }
0x42: {  	_ =	shalt  }
0x43: {  	_ =	shalt  }
0x44: {  	_ =	shalt  }
0x45: {  	_ =	shalt  }
0x46: {  	_ =	shalt  }
0x47: {  	_ =	shalt  }
0x48: {  	_ =	shalt  }
0x49: {  	_ =	shalt  }
0x4a: {  	_ =	shalt  }
0x4b: {  	_ =	shalt  }
0x4c: {  	_ =	shalt  }
0x4d: {  	_ =	shalt  }
0x4e: {  	_ =	shalt  }
0x4f: {  	_ =	shalt  }
0x50: {  	_ =	shalt  }
0x51: {  	_ =	shalt  }
0x52: {  	_ =	shalt  }
0x53: {  	_ =	shalt  }
0x54: {  	_ =	shalt  }
0x55: {  	_ =	shalt  }
0x56: {  	_ =	shalt  }
0x57: {  	_ =	shalt  }
0x58: {  	_ =	shalt  }
0x59: {  	_ =	shalt  }
0x5a: {  	_ =	shalt  }
0x5b: {  	_ =	shalt  }
0x5c: {  	_ =	shalt  }
0x5d: {  	_ =	shalt  }
0x5e: {  	_ =	shalt  }
0x5f: {  	_ =	shalt  }
0x60: {  	_ =	shalt  }
0x61: {  	_ =	shalt  }
0x62: {  	_ =	shalt  }
0x63: {  	_ =	shalt  }
0x64: {  	_ =	shalt  }
0x65: {  	_ =	shalt  }
0x66: {  	_ =	shalt  }
0x67: {  	_ =	shalt  }
0x68: {  	_ =	shalt  }
0x69: {  	_ =	shalt  }
0x6a: {  	_ =	shalt  }
0x6b: {  	_ =	shalt  }
0x6c: {  	_ =	shalt  }
0x6d: {  	_ =	shalt  }
0x6e: {  	_ =	shalt  }
0x6f: {  	_ =	shalt  }
0x70: {  	_ =	shalt  }
0x71: {  	_ =	shalt  }
0x72: {  	_ =	shalt  }
0x73: {  	_ =	shalt  }
0x74: {  	_ =	shalt  }
0x75: {  	_ =	shalt  }
0x76: {  	_ =	shalt  }
0x77: {  	_ =	shalt  }
0x78: {  	_ =	shalt  }
0x79: {  	_ =	shalt  }
0x7a: {  	_ =	shalt  }
0x7b: {  	_ =	shalt  }
0x7c: {  	_ =	shalt  }
0x7d: {  	_ =	shalt  }
0x7e: {  	_ =	shalt  }
0x7f: {  	_ =	shalt  }
0x80: {  	_ =	shalt  }
0x81: {  	_ =	shalt  }
0x82: {  	_ =	shalt  }
0x83: {  	_ =	shalt  }
0x84: {  	_ =	shalt  }
0x85: {  	_ =	shalt  }
0x86: {  	_ =	shalt  }
0x87: {  	_ =	shalt  }
.Lfunc_end0:
.L_simem_size_0:
called_computation.1_lowered:
.L_overlay_start_0:
0x88: {  	s2 =	sld [smem:$0x3FD9]  }
0x89: {  	s3 =	sld [smem:$0x3FFE];
	_ =	sdelay $0x1  }
0x8a: {  	s1 =	srdreg.scid  }
0x8b: {  	s0 =	sand.u32 $0x1, s1  }
0x8c: {  	s17 =	sshll.u32 s0, $0xA;
	s2 =	sadd.s32 s3, s2  }
0x8d: {  	s2 =	sadd.s32 s2, s17  }
0x8e: {  	[smem:$0x3FC4] =	sst s2  }
0x8f: {  	_ = 	snop  }
0x90: {  	s2 =	sld [smem:$0x3FD0];
	(tm) =	ssettm $0x1  }
0x91: {  	s18 =	sld [smem:$0x3FFB];
	_ =	sdelay $0x3  }
0x92: {  	_ =	strace s18  }
0x93: {  	s3 =	sld [smem:$0x3FFC];
	_ =	sdelay $0x3  }
0x94: {  	_ =	strace s3  }
0x95: {  	s3 =	sld [smem:$0x3FFD];
	_ =	sdelay $0x3  }
0x96: {  	_ =	strace s3  }
0x97: {  	_ =	strace $0x8FFFFFFF  }
0x98: {  	s19 =	sld [smem:$0x3FDB];
	_ =	sdelay $0x1  }
0x99: {  	s4 =	simm.s32 $_scs_section_size  }
0x9a: {  	s5 =	simm.s32 $_size__tile_overlayer_lowered;
	s6 =	simm.s32 $_tile_overlayer_lowered  }
0x9b: {  	s22 =	simm.s32 $0x1BFF;
	s21 =	sshll.u32 s6, $0x1;
	s3 =	sadd.s32 s4, s19  }
0x9c: {  	s7 =	simm.s32 $0x0;
	s20 =	sshll.u32 s5, $0x1;
	s5 =	sadd.s32 s21, s3  }
0x9d: {  	[timem:s7], [sflag:s22] =	dma.local [hbm:s5], s20  }
0x9e: {  	_ =	swait.ge [sflag:s22], s20  }
0x9f: {  	s4 =	ssub.s32 $0x0, s20;
	[sflag:s22] =	ssyncset.done $0x0  }
0xa0: {  	[sflag:s22] =	ssyncadd.s32 s4;
	_ =	sdelay $0x1  }
0xa1: {  	s23 =	simm.s32 $0x1B8B  }
0xa2: {  	_ =	swait.ge [sflag:s23], $0x1  }
0xa3: {  	[sflag:s23] =	ssyncset.done $0x0  }
0xa4: {  	s25 =	simm.s32 $0x1B8E;
	s24 =	sld [smem:$0x3FFE];
	[sflag:s23] =	ssyncadd.s32 $0xFFFFFFFF  }
0xa5: {  	s26 =	simm.s32 $execute0_lowered;
	[smem:$0x3FD2] =	sst s25  }
0xa6: {  	s5 =	sshll.u32 s26, $0x1;
	_ =	strace $0x80000046;
	[dreg:$0x1] =	wrdreg $0xFFFFFFFF  }
0xa7: {  	s28 =	simm.s32 $_size_execute0_lowered;
	s3 =	sadd.s32 s3, s5;
	[dreg:$0x0] =	wrdreg $0x0  }
0xa8: {  	s5 =	sshll.u32 s28, $0x1;
	[dreg:$0x2] =	wrdreg s3  }
0xa9: {  	[dreg:$0x3] =	wrdreg s5  }
0xaa: {  	[dreg:$0x4] =	wrdreg $0xC0  }
0xab: {  	_ =	task [dreg:s7], $0x5FFFF  }
0xac: {  	[dreg:$0x1] =	wrdreg $0xFFFFFFFF  }
0xad: {  	[dreg:$0x0] =	wrdreg $0x60  }
0xae: {  	[dreg:$0x2] =	wrdreg s24  }
0xaf: {  	[dreg:$0x3] =	wrdreg s2  }
0xb0: {  	[dreg:$0x4] =	wrdreg $0x9  }
0xb1: {  	_ =	task.clear_ibuf [dreg:s7], $0x5FFFF;
	_ =	strace $0x90000046  }
0xb2: {  	s29 =	simm.s32 $0x9;
	_ =	strace $0x80000048  }
0xb3: {  	_ =	swait.ge [sflag:s29], $0x1  }
0xb4: {  	[sflag:s29] =	ssyncadd.s32 $0xFFFFFFFF  }
0xb5: {  	_ =	strace $0x90000048  }
0xb6: {  	_ =	sfence  }
0xb7: {  	s30 =	sld [smem:$0x0];
	_ =	sdelay $0x2  }
0xb8: {  	s31 =	sshll.u32 s1, $0xD;
	s1 =	sshrl.u32 s1, $0x2  }
0xb9: {  	s3 =	sand.u32 $0x4000, s31;
	s1 =	sadd.s32 s1, s30  }
0xba: {  	s0 =	sor.u32 s3, s0;
	s1 =	sshll.u32 s1, $0x11  }
0xbb: {  	s0 =	sor.u32 s1, s0  }
0xbc: {  	s0 =	sadd.s32 $0x8F2B, s0  }
0xbd: {  	[sflag:s0] =	ssyncadd.remote.s32 $0x1  }
0xbe: {  	_ =	sfence.sel $0xFFFF  }
0xbf: {  	[dreg:$0x0] =	wrdreg $0xFFFFFFFF;
	(pc) =	sbr.abs _section_cstart, $3  }
0xc0: {  	[dreg:$0x1] =	wrdreg $0xFFFFFFFF  }
0xc1: {  	_ =	task.clear_ibuf [dreg:s7], $0x2FFFF;
	_ =	strace $0x9FFFFFFF  }
0xc2: {  	(tm) =	ssettm $0x7FFFFFFF  }
0xc3: {  	_ =	shalt  }
tec
execute0_lowered:
.L_overlay_start_1:
0x0: {  	(tag) =	ssettag $0x1  }
0x1: {  	s1 =	rddreg [dreg:$0x0]  }
0x2: {  	s3 =	rddreg [dreg:$0x1];
	s7 =	simm.s32 $0x0  }
0x3: {  	s23 =	simm.s32 $0x200;
	[smem:$0x7FF] =	sst s7  }
0x4: {  	s24 =	simm.s32 $0x280;
	_ =	strace $0x80000047;
	[dreg:$0x4] =	wrdreg s23  }
0x5: {  	s25 =	simm.s32 $0x300;
	[dreg:$0x5] =	wrdreg s24  }
0x6: {  	s0 =	srdreg.scid;
	s26 =	simm.s32 $0x380;
	[dreg:$0x6] =	wrdreg s25  }
0x7: {  	s6 =	stileid.u32;
	s28 =	simm.s32 $0x400;
	[dreg:$0x7] =	wrdreg s26  }
0x8: {  	s29 =	simm.s32 $0x480;
	s30 =	simm.s32 $0x500;
	[dreg:$0x8] =	wrdreg s28  }
0x9: {  	s31 =	simm.s32 $0x580;
	s2 =	smul.u32 $0xC800, s6;
	[dreg:$0x9] =	wrdreg s29  }
0xa: {  	s0 =	sand.u32 $0x1, s0;
	s6 =	smul.u32 $0x64000, s6;
	[dreg:$0xa] =	wrdreg s30  }
0xb: {  	v0 =	vimm.s32 $0xECA86420;
	vm0 =	vcmask $0xB08;
	vm1 =	vcmask $0x1310;
	s8 =	sadd.s32 $0xA00, s1;
	s4 =	smul.u32 $0x6400, s0;
	[dreg:$0xb] =	wrdreg s31  }
0xc: {  	vm2 =	vcmask $0x1B18;
	vm3 =	vcmask $0x300;
	vm4 =	vcmask $0x2320;
	s20 =	ssub.s32 $0x2, s0;
	s0 =	smul.u32 $0x32000, s0;
	[dreg:$0xc] =	wrdreg s8  }
0xd: {  	vm5 =	vcmask $0x2B28;
	vm6 =	vcmask $0x3330;
	vm7 =	vcmask $0x3B38;
	s5 =	sshrl.u32 s20, $0x1;
	s22 =	sadd.s32 s6, s3;
	s2 =	sadd.s32 s4, s2  }
0xe: {  	vm8 =	vmmov $0xff;
	vm9 =	vcmask $0x704;
	v0 =	vunpack.c.l.s4.s8 v0;
	s21 =	ssub.s32 s20, s5;
	s0 =	sadd.s32 s0, s22;
	s2 =	sshrl.u32 s2, $0x3  }
0xf: {  	vm10 =	vcmask $0xF0C;
	vm11 =	vcmask $0x1714;
	vm12 =	vcmask $0x1F1C;
	[dreg:$0xe] =	wrdreg s0;
	s2 =	sadd.s32 s2, s1;
	s1 =	smax.u32 s21, $0x1  }
0x10: {  	vm13 =	vcmask $0x2724;
	v30 =	vunpack.c.0.s8.s32 v0;
	v0 =	vlaneseq.u32;
	[dreg:$0xd] =	wrdreg s1;
	s2 =	sadd.s32 $0x4A00, s2  }
0x11: {  	vm14 =	vcmask $0x2F2C;
	vm15 =	vcmask $0x3734;
	v1 =	vmul.u32 $0x2, v0;
	s1 =	simm.s32 $0x3;
	[dreg:$0x3] =	wrdreg s2;
	s2 =	simm.s32 $0x0  }
.LBB2_1:
0x12: {  	[dreg:$0xf] =	wrdreg s2  }
0x13: {  	s0 =	rddreg [dreg:$0xe];
	s2 =	simm.s32 $0x0  }
.LBB2_2:
0x14: {  	[dreg:$0x11] =	wrdreg s2  }
0x15: {  	s30 =	rddreg [dreg:$0x3]  }
0x16: {  	[dreg:$0x10] =	wrdreg s0;
	s0 =	sadd.s32 s2, s30  }
0x17: {  	[tilespmem:s7], [sflag:$0x3] =	stream.linear.gather [hbm4b:s0+s7], $0x200, $0x38;
	[tilespmem:$0x8600] =	vst v63  }
0x18: {  	_ =	swait.ge [sflag:s1], $0x200  }
0x19: {  	[sflag:s1] =	ssyncset.done $0x0  }
0x1a: {  	[sflag:s1] =	ssyncadd.s32 $0xFFFFFE00  }
0x1b: {  	v2 =	vld [tilespmem:$0x0];
	_ =	sdelay $0x4  }
0x1c: {  	(v2sf) =	vpush v2, $0xD;
	_ =	sdelay $0x1  }
0x1d: {  	(v2sf) =	vpush v2, $0xC;
	_ =	sdelay $0x1  }
0x1e: {  	(v2sf) =	vpush v2, $0xE;
	_ =	sdelay $0x1  }
0x1f: {  	(v2sf) =	vpush v2, $0xF;
	_ =	sdelay $0x1  }
0x20: {  	(v2sf) =	vpush v2, $0x9;
	_ =	sdelay $0x1  }
0x21: {  	(v2sf) =	vpush v2, $0x8  }
0x22: {  	(v2sf) =	vpush v2, $0xA;
	_ =	sdelay $0x1  }
0x23: {  	(v2sf) =	vpush v2, $0xB;
	_ =	sdelay $0x1  }
0x24: {  	s31 =	spop (v2sf)  }
0x25: {  	(v2sf) =	vpush v2, $0x0;
	s2 =	smulhi.u32 $0x10624DD3, s31;
	s0 =	sshra.s32 s31, $0x1F  }
0x26: {  	s3 =	spop (v2sf);
	s17 =	smul.u32 $0x10624DD3, s0  }
0x27: {  	(v2sf) =	vpush v2, $0x1;
	s16 =	smulhi.u32 $0x10624DD3, s3;
	s0 =	sshra.s32 s3, $0x1F  }
0x28: {  	(v2sf) =	vpush v2, $0x2;
	s4 =	spop (v2sf);
	s3 =	smul.u32 $0x10624DD3, s0  }
0x29: {  	s21 =	smulhi.u32 $0x10624DD3, s4;
	s0 =	sshra.s32 s4, $0x1F  }
0x2a: {  	(v2sf) =	vpush v2, $0x3;
	s5 =	spop (v2sf);
	s12 =	smul.u32 $0x10624DD3, s0  }
0x2b: {  	s22 =	smulhi.u32 $0x10624DD3, s5;
	s0 =	sshra.s32 s5, $0x1F  }
0x2c: {  	s6 =	spop (v2sf);
	(v2sf) =	vpush v2, $0x4;
	s15 =	smul.u32 $0x10624DD3, s0  }
0x2d: {  	s23 =	smulhi.u32 $0x10624DD3, s6;
	s0 =	sshra.s32 s6, $0x1F  }
0x2e: {  	s7 =	spop (v2sf);
	(v2sf) =	vpush v2, $0x5;
	s4 =	smul.u32 $0x10624DD3, s0  }
0x2f: {  	v3 =	vld [tilespmem:$0x10];
	s24 =	smulhi.u32 $0x10624DD3, s7;
	s0 =	sshra.s32 s7, $0x1F;
	s8 =	spop (v2sf);
	(v2sf) =	vpush v2, $0x6  }
0x30: {  	s10 =	smul.u32 $0x10624DD3, s0  }
0x31: {  	s25 =	smulhi.u32 $0x10624DD3, s8;
	s0 =	sshra.s32 s8, $0x1F;
	s9 =	spop (v2sf);
	(v2sf) =	vpush v2, $0x7  }
0x32: {  	s11 =	smul.u32 $0x10624DD3, s0  }
0x33: {  	[smem:$0x440] =	sst s2;
	s26 =	smulhi.u32 $0x10624DD3, s9;
	s0 =	sshra.s32 s9, $0x1F  }
0x34: {  	s3 =	sadd.s32 s3, s16;
	s13 =	spop (v2sf);
	(v2sf) =	vpush v3, $0xD;
	s29 =	smul.u32 $0x10624DD3, s0  }
0x35: {  	[smem:$0x469] =	sst s3;
	s28 =	smulhi.u32 $0x10624DD3, s13;
	s0 =	sshra.s32 s13, $0x1F  }
0x36: {  	s14 =	spop (v2sf);
	(v2sf) =	vpush v3, $0xC;
	s13 =	smul.u32 $0x10624DD3, s0  }
0x37: {  	s16 =	sadd.s32 s12, s21;
	s30 =	smulhi.u32 $0x10624DD3, s14;
	s18 =	spop (v2sf)  }
0x38: {  	[smem:$0x46A] =	sst s16;
	(v2sf) =	vpush v3, $0xE;
	s31 =	smulhi.u32 $0x10624DD3, s18;
	s2 =	sshra.s32 s18, $0x1F  }
0x39: {  	s21 =	sadd.s32 s15, s22;
	s19 =	spop (v2sf);
	s9 =	smul.u32 $0x10624DD3, s2  }
0x3a: {  	[smem:$0x46B] =	sst s21;
	(v2sf) =	vpush v3, $0xF;
	s20 =	smulhi.u32 $0x10624DD3, s19;
	s2 =	sshra.s32 s19, $0x1F  }
0x3b: {  	s18 =	smul.u32 $0x10624DD3, s2;
	s5 =	spop (v2sf)  }
0x3c: {  	[smem:$0x441] =	sst s20;
	s6 =	smulhi.u32 $0x10624DD3, s5;
	s2 =	sshra.s32 s5, $0x1F  }
0x3d: {  	s1 =	sshra.s32 s14, $0x1F;
	s7 =	spop (v2sf);
	s19 =	smul.u32 $0x10624DD3, s2  }
0x3e: {  	(v2sf) =	vpush v3, $0x9;
	s8 =	smulhi.u32 $0x10624DD3, s7;
	s2 =	sshra.s32 s7, $0x1F;
	s14 =	spop (v2sf)  }
0x3f: {  	[smem:$0x442] =	sst s6;
	s20 =	smul.u32 $0x10624DD3, s2  }
0x40: {  	(v2sf) =	vpush v3, $0x8;
	s5 =	smulhi.u32 $0x10624DD3, s14;
	s2 =	sshra.s32 s14, $0x1F;
	s6 =	spop (v2sf)  }
0x41: {  	s4 =	sadd.s32 s4, s23;
	[smem:$0x443] =	sst s8;
	s8 =	smul.u32 $0x10624DD3, s2  }
0x42: {  	[smem:$0x46C] =	sst s4;
	(v2sf) =	vpush v3, $0xA;
	s7 =	smulhi.u32 $0x10624DD3, s6  }
0x43: {  	[smem:$0x444] =	sst s5;
	s5 =	spop (v2sf)  }
0x44: {  	(v2sf) =	vpush v3, $0xB;
	[smem:$0x445] =	sst s7;
	s14 =	smulhi.u32 $0x10624DD3, s5;
	s5 =	sshra.s32 s5, $0x1F  }
0x45: {  	s2 =	sshra.s32 s6, $0x1F;
	s7 =	spop (v2sf);
	s6 =	smul.u32 $0x10624DD3, s5  }
0x46: {  	[smem:$0x446] =	sst s14;
	s14 =	smulhi.u32 $0x10624DD3, s7  }
0x47: {  	s5 =	sshra.s32 s7, $0x1F;
	s7 =	spop (v2sf);
	[smem:$0x447] =	sst s6  }
0x48: {  	(v2sf) =	vpush v3, $0x0;
	s6 =	smul.u32 $0x10624DD3, s5;
	[smem:$0x448] =	sst s14  }
0x49: {  	(v2sf) =	vpush v3, $0x1;
	s5 =	sshra.s32 s7, $0x1F;
	s14 =	smulhi.u32 $0x10624DD3, s7;
	s7 =	spop (v2sf)  }
0x4a: {  	[smem:$0x449] =	sst s6;
	s6 =	smul.u32 $0x10624DD3, s5  }
0x4b: {  	s5 =	sshra.s32 s7, $0x1F;
	[smem:$0x44A] =	sst s14;
	s14 =	smulhi.u32 $0x10624DD3, s7  }
0x4c: {  	[smem:$0x44B] =	sst s6;
	s6 =	smul.u32 $0x10624DD3, s5  }
0x4d: {  	(v2sf) =	vpush v3, $0x2;
	[smem:$0x44C] =	sst s14;
	s7 =	spop (v2sf)  }
0x4e: {  	[smem:$0x44D] =	sst s6;
	s14 =	smulhi.u32 $0x10624DD3, s7;
	s5 =	sshra.s32 s7, $0x1F  }
0x4f: {  	(v2sf) =	vpush v3, $0x3;
	s7 =	spop (v2sf);
	s6 =	smul.u32 $0x10624DD3, s5  }
0x50: {  	[smem:$0x44E] =	sst s14;
	s14 =	smulhi.u32 $0x10624DD3, s7  }
0x51: {  	s5 =	sshra.s32 s7, $0x1F;
	s7 =	spop (v2sf);
	[smem:$0x44F] =	sst s6  }
0x52: {  	s6 =	smul.u32 $0x10624DD3, s5;
	[smem:$0x450] =	sst s14  }
0x53: {  	(v2sf) =	vpush v3, $0x4;
	s5 =	sshra.s32 s7, $0x1F;
	s14 =	smulhi.u32 $0x10624DD3, s7;
	s7 =	spop (v2sf)  }
0x54: {  	[smem:$0x451] =	sst s6;
	s6 =	smul.u32 $0x10624DD3, s5  }
0x55: {  	s5 =	sshra.s32 s7, $0x1F;
	[smem:$0x452] =	sst s14;
	s14 =	smulhi.u32 $0x10624DD3, s7  }
0x56: {  	s5 =	smul.u32 $0x10624DD3, s5;
	[smem:$0x453] =	sst s6  }
0x57: {  	s6 =	spop (v2sf);
	[smem:$0x454] =	sst s14  }
0x58: {  	s7 =	smulhi.u32 $0x10624DD3, s6;
	s14 =	spop (v2sf)  }
0x59: {  	[smem:$0x455] =	sst s5;
	s5 =	sshra.s32 s6, $0x1F;
	s6 =	smulhi.u32 $0x10624DD3, s14  }
0x5a: {  	s0 =	smul.u32 $0x10624DD3, s2;
	[smem:$0x456] =	sst s7  }
0x5b: {  	(v2sf) =	vpush v3, $0x5;
	s7 =	smul.u32 $0x10624DD3, s5;
	s5 =	sshra.s32 s14, $0x1F;
	[smem:$0x457] =	sst s6  }
0x5c: {  	s16 =	sadd.s32 s11, s25;
	s6 =	smul.u32 $0x10624DD3, s5;
	s5 =	spop (v2sf)  }
0x5d: {  	[smem:$0x46E] =	sst s16;
	s14 =	smulhi.u32 $0x10624DD3, s5;
	s5 =	sshra.s32 s5, $0x1F  }
0x5e: {  	s21 =	sadd.s32 s29, s26;
	s2 =	smul.u32 $0x10624DD3, s5;
	s5 =	spop (v2sf)  }
0x5f: {  	v4 =	vld [tilespmem:$0x20];
	[smem:$0x458] =	sst s14;
	s14 =	smulhi.u32 $0x10624DD3, s5;
	s5 =	sshra.s32 s5, $0x1F  }
0x60: {  	[smem:$0x46F] =	sst s21;
	s5 =	smul.u32 $0x10624DD3, s5  }
0x61: {  	s4 =	sld [smem:$0x443];
	(v2sf) =	vpush v3, $0x6  }
0x62: {  	[smem:$0x45A] =	sst s5;
	s5 =	spop (v2sf)  }
0x63: {  	(v2sf) =	vpush v3, $0x7;
	[smem:$0x459] =	sst s14;
	s14 =	smulhi.u32 $0x10624DD3, s5  }
0x64: {  	s21 =	sadd.s32 s9, s31;
	s9 =	sld [smem:$0x445];
	(v2sf) =	vpush v4, $0xD  }
0x65: {  	[smem:$0x45B] =	sst s14  }
0x66: {  	(v2sf) =	vpush v4, $0xC;
	s5 =	sshra.s32 s5, $0x1F;
	s14 =	sld [smem:$0x440]  }
0x67: {  	s11 =	sld [smem:$0x447];
	s5 =	smul.u32 $0x10624DD3, s5  }
0x68: {  	s16 =	sld [smem:$0x44A];
	(v2sf) =	vpush v4, $0xE  }
0x69: {  	[smem:$0x45C] =	sst s5;
	s14 =	sadd.s32 s17, s14  }
0x6a: {  	[smem:$0x468] =	sst s14;
	s14 =	spop (v2sf)  }
0x6b: {  	s5 =	sld [smem:$0x444];
	s17 =	smulhi.u32 $0x10624DD3, s14;
	s14 =	sshra.s32 s14, $0x1F  }
0x6c: {  	s3 =	smul.u32 $0x10624DD3, s14;
	s14 =	sadd.s32 s10, s24;
	s10 =	sld [smem:$0x446]  }
0x6d: {  	[smem:$0x45D] =	sst s17  }
0x6e: {  	[smem:$0x46D] =	sst s14  }
0x6f: {  	s14 =	sadd.s32 s13, s28;
	s28 =	sld [smem:$0x441]  }
0x70: {  	s17 =	spop (v2sf);
	s13 =	sld [smem:$0x448]  }
0x71: {  	[smem:$0x45E] =	sst s3;
	s22 =	smulhi.u32 $0x10624DD3, s17;
	s3 =	sshra.s32 s17, $0x1F  }
0x72: {  	s12 =	spop (v2sf);
	s3 =	smul.u32 $0x10624DD3, s3  }
0x73: {  	(v2sf) =	vpush v4, $0xF;
	s15 =	smulhi.u32 $0x10624DD3, s12;
	s17 =	spop (v2sf)  }
0x74: {  	[smem:$0x45F] =	sst s22;
	s22 =	smulhi.u32 $0x10624DD3, s17  }
0x75: {  	s23 =	spop (v2sf);
	[smem:$0x460] =	sst s3  }
0x76: {  	(v2sf) =	vpush v4, $0x9;
	[smem:$0x461] =	sst s15;
	s3 =	sshra.s32 s12, $0x1F;
	s24 =	smulhi.u32 $0x10624DD3, s23  }
0x77: {  	s25 =	sshra.s32 s23, $0x1F;
	s26 =	spop (v2sf);
	s15 =	sld [smem:$0x449]  }
0x78: {  	s23 =	sadd.s32 s18, s28;
	s28 =	sadd.s32 s20, s4;
	s4 =	sld [smem:$0x44C]  }
0x79: {  	s3 =	smul.u32 $0x10624DD3, s3;
	[smem:$0x463] =	sst s22  }
0x7a: {  	(v2sf) =	vpush v4, $0x8;
	s29 =	smulhi.u32 $0x10624DD3, s26;
	[smem:$0x465] =	sst s24  }
0x7b: {  	s1 =	smul.u32 $0x10624DD3, s1;
	[smem:$0x462] =	sst s3  }
0x7c: {  	[smem:$0x467] =	sst s29  }
0x7d: {  	s3 =	sshra.s32 s17, $0x1F;
	s17 =	sadd.s32 s1, s30;
	s30 =	sld [smem:$0x442]  }
0x7e: {  	s29 =	sadd.s32 s0, s9;
	s9 =	sld [smem:$0x44F]  }
0x7f: {  	s1 =	smul.u32 $0x10624DD3, s25;
	s0 =	sadd.s32 s11, s10;
	s11 =	sld [smem:$0x450]  }
0x80: {  	[smem:$0x471] =	sst s0  }
0x81: {  	(v2sf) =	vpush v4, $0xA;
	s3 =	smul.u32 $0x10624DD3, s3;
	s0 =	sadd.s32 s15, s13;
	[smem:$0x466] =	sst s1  }
0x82: {  	s31 =	spop (v2sf);
	[smem:$0x472] =	sst s0  }
0x83: {  	(v2sf) =	vpush v4, $0xB;
	s1 =	sshra.s32 s26, $0x1F;
	[smem:$0x464] =	sst s3;
	s24 =	sadd.s32 s19, s30  }
0x84: {  	s25 =	smul.u32 $0x10624DD3, s1;
	s1 =	sshra.s32 s31, $0x1F;
	s30 =	sld [smem:$0x44B]  }
0x85: {  	(v2sf) =	vpush v4, $0x0;
	s3 =	sadd.s32 s8, s5;
	s8 =	spop (v2sf);
	s5 =	sld [smem:$0x44D]  }
0x86: {  	[smem:$0x470] =	sst s3;
	s20 =	smul.u32 $0x10624DD3, s1  }
0x87: {  	(v2sf) =	vpush v4, $0x1;
	s22 =	smulhi.u32 $0x10624DD3, s8;
	s1 =	sshra.s32 s8, $0x1F;
	s8 =	sld [smem:$0x44E]  }
0x88: {  	s3 =	sld [smem:$0x458]  }
0x89: {  	s18 =	smul.u32 $0x10624DD3, s1;
	s12 =	spop (v2sf)  }
0x8a: {  	s19 =	smulhi.u32 $0x10624DD3, s12;
	s1 =	sshra.s32 s12, $0x1F;
	s12 =	sld [smem:$0x451]  }
0x8b: {  	s0 =	sadd.s32 s30, s16;
	s30 =	sld [smem:$0x452]  }
0x8c: {  	[smem:$0x473] =	sst s0  }
0x8d: {  	s16 =	smul.u32 $0x10624DD3, s1;
	s1 =	sadd.s32 s5, s4;
	s5 =	sld [smem:$0x454]  }
0x8e: {  	[smem:$0x474] =	sst s1  }
0x8f: {  	s26 =	smulhi.u32 $0x10624DD3, s31;
	s1 =	sadd.s32 s9, s8;
	s8 =	sld [smem:$0x455]  }
0x90: {  	s31 =	spop (v2sf);
	s9 =	sld [smem:$0x456]  }
0x91: {  	s15 =	smulhi.u32 $0x10624DD3, s31;
	s0 =	sshra.s32 s31, $0x1F;
	s31 =	sld [smem:$0x453]  }
0x92: {  	[smem:$0x475] =	sst s1;
	s10 =	spop (v2sf);
	s1 =	sadd.s32 s12, s11  }
0x93: {  	s13 =	smul.u32 $0x10624DD3, s0;
	[smem:$0x476] =	sst s1;
	s0 =	sshra.s32 s10, $0x1F  }
0x94: {  	(v2sf) =	vpush v4, $0x2;
	s4 =	spop (v2sf);
	s1 =	sadd.s32 s31, s30;
	s31 =	sld [smem:$0x457]  }
0x95: {  	(v2sf) =	vpush v4, $0x3;
	s11 =	smul.u32 $0x10624DD3, s0;
	s0 =	sshra.s32 s4, $0x1F;
	[smem:$0x478] =	sst s1  }
0x96: {  	s30 =	spop (v2sf);
	s1 =	sadd.s32 s8, s5;
	s5 =	sld [smem:$0x459]  }
0x97: {  	s8 =	smulhi.u32 $0x10624DD3, s30;
	[smem:$0x47A] =	sst s1;
	s1 =	sadd.s32 s7, s9  }
0x98: {  	s9 =	smul.u32 $0x10624DD3, s0;
	s0 =	sshra.s32 s30, $0x1F;
	s30 =	sld [smem:$0x45B]  }
0x99: {  	[smem:$0x477] =	sst s1  }
0x9a: {  	s1 =	sadd.s32 s6, s31;
	s6 =	sld [smem:$0x45A]  }
0x9b: {  	s31 =	sld [smem:$0x45C]  }
0x9c: {  	v0 =	vld [tilespmem:$0x30];
	[smem:$0x47B] =	sst s1;
	s1 =	sadd.s32 s2, s3  }
0x9d: {  	(v2sf) =	vpush v4, $0x4;
	[smem:$0x47C] =	sst s1;
	s1 =	sadd.s32 s6, s5  }
0x9e: {  	(v2sf) =	vpush v4, $0x5;
	[smem:$0x47D] =	sst s1  }
0x9f: {  	(v2sf) =	vpush v4, $0x6;
	s1 =	sadd.s32 s31, s30;
	s30 =	sld [smem:$0x45D]  }
0xa0: {  	(v2sf) =	vpush v4, $0x7;
	s31 =	sld [smem:$0x45E]  }
0xa1: {  	s12 =	smulhi.u32 $0x10624DD3, s10;
	(v2sf) =	vpush v0, $0xD  }
0xa2: {  	s10 =	smulhi.u32 $0x10624DD3, s4;
	(v2sf) =	vpush v0, $0xC  }
0xa3: {  	s4 =	spop (v2sf);
	(v2sf) =	vpush v0, $0xE;
	[smem:$0x47E] =	sst s1;
	s1 =	sadd.s32 s31, s30  }
0xa4: {  	s20 =	sadd.s32 s20, s26;
	s3 =	spop (v2sf);
	(v2sf) =	vpush v0, $0xF;
	[smem:$0x47F] =	sst s1  }
0xa5: {  	s18 =	sadd.s32 s18, s22;
	s7 =	smul.u32 $0x10624DD3, s0;
	s1 =	sld [smem:$0x45F]  }
0xa6: {  	s0 =	sshra.s32 s4, $0x1F;
	s6 =	smulhi.u32 $0x10624DD3, s4;
	[smem:$0x484] =	sst s20  }
0xa7: {  	s5 =	smul.u32 $0x10624DD3, s0;
	[smem:$0x485] =	sst s18  }
0xa8: {  	s4 =	smulhi.u32 $0x10624DD3, s3;
	s0 =	sshra.s32 s3, $0x1F;
	s3 =	sld [smem:$0x460]  }
0xa9: {  	s30 =	sld [smem:$0x461]  }
0xaa: {  	s16 =	sadd.s32 s16, s19;
	s31 =	sld [smem:$0x462]  }
0xab: {  	[smem:$0x486] =	sst s16;
	s1 =	sadd.s32 s3, s1  }
0xac: {  	[smem:$0x480] =	sst s1  }
0xad: {  	s1 =	sadd.s32 s31, s30;
	s30 =	sld [smem:$0x464]  }
0xae: {  	[smem:$0x479] =	sst s1  }
0xaf: {  	s13 =	sadd.s32 s13, s15;
	s1 =	sld [smem:$0x463]  }
0xb0: {  	[smem:$0x487] =	sst s13  }
0xb1: {  	s31 =	sld [smem:$0x465]  }
0xb2: {  	s1 =	sadd.s32 s30, s1;
	s30 =	sld [smem:$0x466]  }
0xb3: {  	s3 =	smul.u32 $0x10624DD3, s0;
	s0 =	spop (v2sf)  }
0xb4: {  	s2 =	smulhi.u32 $0x10624DD3, s0;
	[smem:$0x481] =	sst s1  }
0xb5: {  	s0 =	sshra.s32 s0, $0x1F;
	s31 =	sadd.s32 s30, s31;
	s30 =	sld [smem:$0x467]  }
0xb6: {  	s1 =	smul.u32 $0x10624DD3, s0;
	s0 =	spop (v2sf)  }
0xb7: {  	[smem:$0x482] =	sst s31;
	s31 =	smulhi.u32 $0x10624DD3, s0;
	s0 =	sshra.s32 s0, $0x1F  }
0xb8: {  	s0 =	smul.u32 $0x10624DD3, s0;
	s25 =	sadd.s32 s25, s30;
	s30 =	spop (v2sf)  }
0xb9: {  	[smem:$0x483] =	sst s25;
	s20 =	smulhi.u32 $0x10624DD3, s30;
	s25 =	sshra.s32 s30, $0x1F  }
0xba: {  	s11 =	sadd.s32 s11, s12;
	s26 =	spop (v2sf);
	s18 =	smul.u32 $0x10624DD3, s25  }
0xbb: {  	[smem:$0x488] =	sst s11;
	s25 =	smulhi.u32 $0x10624DD3, s26;
	s30 =	sshra.s32 s26, $0x1F  }
0xbc: {  	s9 =	sadd.s32 s9, s10;
	s15 =	spop (v2sf);
	s22 =	smul.u32 $0x10624DD3, s30  }
0xbd: {  	s13 =	sadd.s32 s3, s4;
	s12 =	smulhi.u32 $0x10624DD3, s15;
	s16 =	sshra.s32 s15, $0x1F  }
0xbe: {  	s19 =	spop (v2sf);
	s15 =	sadd.s32 s7, s8;
	s26 =	smul.u32 $0x10624DD3, s16  }
0xbf: {  	s7 =	smulhi.u32 $0x10624DD3, s19;
	s30 =	sshra.s32 s19, $0x1F;
	s19 =	sadd.s32 s5, s6  }
0xc0: {  	s8 =	spop (v2sf);
	s16 =	sadd.s32 s1, s2;
	s5 =	smul.u32 $0x10624DD3, s30  }
0xc1: {  	s3 =	smulhi.u32 $0x10624DD3, s8;
	s10 =	sshra.s32 s8, $0x1F;
	s11 =	spop (v2sf)  }
0xc2: {  	s30 =	smulhi.u32 $0x10624DD3, s11;
	s6 =	sadd.s32 s26, s12;
	s12 =	sld [smem:$0x468]  }
0xc3: {  	s2 =	sshra.s32 s11, $0x1F;
	s11 =	sadd.s32 s18, s20;
	s18 =	sld [smem:$0x469]  }
0xc4: {  	s1 =	smul.u32 $0x10624DD3, s10;
	s20 =	sld [smem:$0x46A]  }
0xc5: {  	s10 =	sadd.s32 s0, s31;
	s31 =	sadd.s32 s22, s25;
	s22 =	sld [smem:$0x46B]  }
0xc6: {  	s25 =	sshra.s32 s29, $0x1F;
	s26 =	sld [smem:$0x46C];
	s8 =	sadd.s32 s5, s7  }
0xc7: {  	s2 =	smul.u32 $0x10624DD3, s2;
	[smem:$0x48A] =	sst s8;
	s1 =	sadd.s32 s1, s3  }
0xc8: {  	v5 =	vmov s25;
	s25 =	sshra.s32 s17, $0x6;
	[smem:$0x48B] =	sst s1  }
0xc9: {  	s0 =	sadd.s32 s2, s30;
	s1 =	sshra.s32 s12, $0x6;
	s5 =	sshrl.u32 s18, $0x1F  }
0xca: {  	s7 =	sshrl.u32 s20, $0x1F;
	s3 =	sshra.s32 s20, $0x6;
	s8 =	sshrl.u32 s22, $0x1F  }
0xcb: {  	s4 =	sshra.s32 s22, $0x6;
	s30 =	sshra.s32 s14, $0x6;
	s2 =	sshra.s32 s26, $0x6  }
0xcc: {  	s20 =	sshrl.u32 s14, $0x1F;
	s14 =	sshra.s32 s14, $0x1F;
	s22 =	sld [smem:$0x46D];
	v5 =	vsel vm3, s30, v5  }
0xcd: {  	[smem:$0x48C] =	sst s0;
	s0 =	sshrl.u32 s12, $0x1F;
	s12 =	sshrl.u32 s26, $0x1F;
	v5 =	vsel vm9, s14, v5  }
0xce: {  	v7 =	vmov s20;
	s26 =	sshrl.u32 s17, $0x1F;
	s17 =	sshra.s32 s17, $0x1F;
	s30 =	sld [smem:$0x46E];
	v5 =	vsel vm0, s25, v5  }
0xcf: {  	v6 =	vmov s5;
	v7 =	vnsel vm3, $0x0, v7;
	s5 =	sshrl.u32 s22, $0x1F;
	s14 =	sshra.s32 s22, $0x6;
	s22 =	sshra.s32 s21, $0x6;
	v8 =	vsel vm10, s17, v5  }
0xd0: {  	[smem:$0x489] =	sst s6;
	s20 =	sshrl.u32 s21, $0x1F;
	v7 =	vsel vm0, s26, v7;
	s25 =	sshra.s32 s21, $0x1F;
	v37 =	vsel vm1, s22, v8  }
0xd1: {  	s6 =	sshra.s32 s18, $0x6;
	v6 =	vsel vm0, s0, v6;
	s26 =	sld [smem:$0x46F];
	v36 =	vsel vm1, s20, v7;
	s20 =	sshra.s32 s23, $0x6;
	v7 =	vsel vm11, s25, v37  }
0xd2: {  	v6 =	vsel vm1, s7, v6;
	s21 =	sshra.s32 s23, $0x1F;
	s18 =	sshrl.u32 s30, $0x1F;
	s7 =	sshra.s32 s30, $0x6;
	v38 =	vmov s5;
	v7 =	vsel vm2, s20, v7  }
0xd3: {  	v35 =	vsel vm2, s8, v6;
	s30 =	sshrl.u32 s23, $0x1F;
	s17 =	sshrl.u32 s24, $0x1F;
	s23 =	sshra.s32 s24, $0x6;
	v8 =	vsel vm0, s12, v38;
	v9 =	vsel vm12, s21, v7  }
0xd4: {  	s24 =	sshra.s32 s24, $0x1F;
	v6 =	vsel vm2, s30, v36;
	s8 =	sshrl.u32 s26, $0x1F;
	v8 =	vsel vm1, s18, v8;
	s25 =	sld [smem:$0x470];
	v40 =	vsel vm4, s23, v9  }
0xd5: {  	s22 =	sshrl.u32 s28, $0x1F;
	s30 =	sshra.s32 s28, $0x6;
	v6 =	vsel vm4, s17, v6;
	v39 =	vsel vm2, s8, v8;
	v8 =	vsel vm13, s24, v40  }
0xd6: {  	s17 =	sshra.s32 s28, $0x1F;
	v6 =	vsel vm5, s22, v6;
	s22 =	sshrl.u32 s29, $0x1F;
	v8 =	vsel vm5, s30, v8  }
0xd7: {  	s21 =	sshra.s32 s29, $0x6;
	s29 =	sld [smem:$0x473];
	s23 =	sshra.s32 s25, $0x6;
	v8 =	vsel vm14, s17, v8  }
0xd8: {  	v10 =	vmov s14;
	s5 =	sshra.s32 s26, $0x6;
	s26 =	sshrl.u32 s25, $0x1F;
	v8 =	vsel vm6, s23, v8;
	s23 =	sld [smem:$0x476]  }
0xd9: {  	v10 =	vsel vm0, s2, v10;
	v6 =	vsel vm6, s26, v6;
	s26 =	sld [smem:$0x472]  }
0xda: {  	v41 =	vmov s6;
	v10 =	vsel vm1, s7, v10;
	s24 =	sld [smem:$0x471]  }
0xdb: {  	v11 =	vsel vm2, s5, v10;
	v9 =	vsel vm0, s1, v41;
	s5 =	sshrl.u32 s23, $0x1F;
	s12 =	sshra.s32 s23, $0x6;
	s23 =	sld [smem:$0x477]  }
0xdc: {  	s20 =	sshra.s32 s25, $0x1F;
	v9 =	vsel vm1, s3, v9;
	s3 =	sld [smem:$0x474];
	s28 =	sshrl.u32 s26, $0x1F  }
0xdd: {  	v6 =	vsel vm7, s22, v6;
	s30 =	sshrl.u32 s29, $0x1F;
	s22 =	sld [smem:$0x475];
	s25 =	sshrl.u32 s24, $0x1F;
	v12 =	vmov s28  }
0xde: {  	s0 =	sshra.s32 s24, $0x6;
	v43 =	vsel vm0, s25, v12;
	s25 =	sld [smem:$0x478];
	s24 =	sshrl.u32 s23, $0x1F  }
0xdf: {  	s6 =	sshra.s32 s26, $0x6;
	s18 =	sshrl.u32 s3, $0x1F;
	v44 =	vmov s24;
	s24 =	sld [smem:$0x479]  }
0xe0: {  	s1 =	sshra.s32 s3, $0x6;
	s7 =	sshrl.u32 s22, $0x1F;
	s28 =	sld [smem:$0x47A]  }
0xe1: {  	s3 =	sshra.s32 s22, $0x6;
	s22 =	sld [smem:$0x47B];
	s14 =	sshrl.u32 s25, $0x1F  }
0xe2: {  	v9 =	vsel vm2, s4, v9;
	v8 =	vsel vm15, s20, v8;
	s4 =	sshra.s32 s25, $0x6;
	s25 =	sld [smem:$0x47C];
	s26 =	sshra.s32 s24, $0x1F  }
0xe3: {  	s2 =	sshra.s32 s29, $0x6;
	v42 =	vsel vm7, s21, v8;
	v8 =	vsel vm1, s30, v43;
	s17 =	sshrl.u32 s28, $0x1F;
	s30 =	sshra.s32 s23, $0x6;
	v13 =	vmov s26  }
0xe4: {  	s29 =	sshrl.u32 s22, $0x1F;
	s8 =	sshra.s32 s28, $0x6;
	v13 =	vsel vm3, s30, v13;
	s30 =	sld [smem:$0x47D]  }
0xe5: {  	v14 =	vmov s5;
	s28 =	sshra.s32 s22, $0x6;
	s23 =	sshra.s32 s23, $0x1F;
	s5 =	sshra.s32 s25, $0x6  }
0xe6: {  	v14 =	vsel vm0, s7, v14;
	v12 =	vnsel vm3, $0x0, v44;
	s7 =	sshra.s32 s25, $0x1F;
	s26 =	sshrl.u32 s25, $0x1F;
	s25 =	sld [smem:$0x47E];
	v13 =	vsel vm9, s23, v13  }
0xe7: {  	v12 =	vsel vm0, s29, v12;
	s29 =	sshra.s32 s22, $0x1F;
	v13 =	vsel vm0, s28, v13;
	s23 =	sshrl.u32 s30, $0x1F  }
0xe8: {  	v13 =	vsel vm10, s29, v13;
	s28 =	sshra.s32 s30, $0x6;
	s29 =	sshra.s32 s30, $0x1F;
	s30 =	sld [smem:$0x47F]  }
0xe9: {  	(v2sf) =	vpush v0, $0x9;
	v12 =	vsel vm1, s26, v12;
	s26 =	sshrl.u32 s25, $0x1F  }
0xea: {  	(v2sf) =	vpush v0, $0x8;
	s20 =	sshra.s32 s25, $0x1F;
	v15 =	vsel vm1, s5, v13;
	s5 =	sshra.s32 s25, $0x6;
	s25 =	sld [smem:$0x480]  }
0xeb: {  	v14 =	vsel vm1, s14, v14;
	v12 =	vsel vm2, s23, v12;
	v46 =	vsel vm11, s7, v15;
	s7 =	sld [smem:$0x483];
	s23 =	sshrl.u32 s30, $0x1F  }
0xec: {  	(v2sf) =	vpush v0, $0xA;
	v45 =	vsel vm2, s17, v14;
	s17 =	sshra.s32 s30, $0x6;
	s21 =	sshra.s32 s30, $0x1F;
	v14 =	vsel vm2, s28, v46;
	s30 =	sld [smem:$0x482]  }
0xed: {  	(v2sf) =	vpush v0, $0xB;
	s14 =	sshra.s32 s24, $0x6;
	v12 =	vsel vm4, s26, v12;
	s26 =	sshrl.u32 s25, $0x1F;
	v14 =	vsel vm12, s29, v14;
	s29 =	sld [smem:$0x481]  }
0xee: {  	(v2sf) =	vpush v0, $0x0;
	v47 =	vmov s6;
	v12 =	vsel vm5, s23, v12;
	s22 =	sshra.s32 s25, $0x6;
	s6 =	sshra.s32 s25, $0x1F;
	s25 =	sld [smem:$0x484]  }
0xef: {  	(v2sf) =	vpush v0, $0x1;
	s28 =	sshrl.u32 s24, $0x1F;
	v12 =	vsel vm6, s26, v12;
	s24 =	sshrl.u32 s7, $0x1F;
	s26 =	sld [smem:$0x485]  }
0xf0: {  	(v2sf) =	vpush v0, $0x2;
	s7 =	sshra.s32 s7, $0x6;
	v12 =	vsel vm7, s28, v12;
	s23 =	sshrl.u32 s30, $0x1F;
	s28 =	sld [smem:$0x486]  }
0xf1: {  	v8 =	vsel vm2, s18, v8;
	v16 =	vmov s12;
	v14 =	vsel vm4, s5, v14;
	s12 =	sshra.s32 s30, $0x6;
	s30 =	sld [smem:$0x488];
	s18 =	sshrl.u32 s29, $0x1F  }
0xf2: {  	v16 =	vsel vm0, s3, v16;
	v15 =	vsel vm0, s0, v47;
	v14 =	vsel vm13, s20, v14;
	s0 =	sshra.s32 s29, $0x6;
	s20 =	sshrl.u32 s25, $0x1F;
	s3 =	sshra.s32 s25, $0x6  }
0xf3: {  	(v2sf) =	vpush v0, $0x3;
	s29 =	sld [smem:$0x487];
	v17 =	vmov s23;
	s23 =	sshra.s32 s9, $0x6;
	s25 =	sshrl.u32 s26, $0x1F  }
0xf4: {  	v15 =	vsel vm1, s2, v15;
	v14 =	vsel vm5, s17, v14;
	s2 =	sshra.s32 s26, $0x6;
	s26 =	sshrl.u32 s9, $0x1F;
	v17 =	vsel vm0, s18, v17;
	s18 =	sshra.s32 s15, $0x6  }
0xf5: {  	(v2sf) =	vpush v0, $0x4;
	v14 =	vsel vm14, s21, v14;
	s17 =	sshrl.u32 s28, $0x1F;
	s5 =	sshra.s32 s28, $0x6;
	s21 =	sshrl.u32 s30, $0x1F  }
0xf6: {  	(v2sf) =	vpush v0, $0x5;
	v16 =	vsel vm1, s4, v16;
	v15 =	vsel vm2, s1, v15;
	s1 =	sshra.s32 s30, $0x6;
	s28 =	sshrl.u32 s15, $0x1F;
	s15 =	sshra.s32 s15, $0x1F  }
0xf7: {  	v14 =	vsel vm6, s22, v14;
	v17 =	vsel vm1, s24, v17;
	s24 =	sshra.s32 s19, $0x6;
	v18 =	vmov s26;
	s22 =	sshra.s32 s13, $0x6;
	s26 =	sshrl.u32 s16, $0x1F  }
0xf8: {  	(v2sf) =	vpush v0, $0x6;
	v5 =	vcombine.low v39, v35;
	v16 =	vsel vm2, s8, v16;
	s30 =	sshrl.u32 s10, $0x1F;
	s8 =	sshrl.u32 s29, $0x1F;
	s4 =	sshra.s32 s29, $0x6  }
0xf9: {  	v14 =	vsel vm15, s6, v14;
	s6 =	sshra.s32 s9, $0x1F;
	v17 =	vsel vm2, s20, v17;
	s20 =	sshrl.u32 s13, $0x1F;
	v19 =	vmov s17;
	s17 =	sshra.s32 s13, $0x1F  }
0xfa: {  	v5 =	vperm.xlane v5, v30;
	v18 =	vnsel vm3, $0x0, v18;
	s29 =	sshra.s32 s31, $0x1F;
	s13 =	sshra.s32 s11, $0x6;
	v14 =	vsel vm7, s14, v14;
	s14 =	sshrl.u32 s19, $0x1F  }
0xfb: {  	v9 =	vcombine.low v11, v9;
	s19 =	sshra.s32 s19, $0x1F;
	v18 =	vsel vm0, s28, v18;
	v20 =	vmov s29;
	s28 =	sshra.s32 s16, $0x6;
	s16 =	sshra.s32 s16, $0x1F  }
0xfc: {  	s29 =	sshrl.u32 s11, $0x1F;
	v19 =	vsel vm0, s25, v19;
	s25 =	sld [smem:$0x489];
	v18 =	vsel vm1, s14, v18;
	v20 =	vsel vm3, s23, v20;
	s23 =	sshra.s32 s10, $0x6  }
0xfd: {  	v6 =	vperm.xlane v6, v1;
	s14 =	sshra.s32 s10, $0x1F;
	s10 =	sshra.s32 s11, $0x1F;
	v18 =	vsel vm2, s20, v18;
	v20 =	vsel vm9, s6, v20;
	s20 =	spop (v2sf)  }
0xfe: {  	v9 =	vperm.xlane v9, v30;
	s11 =	sshra.s32 s31, $0x6;
	v18 =	vsel vm4, s26, v18;
	v20 =	vsel vm0, s18, v20;
	s18 =	smulhi.u32 $0x10624DD3, s20;
	s6 =	sshra.s32 s20, $0x1F  }
0xff: {  	v19 =	vsel vm1, s8, v19;
	s26 =	sshrl.u32 s31, $0x1F;
	v18 =	vsel vm5, s30, v18;
	v20 =	vsel vm10, s15, v20;
	s15 =	smul.u32 $0x10624DD3, s6;
	s30 =	spop (v2sf)  }
0x100: {  	v19 =	vsel vm2, s21, v19;
	v18 =	vsel vm6, s29, v18;
	v20 =	vsel vm1, s24, v20;
	s21 =	smulhi.u32 $0x10624DD3, s30;
	s31 =	sshra.s32 s30, $0x1F;
	s24 =	spop (v2sf)  }
0x101: {  	v10 =	vperm.xlane v42, v1;
	s6 =	sshrl.u32 s25, $0x1F;
	v18 =	vsel vm7, s26, v18;
	v20 =	vsel vm11, s19, v20;
	s26 =	sld [smem:$0x48A];
	s19 =	smul.u32 $0x10624DD3, s31  }
0x102: {  	(v2sf) =	vpush v0, $0x7;
	v21 =	vmov s12;
	s20 =	smulhi.u32 $0x10624DD3, s24;
	s29 =	sshra.s32 s24, $0x1F;
	s31 =	sld [smem:$0x48B]  }
0x103: {  	v5 =	vsel vm8, v6, v5;
	v52 =	vsel vm8, v10, v9;
	v21 =	vsel vm0, s0, v21;
	s24 =	sld [smem:$0x48C];
	s30 =	spop (v2sf);
	s0 =	sadd.s32 s15, s18  }
0x104: {  	v49 =	vsel vm1, s7, v21;
	v51 =	vmov s5;
	v48 =	vsel vm2, s22, v20;
	s15 =	smulhi.u32 $0x10624DD3, s30;
	s22 =	sshra.s32 s30, $0x1F;
	s12 =	sshrl.u32 s0, $0x1F  }
0x105: {  	v50 =	vsel vm2, s3, v49;
	v54 =	vsel vm0, s2, v51;
	s0 =	sshra.s32 s0, $0x6;
	v7 =	vsel vm12, s17, v48;
	s17 =	smul.u32 $0x10624DD3, s29;
	s3 =	sadd.s32 s19, s21  }
0x106: {  	v5 =	vadd.s32 v5, v52;
	v10 =	vsel vm1, s4, v54;
	s9 =	sshrl.u32 s26, $0x1F;
	s8 =	sshrl.u32 s31, $0x1F;
	s7 =	sshrl.u32 s24, $0x1F;
	v7 =	vsel vm4, s28, v7  }
0x107: {  	v57 =	vmul.u32 $0xFFFFFC18, v5;
	v10 =	vsel vm2, s1, v10;
	s28 =	spop (v2sf);
	s4 =	sshrl.u32 s3, $0x1F;
	v7 =	vsel vm13, s16, v7;
	s16 =	smul.u32 $0x10624DD3, s22  }
0x108: {  	v10 =	vcombine.low v10, v50;
	s3 =	sshra.s32 s3, $0x6;
	s22 =	smulhi.u32 $0x10624DD3, s28;
	s29 =	sshra.s32 s28, $0x1F  }
0x109: {  	v60 =	vadd.s32 v2, v57;
	v56 =	vcombine.low v19, v17;
	s30 =	spop (v2sf);
	s2 =	sadd.s32 s17, s20;
	v19 =	vmov s4;
	s19 =	smul.u32 $0x10624DD3, s29  }
0x10a: {  	v2 =	vld [tilespmem:$0x40];
	v63 =	vperm.xlane v10, v30;
	v7 =	vsel vm5, s23, v7;
	s23 =	spop (v2sf);
	s28 =	sshra.s32 s30, $0x1F;
	v10 =	vsel vm0, s12, v19;
	s12 =	sshra.s32 s25, $0x6  }
0x10b: {  	v7 =	vsel vm14, s14, v7;
	s14 =	smulhi.u32 $0x10624DD3, s30;
	s18 =	spop (v2sf);
	s29 =	sshra.s32 s23, $0x1F  }
0x10c: {  	s1 =	sadd.s32 s16, s15;
	v7 =	vsel vm6, s13, v7;
	s13 =	smul.u32 $0x10624DD3, s28;
	s21 =	spop (v2sf)  }
0x10d: {  	v62 =	vmov s9;
	s30 =	smul.u32 $0x10624DD3, s29;
	s16 =	sadd.s32 s19, s22;
	s29 =	sshrl.u32 s1, $0x1F  }
0x10e: {  	v8 =	vcombine.low v45, v8;
	v13 =	vsel vm0, s6, v62;
	v7 =	vsel vm15, s10, v7;
	s10 =	smulhi.u32 $0x10624DD3, s23;
	s17 =	spop (v2sf);
	s23 =	sshrl.u32 s2, $0x1F  }
0x10f: {  	(v2sf) =	vpush v2, $0xD;
	v13 =	vsel vm1, s8, v13;
	s9 =	sshrl.u32 s16, $0x1F;
	s8 =	smulhi.u32 $0x10624DD3, s21;
	s22 =	sshra.s32 s21, $0x1F  }
0x110: {  	v8 =	vperm.xlane v8, v30;
	(v2sf) =	vpush v2, $0xC;
	s5 =	spop (v2sf);
	s13 =	sadd.s32 s13, s14;
	v10 =	vsel vm1, s23, v10;
	s23 =	sshra.s32 s16, $0x6  }
0x111: {  	v53 =	vcombine.low v16, v15;
	v12 =	vperm.xlane v12, v1;
	(v2sf) =	vpush v2, $0xE;
	s14 =	sshra.s32 s31, $0x6;
	s20 =	spop (v2sf);
	s10 =	sadd.s32 s30, s10  }
0x112: {  	v13 =	vsel vm2, s7, v13;
	(v2sf) =	vpush v2, $0xF;
	v7 =	vsel vm7, s11, v7;
	s11 =	sshrl.u32 s13, $0x1F;
	s30 =	smulhi.u32 $0x10624DD3, s18;
	s18 =	sshra.s32 s18, $0x1F  }
0x113: {  	(v2sf) =	vpush v2, $0x9;
	v21 =	vmov s9;
	v10 =	vsel vm2, s29, v10;
	s29 =	sshra.s32 s16, $0x1F;
	s16 =	sshra.s32 s17, $0x1F;
	s28 =	smulhi.u32 $0x10624DD3, s20  }
0x114: {  	(v2sf) =	vpush v2, $0x8;
	s15 =	sshra.s32 s20, $0x1F;
	s6 =	sshrl.u32 s10, $0x1F;
	s19 =	smul.u32 $0x10624DD3, s18;
	v10 =	vcombine.low v10, v13;
	v13 =	vnsel vm3, $0x0, v21  }
0x115: {  	v9 =	vperm.xlane v53, v30;
	v55 =	vperm.xlane v14, v1;
	s20 =	sshra.s32 s10, $0x6;
	s15 =	smul.u32 $0x10624DD3, s15;
	v13 =	vsel vm0, s11, v13;
	s11 =	sshra.s32 s26, $0x6  }
0x116: {  	(v2sf) =	vpush v2, $0xA;
	s7 =	sadd.s32 s19, s30;
	s30 =	smulhi.u32 $0x10624DD3, s17;
	s17 =	sshra.s32 s13, $0x6  }
0x117: {  	v8 =	vsel vm8, v12, v8;
	v6 =	vsel vm8, v55, v9;
	(v2sf) =	vpush v2, $0xB;
	s13 =	sshra.s32 s13, $0x1F;
	s19 =	smulhi.u32 $0x10624DD3, s5;
	s5 =	sshra.s32 s5, $0x1F  }
0x118: {  	v6 =	vadd.s32 v8, v6;
	v58 =	vperm.xlane v56, v30;
	s4 =	sadd.s32 s15, s28;
	s28 =	smul.u32 $0x10624DD3, s22;
	s18 =	sshrl.u32 s7, $0x1F  }
0x119: {  	v61 =	vmul.u32 $0xFFFFFC18, v6;
	v59 =	vperm.xlane v18, v1;
	v13 =	vsel vm1, s6, v13;
	s5 =	smul.u32 $0x10624DD3, s5;
	s22 =	sshra.s32 s10, $0x1F;
	s15 =	sshra.s32 s4, $0x1F  }
0x11a: {  	v7 =	vperm.xlane v7, v1;
	v13 =	vsel vm2, s18, v13;
	s18 =	sshra.s32 s1, $0x6;
	v20 =	vmov s15;
	s15 =	smul.u32 $0x10624DD3, s16;
	s21 =	sadd.s32 s28, s8  }
0x11b: {  	v8 =	vsel vm8, v59, v58;
	v23 =	vmov s3;
	(v2sf) =	vpush v2, $0x0;
	s28 =	sshra.s32 s7, $0x6;
	s5 =	sadd.s32 s5, s19;
	s7 =	sshra.s32 s7, $0x1F  }
0x11c: {  	v16 =	vsel vm0, s0, v23;
	v7 =	vsel vm8, v7, v63;
	v14 =	vsel vm3, s23, v20;
	s23 =	sshrl.u32 s21, $0x1F;
	s10 =	sshra.s32 s21, $0x6;
	s6 =	sshra.s32 s21, $0x1F  }
0x11d: {  	v22 =	vmov s11;
	v7 =	vadd.s32 v8, v7;
	v14 =	vsel vm9, s29, v14;
	s9 =	sadd.s32 s15, s30;
	s30 =	sshrl.u32 s5, $0x1F;
	s15 =	sshra.s32 s2, $0x6  }
0x11e: {  	(v2sf) =	vpush v2, $0x1;
	v13 =	vsel vm4, s23, v13;
	v14 =	vsel vm0, s17, v14;
	s29 =	sshrl.u32 s9, $0x1F;
	s17 =	sshra.s32 s24, $0x6;
	s23 =	spop (v2sf)  }
0x11f: {  	v15 =	vsel vm0, s12, v22;
	v14 =	vsel vm10, s13, v14;
	v13 =	vsel vm5, s29, v13;
	s24 =	spop (v2sf);
	s31 =	smulhi.u32 $0x10624DD3, s23;
	s0 =	sshra.s32 s23, $0x1F  }
0x120: {  	v16 =	vsel vm1, s15, v16;
	v14 =	vsel vm1, s20, v14;
	v13 =	vsel vm6, s30, v13;
	s20 =	sshrl.u32 s4, $0x1F;
	s25 =	spop (v2sf);
	s15 =	smulhi.u32 $0x10624DD3, s24  }
0x121: {  	v15 =	vsel vm1, s14, v15;
	s19 =	sshra.s32 s5, $0x6;
	v14 =	vsel vm11, s22, v14;
	v13 =	vsel vm7, s20, v13;
	s26 =	spop (v2sf);
	s20 =	smul.u32 $0x10624DD3, s0  }
0x122: {  	(v2sf) =	vpush v2, $0x2;
	v15 =	vsel vm2, s17, v15;
	v14 =	vsel vm2, s28, v14;
	s28 =	spop (v2sf);
	s17 =	smulhi.u32 $0x10624DD3, s26;
	s3 =	sshra.s32 s26, $0x1F  }
0x123: {  	v3 =	vadd.s32 v3, v61;
	v25 =	vmul.u32 $0xFFFFFC18, v7;
	s21 =	sshra.s32 s5, $0x1F;
	s29 =	spop (v2sf);
	s23 =	smul.u32 $0x10624DD3, s3  }
0x124: {  	s16 =	sshra.s32 s9, $0x1F;
	v16 =	vsel vm2, s18, v16;
	(v2sf) =	vpush v2, $0x3;
	v14 =	vsel vm12, s7, v14;
	s18 =	smulhi.u32 $0x10624DD3, s28;
	s5 =	sshra.s32 s29, $0x1F  }
0x125: {  	[tilespmem:$0x210] =	vst v3;
	v3 =	vadd.s32 $0x3E8, v6;
	s13 =	sshra.s32 s9, $0x6;
	v14 =	vsel vm4, s10, v14;
	s30 =	spop (v2sf);
	s26 =	smul.u32 $0x10624DD3, s5  }
0x126: {  	[tilespmem:$0x410] =	vst v3;
	v3 =	vadd.s32 v4, v25;
	s1 =	sshra.s32 s24, $0x1F;
	(v2sf) =	vpush v2, $0x4;
	v14 =	vsel vm13, s6, v14;
	s24 =	smulhi.u32 $0x10624DD3, s30;
	s7 =	spop (v2sf)  }
0x127: {  	[tilespmem:$0x220] =	vst v3;
	v3 =	vadd.s32 $0x3E8, v7;
	s22 =	sshra.s32 s4, $0x6;
	s4 =	sshra.s32 s28, $0x1F;
	v14 =	vsel vm5, s13, v14;
	s28 =	smulhi.u32 $0x10624DD3, s7  }
0x128: {  	[tilespmem:$0x420] =	vst v3;
	v3 =	vld [tilespmem:$0x50];
	[smem:$0x48D] =	sst s31;
	(v2sf) =	vpush v2, $0x5;
	v14 =	vsel vm14, s16, v14;
	s16 =	smulhi.u32 $0x10624DD3, s25  }
0x129: {  	s2 =	sshra.s32 s25, $0x1F;
	s0 =	sshra.s32 s7, $0x1F;
	s25 =	smul.u32 $0x10624DD3, s4  }
0x12a: {  	(v2sf) =	vpush v2, $0x6;
	s8 =	spop (v2sf);
	s31 =	smul.u32 $0x10624DD3, s0  }
0x12b: {  	s6 =	sshra.s32 s30, $0x1F;
	s30 =	smulhi.u32 $0x10624DD3, s8  }
0x12c: {  	(v2sf) =	vpush v2, $0x7;
	v14 =	vsel vm6, s19, v14;
	s19 =	smulhi.u32 $0x10624DD3, s29  }
0x12d: {  	(v2sf) =	vpush v3, $0xD;
	s0 =	sshra.s32 s8, $0x1F;
	s29 =	smul.u32 $0x10624DD3, s6  }
0x12e: {  	s9 =	spop (v2sf);
	s7 =	smul.u32 $0x10624DD3, s0  }
0x12f: {  	s10 =	smulhi.u32 $0x10624DD3, s9  }
0x130: {  	(v2sf) =	vpush v3, $0xC;
	s0 =	sshra.s32 s9, $0x1F;
	v14 =	vsel vm15, s21, v14;
	s21 =	smul.u32 $0x10624DD3, s1  }
0x131: {  	s11 =	spop (v2sf);
	s3 =	smul.u32 $0x10624DD3, s0  }
0x132: {  	s12 =	smulhi.u32 $0x10624DD3, s11;
	s0 =	sshra.s32 s11, $0x1F  }
0x133: {  	(v2sf) =	vpush v3, $0xE;
	s1 =	smul.u32 $0x10624DD3, s0;
	s13 =	spop (v2sf)  }
0x134: {  	s14 =	smulhi.u32 $0x10624DD3, s13;
	s0 =	sshra.s32 s13, $0x1F  }
0x135: {  	s4 =	spop (v2sf);
	s9 =	smul.u32 $0x10624DD3, s0  }
0x136: {  	[smem:$0x48E] =	sst s10;
	(v2sf) =	vpush v3, $0xF;
	s5 =	smulhi.u32 $0x10624DD3, s4;
	s0 =	sshra.s32 s4, $0x1F  }
0x137: {  	s6 =	spop (v2sf);
	s10 =	smul.u32 $0x10624DD3, s0  }
0x138: {  	[smem:$0x48F] =	sst s12;
	s8 =	smulhi.u32 $0x10624DD3, s6;
	s0 =	sshra.s32 s6, $0x1F  }
0x139: {  	(v2sf) =	vpush v3, $0x9;
	s11 =	spop (v2sf);
	s6 =	smul.u32 $0x10624DD3, s0  }
0x13a: {  	[smem:$0x490] =	sst s14;
	s12 =	smulhi.u32 $0x10624DD3, s11;
	s0 =	sshra.s32 s11, $0x1F  }
0x13b: {  	(v2sf) =	vpush v3, $0x8;
	s13 =	spop (v2sf);
	s11 =	smul.u32 $0x10624DD3, s0  }
0x13c: {  	s14 =	smulhi.u32 $0x10624DD3, s13;
	s0 =	sshra.s32 s13, $0x1F;
	s4 =	spop (v2sf)  }
0x13d: {  	(v2sf) =	vpush v3, $0xA;
	[smem:$0x491] =	sst s5;
	s5 =	smul.u32 $0x10624DD3, s0;
	s0 =	sshra.s32 s4, $0x1F  }
0x13e: {  	[smem:$0x492] =	sst s8;
	s0 =	smul.u32 $0x10624DD3, s0  }
0x13f: {  	[smem:$0x493] =	sst s12;
	s12 =	spop (v2sf)  }
0x140: {  	(v2sf) =	vpush v3, $0xB;
	s8 =	smulhi.u32 $0x10624DD3, s4;
	[smem:$0x496] =	sst s0;
	s0 =	sshra.s32 s12, $0x1F  }
0x141: {  	(v2sf) =	vpush v3, $0x0;
	[smem:$0x494] =	sst s14;
	s0 =	smul.u32 $0x10624DD3, s0  }
0x142: {  	s13 =	smulhi.u32 $0x10624DD3, s12;
	s14 =	spop (v2sf)  }
0x143: {  	(v2sf) =	vpush v3, $0x1;
	s4 =	smulhi.u32 $0x10624DD3, s14;
	[smem:$0x498] =	sst s0;
	s0 =	sshra.s32 s14, $0x1F  }
0x144: {  	[smem:$0x495] =	sst s8;
	s0 =	smul.u32 $0x10624DD3, s0  }
0x145: {  	(v2sf) =	vpush v3, $0x2;
	[smem:$0x497] =	sst s13;
	s8 =	spop (v2sf)  }
0x146: {  	v14 =	vsel vm7, s22, v14;
	s22 =	smul.u32 $0x10624DD3, s2;
	[smem:$0x49A] =	sst s0;
	s0 =	sshra.s32 s8, $0x1F  }
0x147: {  	[smem:$0x499] =	sst s4;
	s0 =	smul.u32 $0x10624DD3, s0  }
0x148: {  	s12 =	smulhi.u32 $0x10624DD3, s8;
	s13 =	spop (v2sf)  }
0x149: {  	(v2sf) =	vpush v3, $0x3;
	s14 =	smulhi.u32 $0x10624DD3, s13;
	[smem:$0x49C] =	sst s0;
	s0 =	sshra.s32 s13, $0x1F  }
0x14a: {  	(v2sf) =	vpush v3, $0x4;
	s4 =	spop (v2sf);
	s0 =	smul.u32 $0x10624DD3, s0  }
0x14b: {  	[smem:$0x49B] =	sst s12;
	s8 =	smulhi.u32 $0x10624DD3, s4  }
0x14c: {  	s12 =	spop (v2sf);
	[smem:$0x49E] =	sst s0;
	s0 =	sshra.s32 s4, $0x1F  }
0x14d: {  	(v2sf) =	vpush v3, $0x5;
	[smem:$0x49D] =	sst s14;
	s0 =	smul.u32 $0x10624DD3, s0  }
0x14e: {  	s13 =	smulhi.u32 $0x10624DD3, s12;
	[smem:$0x49F] =	sst s8  }
0x14f: {  	s14 =	spop (v2sf);
	[smem:$0x4A0] =	sst s0;
	s0 =	sshra.s32 s12, $0x1F  }
0x150: {  	s8 =	spop (v2sf);
	s0 =	smul.u32 $0x10624DD3, s0  }
0x151: {  	(v2sf) =	vpush v3, $0x6;
	[smem:$0x4A1] =	sst s13;
	s4 =	smulhi.u32 $0x10624DD3, s14  }
0x152: {  	s13 =	spop (v2sf);
	[smem:$0x4A2] =	sst s0;
	s0 =	sshra.s32 s14, $0x1F  }
0x153: {  	v5 =	vadd.s32 $0x3E8, v5;
	[smem:$0x4A3] =	sst s4;
	s0 =	smul.u32 $0x10624DD3, s0  }
0x154: {  	[tilespmem:$0x400] =	vst v5;
	v5 =	vld [tilespmem:$0x60];
	s4 =	spop (v2sf);
	s12 =	smulhi.u32 $0x10624DD3, s8  }
0x155: {  	(v2sf) =	vpush v3, $0x7;
	s14 =	smulhi.u32 $0x10624DD3, s13;
	[smem:$0x4A4] =	sst s0;
	s0 =	sshra.s32 s8, $0x1F  }
0x156: {  	[smem:$0x4A5] =	sst s12;
	s8 =	smul.u32 $0x10624DD3, s0  }
0x157: {  	[smem:$0x4A6] =	sst s14;
	s0 =	sshra.s32 s13, $0x1F;
	s13 =	smulhi.u32 $0x10624DD3, s4  }
0x158: {  	s14 =	spop (v2sf);
	s12 =	smul.u32 $0x10624DD3, s0;
	s0 =	sshra.s32 s4, $0x1F  }
0x159: {  	(v2sf) =	vpush v5, $0xD;
	s2 =	spop (v2sf);
	s4 =	smul.u32 $0x10624DD3, s0  }
0x15a: {  	[smem:$0x4A7] =	sst s13;
	s13 =	smulhi.u32 $0x10624DD3, s14  }
0x15b: {  	s0 =	sshra.s32 s14, $0x1F;
	s14 =	smulhi.u32 $0x10624DD3, s2  }
0x15c: {  	[smem:$0x4A8] =	sst s13;
	s13 =	spop (v2sf)  }
0x15d: {  	(v2sf) =	vpush v5, $0xC;
	[smem:$0x4A9] =	sst s14;
	s14 =	smulhi.u32 $0x10624DD3, s13;
	s13 =	sshra.s32 s13, $0x1F  }
0x15e: {  	s13 =	smul.u32 $0x10624DD3, s13;
	_ =	sdelay $0x1  }
0x15f: {  	[smem:$0x4AB] =	sst s13;
	s13 =	spop (v2sf)  }
0x160: {  	(v2sf) =	vpush v5, $0xE;
	[smem:$0x4AA] =	sst s14;
	s14 =	smulhi.u32 $0x10624DD3, s13;
	s13 =	sshra.s32 s13, $0x1F  }
0x161: {  	s13 =	smul.u32 $0x10624DD3, s13;
	_ =	sdelay $0x1  }
0x162: {  	[smem:$0x4AD] =	sst s13;
	s13 =	spop (v2sf)  }
0x163: {  	(v2sf) =	vpush v5, $0xF;
	[smem:$0x4AC] =	sst s14;
	s14 =	smulhi.u32 $0x10624DD3, s13;
	s13 =	sshra.s32 s13, $0x1F  }
0x164: {  	s13 =	smul.u32 $0x10624DD3, s13;
	_ =	sdelay $0x1  }
0x165: {  	[smem:$0x4AF] =	sst s13;
	s13 =	spop (v2sf)  }
0x166: {  	(v2sf) =	vpush v5, $0x9;
	[smem:$0x4AE] =	sst s14;
	s14 =	smulhi.u32 $0x10624DD3, s13;
	s13 =	sshra.s32 s13, $0x1F  }
0x167: {  	s13 =	smul.u32 $0x10624DD3, s13;
	_ =	sdelay $0x1  }
0x168: {  	[smem:$0x4B1] =	sst s13;
	s13 =	spop (v2sf)  }
0x169: {  	(v2sf) =	vpush v5, $0x8;
	[smem:$0x4B0] =	sst s14;
	s14 =	smulhi.u32 $0x10624DD3, s13;
	s13 =	sshra.s32 s13, $0x1F  }
0x16a: {  	s13 =	smul.u32 $0x10624DD3, s13;
	_ =	sdelay $0x1  }
0x16b: {  	[smem:$0x4B3] =	sst s13;
	s13 =	spop (v2sf)  }
0x16c: {  	(v2sf) =	vpush v5, $0xA;
	[smem:$0x4B2] =	sst s14;
	s14 =	smulhi.u32 $0x10624DD3, s13;
	s13 =	sshra.s32 s13, $0x1F  }
0x16d: {  	s13 =	smul.u32 $0x10624DD3, s13;
	_ =	sdelay $0x1  }
0x16e: {  	[smem:$0x4B5] =	sst s13;
	s13 =	spop (v2sf)  }
0x16f: {  	(v2sf) =	vpush v5, $0xB;
	[smem:$0x4B4] =	sst s14;
	s14 =	smulhi.u32 $0x10624DD3, s13;
	s13 =	sshra.s32 s13, $0x1F  }
0x170: {  	s13 =	smul.u32 $0x10624DD3, s13;
	_ =	sdelay $0x1  }
0x171: {  	[smem:$0x4B7] =	sst s13;
	s13 =	spop (v2sf)  }
0x172: {  	(v2sf) =	vpush v5, $0x0;
	[smem:$0x4B6] =	sst s14;
	s14 =	smulhi.u32 $0x10624DD3, s13;
	s13 =	sshra.s32 s13, $0x1F  }
0x173: {  	s13 =	smul.u32 $0x10624DD3, s13;
	_ =	sdelay $0x1  }
0x174: {  	[smem:$0x4B9] =	sst s13;
	s13 =	spop (v2sf)  }
0x175: {  	(v2sf) =	vpush v5, $0x1;
	[smem:$0x4B8] =	sst s14;
	s14 =	smulhi.u32 $0x10624DD3, s13;
	s13 =	sshra.s32 s13, $0x1F  }
0x176: {  	s13 =	smul.u32 $0x10624DD3, s13;
	_ =	sdelay $0x1  }
0x177: {  	[smem:$0x4BB] =	sst s13;
	s13 =	spop (v2sf)  }
0x178: {  	(v2sf) =	vpush v5, $0x2;
	[smem:$0x4BA] =	sst s14;
	s14 =	smulhi.u32 $0x10624DD3, s13;
	s13 =	sshra.s32 s13, $0x1F  }
0x179: {  	s13 =	smul.u32 $0x10624DD3, s13;
	_ =	sdelay $0x1  }
0x17a: {  	[smem:$0x4BD] =	sst s13;
	s13 =	spop (v2sf)  }
0x17b: {  	(v2sf) =	vpush v5, $0x3;
	[smem:$0x4BC] =	sst s14;
	s14 =	smulhi.u32 $0x10624DD3, s13;
	s13 =	sshra.s32 s13, $0x1F  }
0x17c: {  	s13 =	smul.u32 $0x10624DD3, s13;
	_ =	sdelay $0x1  }
0x17d: {  	[smem:$0x4BF] =	sst s13;
	s13 =	spop (v2sf)  }
0x17e: {  	(v2sf) =	vpush v5, $0x4;
	[smem:$0x4BE] =	sst s14;
	s14 =	smulhi.u32 $0x10624DD3, s13;
	s13 =	sshra.s32 s13, $0x1F  }
0x17f: {  	s13 =	smul.u32 $0x10624DD3, s13;
	_ =	sdelay $0x1  }
0x180: {  	[smem:$0x4C1] =	sst s13;
	s13 =	spop (v2sf)  }
0x181: {  	(v2sf) =	vpush v5, $0x5;
	[smem:$0x4C0] =	sst s14;
	s14 =	smulhi.u32 $0x10624DD3, s13;
	s13 =	sshra.s32 s13, $0x1F  }
0x182: {  	s13 =	smul.u32 $0x10624DD3, s13;
	_ =	sdelay $0x1  }
0x183: {  	[smem:$0x4C3] =	sst s13;
	s13 =	spop (v2sf)  }
0x184: {  	(v2sf) =	vpush v5, $0x6;
	[smem:$0x4C2] =	sst s14;
	s14 =	smulhi.u32 $0x10624DD3, s13;
	s13 =	sshra.s32 s13, $0x1F  }
0x185: {  	s13 =	smul.u32 $0x10624DD3, s13;
	_ =	sdelay $0x1  }
0x186: {  	v4 =	vld [tilespmem:$0x70];
	[smem:$0x4C5] =	sst s13;
	s13 =	spop (v2sf)  }
0x187: {  	(v2sf) =	vpush v5, $0x7;
	[smem:$0x4C4] =	sst s14;
	s14 =	smulhi.u32 $0x10624DD3, s13;
	s13 =	sshra.s32 s13, $0x1F  }
0x188: {  	s13 =	smul.u32 $0x10624DD3, s13;
	_ =	sdelay $0x1  }
0x189: {  	[smem:$0x4C7] =	sst s13;
	s13 =	spop (v2sf)  }
0x18a: {  	(v2sf) =	vpush v4, $0xD;
	[smem:$0x4C6] =	sst s14;
	s14 =	smulhi.u32 $0x10624DD3, s13;
	s13 =	sshra.s32 s13, $0x1F  }
0x18b: {  	s13 =	smul.u32 $0x10624DD3, s13;
	_ =	sdelay $0x1  }
0x18c: {  	[smem:$0x4C9] =	sst s13;
	s13 =	spop (v2sf)  }
0x18d: {  	(v2sf) =	vpush v4, $0xC;
	[smem:$0x4C8] =	sst s14;
	s14 =	smulhi.u32 $0x10624DD3, s13;
	s13 =	sshra.s32 s13, $0x1F  }
0x18e: {  	s13 =	smul.u32 $0x10624DD3, s13;
	_ =	sdelay $0x1  }
0x18f: {  	[smem:$0x4CB] =	sst s13;
	s13 =	spop (v2sf)  }
0x190: {  	(v2sf) =	vpush v4, $0xE;
	[smem:$0x4CA] =	sst s14;
	s14 =	smulhi.u32 $0x10624DD3, s13;
	s13 =	sshra.s32 s13, $0x1F  }
0x191: {  	s13 =	smul.u32 $0x10624DD3, s13;
	_ =	sdelay $0x1  }
0x192: {  	[smem:$0x4CD] =	sst s13;
	s13 =	spop (v2sf)  }
0x193: {  	(v2sf) =	vpush v4, $0xF;
	[smem:$0x4CC] =	sst s14;
	s14 =	smulhi.u32 $0x10624DD3, s13;
	s13 =	sshra.s32 s13, $0x1F  }
0x194: {  	s13 =	smul.u32 $0x10624DD3, s13;
	_ =	sdelay $0x1  }
0x195: {  	[smem:$0x4CF] =	sst s13;
	s13 =	spop (v2sf)  }
0x196: {  	(v2sf) =	vpush v4, $0x9;
	[smem:$0x4CE] =	sst s14;
	s14 =	smulhi.u32 $0x10624DD3, s13;
	s13 =	sshra.s32 s13, $0x1F  }
0x197: {  	s13 =	smul.u32 $0x10624DD3, s13;
	_ =	sdelay $0x1  }
0x198: {  	[smem:$0x4D1] =	sst s13;
	s13 =	spop (v2sf)  }
0x199: {  	(v2sf) =	vpush v4, $0x8;
	[smem:$0x4D0] =	sst s14;
	s14 =	smulhi.u32 $0x10624DD3, s13;
	s13 =	sshra.s32 s13, $0x1F  }
0x19a: {  	s13 =	smul.u32 $0x10624DD3, s13;
	_ =	sdelay $0x1  }
0x19b: {  	[smem:$0x4D3] =	sst s13;
	s13 =	spop (v2sf)  }
0x19c: {  	(v2sf) =	vpush v4, $0xA;
	[smem:$0x4D2] =	sst s14;
	s14 =	smulhi.u32 $0x10624DD3, s13;
	s13 =	sshra.s32 s13, $0x1F  }
0x19d: {  	s13 =	smul.u32 $0x10624DD3, s13;
	_ =	sdelay $0x1  }
0x19e: {  	[smem:$0x4D5] =	sst s13;
	s13 =	spop (v2sf)  }
0x19f: {  	(v2sf) =	vpush v4, $0xB;
	[smem:$0x4D4] =	sst s14;
	s14 =	smulhi.u32 $0x10624DD3, s13;
	s13 =	sshra.s32 s13, $0x1F  }
0x1a0: {  	s13 =	smul.u32 $0x10624DD3, s13;
	_ =	sdelay $0x1  }
0x1a1: {  	[smem:$0x4D7] =	sst s13;
	s13 =	spop (v2sf)  }
0x1a2: {  	(v2sf) =	vpush v4, $0x0;
	[smem:$0x4D6] =	sst s14;
	s14 =	smulhi.u32 $0x10624DD3, s13;
	s13 =	sshra.s32 s13, $0x1F  }
0x1a3: {  	s13 =	smul.u32 $0x10624DD3, s13;
	_ =	sdelay $0x1  }
0x1a4: {  	[smem:$0x4D9] =	sst s13;
	s13 =	spop (v2sf)  }
0x1a5: {  	(v2sf) =	vpush v4, $0x1;
	[smem:$0x4D8] =	sst s14;
	s14 =	smulhi.u32 $0x10624DD3, s13;
	s13 =	sshra.s32 s13, $0x1F  }
0x1a6: {  	s13 =	smul.u32 $0x10624DD3, s13;
	_ =	sdelay $0x1  }
0x1a7: {  	[smem:$0x4DB] =	sst s13;
	s13 =	spop (v2sf)  }
0x1a8: {  	(v2sf) =	vpush v4, $0x2;
	[smem:$0x4DA] =	sst s14;
	s14 =	smulhi.u32 $0x10624DD3, s13;
	s13 =	sshra.s32 s13, $0x1F  }
0x1a9: {  	s13 =	smul.u32 $0x10624DD3, s13;
	_ =	sdelay $0x1  }
0x1aa: {  	[smem:$0x4DD] =	sst s13;
	s13 =	spop (v2sf)  }
0x1ab: {  	(v2sf) =	vpush v4, $0x3;
	[smem:$0x4DC] =	sst s14;
	s14 =	smulhi.u32 $0x10624DD3, s13;
	s13 =	sshra.s32 s13, $0x1F  }
0x1ac: {  	s13 =	smul.u32 $0x10624DD3, s13;
	_ =	sdelay $0x1  }
0x1ad: {  	[smem:$0x4DF] =	sst s13;
	s13 =	spop (v2sf)  }
0x1ae: {  	(v2sf) =	vpush v4, $0x4;
	[smem:$0x4DE] =	sst s14;
	s14 =	smulhi.u32 $0x10624DD3, s13;
	s13 =	sshra.s32 s13, $0x1F  }
0x1af: {  	s13 =	smul.u32 $0x10624DD3, s13;
	_ =	sdelay $0x1  }
0x1b0: {  	[smem:$0x4E1] =	sst s13;
	s13 =	spop (v2sf)  }
0x1b1: {  	(v2sf) =	vpush v4, $0x5;
	[smem:$0x4E0] =	sst s14;
	s14 =	smulhi.u32 $0x10624DD3, s13;
	s13 =	sshra.s32 s13, $0x1F  }
0x1b2: {  	s13 =	smul.u32 $0x10624DD3, s13;
	_ =	sdelay $0x1  }
0x1b3: {  	[smem:$0x4E3] =	sst s13;
	s13 =	spop (v2sf)  }
0x1b4: {  	(v2sf) =	vpush v4, $0x6;
	[smem:$0x4E2] =	sst s14;
	s14 =	smulhi.u32 $0x10624DD3, s13;
	s13 =	sshra.s32 s13, $0x1F  }
0x1b5: {  	s13 =	smul.u32 $0x10624DD3, s13;
	_ =	sdelay $0x1  }
0x1b6: {  	v6 =	vld [tilespmem:$0x80];
	[smem:$0x4E5] =	sst s13;
	s13 =	spop (v2sf)  }
0x1b7: {  	(v2sf) =	vpush v4, $0x7;
	[smem:$0x4E4] =	sst s14;
	s14 =	smulhi.u32 $0x10624DD3, s13;
	s13 =	sshra.s32 s13, $0x1F  }
0x1b8: {  	s13 =	smul.u32 $0x10624DD3, s13;
	_ =	sdelay $0x1  }
0x1b9: {  	[smem:$0x4E7] =	sst s13;
	s13 =	spop (v2sf)  }
0x1ba: {  	(v2sf) =	vpush v6, $0xD;
	[smem:$0x4E6] =	sst s14;
	s14 =	smulhi.u32 $0x10624DD3, s13;
	s13 =	sshra.s32 s13, $0x1F  }
0x1bb: {  	s13 =	smul.u32 $0x10624DD3, s13;
	_ =	sdelay $0x1  }
0x1bc: {  	[smem:$0x4E9] =	sst s13;
	s13 =	spop (v2sf)  }
0x1bd: {  	(v2sf) =	vpush v6, $0xC;
	[smem:$0x4E8] =	sst s14;
	s14 =	smulhi.u32 $0x10624DD3, s13;
	s13 =	sshra.s32 s13, $0x1F  }
0x1be: {  	s13 =	smul.u32 $0x10624DD3, s13;
	_ =	sdelay $0x1  }
0x1bf: {  	[smem:$0x4EB] =	sst s13;
	s13 =	spop (v2sf)  }
0x1c0: {  	(v2sf) =	vpush v6, $0xE;
	[smem:$0x4EA] =	sst s14;
	s14 =	smulhi.u32 $0x10624DD3, s13;
	s13 =	sshra.s32 s13, $0x1F  }
0x1c1: {  	s13 =	smul.u32 $0x10624DD3, s13;
	_ =	sdelay $0x1  }
0x1c2: {  	[smem:$0x4ED] =	sst s13;
	s13 =	spop (v2sf)  }
0x1c3: {  	(v2sf) =	vpush v6, $0xF;
	[smem:$0x4EC] =	sst s14;
	s14 =	smulhi.u32 $0x10624DD3, s13;
	s13 =	sshra.s32 s13, $0x1F  }
0x1c4: {  	s13 =	smul.u32 $0x10624DD3, s13;
	_ =	sdelay $0x1  }
0x1c5: {  	[smem:$0x4EF] =	sst s13;
	s13 =	spop (v2sf)  }
0x1c6: {  	(v2sf) =	vpush v6, $0x9;
	[smem:$0x4EE] =	sst s14;
	s14 =	smulhi.u32 $0x10624DD3, s13;
	s13 =	sshra.s32 s13, $0x1F  }
0x1c7: {  	s13 =	smul.u32 $0x10624DD3, s13;
	_ =	sdelay $0x1  }
0x1c8: {  	[smem:$0x4F1] =	sst s13;
	s13 =	spop (v2sf)  }
0x1c9: {  	(v2sf) =	vpush v6, $0x8;
	[smem:$0x4F0] =	sst s14;
	s14 =	smulhi.u32 $0x10624DD3, s13;
	s13 =	sshra.s32 s13, $0x1F  }
0x1ca: {  	s13 =	smul.u32 $0x10624DD3, s13;
	_ =	sdelay $0x1  }
0x1cb: {  	[smem:$0x4F3] =	sst s13;
	s13 =	spop (v2sf)  }
0x1cc: {  	(v2sf) =	vpush v6, $0xA;
	[smem:$0x4F2] =	sst s14;
	s14 =	smulhi.u32 $0x10624DD3, s13;
	s13 =	sshra.s32 s13, $0x1F  }
0x1cd: {  	s13 =	smul.u32 $0x10624DD3, s13;
	_ =	sdelay $0x1  }
0x1ce: {  	[smem:$0x4F5] =	sst s13;
	s13 =	spop (v2sf)  }
0x1cf: {  	(v2sf) =	vpush v6, $0xB;
	[smem:$0x4F4] =	sst s14;
	s14 =	smulhi.u32 $0x10624DD3, s13;
	s13 =	sshra.s32 s13, $0x1F  }
0x1d0: {  	s13 =	smul.u32 $0x10624DD3, s13;
	_ =	sdelay $0x1  }
0x1d1: {  	[smem:$0x4F7] =	sst s13;
	s13 =	spop (v2sf)  }
0x1d2: {  	(v2sf) =	vpush v6, $0x0;
	[smem:$0x4F6] =	sst s14;
	s14 =	smulhi.u32 $0x10624DD3, s13;
	s13 =	sshra.s32 s13, $0x1F  }
0x1d3: {  	s13 =	smul.u32 $0x10624DD3, s13;
	_ =	sdelay $0x1  }
0x1d4: {  	[smem:$0x4F9] =	sst s13;
	s13 =	spop (v2sf)  }
0x1d5: {  	(v2sf) =	vpush v6, $0x1;
	[smem:$0x4F8] =	sst s14;
	s14 =	smulhi.u32 $0x10624DD3, s13;
	s13 =	sshra.s32 s13, $0x1F  }
0x1d6: {  	s13 =	smul.u32 $0x10624DD3, s13;
	_ =	sdelay $0x1  }
0x1d7: {  	[smem:$0x4FB] =	sst s13;
	s13 =	spop (v2sf)  }
0x1d8: {  	(v2sf) =	vpush v6, $0x2;
	[smem:$0x4FA] =	sst s14;
	s14 =	smulhi.u32 $0x10624DD3, s13;
	s13 =	sshra.s32 s13, $0x1F  }
0x1d9: {  	s13 =	smul.u32 $0x10624DD3, s13;
	_ =	sdelay $0x1  }
0x1da: {  	[smem:$0x4FD] =	sst s13;
	s13 =	spop (v2sf)  }
0x1db: {  	(v2sf) =	vpush v6, $0x3;
	[smem:$0x4FC] =	sst s14;
	s14 =	smulhi.u32 $0x10624DD3, s13;
	s13 =	sshra.s32 s13, $0x1F  }
0x1dc: {  	s13 =	smul.u32 $0x10624DD3, s13;
	_ =	sdelay $0x1  }
0x1dd: {  	[smem:$0x4FF] =	sst s13;
	s13 =	spop (v2sf)  }
0x1de: {  	(v2sf) =	vpush v6, $0x4;
	[smem:$0x4FE] =	sst s14;
	s14 =	smulhi.u32 $0x10624DD3, s13;
	s13 =	sshra.s32 s13, $0x1F  }
0x1df: {  	s13 =	smul.u32 $0x10624DD3, s13;
	_ =	sdelay $0x1  }
0x1e0: {  	[smem:$0x501] =	sst s13;
	s13 =	spop (v2sf)  }
0x1e1: {  	(v2sf) =	vpush v6, $0x5;
	[smem:$0x500] =	sst s14;
	s14 =	smulhi.u32 $0x10624DD3, s13;
	s13 =	sshra.s32 s13, $0x1F  }
0x1e2: {  	s13 =	smul.u32 $0x10624DD3, s13;
	_ =	sdelay $0x1  }
0x1e3: {  	[smem:$0x503] =	sst s13;
	s13 =	spop (v2sf)  }
0x1e4: {  	(v2sf) =	vpush v6, $0x6;
	[smem:$0x502] =	sst s14;
	s14 =	smulhi.u32 $0x10624DD3, s13;
	s13 =	sshra.s32 s13, $0x1F  }
0x1e5: {  	s13 =	smul.u32 $0x10624DD3, s13;
	_ =	sdelay $0x1  }
0x1e6: {  	v7 =	vld [tilespmem:$0x90];
	[smem:$0x505] =	sst s13;
	s13 =	spop (v2sf)  }
0x1e7: {  	(v2sf) =	vpush v6, $0x7;
	[smem:$0x504] =	sst s14;
	s14 =	smulhi.u32 $0x10624DD3, s13;
	s13 =	sshra.s32 s13, $0x1F  }
0x1e8: {  	s13 =	smul.u32 $0x10624DD3, s13;
	_ =	sdelay $0x1  }
0x1e9: {  	[smem:$0x507] =	sst s13;
	s13 =	spop (v2sf)  }
0x1ea: {  	(v2sf) =	vpush v7, $0xD;
	[smem:$0x506] =	sst s14;
	s14 =	smulhi.u32 $0x10624DD3, s13;
	s13 =	sshra.s32 s13, $0x1F  }
0x1eb: {  	s13 =	smul.u32 $0x10624DD3, s13;
	_ =	sdelay $0x1  }
0x1ec: {  	[smem:$0x509] =	sst s13;
	s13 =	spop (v2sf)  }
0x1ed: {  	(v2sf) =	vpush v7, $0xC;
	[smem:$0x508] =	sst s14;
	s14 =	smulhi.u32 $0x10624DD3, s13;
	s13 =	sshra.s32 s13, $0x1F  }
0x1ee: {  	s13 =	smul.u32 $0x10624DD3, s13;
	_ =	sdelay $0x1  }
0x1ef: {  	[smem:$0x50B] =	sst s13;
	s13 =	spop (v2sf)  }
0x1f0: {  	(v2sf) =	vpush v7, $0xE;
	[smem:$0x50A] =	sst s14;
	s14 =	smulhi.u32 $0x10624DD3, s13;
	s13 =	sshra.s32 s13, $0x1F  }
0x1f1: {  	s13 =	smul.u32 $0x10624DD3, s13;
	_ =	sdelay $0x1  }
0x1f2: {  	[smem:$0x50D] =	sst s13;
	s13 =	spop (v2sf)  }
0x1f3: {  	(v2sf) =	vpush v7, $0xF;
	[smem:$0x50C] =	sst s14;
	s14 =	smulhi.u32 $0x10624DD3, s13;
	s13 =	sshra.s32 s13, $0x1F  }
0x1f4: {  	s13 =	smul.u32 $0x10624DD3, s13;
	_ =	sdelay $0x1  }
0x1f5: {  	[smem:$0x50F] =	sst s13;
	s13 =	spop (v2sf)  }
0x1f6: {  	(v2sf) =	vpush v7, $0x9;
	[smem:$0x50E] =	sst s14;
	s14 =	smulhi.u32 $0x10624DD3, s13;
	s13 =	sshra.s32 s13, $0x1F  }
0x1f7: {  	s13 =	smul.u32 $0x10624DD3, s13;
	_ =	sdelay $0x1  }
0x1f8: {  	[smem:$0x511] =	sst s13;
	s13 =	spop (v2sf)  }
0x1f9: {  	(v2sf) =	vpush v7, $0x8;
	[smem:$0x510] =	sst s14;
	s14 =	smulhi.u32 $0x10624DD3, s13;
	s13 =	sshra.s32 s13, $0x1F  }
0x1fa: {  	s13 =	smul.u32 $0x10624DD3, s13;
	_ =	sdelay $0x1  }
0x1fb: {  	[smem:$0x513] =	sst s13;
	s13 =	spop (v2sf)  }
0x1fc: {  	(v2sf) =	vpush v7, $0xA;
	[smem:$0x512] =	sst s14;
	s14 =	smulhi.u32 $0x10624DD3, s13;
	s13 =	sshra.s32 s13, $0x1F  }
0x1fd: {  	s13 =	smul.u32 $0x10624DD3, s13;
	_ =	sdelay $0x1  }
0x1fe: {  	[smem:$0x515] =	sst s13;
	s13 =	spop (v2sf)  }
0x1ff: {  	(v2sf) =	vpush v7, $0xB;
	[smem:$0x514] =	sst s14;
	s14 =	smulhi.u32 $0x10624DD3, s13;
	s13 =	sshra.s32 s13, $0x1F  }
0x200: {  	s13 =	smul.u32 $0x10624DD3, s13;
	_ =	sdelay $0x1  }
0x201: {  	[smem:$0x517] =	sst s13;
	s13 =	spop (v2sf)  }
0x202: {  	(v2sf) =	vpush v7, $0x0;
	[smem:$0x516] =	sst s14;
	s14 =	smulhi.u32 $0x10624DD3, s13;
	s13 =	sshra.s32 s13, $0x1F  }
0x203: {  	s13 =	smul.u32 $0x10624DD3, s13;
	_ =	sdelay $0x1  }
0x204: {  	[smem:$0x519] =	sst s13;
	s13 =	spop (v2sf)  }
0x205: {  	(v2sf) =	vpush v7, $0x1;
	[smem:$0x518] =	sst s14;
	s14 =	smulhi.u32 $0x10624DD3, s13;
	s13 =	sshra.s32 s13, $0x1F  }
0x206: {  	s13 =	smul.u32 $0x10624DD3, s13;
	_ =	sdelay $0x1  }
0x207: {  	[smem:$0x51B] =	sst s13;
	s13 =	spop (v2sf)  }
0x208: {  	(v2sf) =	vpush v7, $0x2;
	[smem:$0x51A] =	sst s14;
	s14 =	smulhi.u32 $0x10624DD3, s13;
	s13 =	sshra.s32 s13, $0x1F  }
0x209: {  	s13 =	smul.u32 $0x10624DD3, s13;
	_ =	sdelay $0x1  }
0x20a: {  	[smem:$0x51D] =	sst s13;
	s13 =	spop (v2sf)  }
0x20b: {  	(v2sf) =	vpush v7, $0x3;
	[smem:$0x51C] =	sst s14;
	s14 =	smulhi.u32 $0x10624DD3, s13;
	s13 =	sshra.s32 s13, $0x1F  }
0x20c: {  	s13 =	smul.u32 $0x10624DD3, s13;
	_ =	sdelay $0x1  }
0x20d: {  	[smem:$0x51F] =	sst s13;
	s13 =	spop (v2sf)  }
0x20e: {  	(v2sf) =	vpush v7, $0x4;
	[smem:$0x51E] =	sst s14;
	s14 =	smulhi.u32 $0x10624DD3, s13;
	s13 =	sshra.s32 s13, $0x1F  }
0x20f: {  	s13 =	smul.u32 $0x10624DD3, s13;
	_ =	sdelay $0x1  }
0x210: {  	s28 =	sadd.s32 s31, s28;
	[smem:$0x521] =	sst s13;
	s13 =	spop (v2sf)  }
0x211: {  	[smem:$0x520] =	sst s14;
	s14 =	smulhi.u32 $0x10624DD3, s13;
	s13 =	sshra.s32 s13, $0x1F  }
0x212: {  	[smem:$0x58F] =	sst s28;
	s7 =	sadd.s32 s7, s30;
	s13 =	smul.u32 $0x10624DD3, s13  }
0x213: {  	[smem:$0x584] =	sst s7;
	(v2sf) =	vpush v7, $0x5  }
0x214: {  	v8 =	vld [tilespmem:$0xA0];
	[smem:$0x523] =	sst s13;
	s13 =	spop (v2sf)  }
0x215: {  	(v2sf) =	vpush v7, $0x6;
	[smem:$0x522] =	sst s14;
	s14 =	smulhi.u32 $0x10624DD3, s13;
	s13 =	sshra.s32 s13, $0x1F  }
0x216: {  	s15 =	sadd.s32 s21, s15;
	s31 =	sld [smem:$0x48E];
	s13 =	smul.u32 $0x10624DD3, s13  }
0x217: {  	[smem:$0x583] =	sst s15;
	(v2sf) =	vpush v7, $0x7  }
0x218: {  	s21 =	sadd.s32 s22, s16;
	[smem:$0x525] =	sst s13;
	s13 =	spop (v2sf)  }
0x219: {  	(v2sf) =	vpush v8, $0xD;
	[smem:$0x524] =	sst s14;
	s14 =	smulhi.u32 $0x10624DD3, s13;
	s13 =	sshra.s32 s13, $0x1F  }
0x21a: {  	s22 =	sadd.s32 s23, s17;
	[smem:$0x585] =	sst s21;
	s13 =	smul.u32 $0x10624DD3, s13  }
0x21b: {  	[smem:$0x586] =	sst s22;
	(v2sf) =	vpush v8, $0xC  }
0x21c: {  	[smem:$0x527] =	sst s13;
	s13 =	spop (v2sf)  }
0x21d: {  	s22 =	sadd.s32 s25, s18;
	[smem:$0x526] =	sst s14;
	s14 =	smulhi.u32 $0x10624DD3, s13  }
0x21e: {  	[smem:$0x588] =	sst s22  }
0x21f: {  	s13 =	sshra.s32 s13, $0x1F;
	[smem:$0x528] =	sst s14  }
0x220: {  	s3 =	sadd.s32 s3, s31;
	s13 =	smul.u32 $0x10624DD3, s13;
	s14 =	sld [smem:$0x48D]  }
0x221: {  	[smem:$0x587] =	sst s3  }
0x222: {  	(v2sf) =	vpush v8, $0xE;
	[smem:$0x529] =	sst s13;
	s13 =	spop (v2sf)  }
0x223: {  	s14 =	sadd.s32 s20, s14;
	s20 =	smulhi.u32 $0x10624DD3, s13;
	s13 =	sshra.s32 s13, $0x1F  }
0x224: {  	(v2sf) =	vpush v8, $0xF;
	s15 =	smul.u32 $0x10624DD3, s13;
	s13 =	spop (v2sf)  }
0x225: {  	[smem:$0x581] =	sst s14;
	s16 =	smulhi.u32 $0x10624DD3, s13;
	s13 =	sshra.s32 s13, $0x1F  }
0x226: {  	(v2sf) =	vpush v8, $0x9;
	s23 =	spop (v2sf);
	s21 =	smul.u32 $0x10624DD3, s13  }
0x227: {  	(v2sf) =	vpush v8, $0x8;
	s17 =	smulhi.u32 $0x10624DD3, s23;
	s13 =	sshra.s32 s23, $0x1F;
	s23 =	sadd.s32 s26, s19  }
0x228: {  	s25 =	spop (v2sf);
	s26 =	sadd.s32 s29, s24;
	s24 =	sld [smem:$0x48F]  }
0x229: {  	[smem:$0x58A] =	sst s23;
	s18 =	smul.u32 $0x10624DD3, s13  }
0x22a: {  	[smem:$0x58C] =	sst s26;
	s13 =	sshra.s32 s25, $0x1F;
	s29 =	spop (v2sf)  }
0x22b: {  	s26 =	sld [smem:$0x490];
	s22 =	smul.u32 $0x10624DD3, s13  }
0x22c: {  	v15 =	vcombine.low v16, v15;
	s14 =	smulhi.u32 $0x10624DD3, s29;
	s30 =	sshra.s32 s29, $0x1F;
	s29 =	sld [smem:$0x491]  }
0x22d: {  	v10 =	vperm.xlane v10, v30;
	v13 =	vperm.xlane v13, v1;
	s13 =	smul.u32 $0x10624DD3, s30;
	s30 =	sld [smem:$0x492]  }
0x22e: {  	v24 =	vperm.xlane v15, v30;
	v14 =	vperm.xlane v14, v1;
	s1 =	sadd.s32 s1, s24;
	s24 =	sld [smem:$0x494]  }
0x22f: {  	[smem:$0x589] =	sst s1;
	s3 =	sadd.s32 s9, s26  }
0x230: {  	v26 =	vsel vm8, v13, v10;
	v9 =	vsel vm8, v14, v24;
	(v2sf) =	vpush v8, $0xA;
	s19 =	smulhi.u32 $0x10624DD3, s25;
	[smem:$0x58B] =	sst s3  }
0x231: {  	v27 =	vadd.s32 v26, v9;
	(v2sf) =	vpush v8, $0xB;
	s23 =	spop (v2sf);
	s3 =	sadd.s32 s10, s29;
	s10 =	sld [smem:$0x493]  }
0x232: {  	v32 =	vmul.u32 $0xFFFFFC18, v27;
	(v2sf) =	vpush v8, $0x0;
	s7 =	smulhi.u32 $0x10624DD3, s23;
	s25 =	sshra.s32 s23, $0x1F;
	s26 =	sld [smem:$0x495]  }
0x233: {  	(v2sf) =	vpush v8, $0x1;
	s28 =	spop (v2sf);
	[smem:$0x58D] =	sst s3;
	s3 =	sadd.s32 s6, s30  }
0x234: {  	[tilespmem:$0x200] =	vst v60;
	v0 =	vadd.s32 v0, v32;
	(v2sf) =	vpush v8, $0x2;
	s23 =	smul.u32 $0x10624DD3, s25;
	[smem:$0x58E] =	sst s3;
	s3 =	sadd.s32 s11, s10  }
0x235: {  	[tilespmem:$0x230] =	vst v0;
	v0 =	vadd.s32 $0x3E8, v27;
	(v2sf) =	vpush v8, $0x3;
	s31 =	spop (v2sf);
	[smem:$0x590] =	sst s3;
	s3 =	sadd.s32 s5, s24  }
0x236: {  	[tilespmem:$0x430] =	vst v0;
	(v2sf) =	vpush v8, $0x4;
	[smem:$0x582] =	sst s3;
	s25 =	spop (v2sf)  }
0x237: {  	s9 =	smulhi.u32 $0x10624DD3, s28;
	s1 =	sshra.s32 s28, $0x1F;
	s28 =	sld [smem:$0x496]  }
0x238: {  	s29 =	sld [smem:$0x497]  }
0x239: {  	s30 =	sld [smem:$0x498]  }
0x23a: {  	s5 =	sld [smem:$0x49D]  }
0x23b: {  	s3 =	sadd.s32 s28, s26;
	s26 =	sld [smem:$0x499]  }
0x23c: {  	s6 =	smul.u32 $0x10624DD3, s1;
	s28 =	sld [smem:$0x49A]  }
0x23d: {  	s1 =	sshra.s32 s31, $0x1F;
	s10 =	smulhi.u32 $0x10624DD3, s31;
	[smem:$0x591] =	sst s3  }
0x23e: {  	s24 =	smul.u32 $0x10624DD3, s1;
	s3 =	sadd.s32 s30, s29;
	s29 =	sld [smem:$0x49B]  }
0x23f: {  	s11 =	smulhi.u32 $0x10624DD3, s25;
	s1 =	sshra.s32 s25, $0x1F;
	s30 =	sld [smem:$0x49C]  }
0x240: {  	s25 =	smul.u32 $0x10624DD3, s1;
	[smem:$0x592] =	sst s3  }
0x241: {  	s31 =	spop (v2sf);
	s3 =	sadd.s32 s28, s26;
	s28 =	sld [smem:$0x49E]  }
0x242: {  	s1 =	sshra.s32 s31, $0x1F;
	s26 =	smulhi.u32 $0x10624DD3, s31;
	[smem:$0x593] =	sst s3  }
0x243: {  	s31 =	spop (v2sf);
	s3 =	sadd.s32 s30, s29;
	s30 =	sld [smem:$0x49F]  }
0x244: {  	s29 =	smul.u32 $0x10624DD3, s1;
	s1 =	sshra.s32 s31, $0x1F;
	[smem:$0x594] =	sst s3  }
0x245: {  	s3 =	sadd.s32 s28, s5;
	s28 =	smulhi.u32 $0x10624DD3, s31;
	s31 =	sld [smem:$0x4A0]  }
0x246: {  	s5 =	sld [smem:$0x4A1]  }
0x247: {  	[smem:$0x597] =	sst s3  }
0x248: {  	s3 =	sadd.s32 s31, s30;
	s31 =	sld [smem:$0x4A2];
	_ =	sdelay $0x1  }
0x249: {  	[smem:$0x598] =	sst s3  }
0x24a: {  	s3 =	sadd.s32 s31, s5;
	s5 =	sld [smem:$0x4A4]  }
0x24b: {  	[smem:$0x59B] =	sst s3  }
0x24c: {  	s3 =	sld [smem:$0x4A3];
	_ =	sdelay $0x2  }
0x24d: {  	s3 =	sadd.s32 s5, s3;
	s5 =	sld [smem:$0x4A5];
	_ =	sdelay $0x1  }
0x24e: {  	s30 =	smul.u32 $0x10624DD3, s1;
	[smem:$0x59E] =	sst s3  }
0x24f: {  	s1 =	spop (v2sf);
	s3 =	sadd.s32 s8, s5;
	s8 =	sld [smem:$0x4A6]  }
0x250: {  	s31 =	smulhi.u32 $0x10624DD3, s1;
	s1 =	sshra.s32 s1, $0x1F  }
0x251: {  	s1 =	smul.u32 $0x10624DD3, s1;
	[smem:$0x596] =	sst s3  }
0x252: {  	s3 =	sadd.s32 s12, s8;
	s12 =	sld [smem:$0x4A7]  }
0x253: {  	[smem:$0x52A] =	sst s1  }
0x254: {  	s2 =	sshra.s32 s2, $0x1F;
	s0 =	smul.u32 $0x10624DD3, s0;
	[smem:$0x599] =	sst s3  }
0x255: {  	s2 =	smul.u32 $0x10624DD3, s2;
	s3 =	sadd.s32 s4, s12;
	s12 =	sld [smem:$0x4A8]  }
0x256: {  	s1 =	spop (v2sf);
	[smem:$0x59A] =	sst s3  }
0x257: {  	s5 =	smulhi.u32 $0x10624DD3, s1;
	s1 =	sshra.s32 s1, $0x1F;
	s3 =	sld [smem:$0x4A9]  }
0x258: {  	s8 =	smul.u32 $0x10624DD3, s1;
	s1 =	spop (v2sf)  }
0x259: {  	s4 =	smulhi.u32 $0x10624DD3, s1;
	s1 =	sshra.s32 s1, $0x1F;
	s0 =	sadd.s32 s0, s12  }
0x25a: {  	s12 =	smul.u32 $0x10624DD3, s1;
	s1 =	sadd.s32 s2, s3;
	s2 =	sld [smem:$0x4AB]  }
0x25b: {  	[smem:$0x59D] =	sst s1  }
0x25c: {  	s1 =	sld [smem:$0x4AA];
	_ =	sdelay $0x1  }
0x25d: {  	[smem:$0x59C] =	sst s0  }
0x25e: {  	s1 =	sadd.s32 s2, s1;
	s2 =	sld [smem:$0x4AD]  }
0x25f: {  	s0 =	spop (v2sf);
	[smem:$0x59F] =	sst s1  }
0x260: {  	(v2sf) =	vpush v8, $0x5;
	s3 =	smulhi.u32 $0x10624DD3, s0;
	s0 =	sshra.s32 s0, $0x1F;
	s1 =	sld [smem:$0x4AC]  }
0x261: {  	s0 =	smul.u32 $0x10624DD3, s0;
	_ =	sdelay $0x1  }
0x262: {  	[smem:$0x52B] =	sst s0;
	s0 =	spop (v2sf);
	s1 =	sadd.s32 s2, s1  }
0x263: {  	s2 =	smulhi.u32 $0x10624DD3, s0;
	[smem:$0x5A0] =	sst s1  }
0x264: {  	s1 =	sld [smem:$0x4AE]  }
0x265: {  	[smem:$0x52C] =	sst s2  }
0x266: {  	s2 =	sld [smem:$0x4AF];
	_ =	sdelay $0x2  }
0x267: {  	s1 =	sadd.s32 s2, s1;
	s2 =	sld [smem:$0x4B1]  }
0x268: {  	[smem:$0x595] =	sst s1  }
0x269: {  	(v2sf) =	vpush v8, $0x6;
	s0 =	sshra.s32 s0, $0x1F;
	s1 =	sld [smem:$0x4B0]  }
0x26a: {  	s0 =	smul.u32 $0x10624DD3, s0;
	_ =	sdelay $0x1  }
0x26b: {  	[smem:$0x52D] =	sst s0;
	s0 =	spop (v2sf);
	s1 =	sadd.s32 s2, s1  }
0x26c: {  	s2 =	smulhi.u32 $0x10624DD3, s0;
	[smem:$0x5A1] =	sst s1  }
0x26d: {  	s1 =	sld [smem:$0x4B2]  }
0x26e: {  	[smem:$0x52E] =	sst s2  }
0x26f: {  	s2 =	sld [smem:$0x4B3];
	_ =	sdelay $0x2  }
0x270: {  	s1 =	sadd.s32 s2, s1;
	s2 =	sld [smem:$0x4B5]  }
0x271: {  	[smem:$0x5A2] =	sst s1  }
0x272: {  	(v2sf) =	vpush v8, $0x7;
	s0 =	sshra.s32 s0, $0x1F;
	s1 =	sld [smem:$0x4B4]  }
0x273: {  	s0 =	smul.u32 $0x10624DD3, s0;
	_ =	sdelay $0x1  }
0x274: {  	[smem:$0x52F] =	sst s0;
	s0 =	spop (v2sf);
	s1 =	sadd.s32 s2, s1  }
0x275: {  	s2 =	smulhi.u32 $0x10624DD3, s0;
	[smem:$0x5A3] =	sst s1  }
0x276: {  	s1 =	sld [smem:$0x4B6]  }
0x277: {  	[smem:$0x530] =	sst s2  }
0x278: {  	v9 =	vld [tilespmem:$0xB0];
	s2 =	sld [smem:$0x4B7];
	_ =	sdelay $0x2  }
0x279: {  	s1 =	sadd.s32 s2, s1;
	s2 =	sld [smem:$0x4B9]  }
0x27a: {  	[smem:$0x5A5] =	sst s1  }
0x27b: {  	(v2sf) =	vpush v9, $0xD;
	s0 =	sshra.s32 s0, $0x1F;
	s1 =	sld [smem:$0x4B8]  }
0x27c: {  	s0 =	smul.u32 $0x10624DD3, s0;
	_ =	sdelay $0x1  }
0x27d: {  	[smem:$0x531] =	sst s0;
	s0 =	spop (v2sf);
	s1 =	sadd.s32 s2, s1  }
0x27e: {  	s2 =	smulhi.u32 $0x10624DD3, s0;
	[smem:$0x5A7] =	sst s1  }
0x27f: {  	s1 =	sld [smem:$0x4BA]  }
0x280: {  	[smem:$0x532] =	sst s2  }
0x281: {  	s2 =	sld [smem:$0x4BB];
	_ =	sdelay $0x2  }
0x282: {  	s1 =	sadd.s32 s2, s1;
	s2 =	sld [smem:$0x4BD]  }
0x283: {  	[smem:$0x5A8] =	sst s1  }
0x284: {  	(v2sf) =	vpush v9, $0xC;
	s0 =	sshra.s32 s0, $0x1F;
	s1 =	sld [smem:$0x4BC]  }
0x285: {  	s0 =	smul.u32 $0x10624DD3, s0;
	_ =	sdelay $0x1  }
0x286: {  	[smem:$0x533] =	sst s0;
	s0 =	spop (v2sf);
	s1 =	sadd.s32 s2, s1  }
0x287: {  	s2 =	smulhi.u32 $0x10624DD3, s0;
	[smem:$0x5AA] =	sst s1  }
0x288: {  	s1 =	sld [smem:$0x4BE]  }
0x289: {  	[smem:$0x534] =	sst s2  }
0x28a: {  	s2 =	sld [smem:$0x4BF];
	_ =	sdelay $0x2  }
0x28b: {  	s1 =	sadd.s32 s2, s1;
	s2 =	sld [smem:$0x4C1]  }
0x28c: {  	[smem:$0x5AC] =	sst s1  }
0x28d: {  	(v2sf) =	vpush v9, $0xE;
	s0 =	sshra.s32 s0, $0x1F;
	s1 =	sld [smem:$0x4C0]  }
0x28e: {  	s0 =	smul.u32 $0x10624DD3, s0;
	_ =	sdelay $0x1  }
0x28f: {  	[smem:$0x535] =	sst s0;
	s0 =	spop (v2sf);
	s1 =	sadd.s32 s2, s1  }
0x290: {  	s2 =	smulhi.u32 $0x10624DD3, s0;
	[smem:$0x5A6] =	sst s1  }
0x291: {  	s1 =	sld [smem:$0x4C2]  }
0x292: {  	[smem:$0x536] =	sst s2  }
0x293: {  	s2 =	sld [smem:$0x4C3];
	_ =	sdelay $0x2  }
0x294: {  	s1 =	sadd.s32 s2, s1;
	s2 =	sld [smem:$0x4C5]  }
0x295: {  	[smem:$0x5A9] =	sst s1  }
0x296: {  	(v2sf) =	vpush v9, $0xF;
	s0 =	sshra.s32 s0, $0x1F;
	s1 =	sld [smem:$0x4C4]  }
0x297: {  	s0 =	smul.u32 $0x10624DD3, s0;
	_ =	sdelay $0x1  }
0x298: {  	[smem:$0x537] =	sst s0;
	s0 =	spop (v2sf);
	s1 =	sadd.s32 s2, s1  }
0x299: {  	s2 =	smulhi.u32 $0x10624DD3, s0;
	[smem:$0x5AB] =	sst s1  }
0x29a: {  	s1 =	sld [smem:$0x4C6]  }
0x29b: {  	[smem:$0x538] =	sst s2  }
0x29c: {  	s2 =	sld [smem:$0x4C7];
	_ =	sdelay $0x2  }
0x29d: {  	s1 =	sadd.s32 s2, s1;
	s2 =	sld [smem:$0x4C9]  }
0x29e: {  	[smem:$0x5AD] =	sst s1  }
0x29f: {  	(v2sf) =	vpush v9, $0x9;
	s0 =	sshra.s32 s0, $0x1F;
	s1 =	sld [smem:$0x4C8]  }
0x2a0: {  	s0 =	smul.u32 $0x10624DD3, s0;
	_ =	sdelay $0x1  }
0x2a1: {  	[smem:$0x539] =	sst s0;
	s0 =	spop (v2sf);
	s1 =	sadd.s32 s2, s1  }
0x2a2: {  	s2 =	smulhi.u32 $0x10624DD3, s0;
	[smem:$0x5AE] =	sst s1  }
0x2a3: {  	s1 =	sld [smem:$0x4CA]  }
0x2a4: {  	[smem:$0x53A] =	sst s2  }
0x2a5: {  	s2 =	sld [smem:$0x4CB];
	_ =	sdelay $0x2  }
0x2a6: {  	s1 =	sadd.s32 s2, s1;
	s2 =	sld [smem:$0x4CD]  }
0x2a7: {  	[smem:$0x5AF] =	sst s1  }
0x2a8: {  	(v2sf) =	vpush v9, $0x8;
	s0 =	sshra.s32 s0, $0x1F;
	s1 =	sld [smem:$0x4CC]  }
0x2a9: {  	s0 =	smul.u32 $0x10624DD3, s0;
	_ =	sdelay $0x1  }
0x2aa: {  	[smem:$0x53B] =	sst s0;
	s0 =	spop (v2sf);
	s1 =	sadd.s32 s2, s1  }
0x2ab: {  	s2 =	smulhi.u32 $0x10624DD3, s0;
	[smem:$0x5B0] =	sst s1  }
0x2ac: {  	s1 =	sld [smem:$0x4CE]  }
0x2ad: {  	[smem:$0x53C] =	sst s2  }
0x2ae: {  	s2 =	sld [smem:$0x4CF];
	_ =	sdelay $0x2  }
0x2af: {  	s1 =	sadd.s32 s2, s1;
	s2 =	sld [smem:$0x4D1]  }
0x2b0: {  	[smem:$0x5A4] =	sst s1  }
0x2b1: {  	(v2sf) =	vpush v9, $0xA;
	s0 =	sshra.s32 s0, $0x1F;
	s1 =	sld [smem:$0x4D0]  }
0x2b2: {  	s0 =	smul.u32 $0x10624DD3, s0;
	_ =	sdelay $0x1  }
0x2b3: {  	[smem:$0x53D] =	sst s0;
	s0 =	spop (v2sf);
	s1 =	sadd.s32 s2, s1  }
0x2b4: {  	s2 =	smulhi.u32 $0x10624DD3, s0;
	[smem:$0x5B1] =	sst s1  }
0x2b5: {  	s1 =	sld [smem:$0x4D2]  }
0x2b6: {  	[smem:$0x53E] =	sst s2  }
0x2b7: {  	s2 =	sld [smem:$0x4D3];
	_ =	sdelay $0x2  }
0x2b8: {  	s1 =	sadd.s32 s2, s1;
	s2 =	sld [smem:$0x4D5]  }
0x2b9: {  	[smem:$0x5B2] =	sst s1  }
0x2ba: {  	(v2sf) =	vpush v9, $0xB;
	s0 =	sshra.s32 s0, $0x1F;
	s1 =	sld [smem:$0x4D4]  }
0x2bb: {  	s0 =	smul.u32 $0x10624DD3, s0;
	_ =	sdelay $0x1  }
0x2bc: {  	[smem:$0x53F] =	sst s0;
	s0 =	spop (v2sf);
	s1 =	sadd.s32 s2, s1  }
0x2bd: {  	s2 =	smulhi.u32 $0x10624DD3, s0;
	[smem:$0x5B3] =	sst s1  }
0x2be: {  	s1 =	sld [smem:$0x4D6]  }
0x2bf: {  	[smem:$0x540] =	sst s2  }
0x2c0: {  	s2 =	sld [smem:$0x4D7];
	_ =	sdelay $0x2  }
0x2c1: {  	s1 =	sadd.s32 s2, s1;
	s2 =	sld [smem:$0x4D9]  }
0x2c2: {  	[smem:$0x5B5] =	sst s1  }
0x2c3: {  	(v2sf) =	vpush v9, $0x0;
	s0 =	sshra.s32 s0, $0x1F;
	s1 =	sld [smem:$0x4D8]  }
0x2c4: {  	s0 =	smul.u32 $0x10624DD3, s0;
	_ =	sdelay $0x1  }
0x2c5: {  	[smem:$0x541] =	sst s0;
	s0 =	spop (v2sf);
	s1 =	sadd.s32 s2, s1  }
0x2c6: {  	s2 =	smulhi.u32 $0x10624DD3, s0;
	[smem:$0x5B7] =	sst s1  }
0x2c7: {  	s1 =	sld [smem:$0x4DA]  }
0x2c8: {  	[smem:$0x542] =	sst s2  }
0x2c9: {  	s2 =	sld [smem:$0x4DB];
	_ =	sdelay $0x2  }
0x2ca: {  	s1 =	sadd.s32 s2, s1;
	s2 =	sld [smem:$0x4DD]  }
0x2cb: {  	[smem:$0x5B9] =	sst s1  }
0x2cc: {  	(v2sf) =	vpush v9, $0x1;
	s0 =	sshra.s32 s0, $0x1F;
	s1 =	sld [smem:$0x4DC]  }
0x2cd: {  	s0 =	smul.u32 $0x10624DD3, s0;
	_ =	sdelay $0x1  }
0x2ce: {  	[smem:$0x543] =	sst s0;
	s0 =	spop (v2sf);
	s1 =	sadd.s32 s2, s1  }
0x2cf: {  	s2 =	smulhi.u32 $0x10624DD3, s0;
	[smem:$0x5BA] =	sst s1  }
0x2d0: {  	s1 =	sld [smem:$0x4DE]  }
0x2d1: {  	[smem:$0x544] =	sst s2  }
0x2d2: {  	s2 =	sld [smem:$0x4DF];
	_ =	sdelay $0x2  }
0x2d3: {  	s1 =	sadd.s32 s2, s1;
	s2 =	sld [smem:$0x4E1]  }
0x2d4: {  	[smem:$0x5BC] =	sst s1  }
0x2d5: {  	(v2sf) =	vpush v9, $0x2;
	s0 =	sshra.s32 s0, $0x1F;
	s1 =	sld [smem:$0x4E0]  }
0x2d6: {  	s0 =	smul.u32 $0x10624DD3, s0;
	_ =	sdelay $0x1  }
0x2d7: {  	[smem:$0x545] =	sst s0;
	s0 =	spop (v2sf);
	s1 =	sadd.s32 s2, s1  }
0x2d8: {  	s2 =	smulhi.u32 $0x10624DD3, s0;
	[smem:$0x5B6] =	sst s1  }
0x2d9: {  	s1 =	sld [smem:$0x4E2]  }
0x2da: {  	[smem:$0x546] =	sst s2  }
0x2db: {  	s2 =	sld [smem:$0x4E3];
	_ =	sdelay $0x2  }
0x2dc: {  	s1 =	sadd.s32 s2, s1;
	s2 =	sld [smem:$0x4E5]  }
0x2dd: {  	[smem:$0x5B8] =	sst s1  }
0x2de: {  	(v2sf) =	vpush v9, $0x3;
	s0 =	sshra.s32 s0, $0x1F;
	s1 =	sld [smem:$0x4E4]  }
0x2df: {  	s0 =	smul.u32 $0x10624DD3, s0;
	_ =	sdelay $0x1  }
0x2e0: {  	[smem:$0x547] =	sst s0;
	s0 =	spop (v2sf);
	s1 =	sadd.s32 s2, s1  }
0x2e1: {  	s2 =	smulhi.u32 $0x10624DD3, s0;
	[smem:$0x5BB] =	sst s1  }
0x2e2: {  	s1 =	sld [smem:$0x4E6]  }
0x2e3: {  	[smem:$0x548] =	sst s2  }
0x2e4: {  	s2 =	sld [smem:$0x4E7];
	_ =	sdelay $0x2  }
0x2e5: {  	s1 =	sadd.s32 s2, s1;
	s2 =	sld [smem:$0x4E9]  }
0x2e6: {  	[smem:$0x5BD] =	sst s1  }
0x2e7: {  	(v2sf) =	vpush v9, $0x4;
	s0 =	sshra.s32 s0, $0x1F;
	s1 =	sld [smem:$0x4E8]  }
0x2e8: {  	s0 =	smul.u32 $0x10624DD3, s0;
	_ =	sdelay $0x1  }
0x2e9: {  	[smem:$0x549] =	sst s0;
	s0 =	spop (v2sf);
	s1 =	sadd.s32 s2, s1  }
0x2ea: {  	s2 =	smulhi.u32 $0x10624DD3, s0;
	[smem:$0x5BE] =	sst s1  }
0x2eb: {  	s1 =	sld [smem:$0x4EA]  }
0x2ec: {  	[smem:$0x54A] =	sst s2  }
0x2ed: {  	s2 =	sld [smem:$0x4EB];
	_ =	sdelay $0x2  }
0x2ee: {  	s1 =	sadd.s32 s2, s1;
	s2 =	sld [smem:$0x4ED]  }
0x2ef: {  	[smem:$0x5BF] =	sst s1  }
0x2f0: {  	(v2sf) =	vpush v9, $0x5;
	s0 =	sshra.s32 s0, $0x1F;
	s1 =	sld [smem:$0x4EC]  }
0x2f1: {  	s0 =	smul.u32 $0x10624DD3, s0;
	_ =	sdelay $0x1  }
0x2f2: {  	[smem:$0x54B] =	sst s0;
	s0 =	spop (v2sf);
	s1 =	sadd.s32 s2, s1  }
0x2f3: {  	s2 =	smulhi.u32 $0x10624DD3, s0;
	[smem:$0x5C0] =	sst s1  }
0x2f4: {  	s1 =	sld [smem:$0x4EE]  }
0x2f5: {  	[smem:$0x54C] =	sst s2  }
0x2f6: {  	s2 =	sld [smem:$0x4EF];
	_ =	sdelay $0x2  }
0x2f7: {  	s1 =	sadd.s32 s2, s1;
	s2 =	sld [smem:$0x4F1]  }
0x2f8: {  	[smem:$0x5B4] =	sst s1  }
0x2f9: {  	(v2sf) =	vpush v9, $0x6;
	s0 =	sshra.s32 s0, $0x1F;
	s1 =	sld [smem:$0x4F0]  }
0x2fa: {  	s0 =	smul.u32 $0x10624DD3, s0;
	_ =	sdelay $0x1  }
0x2fb: {  	[smem:$0x54D] =	sst s0;
	s0 =	spop (v2sf);
	s1 =	sadd.s32 s2, s1  }
0x2fc: {  	s2 =	smulhi.u32 $0x10624DD3, s0;
	[smem:$0x5C1] =	sst s1  }
0x2fd: {  	s1 =	sld [smem:$0x4F2]  }
0x2fe: {  	[smem:$0x54E] =	sst s2  }
0x2ff: {  	s2 =	sld [smem:$0x4F3];
	_ =	sdelay $0x2  }
0x300: {  	s1 =	sadd.s32 s2, s1;
	s2 =	sld [smem:$0x4F5]  }
0x301: {  	[smem:$0x5C2] =	sst s1  }
0x302: {  	(v2sf) =	vpush v9, $0x7;
	s0 =	sshra.s32 s0, $0x1F;
	s1 =	sld [smem:$0x4F4]  }
0x303: {  	s0 =	smul.u32 $0x10624DD3, s0;
	_ =	sdelay $0x1  }
0x304: {  	[smem:$0x54F] =	sst s0;
	s0 =	spop (v2sf);
	s1 =	sadd.s32 s2, s1  }
0x305: {  	s2 =	smulhi.u32 $0x10624DD3, s0;
	[smem:$0x5C3] =	sst s1  }
0x306: {  	s1 =	sld [smem:$0x4F6]  }
0x307: {  	[smem:$0x550] =	sst s2  }
0x308: {  	v10 =	vld [tilespmem:$0xC0];
	s2 =	sld [smem:$0x4F7];
	_ =	sdelay $0x2  }
0x309: {  	s1 =	sadd.s32 s2, s1;
	s2 =	sld [smem:$0x4F9]  }
0x30a: {  	[smem:$0x5C4] =	sst s1  }
0x30b: {  	(v2sf) =	vpush v10, $0xD;
	s0 =	sshra.s32 s0, $0x1F;
	s1 =	sld [smem:$0x4F8]  }
0x30c: {  	s0 =	smul.u32 $0x10624DD3, s0;
	_ =	sdelay $0x1  }
0x30d: {  	[smem:$0x551] =	sst s0;
	s0 =	spop (v2sf);
	s1 =	sadd.s32 s2, s1  }
0x30e: {  	s2 =	smulhi.u32 $0x10624DD3, s0;
	[smem:$0x5C5] =	sst s1  }
0x30f: {  	s1 =	sld [smem:$0x4FA]  }
0x310: {  	[smem:$0x552] =	sst s2  }
0x311: {  	s2 =	sld [smem:$0x4FB];
	_ =	sdelay $0x2  }
0x312: {  	s1 =	sadd.s32 s2, s1;
	s2 =	sld [smem:$0x4FD]  }
0x313: {  	[smem:$0x5C7] =	sst s1  }
0x314: {  	(v2sf) =	vpush v10, $0xC;
	s0 =	sshra.s32 s0, $0x1F;
	s1 =	sld [smem:$0x4FC]  }
0x315: {  	s0 =	smul.u32 $0x10624DD3, s0;
	_ =	sdelay $0x1  }
0x316: {  	[smem:$0x553] =	sst s0;
	s0 =	spop (v2sf);
	s1 =	sadd.s32 s2, s1  }
0x317: {  	s2 =	smulhi.u32 $0x10624DD3, s0;
	[smem:$0x5C9] =	sst s1  }
0x318: {  	s1 =	sld [smem:$0x4FE]  }
0x319: {  	[smem:$0x554] =	sst s2  }
0x31a: {  	s2 =	sld [smem:$0x4FF];
	_ =	sdelay $0x2  }
0x31b: {  	s1 =	sadd.s32 s2, s1;
	s2 =	sld [smem:$0x501]  }
0x31c: {  	[smem:$0x5CB] =	sst s1  }
0x31d: {  	(v2sf) =	vpush v10, $0xE;
	s0 =	sshra.s32 s0, $0x1F;
	s1 =	sld [smem:$0x500]  }
0x31e: {  	s0 =	smul.u32 $0x10624DD3, s0;
	_ =	sdelay $0x1  }
0x31f: {  	[smem:$0x555] =	sst s0;
	s0 =	spop (v2sf);
	s1 =	sadd.s32 s2, s1  }
0x320: {  	s2 =	smulhi.u32 $0x10624DD3, s0;
	[smem:$0x5C8] =	sst s1  }
0x321: {  	s1 =	sld [smem:$0x502]  }
0x322: {  	[smem:$0x556] =	sst s2  }
0x323: {  	s2 =	sld [smem:$0x503];
	_ =	sdelay $0x2  }
0x324: {  	s1 =	sadd.s32 s2, s1;
	s2 =	sld [smem:$0x505]  }
0x325: {  	[smem:$0x5CA] =	sst s1  }
0x326: {  	(v2sf) =	vpush v10, $0xF;
	s0 =	sshra.s32 s0, $0x1F;
	s1 =	sld [smem:$0x504]  }
0x327: {  	s0 =	smul.u32 $0x10624DD3, s0;
	_ =	sdelay $0x1  }
0x328: {  	[smem:$0x557] =	sst s0;
	s0 =	spop (v2sf);
	s1 =	sadd.s32 s2, s1  }
0x329: {  	s2 =	smulhi.u32 $0x10624DD3, s0;
	[smem:$0x5CC] =	sst s1  }
0x32a: {  	s1 =	sld [smem:$0x506]  }
0x32b: {  	[smem:$0x558] =	sst s2  }
0x32c: {  	s2 =	sld [smem:$0x507];
	_ =	sdelay $0x2  }
0x32d: {  	s1 =	sadd.s32 s2, s1;
	s2 =	sld [smem:$0x509]  }
0x32e: {  	[smem:$0x5CD] =	sst s1  }
0x32f: {  	(v2sf) =	vpush v10, $0x9;
	s0 =	sshra.s32 s0, $0x1F;
	s1 =	sld [smem:$0x508]  }
0x330: {  	s0 =	smul.u32 $0x10624DD3, s0;
	_ =	sdelay $0x1  }
0x331: {  	[smem:$0x559] =	sst s0;
	s0 =	spop (v2sf);
	s1 =	sadd.s32 s2, s1  }
0x332: {  	s2 =	smulhi.u32 $0x10624DD3, s0;
	[smem:$0x5CE] =	sst s1  }
0x333: {  	s1 =	sld [smem:$0x50A]  }
0x334: {  	[smem:$0x55A] =	sst s2  }
0x335: {  	s2 =	sld [smem:$0x50B];
	_ =	sdelay $0x2  }
0x336: {  	s1 =	sadd.s32 s2, s1;
	s2 =	sld [smem:$0x50D]  }
0x337: {  	[smem:$0x5CF] =	sst s1  }
0x338: {  	(v2sf) =	vpush v10, $0x8;
	s0 =	sshra.s32 s0, $0x1F;
	s1 =	sld [smem:$0x50C]  }
0x339: {  	s0 =	smul.u32 $0x10624DD3, s0;
	_ =	sdelay $0x1  }
0x33a: {  	[smem:$0x55B] =	sst s0;
	s0 =	spop (v2sf);
	s1 =	sadd.s32 s2, s1  }
0x33b: {  	s2 =	smulhi.u32 $0x10624DD3, s0;
	[smem:$0x5D0] =	sst s1  }
0x33c: {  	s1 =	sld [smem:$0x50E]  }
0x33d: {  	[smem:$0x55C] =	sst s2  }
0x33e: {  	s2 =	sld [smem:$0x50F];
	_ =	sdelay $0x2  }
0x33f: {  	s1 =	sadd.s32 s2, s1;
	s2 =	sld [smem:$0x511]  }
0x340: {  	[smem:$0x5C6] =	sst s1  }
0x341: {  	(v2sf) =	vpush v10, $0xA;
	s0 =	sshra.s32 s0, $0x1F;
	s1 =	sld [smem:$0x510]  }
0x342: {  	s0 =	smul.u32 $0x10624DD3, s0;
	_ =	sdelay $0x1  }
0x343: {  	[smem:$0x55D] =	sst s0;
	s0 =	spop (v2sf);
	s1 =	sadd.s32 s2, s1  }
0x344: {  	s2 =	smulhi.u32 $0x10624DD3, s0;
	[smem:$0x5D1] =	sst s1  }
0x345: {  	s1 =	sld [smem:$0x512]  }
0x346: {  	[smem:$0x55E] =	sst s2  }
0x347: {  	s2 =	sld [smem:$0x513];
	_ =	sdelay $0x2  }
0x348: {  	s1 =	sadd.s32 s2, s1;
	s2 =	sld [smem:$0x515]  }
0x349: {  	[smem:$0x5D2] =	sst s1  }
0x34a: {  	(v2sf) =	vpush v10, $0xB;
	s0 =	sshra.s32 s0, $0x1F;
	s1 =	sld [smem:$0x514]  }
0x34b: {  	s0 =	smul.u32 $0x10624DD3, s0;
	_ =	sdelay $0x1  }
0x34c: {  	[smem:$0x55F] =	sst s0;
	s0 =	spop (v2sf);
	s1 =	sadd.s32 s2, s1  }
0x34d: {  	s2 =	smulhi.u32 $0x10624DD3, s0;
	[smem:$0x5D3] =	sst s1  }
0x34e: {  	s1 =	sld [smem:$0x516]  }
0x34f: {  	[smem:$0x560] =	sst s2  }
0x350: {  	s2 =	sld [smem:$0x517];
	_ =	sdelay $0x2  }
0x351: {  	s1 =	sadd.s32 s2, s1;
	s2 =	sld [smem:$0x519]  }
0x352: {  	[smem:$0x5D4] =	sst s1  }
0x353: {  	(v2sf) =	vpush v10, $0x0;
	s0 =	sshra.s32 s0, $0x1F;
	s1 =	sld [smem:$0x518]  }
0x354: {  	s0 =	smul.u32 $0x10624DD3, s0;
	_ =	sdelay $0x1  }
0x355: {  	[smem:$0x561] =	sst s0;
	s0 =	spop (v2sf);
	s1 =	sadd.s32 s2, s1  }
0x356: {  	s2 =	smulhi.u32 $0x10624DD3, s0;
	[smem:$0x5D5] =	sst s1  }
0x357: {  	s1 =	sld [smem:$0x51A]  }
0x358: {  	[smem:$0x562] =	sst s2  }
0x359: {  	s2 =	sld [smem:$0x51B]  }
0x35a: {  	s20 =	sadd.s32 s15, s20  }
0x35b: {  	[smem:$0x5DF] =	sst s20  }
0x35c: {  	s1 =	sadd.s32 s2, s1;
	s2 =	sld [smem:$0x51D]  }
0x35d: {  	[smem:$0x5D7] =	sst s1  }
0x35e: {  	s16 =	sadd.s32 s21, s16;
	(v2sf) =	vpush v10, $0x1;
	s0 =	sshra.s32 s0, $0x1F;
	s1 =	sld [smem:$0x51C]  }
0x35f: {  	s21 =	sadd.s32 s18, s17;
	[smem:$0x5E0] =	sst s16;
	s0 =	smul.u32 $0x10624DD3, s0  }
0x360: {  	[smem:$0x5D6] =	sst s21  }
0x361: {  	[smem:$0x563] =	sst s0;
	s0 =	spop (v2sf);
	s1 =	sadd.s32 s2, s1  }
0x362: {  	s2 =	smulhi.u32 $0x10624DD3, s0;
	[smem:$0x5D9] =	sst s1  }
0x363: {  	s1 =	sld [smem:$0x51E]  }
0x364: {  	[smem:$0x564] =	sst s2  }
0x365: {  	s18 =	sadd.s32 s13, s14;
	s2 =	sld [smem:$0x51F]  }
0x366: {  	s16 =	sadd.s32 s22, s19;
	[smem:$0x5E2] =	sst s18  }
0x367: {  	[smem:$0x5E1] =	sst s16  }
0x368: {  	s1 =	sadd.s32 s2, s1;
	s2 =	sld [smem:$0x521]  }
0x369: {  	[smem:$0x5DB] =	sst s1  }
0x36a: {  	s21 =	sadd.s32 s6, s9;
	(v2sf) =	vpush v10, $0x2;
	s0 =	sshra.s32 s0, $0x1F;
	s1 =	sld [smem:$0x520]  }
0x36b: {  	[smem:$0x5E4] =	sst s21;
	s26 =	sadd.s32 s29, s26;
	s0 =	smul.u32 $0x10624DD3, s0  }
0x36c: {  	[smem:$0x5E9] =	sst s26  }
0x36d: {  	[smem:$0x565] =	sst s0;
	s0 =	spop (v2sf);
	s1 =	sadd.s32 s2, s1  }
0x36e: {  	s2 =	smulhi.u32 $0x10624DD3, s0;
	[smem:$0x5D8] =	sst s1  }
0x36f: {  	s1 =	sld [smem:$0x522]  }
0x370: {  	[smem:$0x566] =	sst s2  }
0x371: {  	s28 =	sadd.s32 s30, s28;
	s2 =	sld [smem:$0x523]  }
0x372: {  	[smem:$0x5EB] =	sst s28  }
0x373: {  	s30 =	sld [smem:$0x52A]  }
0x374: {  	s1 =	sadd.s32 s2, s1;
	s2 =	sld [smem:$0x525]  }
0x375: {  	[smem:$0x5DA] =	sst s1  }
0x376: {  	s5 =	sadd.s32 s8, s5;
	(v2sf) =	vpush v10, $0x3;
	s0 =	sshra.s32 s0, $0x1F;
	s1 =	sld [smem:$0x524]  }
0x377: {  	[smem:$0x5EA] =	sst s5;
	s12 =	sadd.s32 s12, s4;
	s0 =	smul.u32 $0x10624DD3, s0  }
0x378: {  	[smem:$0x5EC] =	sst s12  }
0x379: {  	[smem:$0x567] =	sst s0;
	s0 =	spop (v2sf);
	s1 =	sadd.s32 s2, s1  }
0x37a: {  	(v2sf) =	vpush v10, $0x4;
	s2 =	smulhi.u32 $0x10624DD3, s0;
	[smem:$0x5DC] =	sst s1  }
0x37b: {  	(v2sf) =	vpush v10, $0x5;
	s1 =	sld [smem:$0x526]  }
0x37c: {  	[smem:$0x568] =	sst s2  }
0x37d: {  	s2 =	sld [smem:$0x527]  }
0x37e: {  	s14 =	sld [smem:$0x52B]  }
0x37f: {  	v11 =	vld [tilespmem:$0xD0];
	s18 =	sld [smem:$0x52D]  }
0x380: {  	(v2sf) =	vpush v10, $0x6;
	s1 =	sadd.s32 s2, s1;
	s2 =	sld [smem:$0x529]  }
0x381: {  	[smem:$0x5DD] =	sst s1  }
0x382: {  	(v2sf) =	vpush v10, $0x7;
	s0 =	sshra.s32 s0, $0x1F;
	s1 =	sld [smem:$0x528]  }
0x383: {  	s26 =	sld [smem:$0x533];
	s0 =	smul.u32 $0x10624DD3, s0  }
0x384: {  	s12 =	sld [smem:$0x537];
	(v2sf) =	vpush v11, $0xD  }
0x385: {  	[smem:$0x569] =	sst s0;
	s0 =	spop (v2sf);
	s1 =	sadd.s32 s2, s1  }
0x386: {  	(v2sf) =	vpush v11, $0xC;
	s2 =	smulhi.u32 $0x10624DD3, s0;
	[smem:$0x5DE] =	sst s1  }
0x387: {  	s0 =	sshra.s32 s0, $0x1F;
	s1 =	sadd.s32 s30, s31;
	s30 =	sld [smem:$0x535]  }
0x388: {  	s15 =	smul.u32 $0x10624DD3, s0;
	[smem:$0x56A] =	sst s2  }
0x389: {  	s2 =	spop (v2sf);
	[smem:$0x5E7] =	sst s1;
	s1 =	sadd.s32 s14, s3  }
0x38a: {  	s20 =	smulhi.u32 $0x10624DD3, s2;
	s0 =	sshra.s32 s2, $0x1F;
	s2 =	spop (v2sf)  }
0x38b: {  	[smem:$0x5ED] =	sst s1;
	s0 =	smul.u32 $0x10624DD3, s0  }
0x38c: {  	s17 =	smulhi.u32 $0x10624DD3, s2;
	[smem:$0x56B] =	sst s20  }
0x38d: {  	[smem:$0x56C] =	sst s0  }
0x38e: {  	s20 =	sadd.s32 s23, s7;
	[smem:$0x56D] =	sst s17  }
0x38f: {  	s19 =	spop (v2sf);
	s23 =	sadd.s32 s24, s10;
	[smem:$0x5E3] =	sst s20  }
0x390: {  	s7 =	smulhi.u32 $0x10624DD3, s19;
	s24 =	sadd.s32 s25, s11;
	[smem:$0x5E6] =	sst s23  }
0x391: {  	s22 =	spop (v2sf);
	[smem:$0x5E8] =	sst s24  }
0x392: {  	s6 =	smulhi.u32 $0x10624DD3, s22;
	s17 =	sld [smem:$0x52C]  }
0x393: {  	s0 =	sshra.s32 s2, $0x1F;
	s25 =	spop (v2sf);
	s20 =	sld [smem:$0x52F]  }
0x394: {  	(v2sf) =	vpush v11, $0xE;
	s23 =	sld [smem:$0x531];
	s13 =	smul.u32 $0x10624DD3, s0  }
0x395: {  	s0 =	sshra.s32 s19, $0x1F;
	s11 =	smulhi.u32 $0x10624DD3, s25;
	s29 =	spop (v2sf)  }
0x396: {  	(v2sf) =	vpush v11, $0xF;
	s19 =	sld [smem:$0x52E];
	s9 =	smul.u32 $0x10624DD3, s0  }
0x397: {  	s0 =	sshra.s32 s22, $0x1F;
	s2 =	smulhi.u32 $0x10624DD3, s29;
	s22 =	sld [smem:$0x530]  }
0x398: {  	s10 =	smul.u32 $0x10624DD3, s0;
	s0 =	sshra.s32 s25, $0x1F;
	s25 =	sld [smem:$0x532]  }
0x399: {  	s1 =	sadd.s32 s18, s17;
	s17 =	sld [smem:$0x539]  }
0x39a: {  	[smem:$0x56F] =	sst s2  }
0x39b: {  	[smem:$0x5EE] =	sst s1  }
0x39c: {  	s2 =	sld [smem:$0x536]  }
0x39d: {  	s1 =	sadd.s32 s20, s19;
	s19 =	sld [smem:$0x53A]  }
0x39e: {  	s20 =	sld [smem:$0x53B]  }
0x39f: {  	[smem:$0x5EF] =	sst s1  }
0x3a0: {  	s0 =	smul.u32 $0x10624DD3, s0;
	s1 =	sadd.s32 s23, s22;
	s22 =	sld [smem:$0x53C]  }
0x3a1: {  	s23 =	sld [smem:$0x53D]  }
0x3a2: {  	[smem:$0x56E] =	sst s0  }
0x3a3: {  	s8 =	spop (v2sf);
	[smem:$0x5F0] =	sst s1  }
0x3a4: {  	s4 =	smulhi.u32 $0x10624DD3, s8;
	s0 =	sshra.s32 s29, $0x1F;
	s29 =	sld [smem:$0x534]  }
0x3a5: {  	s16 =	spop (v2sf);
	s1 =	sadd.s32 s26, s25;
	s25 =	sld [smem:$0x53E]  }
0x3a6: {  	(v2sf) =	vpush v11, $0x9;
	s3 =	smulhi.u32 $0x10624DD3, s16;
	s26 =	sld [smem:$0x53F]  }
0x3a7: {  	s5 =	smul.u32 $0x10624DD3, s0;
	s0 =	sshra.s32 s8, $0x1F;
	[smem:$0x5E5] =	sst s1  }
0x3a8: {  	s8 =	smul.u32 $0x10624DD3, s0;
	s0 =	sshra.s32 s16, $0x1F;
	s16 =	sld [smem:$0x538]  }
0x3a9: {  	s1 =	sadd.s32 s30, s29;
	s29 =	sld [smem:$0x540]  }
0x3aa: {  	(v2sf) =	vpush v11, $0x8;
	s30 =	sld [smem:$0x541]  }
0x3ab: {  	[smem:$0x5F1] =	sst s1  }
0x3ac: {  	s0 =	smul.u32 $0x10624DD3, s0;
	s1 =	sadd.s32 s12, s2;
	s2 =	sld [smem:$0x542]  }
0x3ad: {  	s12 =	sld [smem:$0x543]  }
0x3ae: {  	(v2sf) =	vpush v11, $0xA;
	[smem:$0x570] =	sst s0  }
0x3af: {  	[smem:$0x5F2] =	sst s1  }
0x3b0: {  	s1 =	sadd.s32 s17, s16;
	s16 =	sld [smem:$0x544]  }
0x3b1: {  	(v2sf) =	vpush v11, $0xB;
	s17 =	sld [smem:$0x545]  }
0x3b2: {  	[smem:$0x5F3] =	sst s1  }
0x3b3: {  	s1 =	sadd.s32 s20, s19;
	s19 =	sld [smem:$0x546]  }
0x3b4: {  	(v2sf) =	vpush v11, $0x0;
	s20 =	sld [smem:$0x547]  }
0x3b5: {  	s21 =	spop (v2sf);
	[smem:$0x5F4] =	sst s1  }
0x3b6: {  	s24 =	smulhi.u32 $0x10624DD3, s21;
	s1 =	sadd.s32 s23, s22;
	s22 =	sld [smem:$0x548]  }
0x3b7: {  	s23 =	sld [smem:$0x549]  }
0x3b8: {  	[smem:$0x571] =	sst s24  }
0x3b9: {  	s0 =	sshra.s32 s21, $0x1F;
	s28 =	spop (v2sf);
	[smem:$0x5F5] =	sst s1  }
0x3ba: {  	(v2sf) =	vpush v11, $0x1;
	s0 =	smul.u32 $0x10624DD3, s0;
	s1 =	sadd.s32 s26, s25;
	s25 =	sld [smem:$0x54A]  }
0x3bb: {  	s31 =	smulhi.u32 $0x10624DD3, s28;
	s26 =	sld [smem:$0x54B]  }
0x3bc: {  	[smem:$0x572] =	sst s0  }
0x3bd: {  	s14 =	spop (v2sf);
	[smem:$0x573] =	sst s31  }
0x3be: {  	s18 =	smulhi.u32 $0x10624DD3, s14;
	[smem:$0x5F6] =	sst s1  }
0x3bf: {  	s1 =	sadd.s32 s30, s29;
	s30 =	sld [smem:$0x54C]  }
0x3c0: {  	s21 =	spop (v2sf);
	[smem:$0x575] =	sst s18  }
0x3c1: {  	(v2sf) =	vpush v11, $0x2;
	s24 =	smulhi.u32 $0x10624DD3, s21;
	[smem:$0x5F7] =	sst s1  }
0x3c2: {  	s1 =	sadd.s32 s12, s2;
	s12 =	sld [smem:$0x54E]  }
0x3c3: {  	(v2sf) =	vpush v11, $0x3;
	s0 =	sshra.s32 s28, $0x1F;
	s28 =	spop (v2sf);
	[smem:$0x577] =	sst s24  }
0x3c4: {  	s0 =	smul.u32 $0x10624DD3, s0;
	[smem:$0x5FA] =	sst s1  }
0x3c5: {  	(v2sf) =	vpush v11, $0x4;
	s31 =	smulhi.u32 $0x10624DD3, s28;
	s1 =	sadd.s32 s17, s16;
	s17 =	sld [smem:$0x550]  }
0x3c6: {  	[smem:$0x574] =	sst s0  }
0x3c7: {  	[smem:$0x579] =	sst s31  }
0x3c8: {  	s0 =	sshra.s32 s14, $0x1F;
	[smem:$0x5F9] =	sst s1  }
0x3c9: {  	s14 =	spop (v2sf);
	s1 =	sadd.s32 s20, s19;
	s31 =	sld [smem:$0x54D]  }
0x3ca: {  	s0 =	smul.u32 $0x10624DD3, s0;
	[smem:$0x5FB] =	sst s1;
	s1 =	sadd.s32 s23, s22  }
0x3cb: {  	s18 =	smulhi.u32 $0x10624DD3, s14;
	[smem:$0x5FC] =	sst s1  }
0x3cc: {  	[smem:$0x576] =	sst s0  }
0x3cd: {  	s1 =	sadd.s32 s26, s25;
	[smem:$0x57B] =	sst s18  }
0x3ce: {  	s0 =	sshra.s32 s21, $0x1F;
	[smem:$0x5FD] =	sst s1  }
0x3cf: {  	s1 =	sadd.s32 s31, s30;
	s18 =	sld [smem:$0x551];
	s0 =	smul.u32 $0x10624DD3, s0  }
0x3d0: {  	s21 =	spop (v2sf);
	[smem:$0x5FE] =	sst s1  }
0x3d1: {  	s24 =	smulhi.u32 $0x10624DD3, s21;
	[smem:$0x578] =	sst s0;
	s0 =	sshra.s32 s28, $0x1F  }
0x3d2: {  	s28 =	spop (v2sf);
	s0 =	smul.u32 $0x10624DD3, s0  }
0x3d3: {  	[smem:$0x57D] =	sst s24;
	s2 =	smulhi.u32 $0x10624DD3, s28  }
0x3d4: {  	v13 =	vld [tilespmem:$0xE0];
	s16 =	spop (v2sf);
	[smem:$0x57A] =	sst s0  }
0x3d5: {  	s0 =	sshra.s32 s14, $0x1F;
	[smem:$0x57E] =	sst s2;
	s19 =	smulhi.u32 $0x10624DD3, s16  }
0x3d6: {  	(v2sf) =	vpush v11, $0x5;
	s14 =	sld [smem:$0x54F];
	s0 =	smul.u32 $0x10624DD3, s0  }
0x3d7: {  	(v2sf) =	vpush v11, $0x6;
	[smem:$0x580] =	sst s19  }
0x3d8: {  	(v2sf) =	vpush v11, $0x7;
	[smem:$0x57C] =	sst s0;
	s0 =	sshra.s32 s21, $0x1F  }
0x3d9: {  	(v2sf) =	vpush v13, $0xD;
	s1 =	sadd.s32 s14, s12;
	s29 =	smul.u32 $0x10624DD3, s0;
	s0 =	sshra.s32 s28, $0x1F  }
0x3da: {  	(v2sf) =	vpush v13, $0xC;
	[smem:$0x5FF] =	sst s1;
	s1 =	sadd.s32 s18, s17;
	s0 =	smul.u32 $0x10624DD3, s0  }
0x3db: {  	(v2sf) =	vpush v13, $0xE;
	[smem:$0x600] =	sst s1  }
0x3dc: {  	(v2sf) =	vpush v13, $0xF;
	[smem:$0x57F] =	sst s0  }
0x3dd: {  	(v2sf) =	vpush v13, $0x9  }
0x3de: {  	s20 =	sld [smem:$0x552]  }
0x3df: {  	s21 =	sld [smem:$0x553]  }
0x3e0: {  	s23 =	sld [smem:$0x554]  }
0x3e1: {  	s24 =	sld [smem:$0x555]  }
0x3e2: {  	s25 =	sld [smem:$0x556]  }
0x3e3: {  	s30 =	sld [smem:$0x557]  }
0x3e4: {  	s12 =	sld [smem:$0x558]  }
0x3e5: {  	s14 =	sld [smem:$0x559]  }
0x3e6: {  	s0 =	sshra.s32 s16, $0x1F;
	s16 =	sld [smem:$0x55A]  }
0x3e7: {  	s17 =	sld [smem:$0x55B]  }
0x3e8: {  	s19 =	sld [smem:$0x55C]  }
0x3e9: {  	s2 =	sld [smem:$0x560]  }
0x3ea: {  	s1 =	sadd.s32 s21, s20;
	s20 =	sld [smem:$0x55D]  }
0x3eb: {  	s21 =	sld [smem:$0x55E]  }
0x3ec: {  	s26 =	smul.u32 $0x10624DD3, s0;
	[smem:$0x5F8] =	sst s1;
	s1 =	sadd.s32 s24, s23  }
0x3ed: {  	s22 =	spop (v2sf);
	[smem:$0x601] =	sst s1  }
0x3ee: {  	s28 =	smulhi.u32 $0x10624DD3, s22;
	s1 =	sadd.s32 s30, s25;
	s30 =	sld [smem:$0x55F]  }
0x3ef: {  	s0 =	sshra.s32 s22, $0x1F;
	s31 =	spop (v2sf);
	[smem:$0x602] =	sst s1  }
0x3f0: {  	s24 =	smul.u32 $0x10624DD3, s0;
	s1 =	sadd.s32 s14, s12;
	s12 =	sld [smem:$0x561]  }
0x3f1: {  	s0 =	sshra.s32 s31, $0x1F;
	s25 =	smulhi.u32 $0x10624DD3, s31;
	s14 =	sld [smem:$0x562]  }
0x3f2: {  	s22 =	smul.u32 $0x10624DD3, s0;
	[smem:$0x603] =	sst s1  }
0x3f3: {  	s24 =	sadd.s32 s24, s28;
	s1 =	sadd.s32 s17, s16;
	s16 =	sld [smem:$0x563]  }
0x3f4: {  	[smem:$0x61E] =	sst s24  }
0x3f5: {  	s22 =	sadd.s32 s22, s25;
	[smem:$0x604] =	sst s1  }
0x3f6: {  	s18 =	spop (v2sf);
	s1 =	sadd.s32 s20, s19;
	[smem:$0x61F] =	sst s22  }
0x3f7: {  	s0 =	sshra.s32 s18, $0x1F;
	s31 =	spop (v2sf);
	[smem:$0x605] =	sst s1  }
0x3f8: {  	s20 =	smul.u32 $0x10624DD3, s0;
	s1 =	sadd.s32 s30, s21;
	s30 =	sld [smem:$0x564]  }
0x3f9: {  	s0 =	sshra.s32 s31, $0x1F;
	s21 =	smulhi.u32 $0x10624DD3, s31;
	s31 =	sld [smem:$0x565]  }
0x3fa: {  	[smem:$0x606] =	sst s1  }
0x3fb: {  	s1 =	sadd.s32 s12, s2;
	s2 =	sld [smem:$0x566]  }
0x3fc: {  	s12 =	sld [smem:$0x567]  }
0x3fd: {  	s23 =	smulhi.u32 $0x10624DD3, s18;
	[smem:$0x608] =	sst s1;
	s1 =	sadd.s32 s16, s14  }
0x3fe: {  	s18 =	smul.u32 $0x10624DD3, s0;
	[smem:$0x60A] =	sst s1  }
0x3ff: {  	s1 =	sadd.s32 s31, s30;
	s30 =	sld [smem:$0x568]  }
0x400: {  	s18 =	sadd.s32 s18, s21;
	s31 =	sld [smem:$0x569]  }
0x401: {  	s17 =	spop (v2sf);
	[smem:$0x620] =	sst s18  }
0x402: {  	(v2sf) =	vpush v13, $0x8;
	s19 =	smulhi.u32 $0x10624DD3, s17;
	s0 =	sshra.s32 s17, $0x1F;
	[smem:$0x609] =	sst s1  }
0x403: {  	s16 =	smul.u32 $0x10624DD3, s0;
	s1 =	sadd.s32 s12, s2;
	s2 =	sld [smem:$0x56A]  }
0x404: {  	s14 =	spop (v2sf);
	[smem:$0x60B] =	sst s1  }
0x405: {  	(v2sf) =	vpush v13, $0xA;
	s17 =	smulhi.u32 $0x10624DD3, s14;
	s1 =	sadd.s32 s31, s30;
	s30 =	sld [smem:$0x56B]  }
0x406: {  	s0 =	sshra.s32 s14, $0x1F;
	s12 =	spop (v2sf);
	s31 =	sld [smem:$0x56C]  }
0x407: {  	s14 =	smul.u32 $0x10624DD3, s0;
	s0 =	sshra.s32 s12, $0x1F;
	[smem:$0x60C] =	sst s1  }
0x408: {  	s1 =	sadd.s32 s15, s2;
	s15 =	smulhi.u32 $0x10624DD3, s12;
	s12 =	sld [smem:$0x56D]  }
0x409: {  	(v2sf) =	vpush v13, $0xB;
	s2 =	sadd.s32 s10, s6;
	[smem:$0x60D] =	sst s1  }
0x40a: {  	[smem:$0x607] =	sst s2  }
0x40b: {  	(v2sf) =	vpush v13, $0x0;
	s2 =	sld [smem:$0x570]  }
0x40c: {  	s1 =	sadd.s32 s31, s30;
	s31 =	sadd.s32 s9, s7;
	s7 =	sld [smem:$0x56E]  }
0x40d: {  	s9 =	sld [smem:$0x56F]  }
0x40e: {  	s30 =	spop (v2sf);
	[smem:$0x60E] =	sst s1  }
0x40f: {  	s1 =	sadd.s32 s13, s12;
	s12 =	smul.u32 $0x10624DD3, s0;
	[smem:$0x610] =	sst s31  }
0x410: {  	s13 =	smulhi.u32 $0x10624DD3, s30;
	s31 =	sadd.s32 s8, s4;
	[smem:$0x60F] =	sst s1  }
0x411: {  	s0 =	sshra.s32 s30, $0x1F;
	s6 =	spop (v2sf);
	[smem:$0x613] =	sst s31  }
0x412: {  	s10 =	smul.u32 $0x10624DD3, s0;
	s0 =	sshra.s32 s6, $0x1F;
	s31 =	sld [smem:$0x574]  }
0x413: {  	s1 =	sadd.s32 s7, s11;
	s11 =	smulhi.u32 $0x10624DD3, s6;
	s6 =	sld [smem:$0x572]  }
0x414: {  	s30 =	spop (v2sf);
	[smem:$0x611] =	sst s1  }
0x415: {  	s8 =	smulhi.u32 $0x10624DD3, s30;
	s1 =	sadd.s32 s5, s9;
	s5 =	sld [smem:$0x571]  }
0x416: {  	s9 =	smul.u32 $0x10624DD3, s0;
	s0 =	sshra.s32 s30, $0x1F;
	s30 =	sld [smem:$0x573]  }
0x417: {  	[smem:$0x612] =	sst s1  }
0x418: {  	s4 =	spop (v2sf);
	s1 =	sadd.s32 s2, s3;
	s2 =	sld [smem:$0x577]  }
0x419: {  	s7 =	smul.u32 $0x10624DD3, s0;
	[smem:$0x614] =	sst s1;
	s1 =	sadd.s32 s6, s5  }
0x41a: {  	s0 =	sshra.s32 s4, $0x1F;
	s3 =	spop (v2sf);
	[smem:$0x615] =	sst s1  }
0x41b: {  	s6 =	smulhi.u32 $0x10624DD3, s4;
	s1 =	sadd.s32 s31, s30;
	s30 =	sld [smem:$0x575]  }
0x41c: {  	s5 =	smul.u32 $0x10624DD3, s0;
	s31 =	sld [smem:$0x576]  }
0x41d: {  	(v2sf) =	vpush v13, $0x1;
	s4 =	smulhi.u32 $0x10624DD3, s3;
	s0 =	sshra.s32 s3, $0x1F;
	s3 =	sld [smem:$0x578]  }
0x41e: {  	[smem:$0x616] =	sst s1  }
0x41f: {  	s1 =	sadd.s32 s31, s30;
	s30 =	sld [smem:$0x579]  }
0x420: {  	(v2sf) =	vpush v13, $0x2;
	s31 =	sld [smem:$0x57A]  }
0x421: {  	[smem:$0x617] =	sst s1;
	s1 =	sadd.s32 s3, s2  }
0x422: {  	(v2sf) =	vpush v13, $0x3;
	[smem:$0x618] =	sst s1  }
0x423: {  	(v2sf) =	vpush v13, $0x4;
	s1 =	sadd.s32 s31, s30;
	s30 =	sld [smem:$0x57C]  }
0x424: {  	[smem:$0x619] =	sst s1  }
0x425: {  	s16 =	sadd.s32 s16, s19;
	s1 =	sld [smem:$0x57B]  }
0x426: {  	[smem:$0x621] =	sst s16;
	(v2sf) =	vpush v13, $0x5;
	s12 =	sadd.s32 s12, s15  }
0x427: {  	v12 =	vld [tilespmem:$0xF0];
	[smem:$0x622] =	sst s12  }
0x428: {  	s10 =	sadd.s32 s10, s13;
	s1 =	sadd.s32 s30, s1;
	s30 =	sld [smem:$0x57D]  }
0x429: {  	(v2sf) =	vpush v13, $0x6;
	[smem:$0x623] =	sst s10;
	s9 =	sadd.s32 s9, s11  }
0x42a: {  	(v2sf) =	vpush v13, $0x7;
	[smem:$0x624] =	sst s9  }
0x42b: {  	s3 =	smul.u32 $0x10624DD3, s0;
	s31 =	sadd.s32 s29, s30;
	s29 =	sld [smem:$0x57E]  }
0x42c: {  	(v2sf) =	vpush v12, $0xD;
	s7 =	sadd.s32 s7, s8;
	s0 =	spop (v2sf);
	s30 =	sld [smem:$0x57F]  }
0x42d: {  	[smem:$0x625] =	sst s7;
	s2 =	smulhi.u32 $0x10624DD3, s0;
	s0 =	sshra.s32 s0, $0x1F  }
0x42e: {  	(v2sf) =	vpush v12, $0xC;
	[smem:$0x61A] =	sst s1;
	s1 =	smul.u32 $0x10624DD3, s0  }
0x42f: {  	s0 =	spop (v2sf);
	s29 =	sadd.s32 s30, s29;
	s30 =	sld [smem:$0x580]  }
0x430: {  	[smem:$0x61B] =	sst s31;
	s31 =	smulhi.u32 $0x10624DD3, s0  }
0x431: {  	(v2sf) =	vpush v12, $0xE;
	s0 =	sshra.s32 s0, $0x1F;
	[smem:$0x61C] =	sst s29;
	s29 =	spop (v2sf)  }
0x432: {  	s0 =	smul.u32 $0x10624DD3, s0;
	s26 =	sadd.s32 s26, s30;
	s30 =	spop (v2sf)  }
0x433: {  	s5 =	sadd.s32 s5, s6;
	[smem:$0x61D] =	sst s26;
	s26 =	smulhi.u32 $0x10624DD3, s29  }
0x434: {  	[smem:$0x626] =	sst s5;
	s29 =	sshra.s32 s29, $0x1F;
	s22 =	smulhi.u32 $0x10624DD3, s30  }
0x435: {  	s0 =	sadd.s32 s0, s31;
	s25 =	spop (v2sf);
	s24 =	smul.u32 $0x10624DD3, s29  }
0x436: {  	[smem:$0x627] =	sst s0;
	s29 =	sshra.s32 s30, $0x1F;
	s18 =	smulhi.u32 $0x10624DD3, s25  }
0x437: {  	s30 =	sadd.s32 s20, s23;
	s28 =	sshra.s32 s25, $0x1F;
	s20 =	smul.u32 $0x10624DD3, s29  }
0x438: {  	s23 =	sadd.s32 s14, s17;
	s16 =	smul.u32 $0x10624DD3, s28;
	s29 =	spop (v2sf)  }
0x439: {  	s14 =	smulhi.u32 $0x10624DD3, s29;
	s19 =	sshra.s32 s29, $0x1F;
	s21 =	spop (v2sf)  }
0x43a: {  	s31 =	sadd.s32 s24, s26;
	s24 =	sld [smem:$0x587];
	s12 =	smul.u32 $0x10624DD3, s19  }
0x43b: {  	s10 =	smulhi.u32 $0x10624DD3, s21;
	s25 =	sshra.s32 s21, $0x1F;
	s28 =	spop (v2sf)  }
0x43c: {  	[smem:$0x628] =	sst s31;
	s6 =	sadd.s32 s20, s22;
	s9 =	smul.u32 $0x10624DD3, s25  }
0x43d: {  	s7 =	smulhi.u32 $0x10624DD3, s28;
	s29 =	sshra.s32 s28, $0x1F;
	s11 =	spop (v2sf)  }
0x43e: {  	s25 =	sadd.s32 s3, s4;
	[smem:$0x629] =	sst s6;
	s5 =	smul.u32 $0x10624DD3, s29  }
0x43f: {  	s13 =	smulhi.u32 $0x10624DD3, s11;
	s8 =	sadd.s32 s12, s14;
	s12 =	sld [smem:$0x583]  }
0x440: {  	s15 =	sshra.s32 s11, $0x1F;
	s19 =	spop (v2sf);
	[smem:$0x62A] =	sst s8  }
0x441: {  	s17 =	smul.u32 $0x10624DD3, s15;
	s31 =	sadd.s32 s9, s10;
	s10 =	sld [smem:$0x581]  }
0x442: {  	s28 =	sadd.s32 s1, s2;
	s21 =	smulhi.u32 $0x10624DD3, s19;
	s15 =	sld [smem:$0x584]  }
0x443: {  	s2 =	sshra.s32 s19, $0x1F;
	s19 =	sld [smem:$0x585];
	s9 =	sadd.s32 s5, s7  }
0x444: {  	s29 =	sadd.s32 s16, s18;
	s26 =	sshra.s32 s24, $0x6;
	[smem:$0x62B] =	sst s9  }
0x445: {  	s2 =	smul.u32 $0x10624DD3, s2;
	s1 =	sadd.s32 s17, s13;
	s13 =	sld [smem:$0x582]  }
0x446: {  	s14 =	sshrl.u32 s12, $0x1F;
	s4 =	sshra.s32 s12, $0x6;
	s12 =	sld [smem:$0x589]  }
0x447: {  	s9 =	sshrl.u32 s24, $0x1F;
	[smem:$0x62C] =	sst s1;
	s0 =	sadd.s32 s2, s21  }
0x448: {  	s3 =	sshrl.u32 s10, $0x1F;
	s16 =	sshra.s32 s15, $0x6;
	s21 =	sld [smem:$0x586]  }
0x449: {  	s20 =	sshrl.u32 s19, $0x1F;
	s1 =	sshra.s32 s19, $0x6;
	s19 =	sld [smem:$0x58B]  }
0x44a: {  	s17 =	sshrl.u32 s15, $0x1F;
	s18 =	sshra.s32 s15, $0x1F;
	[smem:$0x62D] =	sst s0  }
0x44b: {  	s0 =	sshra.s32 s10, $0x6;
	v34 =	vmov s17;
	s10 =	sshra.s32 s24, $0x1F;
	s17 =	sld [smem:$0x58A]  }
0x44c: {  	v33 =	vmov s14;
	s24 =	sld [smem:$0x58C];
	s11 =	sshra.s32 s13, $0x1F;
	s14 =	sshra.s32 s12, $0x6  }
0x44d: {  	v14 =	vsel vm0, s3, v33;
	v15 =	vnsel vm3, $0x0, v34;
	s15 =	sshrl.u32 s12, $0x1F;
	v0 =	vmov s11;
	s22 =	sshrl.u32 s21, $0x1F;
	s2 =	sshra.s32 s21, $0x6  }
0x44e: {  	v14 =	vsel vm1, s20, v14;
	s11 =	sld [smem:$0x588];
	v15 =	vsel vm0, s9, v15;
	s20 =	sshrl.u32 s19, $0x1F;
	s21 =	sshra.s32 s19, $0x6;
	v0 =	vsel vm3, s16, v0  }
0x44f: {  	s16 =	sshra.s32 s12, $0x1F;
	v35 =	vsel vm1, s15, v15;
	s5 =	sshra.s32 s17, $0x6;
	s15 =	sld [smem:$0x58E];
	v0 =	vsel vm9, s18, v0  }
0x450: {  	v42 =	vsel vm2, s22, v14;
	s22 =	sshra.s32 s19, $0x1F;
	s6 =	sshra.s32 s24, $0x6;
	s19 =	sld [smem:$0x58F];
	v0 =	vsel vm0, s26, v0  }
0x451: {  	s18 =	sshrl.u32 s17, $0x1F;
	s3 =	sshrl.u32 s11, $0x1F;
	s8 =	sshra.s32 s11, $0x6;
	v0 =	vsel vm10, s10, v0  }
0x452: {  	v36 =	vmov s18;
	s26 =	sshrl.u32 s24, $0x1F;
	s11 =	sld [smem:$0x58D];
	s24 =	sshrl.u32 s13, $0x1F;
	v0 =	vsel vm1, s14, v0  }
0x453: {  	v14 =	vsel vm2, s20, v35;
	v15 =	vsel vm0, s3, v36;
	s20 =	sshrl.u32 s19, $0x1F;
	s7 =	sshra.s32 s19, $0x6;
	s19 =	sld [smem:$0x593];
	v0 =	vsel vm11, s16, v0  }
0x454: {  	s10 =	sshra.s32 s15, $0x1F;
	v15 =	vsel vm1, s26, v15;
	s26 =	sshra.s32 s15, $0x6;
	v0 =	vsel vm2, s21, v0;
	s21 =	sld [smem:$0x590]  }
0x455: {  	s14 =	sshrl.u32 s11, $0x1F;
	s16 =	sshrl.u32 s15, $0x1F;
	s17 =	sshra.s32 s11, $0x6  }
0x456: {  	v37 =	vmov s4;
	s18 =	sshra.s32 s11, $0x1F;
	s15 =	sld [smem:$0x591];
	v14 =	vsel vm4, s14, v14;
	s14 =	sshra.s32 s13, $0x6;
	v0 =	vsel vm12, s22, v0  }
0x457: {  	v52 =	vsel vm2, s20, v15;
	s20 =	sshrl.u32 s19, $0x1F;
	v14 =	vsel vm5, s16, v14;
	v0 =	vsel vm4, s17, v0;
	s17 =	sld [smem:$0x592];
	s22 =	sshrl.u32 s21, $0x1F  }
0x458: {  	v38 =	vmov s5;
	v0 =	vsel vm13, s18, v0;
	s11 =	sshra.s32 s21, $0x6;
	s12 =	sshra.s32 s21, $0x1F;
	s21 =	sld [smem:$0x594];
	v14 =	vsel vm6, s22, v14  }
0x459: {  	s16 =	sshrl.u32 s15, $0x1F;
	v0 =	vsel vm5, s26, v0;
	s26 =	sld [smem:$0x596];
	v53 =	vsel vm7, s24, v14;
	v14 =	vsel vm0, s0, v37;
	s0 =	sshra.s32 s15, $0x6  }
0x45a: {  	v15 =	vsel vm0, s8, v38;
	v0 =	vsel vm14, s10, v0;
	s18 =	sshrl.u32 s17, $0x1F;
	s3 =	sshra.s32 s17, $0x6;
	s15 =	sld [smem:$0x595]  }
0x45b: {  	v39 =	vsel vm1, s6, v15;
	s17 =	sld [smem:$0x599];
	v14 =	vsel vm1, s1, v14;
	v0 =	vsel vm6, s11, v0;
	s1 =	sshra.s32 s19, $0x6;
	s22 =	sshrl.u32 s21, $0x1F  }
0x45c: {  	v56 =	vsel vm2, s2, v14;
	v0 =	vsel vm15, s12, v0;
	v14 =	vsel vm2, s7, v39;
	s2 =	sshra.s32 s21, $0x6;
	s7 =	sshrl.u32 s26, $0x1F;
	s12 =	sld [smem:$0x597]  }
0x45d: {  	v40 =	vmov s18;
	s11 =	sshra.s32 s26, $0x6;
	s13 =	sshra.s32 s26, $0x1F;
	s21 =	sld [smem:$0x59A]  }
0x45e: {  	s24 =	sshra.s32 s15, $0x1F;
	[tilespmem:$0x1FD20] =	vst v14;
	v55 =	vsel vm7, s14, v0;
	v14 =	vsel vm0, s16, v40;
	s14 =	sld [smem:$0x598];
	s18 =	sshrl.u32 s17, $0x1F  }
0x45f: {  	s19 =	sshra.s32 s17, $0x6;
	v0 =	vmov s24;
	v14 =	vsel vm1, s20, v14;
	s20 =	sshra.s32 s17, $0x1F;
	s17 =	sld [smem:$0x59E]  }
0x460: {  	v41 =	vmov s7;
	v0 =	vsel vm3, s11, v0;
	s4 =	sshrl.u32 s12, $0x1F;
	s5 =	sshra.s32 s12, $0x6;
	v14 =	vsel vm2, s22, v14;
	s22 =	sld [smem:$0x59C]  }
0x461: {  	v15 =	vnsel vm3, $0x0, v41;
	s11 =	sshrl.u32 s21, $0x1F;
	s26 =	sshra.s32 s21, $0x6;
	v0 =	vsel vm9, s13, v0;
	s13 =	sld [smem:$0x59B]  }
0x462: {  	v15 =	vsel vm0, s18, v15;
	s12 =	sshra.s32 s21, $0x1F;
	s16 =	sshrl.u32 s14, $0x1F;
	s8 =	sshra.s32 s14, $0x6  }
0x463: {  	v43 =	vsel vm1, s11, v15;
	s11 =	sshra.s32 s15, $0x6;
	v0 =	vsel vm0, s19, v0;
	v44 =	vmov s16;
	s18 =	sshrl.u32 s17, $0x1F;
	s19 =	sld [smem:$0x59F]  }
0x464: {  	s6 =	sshra.s32 s17, $0x6;
	s17 =	sshrl.u32 s15, $0x1F;
	v0 =	vsel vm10, s20, v0;
	v15 =	vsel vm0, s4, v44;
	s14 =	sshrl.u32 s13, $0x1F  }
0x465: {  	v46 =	vmov s8;
	s24 =	sshrl.u32 s22, $0x1F;
	v0 =	vsel vm1, s26, v0;
	s7 =	sshra.s32 s13, $0x6;
	s13 =	sld [smem:$0x59D];
	v15 =	vsel vm1, s14, v15  }
0x466: {  	[tilespmem:$0x1FD30] =	vst v14;
	s21 =	sshra.s32 s22, $0x6;
	s22 =	sshra.s32 s22, $0x1F;
	v14 =	vsel vm2, s24, v43;
	s24 =	sld [smem:$0x5A0];
	v0 =	vsel vm11, s12, v0;
	v15 =	vsel vm2, s18, v15  }
0x467: {  	s20 =	sshrl.u32 s19, $0x1F;
	v0 =	vsel vm2, s21, v0;
	s18 =	sshra.s32 s19, $0x6;
	s21 =	sld [smem:$0x5A1];
	[tilespmem:$0x1FD40] =	vst v15;
	v15 =	vsel vm0, s5, v46  }
0x468: {  	s16 =	sshrl.u32 s13, $0x1F;
	v0 =	vsel vm12, s22, v0;
	s14 =	sshra.s32 s13, $0x6;
	v47 =	vsel vm1, s7, v15;
	s7 =	sld [smem:$0x5A3]  }
0x469: {  	s19 =	sshra.s32 s19, $0x1F;
	v14 =	vsel vm4, s16, v14;
	s16 =	sshra.s32 s13, $0x1F;
	v0 =	vsel vm4, s14, v0;
	s13 =	sld [smem:$0x5A4]  }
0x46a: {  	s26 =	sshrl.u32 s24, $0x1F;
	s9 =	sshra.s32 s24, $0x1F;
	s14 =	sld [smem:$0x5A5];
	v14 =	vsel vm5, s20, v14;
	v0 =	vsel vm13, s16, v0  }
0x46b: {  	s20 =	sshra.s32 s24, $0x6;
	s22 =	sshrl.u32 s21, $0x1F;
	s24 =	sld [smem:$0x5A2];
	v14 =	vsel vm6, s26, v14;
	v0 =	vsel vm5, s18, v0  }
0x46c: {  	v45 =	vmov s3;
	s16 =	sld [smem:$0x5A6];
	v14 =	vsel vm7, s17, v14;
	v0 =	vsel vm14, s19, v0;
	s4 =	sshrl.u32 s7, $0x1F;
	s12 =	sshra.s32 s13, $0x1F  }
0x46d: {  	s15 =	sshrl.u32 s14, $0x1F;
	[tilespmem:$0x1FD70] =	vst v14;
	v14 =	vsel vm0, s0, v45;
	s0 =	sshra.s32 s21, $0x6;
	v0 =	vsel vm6, s20, v0;
	s20 =	sld [smem:$0x5A7]  }
0x46e: {  	s26 =	sshrl.u32 s24, $0x1F;
	s5 =	sshra.s32 s24, $0x6;
	s21 =	sld [smem:$0x5A8]  }
0x46f: {  	s17 =	sshra.s32 s16, $0x6;
	s18 =	sshrl.u32 s16, $0x1F;
	s24 =	sld [smem:$0x5A9];
	v14 =	vsel vm1, s1, v14  }
0x470: {  	s19 =	sshra.s32 s16, $0x1F;
	s16 =	sld [smem:$0x5AB];
	s1 =	sshra.s32 s7, $0x6;
	v0 =	vsel vm15, s9, v0;
	v14 =	vsel vm2, s2, v14  }
0x471: {  	v48 =	vmov s12;
	v49 =	vmov s26;
	s2 =	sshra.s32 s14, $0x6;
	v0 =	vsel vm7, s11, v0;
	s14 =	sld [smem:$0x5AA];
	[tilespmem:$0x1FD50] =	vst v14;
	s8 =	sshrl.u32 s20, $0x1F  }
0x472: {  	v50 =	vmov s18;
	v14 =	vsel vm2, s6, v47;
	[tilespmem:$0x1FD80] =	vst v0;
	v0 =	vsel vm0, s22, v49;
	s3 =	sshra.s32 s20, $0x6;
	s22 =	sshrl.u32 s21, $0x1F;
	s26 =	sshra.s32 s24, $0x6  }
0x473: {  	v15 =	vnsel vm3, $0x0, v50;
	s11 =	sshrl.u32 s24, $0x1F;
	s12 =	sshra.s32 s24, $0x1F;
	s20 =	sld [smem:$0x5AC];
	[tilespmem:$0x1FD60] =	vst v14;
	v14 =	vsel vm3, s17, v48  }
0x474: {  	s18 =	sshrl.u32 s16, $0x1F;
	v0 =	vsel vm1, s4, v0;
	s4 =	sshra.s32 s21, $0x6;
	v54 =	vmov s22;
	v15 =	vsel vm0, s11, v15;
	s22 =	sld [smem:$0x5AD]  }
0x475: {  	s17 =	sshra.s32 s16, $0x6;
	v14 =	vsel vm9, s19, v14;
	s10 =	sshra.s32 s14, $0x6;
	v15 =	vsel vm1, s18, v15;
	s18 =	sld [smem:$0x5AF]  }
0x476: {  	s19 =	sshra.s32 s16, $0x1F;
	v51 =	vsel vm0, s26, v14;
	v14 =	vsel vm2, s15, v0;
	s15 =	sshrl.u32 s14, $0x1F;
	s14 =	sld [smem:$0x5AE]  }
0x477: {  	v16 =	vsel vm0, s8, v54;
	s21 =	sshrl.u32 s20, $0x1F;
	s7 =	sshra.s32 s20, $0x6;
	s24 =	sshrl.u32 s22, $0x1F  }
0x478: {  	v0 =	vsel vm10, s12, v51;
	s26 =	sshra.s32 s22, $0x6;
	v16 =	vsel vm1, s15, v16;
	s12 =	sshra.s32 s22, $0x1F;
	s22 =	sld [smem:$0x5B0]  }
0x479: {  	v0 =	vsel vm1, s17, v0;
	v33 =	vsel vm2, s21, v16;
	s20 =	sshra.s32 s18, $0x6;
	s21 =	sshra.s32 s18, $0x1F;
	s15 =	sshrl.u32 s14, $0x1F  }
0x47a: {  	v15 =	vsel vm2, s24, v15;
	v0 =	vsel vm11, s19, v0;
	s16 =	sshra.s32 s14, $0x6;
	s19 =	sshrl.u32 s18, $0x1F;
	s18 =	sld [smem:$0x5B2]  }
0x47b: {  	s17 =	sshra.s32 s14, $0x1F;
	s14 =	sld [smem:$0x5B4];
	v0 =	vsel vm2, s26, v0;
	v15 =	vsel vm4, s15, v15;
	s24 =	sshrl.u32 s22, $0x1F  }
0x47c: {  	s26 =	sshra.s32 s22, $0x6;
	v0 =	vsel vm12, s12, v0;
	v15 =	vsel vm5, s19, v15;
	s12 =	sshra.s32 s22, $0x1F;
	s22 =	sld [smem:$0x5B5]  }
0x47d: {  	v0 =	vsel vm4, s16, v0;
	v15 =	vsel vm6, s24, v15;
	s24 =	sld [smem:$0x5B6]  }
0x47e: {  	v57 =	vmov s5;
	s15 =	sshrl.u32 s13, $0x1F;
	v0 =	vsel vm13, s17, v0;
	s17 =	sld [smem:$0x5B1]  }
0x47f: {  	v16 =	vsel vm0, s0, v57;
	s16 =	sshra.s32 s13, $0x6;
	v15 =	vsel vm7, s15, v15;
	s15 =	sld [smem:$0x5B7];
	v0 =	vsel vm5, s20, v0  }
0x480: {  	v59 =	vmov s4;
	v58 =	vsel vm1, s1, v16;
	s19 =	sshrl.u32 s18, $0x1F;
	s1 =	sshra.s32 s18, $0x6;
	s20 =	sld [smem:$0x5B3];
	v0 =	vsel vm14, s21, v0  }
0x481: {  	[tilespmem:$0x1FD90] =	vst v15;
	v15 =	vsel vm0, s3, v59;
	s9 =	sshrl.u32 s22, $0x1F;
	s3 =	sshra.s32 s22, $0x6;
	s22 =	sld [smem:$0x5BA];
	v0 =	vsel vm6, s26, v0  }
0x482: {  	s21 =	sshra.s32 s14, $0x1F;
	v15 =	vsel vm1, s10, v15;
	s10 =	sshrl.u32 s24, $0x1F;
	s13 =	sshra.s32 s24, $0x1F;
	v0 =	vsel vm15, s12, v0  }
0x483: {  	s11 =	sshrl.u32 s17, $0x1F;
	s0 =	sshra.s32 s17, $0x6;
	v28 =	vsel vm7, s16, v0;
	s16 =	sld [smem:$0x5B8]  }
0x484: {  	s26 =	sshra.s32 s24, $0x6;
	v44 =	vsel vm2, s7, v15;
	s7 =	sshrl.u32 s15, $0x1F;
	s5 =	sshra.s32 s15, $0x6  }
0x485: {  	v40 =	vsel vm2, s2, v58;
	v61 =	vmov s19;
	v60 =	vmov s21;
	s4 =	sshrl.u32 s20, $0x1F;
	s2 =	sshra.s32 s20, $0x6;
	s20 =	sld [smem:$0x5B9]  }
0x486: {  	s24 =	sld [smem:$0x5BB];
	v16 =	vsel vm3, s26, v60;
	v15 =	vsel vm0, s11, v61;
	s11 =	sshrl.u32 s22, $0x1F;
	s17 =	sshra.s32 s16, $0x6  }
0x487: {  	v0 =	vsel vm9, s13, v16;
	s18 =	sshrl.u32 s16, $0x1F;
	s19 =	sshra.s32 s16, $0x1F;
	s16 =	sld [smem:$0x5BC]  }
0x488: {  	s6 =	sshra.s32 s22, $0x6;
	s21 =	sshrl.u32 s20, $0x1F;
	v0 =	vsel vm0, s17, v0;
	s17 =	sld [smem:$0x5BD]  }
0x489: {  	v62 =	vmov s10;
	s26 =	sshra.s32 s24, $0x6;
	s13 =	sshrl.u32 s24, $0x1F;
	v20 =	vmov s21;
	s21 =	sld [smem:$0x5BE];
	v0 =	vsel vm10, s19, v0  }
0x48a: {  	v16 =	vnsel vm3, $0x0, v62;
	v15 =	vsel vm1, s4, v15;
	s15 =	sshra.s32 s24, $0x1F;
	s8 =	sshra.s32 s20, $0x6;
	v0 =	vsel vm1, s26, v0;
	s4 =	sshrl.u32 s16, $0x1F  }
0x48b: {  	v15 =	vsel vm2, s9, v15;
	v16 =	vsel vm0, s18, v16;
	s9 =	sshra.s32 s16, $0x6;
	v0 =	vsel vm11, s15, v0;
	s19 =	sshra.s32 s17, $0x6;
	s15 =	sld [smem:$0x5BF]  }
0x48c: {  	v63 =	vsel vm1, s13, v16;
	v16 =	vsel vm0, s7, v20;
	s22 =	sshrl.u32 s21, $0x1F;
	s20 =	sshra.s32 s17, $0x1F;
	v0 =	vsel vm2, s19, v0;
	s19 =	sld [smem:$0x5C0]  }
0x48d: {  	s24 =	sshra.s32 s21, $0x6;
	s26 =	sshra.s32 s21, $0x1F;
	v16 =	vsel vm1, s11, v16;
	s18 =	sshrl.u32 s17, $0x1F;
	v0 =	vsel vm12, s20, v0  }
0x48e: {  	v35 =	vsel vm2, s4, v16;
	s4 =	sld [smem:$0x5C1];
	s16 =	sshrl.u32 s15, $0x1F;
	v0 =	vsel vm4, s24, v0;
	s24 =	sshrl.u32 s14, $0x1F  }
0x48f: {  	[tilespmem:$0x1FDA0] =	vst v15;
	v15 =	vsel vm2, s18, v63;
	s20 =	sshrl.u32 s19, $0x1F;
	v0 =	vsel vm13, s26, v0;
	s26 =	sshra.s32 s14, $0x6;
	s14 =	sld [smem:$0x5C2]  }
0x490: {  	v15 =	vsel vm4, s22, v15;
	s21 =	sshra.s32 s19, $0x6;
	s22 =	sshra.s32 s19, $0x1F;
	s19 =	sld [smem:$0x5C5]  }
0x491: {  	s17 =	sshra.s32 s15, $0x6;
	v15 =	vsel vm5, s16, v15;
	s16 =	sld [smem:$0x5C6]  }
0x492: {  	v21 =	vmov s1;
	s18 =	sshra.s32 s15, $0x1F;
	v0 =	vsel vm5, s17, v0;
	s17 =	sld [smem:$0x5C3]  }
0x493: {  	v22 =	vmov s8;
	s13 =	sshrl.u32 s4, $0x1F;
	s1 =	sshra.s32 s4, $0x6;
	v15 =	vsel vm6, s20, v15;
	v0 =	vsel vm14, s18, v0;
	s18 =	sld [smem:$0x5C4]  }
0x494: {  	v16 =	vsel vm0, s5, v22;
	v15 =	vsel vm7, s24, v15;
	s15 =	sshrl.u32 s14, $0x1F;
	s4 =	sshra.s32 s14, $0x6;
	v0 =	vsel vm6, s21, v0;
	s21 =	sld [smem:$0x5C7]  }
0x495: {  	v23 =	vsel vm1, s6, v16;
	[tilespmem:$0x1FDB0] =	vst v15;
	v15 =	vsel vm0, s0, v21;
	s6 =	sshrl.u32 s19, $0x1F;
	s20 =	sshra.s32 s16, $0x1F;
	v0 =	vsel vm15, s22, v0;
	s22 =	sld [smem:$0x5C8]  }
0x496: {  	s11 =	sshrl.u32 s17, $0x1F;
	v15 =	vsel vm1, s2, v15;
	s2 =	sshra.s32 s17, $0x6;
	v24 =	vmov s15;
	s15 =	sld [smem:$0x5C9]  }
0x497: {  	s17 =	sld [smem:$0x5CA];
	s5 =	sshrl.u32 s18, $0x1F;
	s0 =	sshra.s32 s18, $0x6  }
0x498: {  	v36 =	vsel vm2, s3, v15;
	s3 =	sshra.s32 s19, $0x6;
	v15 =	vsel vm0, s13, v24;
	s7 =	sshrl.u32 s21, $0x1F;
	s8 =	sshra.s32 s21, $0x6  }
0x499: {  	v15 =	vsel vm1, s11, v15;
	s21 =	sld [smem:$0x5CB];
	s11 =	sshra.s32 s16, $0x6;
	s24 =	sshrl.u32 s22, $0x1F  }
0x49a: {  	v63 =	vsel vm7, s26, v0;
	v0 =	vmov s20;
	s26 =	sshra.s32 s22, $0x6;
	s14 =	sshra.s32 s22, $0x1F;
	s22 =	sld [smem:$0x5CC];
	v25 =	vmov s24  }
0x49b: {  	s18 =	sshrl.u32 s17, $0x1F;
	s19 =	sshra.s32 s17, $0x6;
	v0 =	vsel vm3, s26, v0;
	s26 =	sld [smem:$0x5CD];
	v16 =	vnsel vm3, $0x0, v25  }
0x49c: {  	s20 =	sshra.s32 s17, $0x1F;
	v0 =	vsel vm9, s14, v0;
	s12 =	sshrl.u32 s21, $0x1F;
	v16 =	vsel vm0, s18, v16;
	s18 =	sld [smem:$0x5CE]  }
0x49d: {  	v15 =	vsel vm2, s5, v15;
	s5 =	sshra.s32 s21, $0x6;
	v0 =	vsel vm0, s19, v0;
	s24 =	sshrl.u32 s22, $0x1F;
	s14 =	sshra.s32 s22, $0x6  }
0x49e: {  	s17 =	sshra.s32 s22, $0x1F;
	s22 =	sld [smem:$0x5CF];
	v0 =	vsel vm10, s20, v0;
	s13 =	sshrl.u32 s26, $0x1F  }
0x49f: {  	s20 =	sshra.s32 s26, $0x6;
	s21 =	sshra.s32 s26, $0x1F;
	v0 =	vsel vm1, s14, v0;
	s19 =	sshrl.u32 s18, $0x1F  }
0x4a0: {  	v0 =	vsel vm11, s17, v0;
	s26 =	sshra.s32 s18, $0x6;
	s17 =	sshra.s32 s18, $0x1F;
	s18 =	sld [smem:$0x5D0]  }
0x4a1: {  	v34 =	vmov s8;
	s8 =	sld [smem:$0x5D2];
	v26 =	vsel vm1, s24, v16;
	s24 =	sshrl.u32 s22, $0x1F;
	v0 =	vsel vm2, s20, v0;
	s20 =	sshra.s32 s22, $0x6  }
0x4a2: {  	v27 =	vmov s7;
	[tilespmem:$0x1FDC0] =	vst v15;
	v15 =	vsel vm2, s13, v26;
	v0 =	vsel vm12, s21, v0;
	s21 =	sshra.s32 s22, $0x1F;
	s22 =	sshrl.u32 s16, $0x1F;
	s16 =	sld [smem:$0x5D6]  }
0x4a3: {  	s10 =	sshrl.u32 s15, $0x1F;
	v16 =	vsel vm0, s6, v27;
	v15 =	vsel vm4, s19, v15;
	s19 =	sshrl.u32 s18, $0x1F;
	v0 =	vsel vm4, s26, v0;
	s26 =	sld [smem:$0x5D1]  }
0x4a4: {  	v16 =	vsel vm1, s10, v16;
	v15 =	vsel vm5, s24, v15;
	s24 =	sshra.s32 s18, $0x6;
	s10 =	sshra.s32 s18, $0x1F;
	s18 =	sld [smem:$0x5D4]  }
0x4a5: {  	v37 =	vsel vm2, s9, v23;
	s9 =	sshra.s32 s15, $0x6;
	v0 =	vsel vm13, s17, v0;
	s17 =	sld [smem:$0x5D3]  }
0x4a6: {  	v32 =	vmov s4;
	s15 =	sshrl.u32 s8, $0x1F;
	s4 =	sshra.s32 s8, $0x6;
	v16 =	vsel vm2, s12, v16;
	v15 =	vsel vm6, s19, v15;
	s19 =	sld [smem:$0x5D5]  }
0x4a7: {  	[tilespmem:$0x1FDD0] =	vst v16;
	v15 =	vsel vm7, s22, v15;
	v0 =	vsel vm5, s20, v0;
	s20 =	sshra.s32 s16, $0x1F;
	s22 =	sld [smem:$0x5D8];
	s14 =	sshrl.u32 s26, $0x1F  }
0x4a8: {  	v16 =	vsel vm0, s3, v34;
	[tilespmem:$0x1FDE0] =	vst v15;
	v15 =	vsel vm0, s1, v32;
	s1 =	sshra.s32 s26, $0x6;
	s13 =	sshrl.u32 s18, $0x1F;
	s3 =	sshra.s32 s18, $0x6  }
0x4a9: {  	v41 =	vmov s15;
	v0 =	vsel vm14, s21, v0;
	s21 =	sld [smem:$0x5D7];
	v15 =	vsel vm1, s2, v15;
	s8 =	sshrl.u32 s17, $0x1F;
	s2 =	sshra.s32 s17, $0x6  }
0x4aa: {  	v38 =	vsel vm1, s9, v16;
	v0 =	vsel vm6, s24, v0;
	s17 =	sld [smem:$0x5DA];
	v15 =	vsel vm2, s0, v15;
	s0 =	sshrl.u32 s19, $0x1F;
	s24 =	sshra.s32 s22, $0x6  }
0x4ab: {  	v39 =	vmov s20;
	v0 =	vsel vm15, s10, v0;
	s26 =	sshrl.u32 s22, $0x1F;
	s12 =	sshra.s32 s22, $0x1F;
	s22 =	sld [smem:$0x5DC];
	[tilespmem:$0x1FDF0] =	vst v15;
	v15 =	vsel vm2, s5, v38  }
0x4ac: {  	s5 =	sshra.s32 s19, $0x6;
	s9 =	sshrl.u32 s21, $0x1F;
	s6 =	sshra.s32 s21, $0x6;
	v31 =	vsel vm7, s11, v0;
	v0 =	vsel vm0, s14, v41;
	[tilespmem:$0x1FE00] =	vst v15;
	v15 =	vsel vm3, s24, v39  }
0x4ad: {  	s21 =	sld [smem:$0x5DB];
	s18 =	sshra.s32 s17, $0x6;
	v0 =	vsel vm1, s8, v0;
	s19 =	sshrl.u32 s17, $0x1F;
	v15 =	vsel vm9, s12, v15  }
0x4ae: {  	s20 =	sshra.s32 s17, $0x1F;
	v0 =	vsel vm2, s13, v0;
	s24 =	sshrl.u32 s22, $0x1F;
	v15 =	vsel vm0, s18, v15;
	s18 =	sld [smem:$0x5DD]  }
0x4af: {  	v43 =	vmov s26;
	s26 =	sshra.s32 s22, $0x6;
	s17 =	sshra.s32 s22, $0x1F;
	s22 =	sld [smem:$0x5DE];
	[tilespmem:$0x1FE10] =	vst v0;
	v0 =	vsel vm10, s20, v15  }
0x4b0: {  	s15 =	sld [smem:$0x5D9];
	v45 =	vnsel vm3, $0x0, v43;
	s13 =	sshra.s32 s16, $0x6;
	s12 =	sshrl.u32 s21, $0x1F;
	v0 =	vsel vm1, s26, v0  }
0x4b1: {  	s8 =	sshra.s32 s21, $0x6;
	v15 =	vsel vm0, s19, v45;
	s20 =	sshra.s32 s18, $0x6;
	v0 =	vsel vm11, s17, v0;
	s17 =	sld [smem:$0x5DF]  }
0x4b2: {  	v15 =	vsel vm1, s24, v15;
	s24 =	sshrl.u32 s22, $0x1F;
	s26 =	sshra.s32 s22, $0x6;
	s21 =	sshra.s32 s18, $0x1F;
	v0 =	vsel vm2, s20, v0  }
0x4b3: {  	s14 =	sshra.s32 s22, $0x1F;
	s19 =	sshrl.u32 s18, $0x1F;
	v0 =	vsel vm12, s21, v0;
	s21 =	sld [smem:$0x5E0]  }
0x4b4: {  	v15 =	vsel vm2, s19, v15;
	s18 =	sshrl.u32 s17, $0x1F;
	v0 =	vsel vm4, s26, v0;
	s26 =	sshrl.u32 s16, $0x1F;
	s16 =	sld [smem:$0x5E1]  }
0x4b5: {  	v15 =	vsel vm4, s24, v15;
	s19 =	sshra.s32 s17, $0x6;
	s20 =	sshra.s32 s17, $0x1F;
	s17 =	sld [smem:$0x5E2]  }
0x4b6: {  	s7 =	sshra.s32 s15, $0x6;
	v46 =	vmov s9;
	v15 =	vsel vm5, s18, v15;
	v0 =	vsel vm13, s14, v0;
	s18 =	sld [smem:$0x5E3]  }
0x4b7: {  	s11 =	sshrl.u32 s15, $0x1F;
	v16 =	vsel vm0, s0, v46;
	s22 =	sshrl.u32 s21, $0x1F;
	v0 =	vsel vm5, s19, v0;
	s19 =	sld [smem:$0x5E4]  }
0x4b8: {  	v16 =	vsel vm1, s11, v16;
	s24 =	sshra.s32 s21, $0x6;
	s11 =	sshra.s32 s21, $0x1F;
	s21 =	sld [smem:$0x5E6]  }
0x4b9: {  	v47 =	vmov s4;
	s15 =	sshrl.u32 s17, $0x1F;
	s4 =	sshra.s32 s17, $0x6;
	s17 =	sld [smem:$0x5E5]  }
0x4ba: {  	v32 =	vsel vm2, s12, v16;
	v16 =	vsel vm0, s1, v47;
	v15 =	vsel vm6, s22, v15;
	s10 =	sshrl.u32 s16, $0x1F;
	s0 =	sshra.s32 s16, $0x6;
	s22 =	sld [smem:$0x5E7]  }
0x4bb: {  	v49 =	vmov s6;
	v48 =	vsel vm1, s2, v16;
	s16 =	sld [smem:$0x5E8];
	s14 =	sshrl.u32 s18, $0x1F;
	s2 =	sshra.s32 s18, $0x6  }
0x4bc: {  	v39 =	vsel vm2, s3, v48;
	v0 =	vsel vm14, s20, v0;
	v15 =	vsel vm7, s26, v15;
	s18 =	sld [smem:$0x5E9];
	s3 =	sshrl.u32 s19, $0x1F;
	s1 =	sshra.s32 s19, $0x6  }
0x4bd: {  	v0 =	vsel vm6, s24, v0;
	[tilespmem:$0x1FE20] =	vst v15;
	v15 =	vsel vm0, s5, v49;
	s5 =	sshrl.u32 s21, $0x1F;
	s19 =	sld [smem:$0x5EA];
	s20 =	sshra.s32 s17, $0x1F  }
0x4be: {  	s6 =	sshra.s32 s21, $0x6;
	v0 =	vsel vm15, s11, v0;
	s24 =	sshra.s32 s22, $0x6;
	v15 =	vsel vm1, s7, v15;
	s26 =	sshrl.u32 s22, $0x1F;
	v50 =	vmov s20  }
0x4bf: {  	s12 =	sshra.s32 s22, $0x1F;
	v47 =	vsel vm2, s8, v15;
	s8 =	sshra.s32 s16, $0x6;
	v54 =	vmov s26;
	s26 =	sld [smem:$0x5EC];
	v16 =	vsel vm3, s24, v50  }
0x4c0: {  	v48 =	vsel vm7, s13, v0;
	s9 =	sshrl.u32 s18, $0x1F;
	s21 =	sshrl.u32 s19, $0x1F;
	s24 =	sld [smem:$0x5EB];
	v0 =	vsel vm9, s12, v16;
	v16 =	vnsel vm3, $0x0, v54  }
0x4c1: {  	s7 =	sshra.s32 s18, $0x6;
	s20 =	sshra.s32 s19, $0x6;
	v16 =	vsel vm0, s21, v16;
	s21 =	sld [smem:$0x5ED]  }
0x4c2: {  	v51 =	vmov s15;
	s22 =	sshra.s32 s19, $0x1F;
	v60 =	vmov s8;
	s8 =	sld [smem:$0x5F4];
	v0 =	vsel vm0, s20, v0;
	s18 =	sshra.s32 s26, $0x6  }
0x4c3: {  	v15 =	vsel vm0, s10, v51;
	s19 =	sshrl.u32 s26, $0x1F;
	s20 =	sshra.s32 s26, $0x1F;
	v0 =	vsel vm10, s22, v0;
	s10 =	sshrl.u32 s24, $0x1F  }
0x4c4: {  	s13 =	sshra.s32 s24, $0x6;
	v0 =	vsel vm1, s18, v0;
	s18 =	sld [smem:$0x5EE];
	s22 =	sshrl.u32 s21, $0x1F  }
0x4c5: {  	v0 =	vsel vm11, s20, v0;
	s24 =	sshra.s32 s21, $0x6;
	s26 =	sshra.s32 s21, $0x1F;
	s21 =	sld [smem:$0x5EF]  }
0x4c6: {  	s11 =	sshrl.u32 s16, $0x1F;
	v15 =	vsel vm1, s14, v15;
	v0 =	vsel vm2, s24, v0;
	s24 =	sld [smem:$0x5F0]  }
0x4c7: {  	v58 =	vmov s11;
	v46 =	vsel vm2, s3, v15;
	v57 =	vsel vm1, s19, v16;
	s19 =	sshrl.u32 s18, $0x1F;
	s20 =	sshra.s32 s18, $0x6;
	s11 =	sshra.s32 s18, $0x1F  }
0x4c8: {  	v16 =	vsel vm0, s5, v58;
	v15 =	vsel vm2, s22, v57;
	v0 =	vsel vm12, s26, v0;
	s22 =	sshrl.u32 s21, $0x1F;
	s5 =	sshra.s32 s21, $0x6;
	s12 =	sshra.s32 s21, $0x1F  }
0x4c9: {  	v15 =	vsel vm4, s19, v15;
	v0 =	vsel vm4, s20, v0;
	s20 =	sshrl.u32 s17, $0x1F;
	s21 =	sshra.s32 s17, $0x6;
	s17 =	sld [smem:$0x5F5]  }
0x4ca: {  	s26 =	sshrl.u32 s24, $0x1F;
	v15 =	vsel vm5, s22, v15;
	v0 =	vsel vm13, s11, v0;
	s22 =	sld [smem:$0x5F1]  }
0x4cb: {  	v59 =	vmov s4;
	s18 =	sshra.s32 s24, $0x6;
	s19 =	sshra.s32 s24, $0x1F;
	s24 =	sld [smem:$0x5F2];
	v0 =	vsel vm5, s5, v0  }
0x4cc: {  	v16 =	vsel vm1, s9, v16;
	v15 =	vsel vm6, s26, v15;
	s26 =	sld [smem:$0x5F3];
	v0 =	vsel vm14, s12, v0  }
0x4cd: {  	v51 =	vsel vm7, s20, v15;
	v15 =	vsel vm0, s0, v59;
	s12 =	sshrl.u32 s8, $0x1F;
	s9 =	sshrl.u32 s17, $0x1F;
	v0 =	vsel vm6, s18, v0;
	s18 =	sld [smem:$0x5F6]  }
0x4ce: {  	s14 =	sshrl.u32 s24, $0x1F;
	v15 =	vsel vm1, s2, v15;
	s2 =	sshra.s32 s17, $0x6;
	v0 =	vsel vm15, s19, v0;
	s19 =	sld [smem:$0x5F7]  }
0x4cf: {  	v45 =	vsel vm2, s10, v16;
	v16 =	vsel vm0, s6, v60;
	s16 =	sshrl.u32 s26, $0x1F;
	s5 =	sshra.s32 s26, $0x6;
	s26 =	sld [smem:$0x5FA]  }
0x4d0: {  	v61 =	vsel vm1, s7, v16;
	s17 =	sshrl.u32 s18, $0x1F;
	s7 =	sshra.s32 s18, $0x6;
	s18 =	sld [smem:$0x5F8]  }
0x4d1: {  	s0 =	sshra.s32 s8, $0x6;
	s11 =	sshrl.u32 s22, $0x1F;
	v62 =	vmov s14;
	v41 =	vsel vm7, s21, v0;
	s21 =	sld [smem:$0x5F9]  }
0x4d2: {  	s3 =	sshra.s32 s22, $0x6;
	s4 =	sshra.s32 s24, $0x6;
	v54 =	vsel vm2, s1, v15;
	v15 =	vsel vm0, s11, v62;
	s11 =	sld [smem:$0x5FB]  }
0x4d3: {  	s1 =	sshrl.u32 s19, $0x1F;
	s6 =	sshra.s32 s19, $0x6;
	s20 =	sshra.s32 s18, $0x1F  }
0x4d4: {  	s19 =	sld [smem:$0x5FC];
	s22 =	sshrl.u32 s21, $0x1F;
	s24 =	sshra.s32 s21, $0x6;
	v0 =	vmov s20  }
0x4d5: {  	v17 =	vsel vm2, s13, v61;
	s10 =	sshrl.u32 s26, $0x1F;
	s13 =	sshra.s32 s21, $0x1F;
	v20 =	vmov s22;
	s22 =	sld [smem:$0x5FD];
	v0 =	vsel vm3, s24, v0  }
0x4d6: {  	s8 =	sshra.s32 s26, $0x6;
	s15 =	sshra.s32 s11, $0x6;
	v16 =	vnsel vm3, $0x0, v20;
	v0 =	vsel vm9, s13, v0;
	s13 =	sshrl.u32 s11, $0x1F  }
0x4d7: {  	v15 =	vsel vm1, s16, v15;
	s14 =	sshra.s32 s11, $0x1F;
	s20 =	sshrl.u32 s19, $0x1F;
	v16 =	vsel vm0, s13, v16;
	s13 =	sld [smem:$0x5FE]  }
0x4d8: {  	v34 =	vsel vm2, s12, v15;
	v22 =	vmov s17;
	s21 =	sshra.s32 s19, $0x6;
	s24 =	sshrl.u32 s22, $0x1F;
	s11 =	sld [smem:$0x608]  }
0x4d9: {  	s26 =	sshra.s32 s22, $0x6;
	v0 =	vsel vm0, s15, v0;
	s15 =	sshra.s32 s19, $0x1F;
	v21 =	vsel vm1, s20, v16;
	v16 =	vsel vm0, s9, v22;
	s20 =	sld [smem:$0x5FF]  }
0x4da: {  	v0 =	vsel vm10, s14, v0;
	s14 =	sshra.s32 s22, $0x1F;
	v15 =	vsel vm2, s24, v21;
	v16 =	vsel vm1, s1, v16;
	s24 =	sld [smem:$0x600];
	s17 =	sshrl.u32 s13, $0x1F  }
0x4db: {  	v0 =	vsel vm1, s21, v0;
	s19 =	sshra.s32 s13, $0x6;
	s16 =	sshra.s32 s13, $0x1F;
	v57 =	vsel vm2, s10, v16;
	s10 =	sshra.s32 s18, $0x6  }
0x4dc: {  	v24 =	vmov s7;
	v0 =	vsel vm11, s15, v0;
	v15 =	vsel vm4, s17, v15;
	s21 =	sshrl.u32 s20, $0x1F;
	s17 =	sshrl.u32 s18, $0x1F;
	s18 =	sld [smem:$0x601]  }
0x4dd: {  	v16 =	vsel vm0, s2, v24;
	s22 =	sshra.s32 s20, $0x6;
	s15 =	sshra.s32 s20, $0x1F;
	v0 =	vsel vm2, s26, v0;
	s20 =	sld [smem:$0x603]  }
0x4de: {  	v25 =	vsel vm1, s6, v16;
	s6 =	sshra.s32 s11, $0x6;
	v15 =	vsel vm5, s21, v15;
	s26 =	sshrl.u32 s24, $0x1F;
	v0 =	vsel vm12, s14, v0;
	s21 =	sld [smem:$0x604]  }
0x4df: {  	s9 =	sshra.s32 s24, $0x6;
	s12 =	sshra.s32 s24, $0x1F;
	v0 =	vsel vm4, s19, v0;
	s19 =	sld [smem:$0x602]  }
0x4e0: {  	s24 =	sld [smem:$0x606];
	v59 =	vsel vm2, s8, v25;
	s8 =	sshrl.u32 s11, $0x1F;
	s14 =	sshrl.u32 s18, $0x1F;
	v0 =	vsel vm13, s16, v0  }
0x4e1: {  	v23 =	vmov s4;
	v15 =	vsel vm6, s26, v15;
	s4 =	sshra.s32 s18, $0x6;
	s16 =	sshrl.u32 s20, $0x1F;
	v0 =	vsel vm5, s22, v0;
	s22 =	sld [smem:$0x605]  }
0x4e2: {  	v38 =	vsel vm7, s17, v15;
	v15 =	vsel vm0, s3, v23;
	s13 =	sshrl.u32 s19, $0x1F;
	s1 =	sshra.s32 s19, $0x6;
	s19 =	sld [smem:$0x607]  }
0x4e3: {  	s3 =	sshra.s32 s20, $0x6;
	s17 =	sshrl.u32 s21, $0x1F;
	v15 =	vsel vm1, s5, v15;
	v0 =	vsel vm14, s15, v0;
	s15 =	sld [smem:$0x609]  }
0x4e4: {  	s5 =	sshra.s32 s21, $0x6;
	s7 =	sshra.s32 s24, $0x6;
	v58 =	vsel vm2, s0, v15;
	s0 =	sshrl.u32 s24, $0x1F  }
0x4e5: {  	s24 =	sld [smem:$0x60B];
	v0 =	vsel vm6, s9, v0;
	s18 =	sshrl.u32 s22, $0x1F;
	s26 =	sshra.s32 s19, $0x1F  }
0x4e6: {  	v27 =	vmov s13;
	s2 =	sshra.s32 s22, $0x6;
	v0 =	vsel vm15, s12, v0;
	s22 =	sld [smem:$0x60A];
	s20 =	sshra.s32 s15, $0x6;
	v26 =	vmov s26  }
0x4e7: {  	s21 =	sshrl.u32 s15, $0x1F;
	s11 =	sshra.s32 s15, $0x1F;
	v60 =	vsel vm7, s10, v0;
	v0 =	vsel vm0, s14, v27;
	s14 =	sld [smem:$0x60C];
	v15 =	vsel vm3, s20, v26  }
0x4e8: {  	s10 =	sshrl.u32 s24, $0x1F;
	s13 =	sshra.s32 s24, $0x1F;
	s26 =	sshra.s32 s24, $0x6;
	v43 =	vmov s21;
	v15 =	vsel vm9, s11, v15  }
0x4e9: {  	v0 =	vsel vm1, s16, v0;
	s12 =	sshrl.u32 s22, $0x1F;
	v49 =	vnsel vm3, $0x0, v43;
	s11 =	sshra.s32 s22, $0x6;
	s22 =	sld [smem:$0x60D];
	v15 =	vsel vm0, s26, v15  }
0x4ea: {  	v61 =	vsel vm2, s17, v0;
	s20 =	sshra.s32 s14, $0x6;
	v0 =	vsel vm10, s13, v15;
	v15 =	vsel vm0, s10, v49;
	s10 =	sld [smem:$0x60E]  }
0x4eb: {  	s16 =	sshrl.u32 s14, $0x1F;
	s21 =	sshra.s32 s14, $0x1F;
	v0 =	vsel vm1, s20, v0  }
0x4ec: {  	v50 =	vmov s0;
	s24 =	sshrl.u32 s22, $0x1F;
	s26 =	sshra.s32 s22, $0x6;
	v15 =	vsel vm1, s16, v15;
	v0 =	vsel vm11, s21, v0;
	s21 =	sld [smem:$0x60F]  }
0x4ed: {  	v16 =	vsel vm0, s18, v50;
	s0 =	sshra.s32 s22, $0x1F;
	v15 =	vsel vm2, s24, v15;
	s24 =	sld [smem:$0x610];
	s14 =	sshrl.u32 s10, $0x1F  }
0x4ee: {  	v16 =	vsel vm1, s8, v16;
	s20 =	sshra.s32 s10, $0x6;
	s9 =	sshra.s32 s10, $0x1F;
	v0 =	vsel vm2, s26, v0;
	s10 =	sld [smem:$0x615]  }
0x4ef: {  	v43 =	vsel vm2, s12, v16;
	s12 =	sshrl.u32 s19, $0x1F;
	v15 =	vsel vm4, s14, v15;
	v0 =	vsel vm12, s0, v0;
	s14 =	sld [smem:$0x617]  }
0x4f0: {  	s22 =	sshrl.u32 s21, $0x1F;
	s17 =	sshra.s32 s21, $0x6;
	v0 =	vsel vm4, s20, v0;
	s20 =	sld [smem:$0x611]  }
0x4f1: {  	s8 =	sshra.s32 s21, $0x1F;
	s26 =	sshrl.u32 s24, $0x1F;
	s21 =	sld [smem:$0x612]  }
0x4f2: {  	s16 =	sshra.s32 s24, $0x6;
	s18 =	sshra.s32 s24, $0x1F;
	s24 =	sld [smem:$0x613];
	v0 =	vsel vm13, s9, v0  }
0x4f3: {  	v62 =	vmov s1;
	s19 =	sshra.s32 s19, $0x6;
	v15 =	vsel vm5, s22, v15;
	s9 =	sld [smem:$0x614];
	v0 =	vsel vm5, s17, v0;
	s13 =	sshrl.u32 s20, $0x1F  }
0x4f4: {  	v16 =	vsel vm0, s4, v62;
	v15 =	vsel vm6, s26, v15;
	s1 =	sshra.s32 s20, $0x6;
	s22 =	sshrl.u32 s21, $0x1F;
	s4 =	sshra.s32 s21, $0x6;
	v0 =	vsel vm14, s8, v0  }
0x4f5: {  	s26 =	sshrl.u32 s24, $0x1F;
	s0 =	sshra.s32 s24, $0x6;
	v26 =	vsel vm7, s12, v15;
	s12 =	sld [smem:$0x616];
	v0 =	vsel vm6, s16, v0  }
0x4f6: {  	v20 =	vmov s7;
	s20 =	sshrl.u32 s10, $0x1F;
	s8 =	sshra.s32 s10, $0x6;
	v0 =	vsel vm15, s18, v0;
	s18 =	sld [smem:$0x619]  }
0x4f7: {  	v19 =	vsel vm1, s3, v16;
	v15 =	vsel vm0, s2, v20;
	s2 =	sshrl.u32 s14, $0x1F;
	s10 =	sshra.s32 s14, $0x6;
	s24 =	sld [smem:$0x61A];
	v21 =	vmov s22  }
0x4f8: {  	v25 =	vsel vm2, s5, v19;
	s17 =	sshrl.u32 s9, $0x1F;
	s3 =	sshra.s32 s9, $0x6;
	s16 =	sld [smem:$0x618];
	v16 =	vsel vm0, s13, v21  }
0x4f9: {  	v15 =	vsel vm1, s6, v15;
	s5 =	sshrl.u32 s12, $0x1F;
	v23 =	vsel vm7, s19, v0;
	v0 =	vsel vm1, s26, v16;
	s19 =	sld [smem:$0x61B];
	s21 =	sshrl.u32 s18, $0x1F  }
0x4fa: {  	v21 =	vsel vm2, s11, v15;
	v62 =	vsel vm2, s17, v0;
	s22 =	sshra.s32 s18, $0x6;
	s11 =	sshra.s32 s18, $0x1F;
	s18 =	sshra.s32 s30, $0x1F  }
0x4fb: {  	s12 =	sshra.s32 s12, $0x6;
	s26 =	sshrl.u32 s24, $0x1F;
	s6 =	sshra.s32 s24, $0x6;
	v27 =	vmov s5;
	v22 =	vmov s21;
	v24 =	vmov s18  }
0x4fc: {  	s15 =	sshra.s32 s24, $0x1F;
	s7 =	sshrl.u32 s16, $0x1F;
	v16 =	vsel vm0, s20, v27;
	v0 =	vsel vm3, s22, v24;
	v15 =	vnsel vm3, $0x0, v22;
	s22 =	sld [smem:$0x61C]  }
0x4fd: {  	s9 =	sshra.s32 s16, $0x6;
	v20 =	vmov s12;
	s21 =	sshrl.u32 s19, $0x1F;
	v16 =	vsel vm1, s2, v16;
	v15 =	vsel vm0, s26, v15;
	s26 =	sld [smem:$0x61D]  }
0x4fe: {  	s13 =	sshra.s32 s19, $0x6;
	s17 =	sshra.s32 s19, $0x1F;
	v27 =	vsel vm2, s7, v16;
	v16 =	vsel vm0, s8, v20;
	s8 =	sld [smem:$0x626];
	v0 =	vsel vm9, s11, v0  }
0x4ff: {  	s2 =	sshrl.u32 s30, $0x1F;
	v0 =	vsel vm0, s6, v0;
	s6 =	sld [smem:$0x61E];
	s24 =	sshrl.u32 s22, $0x1F  }
0x500: {  	v15 =	vsel vm1, s21, v15;
	s11 =	sshra.s32 s22, $0x6;
	s14 =	sshra.s32 s22, $0x1F;
	s5 =	sshrl.u32 s26, $0x1F  }
0x501: {  	(v2sf) =	vpush v12, $0xF;
	v0 =	vsel vm10, s15, v0;
	s16 =	sshra.s32 s26, $0x6;
	s19 =	sshra.s32 s26, $0x1F;
	v15 =	vsel vm2, s24, v15;
	s24 =	sld [smem:$0x61F]  }
0x502: {  	v0 =	vsel vm1, s13, v0;
	s22 =	sshrl.u32 s6, $0x1F;
	s15 =	sshra.s32 s6, $0x6;
	s18 =	sshra.s32 s6, $0x1F  }
0x503: {  	v0 =	vsel vm11, s17, v0;
	s17 =	sshra.s32 s30, $0x6;
	s30 =	smov.u32 s23;
	s6 =	sld [smem:$0x622]  }
0x504: {  	v15 =	vsel vm4, s5, v15;
	v0 =	vsel vm2, s11, v0;
	s7 =	sshra.s32 s30, $0x6;
	s30 =	sld [smem:$0x625];
	s26 =	sshrl.u32 s24, $0x1F  }
0x505: {  	v15 =	vsel vm5, s22, v15;
	s13 =	sshra.s32 s24, $0x6;
	s21 =	sshra.s32 s24, $0x1F;
	s24 =	sld [smem:$0x620];
	v0 =	vsel vm12, s14, v0  }
0x506: {  	v16 =	vsel vm1, s10, v16;
	s10 =	sshrl.u32 s28, $0x1F;
	s23 =	sshrl.u32 s23, $0x1F;
	v15 =	vsel vm6, s26, v15;
	s26 =	sld [smem:$0x621];
	v0 =	vsel vm4, s16, v0  }
0x507: {  	v49 =	vmov s4;
	s14 =	sshrl.u32 s6, $0x1F;
	s16 =	sld [smem:$0x623];
	v0 =	vsel vm13, s19, v0;
	s12 =	sshrl.u32 s30, $0x1F  }
0x508: {  	v50 =	vsel vm0, s1, v49;
	s1 =	sshra.s32 s30, $0x6;
	s19 =	sshrl.u32 s8, $0x1F;
	s30 =	sld [smem:$0x628];
	v0 =	vsel vm5, s15, v0  }
0x509: {  	v29 =	vsel vm7, s2, v15;
	v15 =	vsel vm1, s0, v50;
	s0 =	sshra.s32 s8, $0x6;
	s8 =	sshrl.u32 s25, $0x1F;
	s15 =	sld [smem:$0x627];
	v0 =	vsel vm14, s18, v0  }
0x50a: {  	s20 =	sshrl.u32 s26, $0x1F;
	s11 =	sshra.s32 s26, $0x6;
	s26 =	sld [smem:$0x624];
	v0 =	vsel vm6, s13, v0  }
0x50b: {  	v19 =	vsel vm2, s9, v16;
	s22 =	sshrl.u32 s24, $0x1F;
	s5 =	sshra.s32 s24, $0x6;
	s24 =	sshrl.u32 s16, $0x1F;
	v22 =	vmov s20;
	v0 =	vsel vm15, s21, v0  }
0x50c: {  	v49 =	vmov s8;
	s2 =	sshra.s32 s16, $0x6;
	s9 =	sshra.s32 s30, $0x6;
	s8 =	sshra.s32 s30, $0x1F;
	v24 =	vsel vm7, s17, v0;
	v0 =	vsel vm0, s22, v22  }
0x50d: {  	v20 =	vsel vm2, s3, v15;
	s13 =	sshrl.u32 s15, $0x1F;
	s20 =	sshra.s32 s15, $0x6;
	s16 =	sshrl.u32 s26, $0x1F;
	v0 =	vsel vm1, s23, v0  }
0x50e: {  	v15 =	vnsel vm3, $0x0, v49;
	s3 =	sshra.s32 s15, $0x1F;
	s15 =	sshrl.u32 s30, $0x1F;
	s30 =	sld [smem:$0x629];
	v22 =	vsel vm2, s14, v0;
	v0 =	vmov s16  }
0x50f: {  	v15 =	vsel vm0, s10, v15;
	v0 =	vsel vm0, s24, v0;
	s24 =	sshra.s32 s31, $0x1F  }
0x510: {  	s22 =	spop (v2sf);
	v15 =	vsel vm1, s13, v15;
	v50 =	vmov s24;
	s24 =	sld [smem:$0x62A]  }
0x511: {  	(v2sf) =	vpush v12, $0x9;
	s21 =	smulhi.u32 $0x10624DD3, s22;
	s17 =	sshra.s32 s22, $0x1F;
	v15 =	vsel vm2, s15, v15;
	s22 =	sshrl.u32 s30, $0x1F  }
0x512: {  	(v2sf) =	vpush v12, $0x8;
	s18 =	sshra.s32 s25, $0x6;
	s13 =	sshrl.u32 s29, $0x1F;
	v15 =	vsel vm4, s22, v15;
	v0 =	vsel vm1, s12, v0  }
0x513: {  	s25 =	sshra.s32 s25, $0x1F;
	v49 =	vsel vm3, s18, v50;
	v16 =	vsel vm2, s19, v0;
	v0 =	vsel vm5, s13, v15;
	s18 =	sshrl.u32 s24, $0x1F  }
0x514: {  	v18 =	vmov s11;
	v15 =	vsel vm9, s25, v49;
	s25 =	sshrl.u32 s31, $0x1F;
	v0 =	vsel vm6, s18, v0  }
0x515: {  	(v2sf) =	vpush v12, $0xA;
	s4 =	sshra.s32 s26, $0x6;
	s26 =	sshra.s32 s28, $0x6;
	v49 =	vsel vm0, s5, v18;
	v18 =	vsel vm7, s25, v0;
	v0 =	vld [tilespmem:$0x1FD20]  }
0x516: {  	s28 =	sshra.s32 s28, $0x1F;
	v15 =	vsel vm0, s26, v15  }
0x517: {  	v15 =	vsel vm10, s28, v15  }
0x518: {  	(v2sf) =	vpush v12, $0xB;
	s6 =	sshra.s32 s6, $0x6;
	v49 =	vsel vm1, s7, v49;
	v50 =	vsel vm1, s20, v15  }
0x519: {  	v15 =	vsel vm2, s6, v49;
	v49 =	vsel vm11, s3, v50;
	v50 =	vcombine.low v52, v42;
	v42 =	vld [tilespmem:$0x1FD30]  }
0x51a: {  	v0 =	vcombine.low v0, v56;
	v56 =	vld [tilespmem:$0x1FD40];
	_ =	sdelay $0x1  }
0x51b: {  	(v2sf) =	vpush v12, $0x0;
	_ =	sdelay $0x1  }
0x51c: {  	(v2sf) =	vpush v12, $0x1;
	v52 =	vld [tilespmem:$0x1FD50]  }
0x51d: {  	(v2sf) =	vpush v12, $0x2;
	v42 =	vcombine.low v56, v42;
	v56 =	vld [tilespmem:$0x1FD60]  }
0x51e: {  	s15 =	sshra.s32 s29, $0x1F;
	s16 =	sshra.s32 s30, $0x6  }
0x51f: {  	s10 =	sshra.s32 s30, $0x1F;
	s23 =	smul.u32 $0x10624DD3, s17;
	s30 =	spop (v2sf);
	v49 =	vsel vm2, s9, v49  }
0x520: {  	(v2sf) =	vpush v12, $0x3;
	v33 =	vcombine.low v33, v14;
	s17 =	sshra.s32 s29, $0x6;
	s29 =	smulhi.u32 $0x10624DD3, s30;
	s30 =	sshra.s32 s30, $0x1F;
	v49 =	vsel vm12, s8, v49  }
0x521: {  	v40 =	vcombine.low v44, v40;
	(v2sf) =	vpush v12, $0x4;
	s19 =	smul.u32 $0x10624DD3, s30;
	s30 =	spop (v2sf);
	v49 =	vsel vm4, s16, v49  }
0x522: {  	s14 =	sshra.s32 s31, $0x6;
	s22 =	smulhi.u32 $0x10624DD3, s30;
	s31 =	spop (v2sf);
	v44 =	vperm.xlane v50, v30;
	v50 =	vsel vm13, s10, v49;
	v52 =	vcombine.low v56, v52;
	v56 =	vld [tilespmem:$0x1FD70]  }
0x523: {  	s12 =	sshra.s32 s24, $0x6;
	s13 =	sshra.s32 s24, $0x1F;
	s24 =	sshra.s32 s30, $0x1F;
	v14 =	vsel vm5, s17, v50;
	v50 =	vperm.xlane v55, v1;
	v0 =	vperm.xlane v0, v30  }
0x524: {  	s5 =	sshra.s32 s31, $0x1F;
	s30 =	sld [smem:$0x62C];
	s26 =	smul.u32 $0x10624DD3, s24  }
0x525: {  	s28 =	sld [smem:$0x62B];
	s24 =	smul.u32 $0x10624DD3, s5;
	v49 =	vperm.xlane v53, v1;
	v0 =	vsel vm8, v50, v0;
	v50 =	vld [tilespmem:$0x1FD90]  }
0x526: {  	(v2sf) =	vpush v12, $0x5;
	s20 =	smulhi.u32 $0x10624DD3, s31;
	s6 =	spop (v2sf)  }
0x527: {  	s31 =	sld [smem:$0x62D];
	s11 =	sshrl.u32 s30, $0x1F;
	s3 =	sadd.s32 s23, s21;
	v49 =	vsel vm8, v49, v44;
	v44 =	vperm.xlane v56, v1;
	v56 =	vld [tilespmem:$0x1FD80]  }
0x528: {  	v40 =	vperm.xlane v40, v30;
	v28 =	vperm.xlane v28, v1;
	(v2sf) =	vpush v12, $0x6;
	s21 =	smulhi.u32 $0x10624DD3, s6;
	s5 =	sshra.s32 s6, $0x1F;
	s7 =	sshrl.u32 s28, $0x1F  }
0x529: {  	v33 =	vperm.xlane v33, v30;
	s23 =	smul.u32 $0x10624DD3, s5;
	s5 =	sadd.s32 s19, s29;
	s8 =	spop (v2sf)  }
0x52a: {  	v28 =	vsel vm8, v28, v40;
	(v2sf) =	vpush v12, $0x7;
	s9 =	sshrl.u32 s31, $0x1F;
	s16 =	smulhi.u32 $0x10624DD3, s8;
	s6 =	sshra.s32 s8, $0x1F;
	v50 =	vperm.xlane v50, v1  }
0x52b: {  	v36 =	vcombine.low v37, v36;
	s25 =	spop (v2sf);
	s8 =	sshrl.u32 s5, $0x1F;
	s19 =	smul.u32 $0x10624DD3, s6;
	v55 =	vmov s4;
	v53 =	vsel vm14, s15, v14  }
0x52c: {  	s5 =	sshra.s32 s5, $0x6;
	s29 =	spop (v2sf);
	s17 =	smulhi.u32 $0x10624DD3, s25;
	v14 =	vld [tilespmem:$0x100];
	v33 =	vsel vm8, v50, v33;
	v52 =	vperm.xlane v52, v30;
	v56 =	vperm.xlane v56, v1  }
0x52d: {  	s6 =	sadd.s32 s26, s22;
	s26 =	sshra.s32 s25, $0x1F;
	s22 =	smulhi.u32 $0x10624DD3, s29;
	v42 =	vperm.xlane v42, v30;
	v40 =	vadd.s32 v33, v28;
	v28 =	vmov s11  }
0x52e: {  	s4 =	sshrl.u32 s6, $0x1F;
	s18 =	sshra.s32 s29, $0x1F;
	s15 =	smul.u32 $0x10624DD3, s26;
	v0 =	vadd.s32 v49, v0;
	v49 =	vsel vm8, v56, v52;
	v56 =	vsel vm0, s7, v28;
	v28 =	vld [tilespmem:$0x1FDA0]  }
0x52f: {  	s10 =	sshrl.u32 s3, $0x1F;
	s25 =	spop (v2sf);
	v55 =	vsel vm0, s2, v55;
	s18 =	smul.u32 $0x10624DD3, s18;
	v37 =	vmov s4;
	v42 =	vsel vm8, v44, v42  }
0x530: {  	s6 =	sshra.s32 s6, $0x6;
	s26 =	smulhi.u32 $0x10624DD3, s25;
	s16 =	sadd.s32 s19, s16;
	v53 =	vsel vm6, s12, v53;
	v55 =	vsel vm1, s1, v55;
	v42 =	vadd.s32 v42, v49  }
0x531: {  	s4 =	sshra.s32 s31, $0x6;
	s12 =	sadd.s32 s24, s20;
	s20 =	sshra.s32 s25, $0x1F;
	(v2sf) =	vpush v14, $0xD;
	v52 =	vmul.u32 $0xFFFFFC18, v40;
	v44 =	vmul.u32 $0xFFFFFC18, v42  }
0x532: {  	s1 =	sadd.s32 s23, s21;
	s29 =	spop (v2sf);
	v37 =	vsel vm0, s8, v37;
	s8 =	sshra.s32 s16, $0x6;
	v55 =	vsel vm2, s0, v55;
	(v2sf) =	vpush v14, $0xC  }
0x533: {  	s2 =	sshrl.u32 s12, $0x1F;
	s20 =	smul.u32 $0x10624DD3, s20;
	s0 =	sshrl.u32 s1, $0x1F;
	v35 =	vcombine.low v35, v28;
	v28 =	vadd.s32 v3, v44;
	v3 =	vadd.s32 v5, v52;
	v52 =	vld [tilespmem:$0x1FDB0]  }
0x534: {  	s23 =	smulhi.u32 $0x10624DD3, s29;
	s21 =	sshra.s32 s29, $0x1F;
	s17 =	sadd.s32 s15, s17  }
0x535: {  	v53 =	vsel vm15, s13, v53;
	s18 =	sadd.s32 s18, s22;
	s19 =	smul.u32 $0x10624DD3, s21;
	s24 =	spop (v2sf);
	(v2sf) =	vpush v14, $0xE;
	v33 =	vmul.u32 $0xFFFFFC18, v0  }
0x536: {  	s1 =	sshra.s32 s1, $0x6;
	v53 =	vsel vm7, s14, v53;
	v37 =	vsel vm1, s2, v37;
	s2 =	sshra.s32 s18, $0x6;
	s21 =	smulhi.u32 $0x10624DD3, s24  }
0x537: {  	s14 =	sshra.s32 s24, $0x1F;
	s25 =	spop (v2sf);
	s24 =	sshrl.u32 s16, $0x1F;
	(v2sf) =	vpush v14, $0xF;
	v33 =	vadd.s32 v2, v33;
	v2 =	vsel vm1, s9, v56  }
0x538: {  	s15 =	sadd.s32 s19, s23;
	s22 =	smul.u32 $0x10624DD3, s14;
	s14 =	sadd.s32 s20, s26;
	v56 =	vmov s24;
	v49 =	vperm.xlane v35, v30;
	v35 =	vperm.xlane v52, v1  }
0x539: {  	s20 =	smulhi.u32 $0x10624DD3, s25;
	s26 =	sshra.s32 s25, $0x1F;
	s29 =	spop (v2sf);
	(v2sf) =	vpush v14, $0x9;
	v52 =	vnsel vm3, $0x0, v56;
	v56 =	vperm.xlane v63, v1  }
0x53a: {  	s23 =	sshrl.u32 s15, $0x1F;
	s13 =	sadd.s32 s22, s21;
	s25 =	smulhi.u32 $0x10624DD3, s29;
	v49 =	vsel vm8, v35, v49;
	v35 =	vadd.s32 $0x3E8, v0;
	v0 =	vperm.xlane v36, v30  }
0x53b: {  	s22 =	sshrl.u32 s18, $0x1F;
	s11 =	smul.u32 $0x10624DD3, s26;
	s26 =	sshra.s32 s29, $0x1F;
	(v2sf) =	vpush v14, $0x8  }
0x53c: {  	s21 =	sshra.s32 s16, $0x1F;
	s29 =	sshrl.u32 s17, $0x1F;
	s19 =	smul.u32 $0x10624DD3, s26;
	v0 =	vsel vm8, v56, v0;
	v56 =	vld [tilespmem:$0x1FDC0]  }
0x53d: {  	s18 =	sshra.s32 s18, $0x1F;
	(v2sf) =	vpush v14, $0xA;
	s11 =	sadd.s32 s11, s20;
	s20 =	sshrl.u32 s14, $0x1F;
	v36 =	vsel vm0, s29, v52;
	v0 =	vadd.s32 v49, v0;
	v49 =	vld [tilespmem:$0x1FDD0]  }
0x53e: {  	(v2sf) =	vpush v14, $0xB;
	s26 =	sshrl.u32 s11, $0x1F;
	s7 =	sshra.s32 s3, $0x6;
	v2 =	vsel vm2, s10, v2;
	s10 =	sadd.s32 s19, s25;
	v36 =	vsel vm1, s22, v36  }
0x53f: {  	(v2sf) =	vpush v14, $0x0;
	s3 =	sshra.s32 s12, $0x6;
	s12 =	sshra.s32 s13, $0x6;
	s29 =	sshra.s32 s10, $0x1F;
	v50 =	vsel vm2, s20, v36  }
0x540: {  	(v2sf) =	vpush v14, $0x1;
	s9 =	sshra.s32 s28, $0x6;
	s19 =	sshra.s32 s30, $0x6;
	s30 =	spop (v2sf);
	v52 =	vsel vm4, s23, v50;
	v50 =	vmov s29  }
0x541: {  	(v2sf) =	vpush v14, $0x2;
	s28 =	sshra.s32 s17, $0x1F;
	s25 =	sshrl.u32 s13, $0x1F;
	s16 =	sshra.s32 s30, $0x1F;
	v5 =	vadd.s32 $0x3E8, v42;
	v42 =	vsel vm3, s8, v50;
	v50 =	vld [tilespmem:$0x1FDF0]  }
0x542: {  	s31 =	spop (v2sf);
	v63 =	vadd.s32 $0x3E8, v40;
	s22 =	sshra.s32 s17, $0x6;
	v36 =	vsel vm2, s0, v37;
	s0 =	smulhi.u32 $0x10624DD3, s30;
	v40 =	vcombine.low v49, v56;
	v56 =	vld [tilespmem:$0x1FE00]  }
0x543: {  	s17 =	sshra.s32 s14, $0x1F;
	s20 =	sshra.s32 s14, $0x6;
	s14 =	smul.u32 $0x10624DD3, s16;
	v37 =	vsel vm5, s25, v52;
	v52 =	vld [tilespmem:$0x1FDE0]  }
0x544: {  	(v2sf) =	vpush v14, $0x3;
	s24 =	sshrl.u32 s10, $0x1F;
	s29 =	spop (v2sf);
	s25 =	smulhi.u32 $0x10624DD3, s31  }
0x545: {  	s10 =	sshra.s32 s10, $0x6;
	v37 =	vsel vm6, s26, v37;
	s26 =	sshra.s32 s31, $0x1F;
	v42 =	vsel vm9, s21, v42;
	s21 =	smulhi.u32 $0x10624DD3, s29  }
0x546: {  	v17 =	vcombine.low v17, v54;
	(v2sf) =	vpush v14, $0x4;
	s30 =	sshra.s32 s29, $0x1F;
	s31 =	spop (v2sf);
	s23 =	smul.u32 $0x10624DD3, s26;
	v42 =	vsel vm0, s22, v42  }
0x547: {  	s16 =	sshra.s32 s15, $0x6;
	v37 =	vsel vm7, s24, v37;
	s22 =	smul.u32 $0x10624DD3, s30;
	s24 =	sshra.s32 s31, $0x1F;
	v42 =	vsel vm10, s28, v42;
	v50 =	vcombine.low v56, v50  }
0x548: {  	v44 =	vmul.u32 $0xFFFFFC18, v0;
	s8 =	sshra.s32 s15, $0x1F;
	s15 =	sshra.s32 s13, $0x1F;
	s24 =	smul.u32 $0x10624DD3, s24;
	v42 =	vsel vm1, s2, v42;
	v49 =	vperm.xlane v52, v1  }
0x549: {  	s13 =	sshra.s32 s11, $0x6;
	s26 =	spop (v2sf);
	v52 =	vmov s19;
	s19 =	smulhi.u32 $0x10624DD3, s31;
	v56 =	vperm.xlane v31, v1;
	v50 =	vperm.xlane v50, v30  }
0x54a: {  	(v2sf) =	vpush v14, $0x5;
	s28 =	spop (v2sf);
	s2 =	sshra.s32 s26, $0x1F;
	v31 =	vadd.s32 v4, v44;
	v4 =	vsel vm11, s18, v42;
	s18 =	smulhi.u32 $0x10624DD3, s26  }
0x54b: {  	v47 =	vcombine.low v47, v39;
	s11 =	sshra.s32 s11, $0x1F;
	s29 =	sshra.s32 s28, $0x1F;
	s26 =	smul.u32 $0x10624DD3, s2;
	v42 =	vsel vm8, v56, v50;
	v50 =	vld [tilespmem:$0x1FE10]  }
0x54c: {  	v41 =	vperm.xlane v41, v1;
	v17 =	vperm.xlane v17, v30;
	s30 =	spop (v2sf);
	s2 =	sadd.s32 s23, s25;
	s23 =	smul.u32 $0x10624DD3, s29;
	v4 =	vsel vm2, s20, v4  }
0x54d: {  	v43 =	vcombine.low v43, v61;
	v21 =	vcombine.low v21, v25;
	s0 =	sadd.s32 s14, s0;
	s31 =	spop (v2sf);
	s25 =	smulhi.u32 $0x10624DD3, s30;
	v4 =	vsel vm12, s17, v4  }
0x54e: {  	s14 =	sshrl.u32 s0, $0x1F;
	(v2sf) =	vpush v14, $0x6;
	v40 =	vperm.xlane v40, v30;
	s20 =	smulhi.u32 $0x10624DD3, s28;
	s28 =	spop (v2sf);
	v4 =	vsel vm4, s16, v4  }
0x54f: {  	(v2sf) =	vpush v14, $0x7;
	s29 =	spop (v2sf);
	s16 =	smulhi.u32 $0x10624DD3, s31;
	v56 =	vsel vm0, s9, v52;
	s9 =	sshra.s32 s30, $0x1F;
	v4 =	vsel vm13, s8, v4  }
0x550: {  	v40 =	vsel vm8, v49, v40;
	s8 =	sadd.s32 s26, s18;
	s26 =	smulhi.u32 $0x10624DD3, s29;
	s30 =	spop (v2sf);
	v4 =	vsel vm5, s12, v4;
	v44 =	vcombine.low v32, v50  }
0x551: {  	s17 =	sshrl.u32 s2, $0x1F;
	s12 =	sadd.s32 s23, s20;
	s23 =	smulhi.u32 $0x10624DD3, s30;
	v32 =	vadd.s32 $0x3E8, v0;
	v0 =	vadd.s32 v40, v42;
	v42 =	vsel vm1, s4, v56;
	v56 =	vld [tilespmem:$0x1FE20]  }
0x552: {  	v26 =	vperm.xlane v26, v1;
	v23 =	vperm.xlane v23, v1;
	s4 =	sadd.s32 s22, s21;
	s21 =	smul.u32 $0x10624DD3, s9;
	s22 =	sshra.s32 s31, $0x1F  }
0x553: {  	v21 =	vperm.xlane v21, v30;
	s31 =	spop (v2sf);
	v52 =	vmul.u32 $0xFFFFFC18, v0;
	v39 =	vsel vm2, s7, v42;
	s7 =	sadd.s32 s24, s19;
	s19 =	smul.u32 $0x10624DD3, s22  }
0x554: {  	v41 =	vsel vm8, v41, v17;
	v50 =	vperm.xlane v51, v1;
	s9 =	sshrl.u32 s4, $0x1F;
	v42 =	vperm.xlane v47, v30;
	s24 =	smulhi.u32 $0x10624DD3, s28;
	s22 =	sshra.s32 s28, $0x1F  }
0x555: {  	s28 =	sshra.s32 s31, $0x1F;
	v40 =	vperm.xlane v44, v30;
	s18 =	smul.u32 $0x10624DD3, s22;
	s22 =	sshra.s32 s29, $0x1F;
	v6 =	vadd.s32 v6, v52;
	v52 =	vcombine.low v45, v46  }
0x556: {  	v23 =	vsel vm8, v23, v21;
	s29 =	spop (v2sf);
	s20 =	smul.u32 $0x10624DD3, s22;
	s22 =	sshra.s32 s30, $0x1F;
	v49 =	vperm.xlane v56, v1;
	v56 =	vperm.xlane v48, v1  }
0x557: {  	s16 =	sadd.s32 s19, s16;
	s19 =	smul.u32 $0x10624DD3, s28;
	s30 =	sshra.s32 s29, $0x1F;
	v48 =	vmov s6;
	v44 =	vperm.xlane v52, v30;
	v52 =	vsel vm14, s15, v4;
	v4 =	vld [tilespmem:$0x110]  }
0x558: {  	s18 =	sadd.s32 s18, s24;
	s15 =	sadd.s32 s21, s25;
	s21 =	smul.u32 $0x10624DD3, s22;
	v46 =	vsel vm0, s5, v48;
	v40 =	vsel vm8, v49, v40;
	v42 =	vsel vm8, v56, v42  }
0x559: {  	s6 =	sshrl.u32 s7, $0x1F;
	s25 =	smulhi.u32 $0x10624DD3, s31;
	s31 =	spop (v2sf);
	v51 =	vsel vm1, s3, v46;
	v44 =	vsel vm8, v50, v44;
	v56 =	vcombine.low v57, v34  }
0x55a: {  	s20 =	sadd.s32 s20, s26;
	s5 =	sshrl.u32 s8, $0x1F;
	s24 =	smulhi.u32 $0x10624DD3, s31;
	v57 =	vsel vm6, s13, v52;
	v34 =	vadd.s32 $0x3E8, v0;
	v50 =	vmov s17  }
0x55b: {  	s28 =	sshra.s32 s31, $0x1F;
	s8 =	sshra.s32 s8, $0x6;
	v52 =	vperm.xlane v38, v1;
	s17 =	smul.u32 $0x10624DD3, s30;
	v40 =	vadd.s32 v40, v42;
	v17 =	vsel vm2, s1, v51  }
0x55c: {  	s3 =	sshrl.u32 s12, $0x1F;
	s13 =	sshrl.u32 s16, $0x1F;
	s22 =	smul.u32 $0x10624DD3, s28;
	v0 =	vadd.s32 v44, v41;
	v49 =	vsel vm15, s11, v57;
	(v2sf) =	vpush v4, $0xD  }
0x55d: {  	s1 =	sshrl.u32 s15, $0x1F;
	s11 =	smulhi.u32 $0x10624DD3, s29;
	v42 =	vsel vm0, s14, v50;
	v57 =	vperm.xlane v60, v1;
	s29 =	spop (v2sf);
	v60 =	vmov s3  }
0x55e: {  	s14 =	sadd.s32 s21, s23;
	s21 =	sadd.s32 s19, s25;
	v54 =	vmul.u32 $0xFFFFFC18, v40;
	v41 =	vsel vm7, s10, v49;
	s10 =	sshrl.u32 s18, $0x1F;
	(v2sf) =	vpush v4, $0xC  }
0x55f: {  	v48 =	vperm.xlane v56, v30;
	v51 =	vmul.u32 $0xFFFFFC18, v0;
	v38 =	vadd.s32 $0x3E8, v40;
	s23 =	smulhi.u32 $0x10624DD3, s29;
	s26 =	sshra.s32 s29, $0x1F;
	s30 =	spop (v2sf)  }
0x560: {  	s29 =	sadd.s32 s22, s24;
	s22 =	sshrl.u32 s20, $0x1F;
	v42 =	vsel vm1, s9, v42;
	v61 =	vsel vm0, s5, v60;
	s5 =	sshra.s32 s0, $0x6;
	(v2sf) =	vpush v4, $0xE  }
0x561: {  	v25 =	vadd.s32 $0x3E8, v0;
	s9 =	sshra.s32 s12, $0x6;
	s0 =	sshra.s32 s18, $0x6;
	s19 =	smul.u32 $0x10624DD3, s26;
	v49 =	vsel vm2, s6, v42;
	v7 =	vadd.s32 v7, v54  }
0x562: {  	s28 =	sadd.s32 s17, s11;
	s11 =	smulhi.u32 $0x10624DD3, s30;
	s31 =	sshra.s32 s30, $0x1F;
	v54 =	vcombine.low v59, v58;
	v58 =	vperm.xlane v43, v30;
	(v2sf) =	vpush v4, $0xF  }
0x563: {  	s12 =	sshra.s32 s20, $0x6;
	s26 =	sshrl.u32 s14, $0x1F;
	v50 =	vsel vm1, s1, v61;
	v44 =	vsel vm8, v52, v48;
	s17 =	smul.u32 $0x10624DD3, s31;
	v48 =	vmov s10  }
0x564: {  	s30 =	sshrl.u32 s21, $0x1F;
	s6 =	sshra.s32 s16, $0x6;
	s16 =	sshra.s32 s14, $0x6;
	v56 =	vperm.xlane v54, v30;
	v26 =	vsel vm8, v26, v58;
	(v2sf) =	vpush v4, $0x9  }
0x565: {  	v8 =	vadd.s32 v8, v51;
	s31 =	sshrl.u32 s28, $0x1F;
	s10 =	sshra.s32 s7, $0x6;
	v51 =	vnsel vm3, $0x0, v48;
	s25 =	sadd.s32 s17, s11;
	v0 =	vadd.s32 v26, v23  }
0x566: {  	s7 =	sshra.s32 s15, $0x6;
	s11 =	sshra.s32 s4, $0x6;
	s4 =	sshra.s32 s25, $0x1F;
	v40 =	vsel vm8, v57, v56;
	v23 =	vmul.u32 $0xFFFFFC18, v0;
	(v2sf) =	vpush v4, $0x8  }
0x567: {  	s15 =	sshra.s32 s20, $0x1F;
	s20 =	sshra.s32 s29, $0x6;
	s24 =	sadd.s32 s19, s23;
	v42 =	vsel vm0, s22, v51;
	v52 =	vmov s4;
	v40 =	vadd.s32 v44, v40  }
0x568: {  	s23 =	sshrl.u32 s29, $0x1F;
	s19 =	sshra.s32 s2, $0x6;
	s2 =	sshra.s32 s18, $0x1F;
	(v2sf) =	vpush v4, $0xA;
	v59 =	vmul.u32 $0xFFFFFC18, v40;
	v23 =	vadd.s32 v10, v23  }
0x569: {  	s18 =	sshra.s32 s29, $0x1F;
	s17 =	sshrl.u32 s24, $0x1F;
	s22 =	sshra.s32 s28, $0x6;
	v10 =	vadd.s32 $0x3E8, v0;
	v0 =	vsel vm1, s26, v42;
	(v2sf) =	vpush v4, $0xB  }
0x56a: {  	s3 =	sshrl.u32 s25, $0x1F;
	s4 =	sshra.s32 s21, $0x1F;
	s26 =	sshra.s32 s21, $0x6;
	v42 =	vsel vm3, s0, v52;
	v0 =	vsel vm2, s30, v0;
	(v2sf) =	vpush v4, $0x0  }
0x56b: {  	s21 =	sshra.s32 s28, $0x1F;
	s28 =	sshra.s32 s24, $0x6;
	v42 =	vsel vm9, s2, v42;
	v21 =	vadd.s32 v9, v59;
	v9 =	vadd.s32 $0x3E8, v40;
	s30 =	spop (v2sf)  }
0x56c: {  	v40 =	vsel vm2, s13, v50;
	s13 =	sshra.s32 s14, $0x1F;
	v0 =	vsel vm4, s31, v0;
	(v2sf) =	vpush v4, $0x1;
	s31 =	smulhi.u32 $0x10624DD3, s30;
	s0 =	sshra.s32 s30, $0x1F  }
0x56d: {  	v27 =	vcombine.low v27, v62;
	v54 =	vsel vm0, s12, v42;
	s14 =	sshra.s32 s24, $0x1F;
	(v2sf) =	vpush v4, $0x2;
	s24 =	spop (v2sf);
	s0 =	smul.u32 $0x10624DD3, s0  }
0x56e: {  	v19 =	vcombine.low v19, v20;
	v20 =	vsel vm10, s15, v54;
	s15 =	sshra.s32 s25, $0x6;
	(v2sf) =	vpush v4, $0x3;
	s29 =	smulhi.u32 $0x10624DD3, s24;
	s2 =	sshra.s32 s24, $0x1F  }
0x56f: {  	v27 =	vperm.xlane v27, v30;
	(v2sf) =	vpush v4, $0x4;
	s30 =	smul.u32 $0x10624DD3, s2;
	s0 =	sadd.s32 s0, s31;
	s31 =	spop (v2sf)  }
0x570: {  	v16 =	vcombine.low v16, v22;
	v0 =	vsel vm5, s23, v0;
	(v2sf) =	vpush v4, $0x5;
	s12 =	sshrl.u32 s0, $0x1F;
	s23 =	smulhi.u32 $0x10624DD3, s31;
	s25 =	sshra.s32 s31, $0x1F  }
0x571: {  	v19 =	vperm.xlane v19, v30;
	v24 =	vperm.xlane v24, v1;
	s2 =	sadd.s32 s30, s29;
	s30 =	spop (v2sf);
	(v2sf) =	vpush v4, $0x6;
	s29 =	smul.u32 $0x10624DD3, s25  }
0x572: {  	v29 =	vperm.xlane v29, v1;
	v16 =	vperm.xlane v16, v30;
	s0 =	sshra.s32 s0, $0x6;
	s31 =	smulhi.u32 $0x10624DD3, s30;
	s24 =	sshra.s32 s30, $0x1F;
	(v2sf) =	vpush v4, $0x7  }
0x573: {  	v19 =	vsel vm8, v24, v19;
	v18 =	vperm.xlane v18, v1;
	v15 =	vcombine.low v55, v15;
	s25 =	smul.u32 $0x10624DD3, s24;
	s1 =	sadd.s32 s29, s23;
	s29 =	spop (v2sf)  }
0x574: {  	v2 =	vcombine.low v36, v2;
	v20 =	vsel vm1, s16, v20;
	v0 =	vsel vm6, s17, v0;
	s16 =	sshrl.u32 s2, $0x1F;
	s30 =	smulhi.u32 $0x10624DD3, s29;
	s24 =	sshra.s32 s29, $0x1F  }
0x575: {  	v16 =	vsel vm8, v18, v16;
	v20 =	vsel vm11, s13, v20;
	v57 =	vsel vm7, s3, v0;
	s3 =	sadd.s32 s25, s31;
	s31 =	smul.u32 $0x10624DD3, s24;
	s24 =	spop (v2sf)  }
0x576: {  	v15 =	vperm.xlane v15, v30;
	v2 =	vperm.xlane v2, v30;
	v0 =	vsel vm2, s26, v20;
	s2 =	sshra.s32 s2, $0x6;
	s26 =	smulhi.u32 $0x10624DD3, s24;
	s23 =	sshra.s32 s24, $0x1F  }
0x577: {  	v36 =	vperm.xlane v37, v1;
	v17 =	vcombine.low v17, v39;
	v0 =	vsel vm12, s4, v0;
	s4 =	sadd.s32 s31, s30;
	s29 =	smul.u32 $0x10624DD3, s23;
	s30 =	spop (v2sf)  }
0x578: {  	v45 =	vperm.xlane v41, v1;
	v58 =	vperm.xlane v53, v1;
	v59 =	vmov s19;
	s17 =	sshrl.u32 s1, $0x1F;
	s25 =	smulhi.u32 $0x10624DD3, s30;
	s23 =	sshra.s32 s30, $0x1F  }
0x579: {  	v56 =	vsel vm8, v29, v27;
	v61 =	vsel vm0, s5, v59;
	v62 =	vsel vm4, s22, v0;
	s31 =	spop (v2sf);
	s5 =	sadd.s32 s29, s26;
	s13 =	smul.u32 $0x10624DD3, s23  }
0x57a: {  	v15 =	vsel vm8, v58, v15;
	v37 =	vsel vm1, s11, v61;
	v42 =	vsel vm13, s21, v62;
	s11 =	smulhi.u32 $0x10624DD3, s31;
	s24 =	sshra.s32 s31, $0x1F;
	s26 =	spop (v2sf)  }
0x57b: {  	v44 =	vmov s9;
	v0 =	vadd.s32 v16, v15;
	v18 =	vsel vm5, s20, v42;
	s19 =	sshrl.u32 s3, $0x1F;
	s21 =	smul.u32 $0x10624DD3, s24;
	s29 =	spop (v2sf)  }
0x57c: {  	v15 =	vsel vm8, v36, v2;
	v2 =	vperm.xlane v17, v30;
	v18 =	vsel vm14, s18, v18;
	s18 =	smulhi.u32 $0x10624DD3, s26;
	s23 =	sshra.s32 s26, $0x1F;
	s30 =	spop (v2sf)  }
0x57d: {  	v19 =	vadd.s32 v56, v19;
	v22 =	vsel vm0, s8, v44;
	v16 =	vsel vm2, s10, v37;
	s9 =	sadd.s32 s13, s25;
	s31 =	smul.u32 $0x10624DD3, s23;
	s23 =	spop (v2sf)  }
0x57e: {  	v17 =	vsel vm8, v45, v2;
	v2 =	vsel vm1, s7, v22;
	v18 =	vsel vm6, s28, v18;
	s25 =	smulhi.u32 $0x10624DD3, s29;
	s10 =	sshra.s32 s29, $0x1F;
	s26 =	spop (v2sf)  }
0x57f: {  	v60 =	vmul.u32 $0xFFFFFC18, v19;
	v47 =	vsel vm2, s6, v2;
	v2 =	vld [tilespmem:$0x120];
	v18 =	vsel vm15, s14, v18;
	s22 =	sshrl.u32 s4, $0x1F;
	s7 =	smul.u32 $0x10624DD3, s10;
	s10 =	spop (v2sf)  }
0x580: {  	v26 =	vcombine.low v40, v49;
	v48 =	vsel vm7, s15, v18;
	s15 =	smulhi.u32 $0x10624DD3, s30;
	s24 =	sshra.s32 s30, $0x1F;
	s8 =	spop (v2sf)  }
0x581: {  	v11 =	vadd.s32 v11, v60;
	s20 =	sshrl.u32 s5, $0x1F;
	s28 =	smul.u32 $0x10624DD3, s24;
	s29 =	spop (v2sf)  }
0x582: {  	v46 =	vperm.xlane v26, v30;
	v49 =	vperm.xlane v57, v1;
	v43 =	vmul.u32 $0xFFFFFC18, v0;
	s6 =	sadd.s32 s21, s11;
	s30 =	smulhi.u32 $0x10624DD3, s29;
	s21 =	sshra.s32 s29, $0x1F  }
0x583: {  	v15 =	vadd.s32 v15, v17;
	v50 =	vcombine.low v47, v16;
	s5 =	sshra.s32 s5, $0x6;
	v57 =	vmov s20;
	s14 =	sshrl.u32 s9, $0x1F;
	s21 =	smul.u32 $0x10624DD3, s21  }
0x584: {  	v55 =	vmov s16;
	(v2sf) =	vpush v2, $0xD;
	v24 =	vsel vm0, s22, v57;
	s13 =	sadd.s32 s31, s18;
	s31 =	sshrl.u32 s6, $0x1F;
	s22 =	smulhi.u32 $0x10624DD3, s23  }
0x585: {  	v22 =	vsel vm0, s12, v55;
	(v2sf) =	vpush v2, $0xC;
	v24 =	vsel vm1, s14, v24;
	s24 =	sadd.s32 s7, s25;
	s12 =	sshrl.u32 s13, $0x1F;
	s7 =	sadd.s32 s21, s30  }
0x586: {  	v17 =	vsel vm8, v49, v46;
	v54 =	vperm.xlane v50, v30;
	s25 =	sshra.s32 s23, $0x1F;
	v58 =	vsel vm2, s31, v24;
	s31 =	sshra.s32 s13, $0x6;
	s18 =	sshra.s32 s7, $0x1F  }
0x587: {  	[tilespmem:$0x450] =	vst v5;
	v56 =	vperm.xlane v48, v1;
	v22 =	vsel vm1, s17, v22;
	s13 =	sshra.s32 s13, $0x1F;
	s20 =	sshrl.u32 s24, $0x1F;
	s17 =	smul.u32 $0x10624DD3, s25;
	v59 =	vmov s18  }
0x588: {  	[tilespmem:$0x460] =	vst v63;
	v63 =	vmov s2;
	v22 =	vsel vm2, s19, v22;
	s11 =	sadd.s32 s28, s15;
	s19 =	smulhi.u32 $0x10624DD3, s10;
	s10 =	sshra.s32 s10, $0x1F;
	v60 =	vsel vm3, s31, v59  }
0x589: {  	[tilespmem:$0x290] =	vst v7;
	v7 =	vsel vm0, s0, v63;
	s23 =	sshra.s32 s24, $0x1F;
	(v2sf) =	vpush v2, $0xE;
	s10 =	smul.u32 $0x10624DD3, s10;
	s21 =	sshra.s32 s24, $0x6;
	v5 =	vsel vm9, s13, v60  }
0x58a: {  	[tilespmem:$0x260] =	vst v3;
	v3 =	vcombine.low v58, v22;
	v61 =	vmov s12;
	s28 =	sshrl.u32 s11, $0x1F;
	s29 =	smulhi.u32 $0x10624DD3, s26;
	s30 =	sshra.s32 s26, $0x1F;
	v5 =	vsel vm0, s21, v5  }
0x58b: {  	v22 =	vnsel vm3, $0x0, v61;
	s25 =	sshra.s32 s11, $0x6;
	s11 =	sshra.s32 s11, $0x1F;
	(v2sf) =	vpush v2, $0xF;
	s18 =	smul.u32 $0x10624DD3, s30;
	v5 =	vsel vm10, s23, v5  }
0x58c: {  	s15 =	sadd.s32 s17, s22;
	v22 =	vsel vm0, s20, v22;
	s17 =	sshra.s32 s1, $0x6;
	s20 =	sshra.s32 s3, $0x6;
	v3 =	vperm.xlane v3, v30;
	v5 =	vsel vm1, s25, v5  }
0x58d: {  	(v2sf) =	vpush v2, $0x9;
	s22 =	sshrl.u32 s15, $0x1F;
	v62 =	vsel vm1, s28, v22;
	s26 =	sadd.s32 s18, s29;
	s29 =	sshra.s32 s15, $0x6;
	v5 =	vsel vm11, s11, v5  }
0x58e: {  	v22 =	vmov s5;
	(v2sf) =	vpush v2, $0x8;
	s24 =	smulhi.u32 $0x10624DD3, s8;
	s8 =	sshra.s32 s8, $0x1F;
	s30 =	sshra.s32 s15, $0x1F;
	v5 =	vsel vm2, s29, v5  }
0x58f: {  	s10 =	sadd.s32 s10, s19;
	v7 =	vsel vm1, s17, v7;
	(v2sf) =	vpush v2, $0xA;
	s8 =	smul.u32 $0x10624DD3, s8;
	s13 =	sshra.s32 s26, $0x6;
	v5 =	vsel vm12, s30, v5  }
0x590: {  	[tilespmem:$0x280] =	vst v6;
	v6 =	vsel vm2, s22, v62;
	s12 =	sshrl.u32 s10, $0x1F;
	s16 =	sshra.s32 s10, $0x6;
	(v2sf) =	vpush v2, $0xB;
	s14 =	sshra.s32 s26, $0x1F;
	v5 =	vsel vm4, s13, v5  }
0x591: {  	v7 =	vsel vm2, s20, v7;
	(v2sf) =	vpush v2, $0x0;
	s8 =	sadd.s32 s8, s24;
	s15 =	sshra.s32 s4, $0x6;
	s28 =	sshrl.u32 s26, $0x1F;
	v5 =	vsel vm13, s14, v5  }
0x592: {  	[tilespmem:$0x2A0] =	vst v8;
	s19 =	sshra.s32 s10, $0x1F;
	s31 =	sshrl.u32 s8, $0x1F;
	s18 =	sshra.s32 s9, $0x6;
	v8 =	vsel vm0, s15, v22;
	v6 =	vsel vm4, s28, v6;
	v5 =	vsel vm5, s16, v5  }
0x593: {  	s22 =	sshra.s32 s8, $0x6;
	s21 =	sshra.s32 s6, $0x6;
	v8 =	vsel vm1, s18, v8;
	s23 =	spop (v2sf);
	v6 =	vsel vm5, s12, v6;
	v5 =	vsel vm14, s19, v5  }
0x594: {  	s24 =	sshrl.u32 s7, $0x1F;
	v8 =	vsel vm2, s21, v8;
	s25 =	sshra.s32 s8, $0x1F;
	s26 =	spop (v2sf);
	v6 =	vsel vm6, s31, v6;
	v5 =	vsel vm6, s22, v5  }
0x595: {  	s28 =	sshra.s32 s7, $0x6;
	v7 =	vcombine.low v8, v7;
	s31 =	smulhi.u32 $0x10624DD3, s23;
	s1 =	sshra.s32 s26, $0x1F;
	v6 =	vsel vm7, s24, v6;
	v5 =	vsel vm15, s25, v5  }
0x596: {  	(v2sf) =	vpush v2, $0x1;
	s3 =	sshra.s32 s23, $0x1F;
	s15 =	smul.u32 $0x10624DD3, s1;
	v6 =	vperm.xlane v6, v1;
	v5 =	vsel vm7, s28, v5  }
0x597: {  	v24 =	vsel vm8, v56, v54;
	v7 =	vperm.xlane v7, v30;
	s13 =	smul.u32 $0x10624DD3, s3;
	v5 =	vperm.xlane v5, v1  }
0x598: {  	v0 =	vadd.s32 $0x3E8, v0;
	(v2sf) =	vpush v2, $0x2;
	v8 =	vadd.s32 v17, v24;
	s29 =	spop (v2sf);
	s14 =	smulhi.u32 $0x10624DD3, s26  }
0x599: {  	[tilespmem:$0x4E0] =	vst v0;
	v0 =	vmul.u32 $0xFFFFFC18, v8;
	v3 =	vsel vm8, v6, v3;
	s0 =	sshra.s32 s29, $0x1F;
	s16 =	smulhi.u32 $0x10624DD3, s29;
	v5 =	vsel vm8, v5, v7  }
0x59a: {  	[tilespmem:$0x240] =	vst v33;
	(v2sf) =	vpush v2, $0x3;
	s30 =	spop (v2sf);
	s17 =	smul.u32 $0x10624DD3, s0;
	v3 =	vadd.s32 v3, v5  }
0x59b: {  	[tilespmem:$0x250] =	vst v28;
	v0 =	vadd.s32 v14, v0;
	(v2sf) =	vpush v2, $0x4;
	s18 =	smulhi.u32 $0x10624DD3, s30;
	s2 =	sshra.s32 s30, $0x1F;
	v5 =	vmul.u32 $0xFFFFFC18, v3  }
0x59c: {  	[tilespmem:$0x300] =	vst v0;
	v0 =	vadd.s32 $0x3E8, v8;
	s5 =	spop (v2sf);
	(v2sf) =	vpush v2, $0x5;
	s21 =	smul.u32 $0x10624DD3, s2  }
0x59d: {  	[smem:$0x62E] =	sst s31;
	[tilespmem:$0x500] =	vst v0;
	s19 =	smulhi.u32 $0x10624DD3, s5;
	s31 =	sshra.s32 s5, $0x1F;
	v0 =	vadd.s32 v4, v5  }
0x59e: {  	s6 =	spop (v2sf);
	s24 =	smul.u32 $0x10624DD3, s31;
	[tilespmem:$0x310] =	vst v0;
	v0 =	vadd.s32 $0x3E8, v3;
	v3 =	vld [tilespmem:$0x130]  }
0x59f: {  	[tilespmem:$0x440] =	vst v35;
	s20 =	smulhi.u32 $0x10624DD3, s6;
	s4 =	sshra.s32 s6, $0x1F  }
0x5a0: {  	[tilespmem:$0x270] =	vst v31;
	(v2sf) =	vpush v2, $0x6;
	s7 =	spop (v2sf);
	s25 =	smul.u32 $0x10624DD3, s4  }
0x5a1: {  	[tilespmem:$0x470] =	vst v32;
	s22 =	smulhi.u32 $0x10624DD3, s7;
	s5 =	sshra.s32 s7, $0x1F  }
0x5a2: {  	[tilespmem:$0x480] =	vst v34;
	(v2sf) =	vpush v2, $0x7;
	s8 =	spop (v2sf);
	s31 =	smul.u32 $0x10624DD3, s5  }
0x5a3: {  	[tilespmem:$0x490] =	vst v38;
	s23 =	smulhi.u32 $0x10624DD3, s8;
	s1 =	sshra.s32 s8, $0x1F;
	(v2sf) =	vpush v3, $0xD  }
0x5a4: {  	[tilespmem:$0x4A0] =	vst v25;
	s9 =	spop (v2sf);
	s1 =	smul.u32 $0x10624DD3, s1  }
0x5a5: {  	[tilespmem:$0x2C0] =	vst v23;
	s10 =	spop (v2sf);
	s26 =	smulhi.u32 $0x10624DD3, s9  }
0x5a6: {  	v51 =	vadd.s32 $0x3E8, v19;
	[tilespmem:$0x4C0] =	vst v10;
	s28 =	smulhi.u32 $0x10624DD3, s10;
	s0 =	sshra.s32 s10, $0x1F;
	(v2sf) =	vpush v3, $0xC  }
0x5a7: {  	[tilespmem:$0x4D0] =	vst v51;
	s11 =	spop (v2sf);
	s2 =	smul.u32 $0x10624DD3, s0  }
0x5a8: {  	[tilespmem:$0x2B0] =	vst v21;
	s29 =	smulhi.u32 $0x10624DD3, s11;
	s7 =	sshra.s32 s11, $0x1F  }
0x5a9: {  	[tilespmem:$0x4B0] =	vst v9;
	s12 =	spop (v2sf);
	s4 =	smul.u32 $0x10624DD3, s7;
	(v2sf) =	vpush v3, $0xE  }
0x5aa: {  	[tilespmem:$0x2D0] =	vst v11;
	v52 =	vadd.s32 v13, v43;
	v53 =	vmul.u32 $0xFFFFFC18, v15;
	s6 =	sshra.s32 s9, $0x1F;
	s30 =	smulhi.u32 $0x10624DD3, s12;
	s10 =	spop (v2sf)  }
0x5ab: {  	[tilespmem:$0x2E0] =	vst v52;
	v26 =	vadd.s32 $0x3E8, v15;
	s9 =	sshra.s32 s12, $0x1F;
	s11 =	smulhi.u32 $0x10624DD3, s10;
	s12 =	spop (v2sf)  }
0x5ac: {  	[tilespmem:$0x4F0] =	vst v26;
	v25 =	vadd.s32 v12, v53;
	[smem:$0x62F] =	sst s1;
	s5 =	smulhi.u32 $0x10624DD3, s12;
	(v2sf) =	vpush v3, $0xF  }
0x5ad: {  	[tilespmem:$0x2F0] =	vst v25;
	s8 =	smul.u32 $0x10624DD3, s9;
	s0 =	sshra.s32 s10, $0x1F;
	[smem:$0x630] =	sst s11;
	(v2sf) =	vpush v3, $0x9  }
0x5ae: {  	[tilespmem:$0x510] =	vst v0;
	s3 =	smul.u32 $0x10624DD3, s0;
	s0 =	sshra.s32 s12, $0x1F;
	[smem:$0x631] =	sst s5;
	(v2sf) =	vpush v3, $0x8  }
0x5af: {  	s5 =	smul.u32 $0x10624DD3, s0;
	s7 =	spop (v2sf)  }
0x5b0: {  	s9 =	smulhi.u32 $0x10624DD3, s7;
	s0 =	sshra.s32 s7, $0x1F  }
0x5b1: {  	s10 =	spop (v2sf);
	s7 =	smul.u32 $0x10624DD3, s0  }
0x5b2: {  	s11 =	smulhi.u32 $0x10624DD3, s10;
	s0 =	sshra.s32 s10, $0x1F;
	s12 =	spop (v2sf)  }
0x5b3: {  	s1 =	smul.u32 $0x10624DD3, s0;
	s0 =	sshra.s32 s12, $0x1F  }
0x5b4: {  	(v2sf) =	vpush v3, $0xA;
	[smem:$0x633] =	sst s11;
	s0 =	smul.u32 $0x10624DD3, s0  }
0x5b5: {  	s10 =	smulhi.u32 $0x10624DD3, s12;
	s11 =	spop (v2sf)  }
0x5b6: {  	(v2sf) =	vpush v3, $0xB;
	s12 =	smulhi.u32 $0x10624DD3, s11;
	[smem:$0x635] =	sst s0;
	s0 =	sshra.s32 s11, $0x1F  }
0x5b7: {  	s0 =	smul.u32 $0x10624DD3, s0  }
0x5b8: {  	(v2sf) =	vpush v3, $0x0;
	[smem:$0x634] =	sst s10;
	s10 =	spop (v2sf)  }
0x5b9: {  	[smem:$0x637] =	sst s0;
	s0 =	sshra.s32 s10, $0x1F  }
0x5ba: {  	[smem:$0x636] =	sst s12;
	s0 =	smul.u32 $0x10624DD3, s0  }
0x5bb: {  	(v2sf) =	vpush v3, $0x1;
	s11 =	smulhi.u32 $0x10624DD3, s10;
	s12 =	spop (v2sf)  }
0x5bc: {  	[smem:$0x639] =	sst s0;
	s0 =	sshra.s32 s12, $0x1F  }
0x5bd: {  	[smem:$0x638] =	sst s11;
	s0 =	smul.u32 $0x10624DD3, s0  }
0x5be: {  	(v2sf) =	vpush v3, $0x2;
	s11 =	spop (v2sf);
	s10 =	smulhi.u32 $0x10624DD3, s12  }
0x5bf: {  	s12 =	smulhi.u32 $0x10624DD3, s11;
	[smem:$0x63B] =	sst s0;
	s0 =	sshra.s32 s11, $0x1F  }
0x5c0: {  	[smem:$0x63A] =	sst s10;
	s0 =	smul.u32 $0x10624DD3, s0  }
0x5c1: {  	s10 =	spop (v2sf);
	[smem:$0x63C] =	sst s12  }
0x5c2: {  	(v2sf) =	vpush v3, $0x3;
	s11 =	smulhi.u32 $0x10624DD3, s10;
	[smem:$0x63D] =	sst s0;
	s0 =	sshra.s32 s10, $0x1F  }
0x5c3: {  	s12 =	spop (v2sf);
	s0 =	smul.u32 $0x10624DD3, s0  }
0x5c4: {  	(v2sf) =	vpush v3, $0x4;
	[smem:$0x63E] =	sst s11;
	s10 =	smulhi.u32 $0x10624DD3, s12  }
0x5c5: {  	s11 =	spop (v2sf);
	[smem:$0x63F] =	sst s0;
	s0 =	sshra.s32 s12, $0x1F  }
0x5c6: {  	[smem:$0x640] =	sst s10;
	s0 =	smul.u32 $0x10624DD3, s0  }
0x5c7: {  	s10 =	spop (v2sf);
	s12 =	smulhi.u32 $0x10624DD3, s11  }
0x5c8: {  	(v2sf) =	vpush v3, $0x5;
	[smem:$0x641] =	sst s0;
	s0 =	sshra.s32 s11, $0x1F;
	s11 =	smulhi.u32 $0x10624DD3, s10  }
0x5c9: {  	[smem:$0x642] =	sst s12;
	s0 =	smul.u32 $0x10624DD3, s0  }
0x5ca: {  	s12 =	spop (v2sf);
	[smem:$0x644] =	sst s11  }
0x5cb: {  	s11 =	smulhi.u32 $0x10624DD3, s12;
	[smem:$0x643] =	sst s0;
	s0 =	sshra.s32 s10, $0x1F  }
0x5cc: {  	[smem:$0x632] =	sst s9;
	(v2sf) =	vpush v3, $0x6;
	s9 =	smul.u32 $0x10624DD3, s0;
	s0 =	sshra.s32 s12, $0x1F  }
0x5cd: {  	s10 =	smul.u32 $0x10624DD3, s0;
	s0 =	spop (v2sf)  }
0x5ce: {  	s12 =	smulhi.u32 $0x10624DD3, s0;
	s0 =	sshra.s32 s0, $0x1F  }
0x5cf: {  	v4 =	vld [tilespmem:$0x140];
	s0 =	smul.u32 $0x10624DD3, s0  }
0x5d0: {  	(v2sf) =	vpush v3, $0x7  }
0x5d1: {  	[smem:$0x647] =	sst s0;
	s0 =	spop (v2sf)  }
0x5d2: {  	[smem:$0x646] =	sst s12;
	s12 =	smulhi.u32 $0x10624DD3, s0  }
0x5d3: {  	[smem:$0x645] =	sst s11;
	s11 =	spop (v2sf)  }
0x5d4: {  	(v2sf) =	vpush v4, $0xD;
	[smem:$0x648] =	sst s12;
	s12 =	smulhi.u32 $0x10624DD3, s11;
	s11 =	sshra.s32 s11, $0x1F  }
0x5d5: {  	s11 =	smul.u32 $0x10624DD3, s11;
	_ =	sdelay $0x1  }
0x5d6: {  	[smem:$0x64A] =	sst s11;
	s11 =	spop (v2sf)  }
0x5d7: {  	(v2sf) =	vpush v4, $0xC;
	[smem:$0x649] =	sst s12;
	s12 =	smulhi.u32 $0x10624DD3, s11;
	s11 =	sshra.s32 s11, $0x1F  }
0x5d8: {  	s11 =	smul.u32 $0x10624DD3, s11;
	_ =	sdelay $0x1  }
0x5d9: {  	[smem:$0x64C] =	sst s11;
	s11 =	spop (v2sf)  }
0x5da: {  	(v2sf) =	vpush v4, $0xE;
	[smem:$0x64B] =	sst s12;
	s12 =	smulhi.u32 $0x10624DD3, s11;
	s11 =	sshra.s32 s11, $0x1F  }
0x5db: {  	s11 =	smul.u32 $0x10624DD3, s11;
	_ =	sdelay $0x1  }
0x5dc: {  	[smem:$0x64E] =	sst s11;
	s11 =	spop (v2sf)  }
0x5dd: {  	(v2sf) =	vpush v4, $0xF;
	[smem:$0x64D] =	sst s12;
	s12 =	smulhi.u32 $0x10624DD3, s11;
	s11 =	sshra.s32 s11, $0x1F  }
0x5de: {  	s11 =	smul.u32 $0x10624DD3, s11;
	_ =	sdelay $0x1  }
0x5df: {  	[smem:$0x650] =	sst s11;
	s11 =	spop (v2sf)  }
0x5e0: {  	(v2sf) =	vpush v4, $0x9;
	[smem:$0x64F] =	sst s12;
	s12 =	smulhi.u32 $0x10624DD3, s11;
	s11 =	sshra.s32 s11, $0x1F  }
0x5e1: {  	s11 =	smul.u32 $0x10624DD3, s11;
	_ =	sdelay $0x1  }
0x5e2: {  	[smem:$0x652] =	sst s11;
	s11 =	spop (v2sf)  }
0x5e3: {  	(v2sf) =	vpush v4, $0x8;
	[smem:$0x651] =	sst s12;
	s12 =	smulhi.u32 $0x10624DD3, s11;
	s11 =	sshra.s32 s11, $0x1F  }
0x5e4: {  	s11 =	smul.u32 $0x10624DD3, s11;
	_ =	sdelay $0x1  }
0x5e5: {  	[smem:$0x654] =	sst s11;
	s11 =	spop (v2sf)  }
0x5e6: {  	(v2sf) =	vpush v4, $0xA;
	[smem:$0x653] =	sst s12;
	s12 =	smulhi.u32 $0x10624DD3, s11;
	s11 =	sshra.s32 s11, $0x1F  }
0x5e7: {  	s11 =	smul.u32 $0x10624DD3, s11;
	_ =	sdelay $0x1  }
0x5e8: {  	[smem:$0x656] =	sst s11;
	s11 =	spop (v2sf)  }
0x5e9: {  	(v2sf) =	vpush v4, $0xB;
	[smem:$0x655] =	sst s12;
	s12 =	smulhi.u32 $0x10624DD3, s11;
	s11 =	sshra.s32 s11, $0x1F  }
0x5ea: {  	s11 =	smul.u32 $0x10624DD3, s11;
	_ =	sdelay $0x1  }
0x5eb: {  	[smem:$0x658] =	sst s11;
	s11 =	spop (v2sf)  }
0x5ec: {  	(v2sf) =	vpush v4, $0x0;
	[smem:$0x657] =	sst s12;
	s12 =	smulhi.u32 $0x10624DD3, s11;
	s11 =	sshra.s32 s11, $0x1F  }
0x5ed: {  	s11 =	smul.u32 $0x10624DD3, s11;
	_ =	sdelay $0x1  }
0x5ee: {  	[smem:$0x65A] =	sst s11;
	s11 =	spop (v2sf)  }
0x5ef: {  	(v2sf) =	vpush v4, $0x1;
	[smem:$0x659] =	sst s12;
	s12 =	smulhi.u32 $0x10624DD3, s11;
	s11 =	sshra.s32 s11, $0x1F  }
0x5f0: {  	s11 =	smul.u32 $0x10624DD3, s11;
	_ =	sdelay $0x1  }
0x5f1: {  	[smem:$0x65C] =	sst s11;
	s11 =	spop (v2sf)  }
0x5f2: {  	(v2sf) =	vpush v4, $0x2;
	[smem:$0x65B] =	sst s12;
	s12 =	smulhi.u32 $0x10624DD3, s11;
	s11 =	sshra.s32 s11, $0x1F  }
0x5f3: {  	s11 =	smul.u32 $0x10624DD3, s11;
	_ =	sdelay $0x1  }
0x5f4: {  	[smem:$0x65E] =	sst s11;
	s11 =	spop (v2sf)  }
0x5f5: {  	(v2sf) =	vpush v4, $0x3;
	[smem:$0x65D] =	sst s12;
	s12 =	smulhi.u32 $0x10624DD3, s11;
	s11 =	sshra.s32 s11, $0x1F  }
0x5f6: {  	s11 =	smul.u32 $0x10624DD3, s11;
	_ =	sdelay $0x1  }
0x5f7: {  	[smem:$0x660] =	sst s11;
	s11 =	spop (v2sf)  }
0x5f8: {  	(v2sf) =	vpush v4, $0x4;
	[smem:$0x65F] =	sst s12;
	s12 =	smulhi.u32 $0x10624DD3, s11;
	s11 =	sshra.s32 s11, $0x1F  }
0x5f9: {  	s11 =	smul.u32 $0x10624DD3, s11;
	_ =	sdelay $0x1  }
0x5fa: {  	[smem:$0x662] =	sst s11;
	s11 =	spop (v2sf)  }
0x5fb: {  	(v2sf) =	vpush v4, $0x5;
	[smem:$0x661] =	sst s12;
	s12 =	smulhi.u32 $0x10624DD3, s11;
	s11 =	sshra.s32 s11, $0x1F  }
0x5fc: {  	s11 =	smul.u32 $0x10624DD3, s11;
	_ =	sdelay $0x1  }
0x5fd: {  	[smem:$0x664] =	sst s11;
	s11 =	spop (v2sf)  }
0x5fe: {  	(v2sf) =	vpush v4, $0x6;
	[smem:$0x663] =	sst s12;
	s12 =	smulhi.u32 $0x10624DD3, s11;
	s11 =	sshra.s32 s11, $0x1F  }
0x5ff: {  	s11 =	smul.u32 $0x10624DD3, s11;
	_ =	sdelay $0x1  }
0x600: {  	v5 =	vld [tilespmem:$0x150];
	[smem:$0x666] =	sst s11;
	s11 =	spop (v2sf)  }
0x601: {  	(v2sf) =	vpush v4, $0x7;
	[smem:$0x665] =	sst s12;
	s12 =	smulhi.u32 $0x10624DD3, s11;
	s11 =	sshra.s32 s11, $0x1F  }
0x602: {  	s11 =	smul.u32 $0x10624DD3, s11;
	_ =	sdelay $0x1  }
0x603: {  	[smem:$0x668] =	sst s11;
	s11 =	spop (v2sf)  }
0x604: {  	(v2sf) =	vpush v5, $0xD;
	[smem:$0x667] =	sst s12;
	s12 =	smulhi.u32 $0x10624DD3, s11;
	s11 =	sshra.s32 s11, $0x1F  }
0x605: {  	s11 =	smul.u32 $0x10624DD3, s11;
	_ =	sdelay $0x1  }
0x606: {  	[smem:$0x66A] =	sst s11;
	s11 =	spop (v2sf)  }
0x607: {  	(v2sf) =	vpush v5, $0xC;
	[smem:$0x669] =	sst s12;
	s12 =	smulhi.u32 $0x10624DD3, s11;
	s11 =	sshra.s32 s11, $0x1F  }
0x608: {  	s11 =	smul.u32 $0x10624DD3, s11;
	_ =	sdelay $0x1  }
0x609: {  	[smem:$0x66C] =	sst s11;
	s11 =	spop (v2sf)  }
0x60a: {  	(v2sf) =	vpush v5, $0xE;
	[smem:$0x66B] =	sst s12;
	s12 =	smulhi.u32 $0x10624DD3, s11;
	s11 =	sshra.s32 s11, $0x1F  }
0x60b: {  	s11 =	smul.u32 $0x10624DD3, s11;
	_ =	sdelay $0x1  }
0x60c: {  	[smem:$0x66E] =	sst s11;
	s11 =	spop (v2sf)  }
0x60d: {  	(v2sf) =	vpush v5, $0xF;
	[smem:$0x66D] =	sst s12;
	s12 =	smulhi.u32 $0x10624DD3, s11;
	s11 =	sshra.s32 s11, $0x1F  }
0x60e: {  	s11 =	smul.u32 $0x10624DD3, s11;
	_ =	sdelay $0x1  }
0x60f: {  	[smem:$0x670] =	sst s11;
	s11 =	spop (v2sf)  }
0x610: {  	(v2sf) =	vpush v5, $0x9;
	[smem:$0x66F] =	sst s12;
	s12 =	smulhi.u32 $0x10624DD3, s11;
	s11 =	sshra.s32 s11, $0x1F  }
0x611: {  	s11 =	smul.u32 $0x10624DD3, s11;
	_ =	sdelay $0x1  }
0x612: {  	[smem:$0x672] =	sst s11;
	s11 =	spop (v2sf)  }
0x613: {  	(v2sf) =	vpush v5, $0x8;
	[smem:$0x671] =	sst s12;
	s12 =	smulhi.u32 $0x10624DD3, s11;
	s11 =	sshra.s32 s11, $0x1F  }
0x614: {  	s11 =	smul.u32 $0x10624DD3, s11;
	_ =	sdelay $0x1  }
0x615: {  	[smem:$0x674] =	sst s11;
	s11 =	spop (v2sf)  }
0x616: {  	(v2sf) =	vpush v5, $0xA;
	[smem:$0x673] =	sst s12;
	s12 =	smulhi.u32 $0x10624DD3, s11;
	s11 =	sshra.s32 s11, $0x1F  }
0x617: {  	s11 =	smul.u32 $0x10624DD3, s11;
	_ =	sdelay $0x1  }
0x618: {  	[smem:$0x676] =	sst s11;
	s11 =	spop (v2sf)  }
0x619: {  	(v2sf) =	vpush v5, $0xB;
	[smem:$0x675] =	sst s12;
	s12 =	smulhi.u32 $0x10624DD3, s11;
	s11 =	sshra.s32 s11, $0x1F  }
0x61a: {  	s11 =	smul.u32 $0x10624DD3, s11;
	_ =	sdelay $0x1  }
0x61b: {  	[smem:$0x678] =	sst s11;
	s11 =	spop (v2sf)  }
0x61c: {  	(v2sf) =	vpush v5, $0x0;
	[smem:$0x677] =	sst s12;
	s12 =	smulhi.u32 $0x10624DD3, s11;
	s11 =	sshra.s32 s11, $0x1F  }
0x61d: {  	s11 =	smul.u32 $0x10624DD3, s11;
	_ =	sdelay $0x1  }
0x61e: {  	[smem:$0x67A] =	sst s11;
	s11 =	spop (v2sf)  }
0x61f: {  	(v2sf) =	vpush v5, $0x1;
	[smem:$0x679] =	sst s12;
	s12 =	smulhi.u32 $0x10624DD3, s11;
	s11 =	sshra.s32 s11, $0x1F  }
0x620: {  	s11 =	smul.u32 $0x10624DD3, s11;
	_ =	sdelay $0x1  }
0x621: {  	[smem:$0x67C] =	sst s11;
	s11 =	spop (v2sf)  }
0x622: {  	(v2sf) =	vpush v5, $0x2;
	[smem:$0x67B] =	sst s12;
	s12 =	smulhi.u32 $0x10624DD3, s11;
	s11 =	sshra.s32 s11, $0x1F  }
0x623: {  	s11 =	smul.u32 $0x10624DD3, s11;
	_ =	sdelay $0x1  }
0x624: {  	[smem:$0x67E] =	sst s11;
	s11 =	spop (v2sf)  }
0x625: {  	(v2sf) =	vpush v5, $0x3;
	[smem:$0x67D] =	sst s12;
	s12 =	smulhi.u32 $0x10624DD3, s11;
	s11 =	sshra.s32 s11, $0x1F  }
0x626: {  	s11 =	smul.u32 $0x10624DD3, s11;
	_ =	sdelay $0x1  }
0x627: {  	[smem:$0x680] =	sst s11;
	s11 =	spop (v2sf)  }
0x628: {  	(v2sf) =	vpush v5, $0x4;
	[smem:$0x67F] =	sst s12;
	s12 =	smulhi.u32 $0x10624DD3, s11;
	s11 =	sshra.s32 s11, $0x1F  }
0x629: {  	s11 =	smul.u32 $0x10624DD3, s11;
	_ =	sdelay $0x1  }
0x62a: {  	[smem:$0x682] =	sst s11;
	s11 =	spop (v2sf)  }
0x62b: {  	(v2sf) =	vpush v5, $0x5;
	[smem:$0x681] =	sst s12;
	s12 =	smulhi.u32 $0x10624DD3, s11;
	s11 =	sshra.s32 s11, $0x1F  }
0x62c: {  	s11 =	smul.u32 $0x10624DD3, s11;
	_ =	sdelay $0x1  }
0x62d: {  	[smem:$0x684] =	sst s11;
	s11 =	spop (v2sf)  }
0x62e: {  	(v2sf) =	vpush v5, $0x6;
	[smem:$0x683] =	sst s12;
	s12 =	smulhi.u32 $0x10624DD3, s11;
	s11 =	sshra.s32 s11, $0x1F  }
0x62f: {  	s11 =	smul.u32 $0x10624DD3, s11;
	_ =	sdelay $0x1  }
0x630: {  	v7 =	vld [tilespmem:$0x160];
	[smem:$0x686] =	sst s11;
	s11 =	spop (v2sf)  }
0x631: {  	(v2sf) =	vpush v5, $0x7;
	[smem:$0x685] =	sst s12;
	s12 =	smulhi.u32 $0x10624DD3, s11;
	s11 =	sshra.s32 s11, $0x1F  }
0x632: {  	s11 =	smul.u32 $0x10624DD3, s11;
	_ =	sdelay $0x1  }
0x633: {  	[smem:$0x688] =	sst s11;
	s11 =	spop (v2sf)  }
0x634: {  	(v2sf) =	vpush v7, $0xD;
	[smem:$0x687] =	sst s12;
	s12 =	smulhi.u32 $0x10624DD3, s11;
	s11 =	sshra.s32 s11, $0x1F  }
0x635: {  	s11 =	smul.u32 $0x10624DD3, s11;
	_ =	sdelay $0x1  }
0x636: {  	[smem:$0x68A] =	sst s11;
	s11 =	spop (v2sf)  }
0x637: {  	(v2sf) =	vpush v7, $0xC;
	[smem:$0x689] =	sst s12;
	s12 =	smulhi.u32 $0x10624DD3, s11;
	s11 =	sshra.s32 s11, $0x1F  }
0x638: {  	s11 =	smul.u32 $0x10624DD3, s11;
	_ =	sdelay $0x1  }
0x639: {  	[smem:$0x68C] =	sst s11;
	s11 =	spop (v2sf)  }
0x63a: {  	(v2sf) =	vpush v7, $0xE;
	[smem:$0x68B] =	sst s12;
	s12 =	smulhi.u32 $0x10624DD3, s11;
	s11 =	sshra.s32 s11, $0x1F  }
0x63b: {  	s11 =	smul.u32 $0x10624DD3, s11;
	_ =	sdelay $0x1  }
0x63c: {  	[smem:$0x68E] =	sst s11;
	s11 =	spop (v2sf)  }
0x63d: {  	(v2sf) =	vpush v7, $0xF;
	[smem:$0x68D] =	sst s12;
	s12 =	smulhi.u32 $0x10624DD3, s11;
	s11 =	sshra.s32 s11, $0x1F  }
0x63e: {  	s11 =	smul.u32 $0x10624DD3, s11;
	_ =	sdelay $0x1  }
0x63f: {  	[smem:$0x690] =	sst s11;
	s11 =	spop (v2sf)  }
0x640: {  	(v2sf) =	vpush v7, $0x9;
	[smem:$0x68F] =	sst s12;
	s12 =	smulhi.u32 $0x10624DD3, s11;
	s11 =	sshra.s32 s11, $0x1F  }
0x641: {  	s11 =	smul.u32 $0x10624DD3, s11;
	_ =	sdelay $0x1  }
0x642: {  	[smem:$0x692] =	sst s11;
	s11 =	spop (v2sf)  }
0x643: {  	(v2sf) =	vpush v7, $0x8;
	[smem:$0x691] =	sst s12;
	s12 =	smulhi.u32 $0x10624DD3, s11;
	s11 =	sshra.s32 s11, $0x1F  }
0x644: {  	s11 =	smul.u32 $0x10624DD3, s11;
	_ =	sdelay $0x1  }
0x645: {  	[smem:$0x694] =	sst s11;
	s11 =	spop (v2sf)  }
0x646: {  	(v2sf) =	vpush v7, $0xA;
	[smem:$0x693] =	sst s12;
	s12 =	smulhi.u32 $0x10624DD3, s11;
	s11 =	sshra.s32 s11, $0x1F  }
0x647: {  	s11 =	smul.u32 $0x10624DD3, s11;
	_ =	sdelay $0x1  }
0x648: {  	[smem:$0x696] =	sst s11;
	s11 =	spop (v2sf)  }
0x649: {  	(v2sf) =	vpush v7, $0xB;
	[smem:$0x695] =	sst s12;
	s12 =	smulhi.u32 $0x10624DD3, s11;
	s11 =	sshra.s32 s11, $0x1F  }
0x64a: {  	s11 =	smul.u32 $0x10624DD3, s11;
	_ =	sdelay $0x1  }
0x64b: {  	[smem:$0x698] =	sst s11;
	s11 =	spop (v2sf)  }
0x64c: {  	(v2sf) =	vpush v7, $0x0;
	[smem:$0x697] =	sst s12;
	s12 =	smulhi.u32 $0x10624DD3, s11;
	s11 =	sshra.s32 s11, $0x1F  }
0x64d: {  	s11 =	smul.u32 $0x10624DD3, s11;
	_ =	sdelay $0x1  }
0x64e: {  	[smem:$0x69A] =	sst s11;
	s11 =	spop (v2sf)  }
0x64f: {  	(v2sf) =	vpush v7, $0x1;
	[smem:$0x699] =	sst s12;
	s12 =	smulhi.u32 $0x10624DD3, s11;
	s11 =	sshra.s32 s11, $0x1F  }
0x650: {  	s11 =	smul.u32 $0x10624DD3, s11;
	_ =	sdelay $0x1  }
0x651: {  	[smem:$0x69C] =	sst s11;
	s11 =	spop (v2sf)  }
0x652: {  	(v2sf) =	vpush v7, $0x2;
	[smem:$0x69B] =	sst s12;
	s12 =	smulhi.u32 $0x10624DD3, s11;
	s11 =	sshra.s32 s11, $0x1F  }
0x653: {  	s11 =	smul.u32 $0x10624DD3, s11;
	_ =	sdelay $0x1  }
0x654: {  	[smem:$0x69E] =	sst s11;
	s11 =	spop (v2sf)  }
0x655: {  	(v2sf) =	vpush v7, $0x3;
	[smem:$0x69D] =	sst s12;
	s12 =	smulhi.u32 $0x10624DD3, s11;
	s11 =	sshra.s32 s11, $0x1F  }
0x656: {  	s11 =	smul.u32 $0x10624DD3, s11;
	_ =	sdelay $0x1  }
0x657: {  	[smem:$0x6A0] =	sst s11;
	s11 =	spop (v2sf)  }
0x658: {  	(v2sf) =	vpush v7, $0x4;
	[smem:$0x69F] =	sst s12;
	s12 =	smulhi.u32 $0x10624DD3, s11;
	s11 =	sshra.s32 s11, $0x1F  }
0x659: {  	s11 =	smul.u32 $0x10624DD3, s11;
	_ =	sdelay $0x1  }
0x65a: {  	[smem:$0x6A2] =	sst s11;
	s11 =	spop (v2sf)  }
0x65b: {  	(v2sf) =	vpush v7, $0x5;
	[smem:$0x6A1] =	sst s12;
	s12 =	smulhi.u32 $0x10624DD3, s11;
	s11 =	sshra.s32 s11, $0x1F  }
0x65c: {  	s11 =	smul.u32 $0x10624DD3, s11;
	_ =	sdelay $0x1  }
0x65d: {  	[smem:$0x6A4] =	sst s11;
	s11 =	spop (v2sf)  }
0x65e: {  	(v2sf) =	vpush v7, $0x6;
	[smem:$0x6A3] =	sst s12;
	s12 =	smulhi.u32 $0x10624DD3, s11;
	s11 =	sshra.s32 s11, $0x1F  }
0x65f: {  	s11 =	smul.u32 $0x10624DD3, s11;
	_ =	sdelay $0x1  }
0x660: {  	v6 =	vld [tilespmem:$0x170];
	[smem:$0x6A6] =	sst s11;
	s11 =	spop (v2sf)  }
0x661: {  	(v2sf) =	vpush v7, $0x7;
	[smem:$0x6A5] =	sst s12;
	s12 =	smulhi.u32 $0x10624DD3, s11;
	s11 =	sshra.s32 s11, $0x1F  }
0x662: {  	s11 =	smul.u32 $0x10624DD3, s11;
	_ =	sdelay $0x1  }
0x663: {  	[smem:$0x6A8] =	sst s11;
	s11 =	spop (v2sf)  }
0x664: {  	(v2sf) =	vpush v6, $0xD;
	[smem:$0x6A7] =	sst s12;
	s12 =	smulhi.u32 $0x10624DD3, s11;
	s11 =	sshra.s32 s11, $0x1F  }
0x665: {  	s11 =	smul.u32 $0x10624DD3, s11;
	_ =	sdelay $0x1  }
0x666: {  	[smem:$0x6AA] =	sst s11;
	s11 =	spop (v2sf)  }
0x667: {  	(v2sf) =	vpush v6, $0xC;
	[smem:$0x6A9] =	sst s12;
	s12 =	smulhi.u32 $0x10624DD3, s11;
	s11 =	sshra.s32 s11, $0x1F  }
0x668: {  	s11 =	smul.u32 $0x10624DD3, s11;
	_ =	sdelay $0x1  }
0x669: {  	[smem:$0x6AC] =	sst s11;
	s11 =	spop (v2sf)  }
0x66a: {  	(v2sf) =	vpush v6, $0xE;
	[smem:$0x6AB] =	sst s12;
	s12 =	smulhi.u32 $0x10624DD3, s11;
	s11 =	sshra.s32 s11, $0x1F  }
0x66b: {  	s11 =	smul.u32 $0x10624DD3, s11;
	_ =	sdelay $0x1  }
0x66c: {  	[smem:$0x6AE] =	sst s11;
	s11 =	spop (v2sf)  }
0x66d: {  	(v2sf) =	vpush v6, $0xF;
	[smem:$0x6AD] =	sst s12;
	s12 =	smulhi.u32 $0x10624DD3, s11;
	s11 =	sshra.s32 s11, $0x1F  }
0x66e: {  	s11 =	smul.u32 $0x10624DD3, s11;
	_ =	sdelay $0x1  }
0x66f: {  	[smem:$0x6B0] =	sst s11;
	s11 =	spop (v2sf)  }
0x670: {  	(v2sf) =	vpush v6, $0x9;
	[smem:$0x6AF] =	sst s12;
	s12 =	smulhi.u32 $0x10624DD3, s11;
	s11 =	sshra.s32 s11, $0x1F  }
0x671: {  	s11 =	smul.u32 $0x10624DD3, s11;
	_ =	sdelay $0x1  }
0x672: {  	[smem:$0x6B2] =	sst s11;
	s11 =	spop (v2sf)  }
0x673: {  	(v2sf) =	vpush v6, $0x8;
	[smem:$0x6B1] =	sst s12;
	s12 =	smulhi.u32 $0x10624DD3, s11;
	s11 =	sshra.s32 s11, $0x1F  }
0x674: {  	s11 =	smul.u32 $0x10624DD3, s11;
	_ =	sdelay $0x1  }
0x675: {  	[smem:$0x6B4] =	sst s11;
	s11 =	spop (v2sf)  }
0x676: {  	(v2sf) =	vpush v6, $0xA;
	[smem:$0x6B3] =	sst s12;
	s12 =	smulhi.u32 $0x10624DD3, s11;
	s11 =	sshra.s32 s11, $0x1F  }
0x677: {  	s11 =	smul.u32 $0x10624DD3, s11;
	_ =	sdelay $0x1  }
0x678: {  	[smem:$0x6B6] =	sst s11;
	s11 =	spop (v2sf)  }
0x679: {  	(v2sf) =	vpush v6, $0xB;
	[smem:$0x6B5] =	sst s12;
	s12 =	smulhi.u32 $0x10624DD3, s11;
	s11 =	sshra.s32 s11, $0x1F  }
0x67a: {  	s11 =	smul.u32 $0x10624DD3, s11;
	_ =	sdelay $0x1  }
0x67b: {  	[smem:$0x6B8] =	sst s11;
	s11 =	spop (v2sf)  }
0x67c: {  	(v2sf) =	vpush v6, $0x0;
	[smem:$0x6B7] =	sst s12;
	s12 =	smulhi.u32 $0x10624DD3, s11;
	s11 =	sshra.s32 s11, $0x1F  }
0x67d: {  	s11 =	smul.u32 $0x10624DD3, s11;
	_ =	sdelay $0x1  }
0x67e: {  	[smem:$0x6BA] =	sst s11;
	s11 =	spop (v2sf)  }
0x67f: {  	(v2sf) =	vpush v6, $0x1;
	[smem:$0x6B9] =	sst s12;
	s12 =	smulhi.u32 $0x10624DD3, s11;
	s11 =	sshra.s32 s11, $0x1F  }
0x680: {  	s11 =	smul.u32 $0x10624DD3, s11;
	_ =	sdelay $0x1  }
0x681: {  	[smem:$0x6BC] =	sst s11;
	s11 =	spop (v2sf)  }
0x682: {  	(v2sf) =	vpush v6, $0x2;
	[smem:$0x6BB] =	sst s12;
	s12 =	smulhi.u32 $0x10624DD3, s11;
	s11 =	sshra.s32 s11, $0x1F  }
0x683: {  	s11 =	smul.u32 $0x10624DD3, s11;
	_ =	sdelay $0x1  }
0x684: {  	[smem:$0x6BE] =	sst s11;
	s11 =	spop (v2sf)  }
0x685: {  	(v2sf) =	vpush v6, $0x3;
	[smem:$0x6BD] =	sst s12;
	s12 =	smulhi.u32 $0x10624DD3, s11;
	s11 =	sshra.s32 s11, $0x1F  }
0x686: {  	s11 =	smul.u32 $0x10624DD3, s11;
	_ =	sdelay $0x1  }
0x687: {  	[smem:$0x6C0] =	sst s11;
	s11 =	spop (v2sf)  }
0x688: {  	(v2sf) =	vpush v6, $0x4;
	[smem:$0x6BF] =	sst s12;
	s12 =	smulhi.u32 $0x10624DD3, s11;
	s11 =	sshra.s32 s11, $0x1F  }
0x689: {  	s11 =	smul.u32 $0x10624DD3, s11;
	_ =	sdelay $0x1  }
0x68a: {  	[smem:$0x6C2] =	sst s11;
	s11 =	spop (v2sf)  }
0x68b: {  	(v2sf) =	vpush v6, $0x5;
	[smem:$0x6C1] =	sst s12;
	s12 =	smulhi.u32 $0x10624DD3, s11;
	s11 =	sshra.s32 s11, $0x1F  }
0x68c: {  	s11 =	smul.u32 $0x10624DD3, s11;
	_ =	sdelay $0x1  }
0x68d: {  	[smem:$0x6C4] =	sst s11;
	s11 =	spop (v2sf)  }
0x68e: {  	(v2sf) =	vpush v6, $0x6;
	[smem:$0x6C3] =	sst s12;
	s12 =	smulhi.u32 $0x10624DD3, s11;
	s11 =	sshra.s32 s11, $0x1F  }
0x68f: {  	s11 =	smul.u32 $0x10624DD3, s11;
	_ =	sdelay $0x1  }
0x690: {  	v8 =	vld [tilespmem:$0x180];
	[smem:$0x6C6] =	sst s11;
	s11 =	spop (v2sf)  }
0x691: {  	(v2sf) =	vpush v6, $0x7;
	[smem:$0x6C5] =	sst s12;
	s12 =	smulhi.u32 $0x10624DD3, s11;
	s11 =	sshra.s32 s11, $0x1F  }
0x692: {  	s11 =	smul.u32 $0x10624DD3, s11;
	_ =	sdelay $0x1  }
0x693: {  	[smem:$0x6C8] =	sst s11;
	s11 =	spop (v2sf)  }
0x694: {  	(v2sf) =	vpush v8, $0xD;
	[smem:$0x6C7] =	sst s12;
	s12 =	smulhi.u32 $0x10624DD3, s11;
	s11 =	sshra.s32 s11, $0x1F  }
0x695: {  	s11 =	smul.u32 $0x10624DD3, s11;
	_ =	sdelay $0x1  }
0x696: {  	[smem:$0x6CA] =	sst s11;
	s11 =	spop (v2sf)  }
0x697: {  	(v2sf) =	vpush v8, $0xC;
	[smem:$0x6C9] =	sst s12;
	s12 =	smulhi.u32 $0x10624DD3, s11;
	s11 =	sshra.s32 s11, $0x1F  }
0x698: {  	s11 =	smul.u32 $0x10624DD3, s11;
	_ =	sdelay $0x1  }
0x699: {  	[smem:$0x6CC] =	sst s11;
	s11 =	spop (v2sf)  }
0x69a: {  	(v2sf) =	vpush v8, $0xE;
	[smem:$0x6CB] =	sst s12;
	s12 =	smulhi.u32 $0x10624DD3, s11;
	s11 =	sshra.s32 s11, $0x1F  }
0x69b: {  	s11 =	smul.u32 $0x10624DD3, s11;
	_ =	sdelay $0x1  }
0x69c: {  	[smem:$0x6CE] =	sst s11;
	s11 =	spop (v2sf)  }
0x69d: {  	(v2sf) =	vpush v8, $0xF;
	[smem:$0x6CD] =	sst s12;
	s12 =	smulhi.u32 $0x10624DD3, s11;
	s11 =	sshra.s32 s11, $0x1F  }
0x69e: {  	s11 =	smul.u32 $0x10624DD3, s11;
	_ =	sdelay $0x1  }
0x69f: {  	[smem:$0x6D0] =	sst s11;
	s11 =	spop (v2sf)  }
0x6a0: {  	(v2sf) =	vpush v8, $0x9;
	[smem:$0x6CF] =	sst s12;
	s12 =	smulhi.u32 $0x10624DD3, s11;
	s11 =	sshra.s32 s11, $0x1F  }
0x6a1: {  	s11 =	smul.u32 $0x10624DD3, s11;
	_ =	sdelay $0x1  }
0x6a2: {  	[smem:$0x6D2] =	sst s11;
	s11 =	spop (v2sf)  }
0x6a3: {  	(v2sf) =	vpush v8, $0x8;
	[smem:$0x6D1] =	sst s12;
	s12 =	smulhi.u32 $0x10624DD3, s11;
	s11 =	sshra.s32 s11, $0x1F  }
0x6a4: {  	s11 =	smul.u32 $0x10624DD3, s11;
	_ =	sdelay $0x1  }
0x6a5: {  	s15 =	sadd.s32 s15, s14;
	[smem:$0x6D4] =	sst s11;
	s11 =	spop (v2sf)  }
0x6a6: {  	(v2sf) =	vpush v8, $0xA;
	[smem:$0x6D3] =	sst s12;
	s12 =	smulhi.u32 $0x10624DD3, s11;
	s11 =	sshra.s32 s11, $0x1F  }
0x6a7: {  	s16 =	sadd.s32 s17, s16;
	[smem:$0x74D] =	sst s15;
	s11 =	smul.u32 $0x10624DD3, s11  }
0x6a8: {  	[smem:$0x74F] =	sst s16  }
0x6a9: {  	s17 =	sadd.s32 s21, s18;
	[smem:$0x6D6] =	sst s11;
	s11 =	spop (v2sf)  }
0x6aa: {  	(v2sf) =	vpush v8, $0xB;
	[smem:$0x6D5] =	sst s12;
	s12 =	smulhi.u32 $0x10624DD3, s11;
	s11 =	sshra.s32 s11, $0x1F  }
0x6ab: {  	s19 =	sadd.s32 s24, s19;
	[smem:$0x751] =	sst s17;
	s11 =	smul.u32 $0x10624DD3, s11  }
0x6ac: {  	s6 =	smul.u32 $0x10624DD3, s6;
	[smem:$0x755] =	sst s19  }
0x6ad: {  	s20 =	sadd.s32 s25, s20;
	[smem:$0x6D8] =	sst s11;
	s11 =	spop (v2sf)  }
0x6ae: {  	[smem:$0x6D7] =	sst s12;
	s12 =	smulhi.u32 $0x10624DD3, s11;
	s11 =	sshra.s32 s11, $0x1F  }
0x6af: {  	s24 =	sadd.s32 s31, s22;
	[smem:$0x753] =	sst s20;
	s11 =	smul.u32 $0x10624DD3, s11  }
0x6b0: {  	[smem:$0x757] =	sst s24;
	(v2sf) =	vpush v8, $0x0  }
0x6b1: {  	s6 =	sadd.s32 s6, s26;
	[smem:$0x6DA] =	sst s11;
	s11 =	spop (v2sf)  }
0x6b2: {  	[smem:$0x6D9] =	sst s12;
	s12 =	smulhi.u32 $0x10624DD3, s11;
	s11 =	sshra.s32 s11, $0x1F  }
0x6b3: {  	s2 =	sadd.s32 s2, s28;
	[smem:$0x74E] =	sst s6;
	(v2sf) =	vpush v8, $0x1;
	s11 =	smul.u32 $0x10624DD3, s11  }
0x6b4: {  	[smem:$0x750] =	sst s2  }
0x6b5: {  	s4 =	sadd.s32 s4, s29;
	(v2sf) =	vpush v8, $0x2;
	[smem:$0x6DC] =	sst s11;
	s11 =	spop (v2sf)  }
0x6b6: {  	[smem:$0x6DB] =	sst s12;
	s12 =	smulhi.u32 $0x10624DD3, s11;
	s11 =	sshra.s32 s11, $0x1F  }
0x6b7: {  	[smem:$0x752] =	sst s4;
	s11 =	smul.u32 $0x10624DD3, s11  }
0x6b8: {  	s25 =	sld [smem:$0x62F];
	(v2sf) =	vpush v8, $0x3  }
0x6b9: {  	[smem:$0x6DE] =	sst s11;
	s11 =	spop (v2sf)  }
0x6ba: {  	[smem:$0x6DD] =	sst s12;
	s12 =	smulhi.u32 $0x10624DD3, s11  }
0x6bb: {  	s26 =	sld [smem:$0x631];
	(v2sf) =	vpush v8, $0x4  }
0x6bc: {  	s11 =	sshra.s32 s11, $0x1F;
	[smem:$0x6DF] =	sst s12  }
0x6bd: {  	(v2sf) =	vpush v8, $0x5;
	s11 =	smul.u32 $0x10624DD3, s11;
	s12 =	sld [smem:$0x62E]  }
0x6be: {  	s29 =	sld [smem:$0x632]  }
0x6bf: {  	[smem:$0x6E0] =	sst s11;
	s11 =	spop (v2sf)  }
0x6c0: {  	(v2sf) =	vpush v8, $0x6;
	s12 =	sadd.s32 s13, s12;
	s13 =	smulhi.u32 $0x10624DD3, s11;
	s11 =	sshra.s32 s11, $0x1F  }
0x6c1: {  	[smem:$0x74B] =	sst s12;
	s15 =	smul.u32 $0x10624DD3, s11  }
0x6c2: {  	s11 =	spop (v2sf);
	s12 =	sadd.s32 s25, s23;
	s25 =	sld [smem:$0x630]  }
0x6c3: {  	(v2sf) =	vpush v8, $0x7;
	s23 =	sadd.s32 s8, s30;
	s30 =	sld [smem:$0x633];
	s14 =	smulhi.u32 $0x10624DD3, s11  }
0x6c4: {  	v9 =	vld [tilespmem:$0x190];
	s11 =	sshra.s32 s11, $0x1F;
	s18 =	spop (v2sf);
	[smem:$0x759] =	sst s12  }
0x6c5: {  	[smem:$0x754] =	sst s23;
	s16 =	smul.u32 $0x10624DD3, s11  }
0x6c6: {  	s23 =	sld [smem:$0x636];
	s17 =	smulhi.u32 $0x10624DD3, s18;
	s11 =	sshra.s32 s18, $0x1F  }
0x6c7: {  	s21 =	spop (v2sf);
	s19 =	smul.u32 $0x10624DD3, s11  }
0x6c8: {  	s3 =	sadd.s32 s3, s25;
	s1 =	sadd.s32 s1, s30;
	s30 =	sld [smem:$0x63B]  }
0x6c9: {  	(v2sf) =	vpush v9, $0xD;
	s18 =	smulhi.u32 $0x10624DD3, s21;
	[smem:$0x756] =	sst s3  }
0x6ca: {  	s11 =	sshra.s32 s21, $0x1F;
	s31 =	spop (v2sf);
	[smem:$0x74C] =	sst s1  }
0x6cb: {  	s12 =	smul.u32 $0x10624DD3, s11;
	s3 =	sadd.s32 s5, s26;
	s26 =	sld [smem:$0x638]  }
0x6cc: {  	s21 =	sshra.s32 s31, $0x1F;
	s22 =	spop (v2sf);
	[smem:$0x758] =	sst s3  }
0x6cd: {  	(v2sf) =	vpush v9, $0xC;
	s6 =	smulhi.u32 $0x10624DD3, s22;
	s2 =	sshra.s32 s22, $0x1F;
	s22 =	sld [smem:$0x635]  }
0x6ce: {  	s11 =	smul.u32 $0x10624DD3, s21;
	s3 =	sadd.s32 s7, s29;
	s29 =	sld [smem:$0x63A]  }
0x6cf: {  	(v2sf) =	vpush v9, $0xE;
	s24 =	spop (v2sf);
	[smem:$0x75A] =	sst s3  }
0x6d0: {  	s8 =	smul.u32 $0x10624DD3, s2;
	s3 =	sld [smem:$0x634]  }
0x6d1: {  	s4 =	smulhi.u32 $0x10624DD3, s24;
	s2 =	sshra.s32 s24, $0x1F;
	s24 =	sld [smem:$0x637]  }
0x6d2: {  	s21 =	smul.u32 $0x10624DD3, s2;
	s28 =	spop (v2sf)  }
0x6d3: {  	s5 =	smulhi.u32 $0x10624DD3, s28;
	s2 =	sshra.s32 s28, $0x1F;
	s28 =	sld [smem:$0x639]  }
0x6d4: {  	s7 =	smul.u32 $0x10624DD3, s2;
	s2 =	sadd.s32 s22, s3;
	s3 =	sld [smem:$0x63C]  }
0x6d5: {  	[smem:$0x75E] =	sst s2;
	s2 =	sadd.s32 s24, s23  }
0x6d6: {  	(v2sf) =	vpush v9, $0xF;
	[smem:$0x75C] =	sst s2  }
0x6d7: {  	(v2sf) =	vpush v9, $0x9;
	s20 =	smulhi.u32 $0x10624DD3, s31;
	s2 =	sadd.s32 s28, s26;
	s26 =	sld [smem:$0x63D]  }
0x6d8: {  	s31 =	spop (v2sf);
	s28 =	sld [smem:$0x63E]  }
0x6d9: {  	s22 =	smulhi.u32 $0x10624DD3, s31;
	[smem:$0x75F] =	sst s2  }
0x6da: {  	s1 =	sshra.s32 s31, $0x1F;
	s2 =	sadd.s32 s30, s29;
	s29 =	sld [smem:$0x63F]  }
0x6db: {  	s30 =	sld [smem:$0x640];
	s24 =	smul.u32 $0x10624DD3, s1  }
0x6dc: {  	[smem:$0x761] =	sst s2;
	s25 =	spop (v2sf);
	s2 =	sadd.s32 s26, s3  }
0x6dd: {  	s3 =	sld [smem:$0x642];
	s23 =	smulhi.u32 $0x10624DD3, s25;
	s1 =	sshra.s32 s25, $0x1F  }
0x6de: {  	s31 =	spop (v2sf);
	s25 =	smul.u32 $0x10624DD3, s1  }
0x6df: {  	s26 =	smulhi.u32 $0x10624DD3, s31;
	s1 =	sshra.s32 s31, $0x1F;
	s31 =	sld [smem:$0x641]  }
0x6e0: {  	(v2sf) =	vpush v9, $0x8;
	[smem:$0x764] =	sst s2;
	s2 =	sadd.s32 s29, s28  }
0x6e1: {  	[smem:$0x762] =	sst s2  }
0x6e2: {  	s2 =	sadd.s32 s31, s30;
	s30 =	sld [smem:$0x643];
	_ =	sdelay $0x1  }
0x6e3: {  	s29 =	smul.u32 $0x10624DD3, s1;
	[smem:$0x766] =	sst s2  }
0x6e4: {  	(v2sf) =	vpush v9, $0xA;
	s1 =	spop (v2sf);
	s2 =	sadd.s32 s30, s3;
	s3 =	sld [smem:$0x644]  }
0x6e5: {  	s28 =	smulhi.u32 $0x10624DD3, s1;
	s1 =	sshra.s32 s1, $0x1F;
	s31 =	spop (v2sf)  }
0x6e6: {  	s30 =	smul.u32 $0x10624DD3, s1;
	s1 =	sshra.s32 s31, $0x1F;
	[smem:$0x768] =	sst s2  }
0x6e7: {  	s2 =	sadd.s32 s9, s3;
	s9 =	smulhi.u32 $0x10624DD3, s31;
	s31 =	sld [smem:$0x645]  }
0x6e8: {  	s3 =	sld [smem:$0x646]  }
0x6e9: {  	[smem:$0x75D] =	sst s2  }
0x6ea: {  	s2 =	sadd.s32 s10, s31;
	s31 =	sld [smem:$0x647]  }
0x6eb: {  	s0 =	sshra.s32 s0, $0x1F  }
0x6ec: {  	s0 =	smul.u32 $0x10624DD3, s0;
	[smem:$0x760] =	sst s2  }
0x6ed: {  	s10 =	smul.u32 $0x10624DD3, s1;
	s2 =	sadd.s32 s31, s3;
	s31 =	sld [smem:$0x648]  }
0x6ee: {  	s1 =	spop (v2sf);
	[smem:$0x763] =	sst s2  }
0x6ef: {  	s3 =	smulhi.u32 $0x10624DD3, s1;
	s1 =	sshra.s32 s1, $0x1F;
	s2 =	sld [smem:$0x64A]  }
0x6f0: {  	(v2sf) =	vpush v9, $0xB;
	s0 =	sadd.s32 s0, s31;
	s31 =	smul.u32 $0x10624DD3, s1;
	s1 =	sld [smem:$0x649]  }
0x6f1: {  	_ =	sdelay $0x1  }
0x6f2: {  	[smem:$0x765] =	sst s0;
	s0 =	spop (v2sf);
	s1 =	sadd.s32 s2, s1  }
0x6f3: {  	s2 =	smulhi.u32 $0x10624DD3, s0;
	[smem:$0x767] =	sst s1  }
0x6f4: {  	s1 =	sld [smem:$0x64B]  }
0x6f5: {  	[smem:$0x6E1] =	sst s2  }
0x6f6: {  	s2 =	sld [smem:$0x64C];
	_ =	sdelay $0x2  }
0x6f7: {  	s1 =	sadd.s32 s2, s1;
	s2 =	sld [smem:$0x64E]  }
0x6f8: {  	[smem:$0x769] =	sst s1  }
0x6f9: {  	(v2sf) =	vpush v9, $0x0;
	s0 =	sshra.s32 s0, $0x1F;
	s1 =	sld [smem:$0x64D]  }
0x6fa: {  	s0 =	smul.u32 $0x10624DD3, s0;
	_ =	sdelay $0x1  }
0x6fb: {  	[smem:$0x6E2] =	sst s0;
	s0 =	spop (v2sf);
	s1 =	sadd.s32 s2, s1  }
0x6fc: {  	s2 =	smulhi.u32 $0x10624DD3, s0;
	[smem:$0x76A] =	sst s1  }
0x6fd: {  	s1 =	sld [smem:$0x64F]  }
0x6fe: {  	[smem:$0x6E3] =	sst s2  }
0x6ff: {  	s2 =	sld [smem:$0x650];
	_ =	sdelay $0x2  }
0x700: {  	s1 =	sadd.s32 s2, s1;
	s2 =	sld [smem:$0x652]  }
0x701: {  	[smem:$0x75B] =	sst s1  }
0x702: {  	(v2sf) =	vpush v9, $0x1;
	s0 =	sshra.s32 s0, $0x1F;
	s1 =	sld [smem:$0x651]  }
0x703: {  	s0 =	smul.u32 $0x10624DD3, s0;
	_ =	sdelay $0x1  }
0x704: {  	[smem:$0x6E4] =	sst s0;
	s0 =	spop (v2sf);
	s1 =	sadd.s32 s2, s1  }
0x705: {  	s2 =	smulhi.u32 $0x10624DD3, s0;
	[smem:$0x76E] =	sst s1  }
0x706: {  	s1 =	sld [smem:$0x653]  }
0x707: {  	[smem:$0x6E5] =	sst s2  }
0x708: {  	s2 =	sld [smem:$0x654];
	_ =	sdelay $0x2  }
0x709: {  	s1 =	sadd.s32 s2, s1;
	s2 =	sld [smem:$0x656]  }
0x70a: {  	[smem:$0x76D] =	sst s1  }
0x70b: {  	(v2sf) =	vpush v9, $0x2;
	s0 =	sshra.s32 s0, $0x1F;
	s1 =	sld [smem:$0x655]  }
0x70c: {  	s0 =	smul.u32 $0x10624DD3, s0;
	_ =	sdelay $0x1  }
0x70d: {  	[smem:$0x6E6] =	sst s0;
	s0 =	spop (v2sf);
	s1 =	sadd.s32 s2, s1  }
0x70e: {  	s2 =	smulhi.u32 $0x10624DD3, s0;
	[smem:$0x770] =	sst s1  }
0x70f: {  	s1 =	sld [smem:$0x657]  }
0x710: {  	[smem:$0x6E7] =	sst s2  }
0x711: {  	s2 =	sld [smem:$0x658];
	_ =	sdelay $0x2  }
0x712: {  	s1 =	sadd.s32 s2, s1;
	s2 =	sld [smem:$0x65A]  }
0x713: {  	(v2sf) =	vpush v9, $0x3;
	[smem:$0x771] =	sst s1  }
0x714: {  	s0 =	sshra.s32 s0, $0x1F;
	s1 =	sld [smem:$0x659]  }
0x715: {  	s0 =	smul.u32 $0x10624DD3, s0;
	_ =	sdelay $0x1  }
0x716: {  	[smem:$0x6E8] =	sst s0;
	s0 =	spop (v2sf);
	s1 =	sadd.s32 s2, s1  }
0x717: {  	s2 =	smulhi.u32 $0x10624DD3, s0;
	[smem:$0x774] =	sst s1  }
0x718: {  	s1 =	sld [smem:$0x65B]  }
0x719: {  	[smem:$0x6E9] =	sst s2  }
0x71a: {  	s2 =	sld [smem:$0x65C];
	_ =	sdelay $0x2  }
0x71b: {  	v10 =	vld [tilespmem:$0x1A0];
	s1 =	sadd.s32 s2, s1;
	s2 =	sld [smem:$0x65E]  }
0x71c: {  	(v2sf) =	vpush v9, $0x4;
	s0 =	sshra.s32 s0, $0x1F;
	[smem:$0x773] =	sst s1  }
0x71d: {  	(v2sf) =	vpush v9, $0x5;
	s0 =	smul.u32 $0x10624DD3, s0;
	s1 =	sld [smem:$0x65D]  }
0x71e: {  	(v2sf) =	vpush v9, $0x6  }
0x71f: {  	(v2sf) =	vpush v9, $0x7;
	[smem:$0x6EA] =	sst s0;
	s0 =	spop (v2sf)  }
0x720: {  	(v2sf) =	vpush v10, $0xD;
	s1 =	sadd.s32 s2, s1;
	s2 =	smulhi.u32 $0x10624DD3, s0  }
0x721: {  	(v2sf) =	vpush v10, $0xC;
	[smem:$0x776] =	sst s1  }
0x722: {  	(v2sf) =	vpush v10, $0xE;
	[smem:$0x6EB] =	sst s2  }
0x723: {  	(v2sf) =	vpush v10, $0xF  }
0x724: {  	s1 =	sld [smem:$0x65F]  }
0x725: {  	s2 =	sld [smem:$0x660];
	_ =	sdelay $0x2  }
0x726: {  	s1 =	sadd.s32 s2, s1;
	s2 =	sld [smem:$0x662]  }
0x727: {  	[smem:$0x778] =	sst s1  }
0x728: {  	s0 =	sshra.s32 s0, $0x1F;
	s1 =	sld [smem:$0x661]  }
0x729: {  	s0 =	smul.u32 $0x10624DD3, s0;
	_ =	sdelay $0x1  }
0x72a: {  	[smem:$0x6EC] =	sst s0;
	s0 =	spop (v2sf);
	s1 =	sadd.s32 s2, s1  }
0x72b: {  	s2 =	smulhi.u32 $0x10624DD3, s0;
	[smem:$0x76C] =	sst s1  }
0x72c: {  	s1 =	sld [smem:$0x663]  }
0x72d: {  	[smem:$0x6ED] =	sst s2  }
0x72e: {  	s2 =	sld [smem:$0x664];
	_ =	sdelay $0x2  }
0x72f: {  	s1 =	sadd.s32 s2, s1;
	s2 =	sld [smem:$0x666]  }
0x730: {  	[smem:$0x76F] =	sst s1  }
0x731: {  	s0 =	sshra.s32 s0, $0x1F;
	s1 =	sld [smem:$0x665]  }
0x732: {  	s0 =	smul.u32 $0x10624DD3, s0;
	_ =	sdelay $0x1  }
0x733: {  	[smem:$0x6EE] =	sst s0;
	s0 =	spop (v2sf);
	s1 =	sadd.s32 s2, s1  }
0x734: {  	s2 =	smulhi.u32 $0x10624DD3, s0;
	[smem:$0x772] =	sst s1  }
0x735: {  	s1 =	sld [smem:$0x667]  }
0x736: {  	[smem:$0x6EF] =	sst s2  }
0x737: {  	s2 =	sld [smem:$0x668];
	_ =	sdelay $0x2  }
0x738: {  	s1 =	sadd.s32 s2, s1;
	s2 =	sld [smem:$0x66A]  }
0x739: {  	[smem:$0x775] =	sst s1  }
0x73a: {  	s0 =	sshra.s32 s0, $0x1F;
	s1 =	sld [smem:$0x669]  }
0x73b: {  	s0 =	smul.u32 $0x10624DD3, s0;
	_ =	sdelay $0x1  }
0x73c: {  	[smem:$0x6F0] =	sst s0;
	s0 =	spop (v2sf);
	s1 =	sadd.s32 s2, s1  }
0x73d: {  	s2 =	smulhi.u32 $0x10624DD3, s0;
	[smem:$0x777] =	sst s1  }
0x73e: {  	s1 =	sld [smem:$0x66B]  }
0x73f: {  	[smem:$0x6F1] =	sst s2  }
0x740: {  	s2 =	sld [smem:$0x66C];
	_ =	sdelay $0x2  }
0x741: {  	s1 =	sadd.s32 s2, s1;
	s2 =	sld [smem:$0x66E]  }
0x742: {  	[smem:$0x779] =	sst s1  }
0x743: {  	s0 =	sshra.s32 s0, $0x1F;
	s1 =	sld [smem:$0x66D]  }
0x744: {  	s0 =	smul.u32 $0x10624DD3, s0;
	_ =	sdelay $0x1  }
0x745: {  	[smem:$0x6F2] =	sst s0;
	s0 =	spop (v2sf);
	s1 =	sadd.s32 s2, s1  }
0x746: {  	s2 =	smulhi.u32 $0x10624DD3, s0;
	[smem:$0x77A] =	sst s1  }
0x747: {  	s1 =	sld [smem:$0x66F]  }
0x748: {  	[smem:$0x6F3] =	sst s2  }
0x749: {  	s2 =	sld [smem:$0x670];
	_ =	sdelay $0x2  }
0x74a: {  	s1 =	sadd.s32 s2, s1;
	s2 =	sld [smem:$0x672]  }
0x74b: {  	[smem:$0x76B] =	sst s1  }
0x74c: {  	s0 =	sshra.s32 s0, $0x1F;
	s1 =	sld [smem:$0x671]  }
0x74d: {  	s0 =	smul.u32 $0x10624DD3, s0;
	_ =	sdelay $0x1  }
0x74e: {  	[smem:$0x6F4] =	sst s0;
	s0 =	spop (v2sf);
	s1 =	sadd.s32 s2, s1  }
0x74f: {  	s2 =	smulhi.u32 $0x10624DD3, s0;
	[smem:$0x77D] =	sst s1  }
0x750: {  	s1 =	sld [smem:$0x673]  }
0x751: {  	[smem:$0x6F5] =	sst s2  }
0x752: {  	s2 =	sld [smem:$0x674];
	_ =	sdelay $0x2  }
0x753: {  	s1 =	sadd.s32 s2, s1;
	s2 =	sld [smem:$0x676]  }
0x754: {  	[smem:$0x77E] =	sst s1  }
0x755: {  	s0 =	sshra.s32 s0, $0x1F;
	s1 =	sld [smem:$0x675]  }
0x756: {  	s0 =	smul.u32 $0x10624DD3, s0;
	_ =	sdelay $0x1  }
0x757: {  	[smem:$0x6F6] =	sst s0;
	s0 =	spop (v2sf);
	s1 =	sadd.s32 s2, s1  }
0x758: {  	s2 =	smulhi.u32 $0x10624DD3, s0;
	[smem:$0x780] =	sst s1  }
0x759: {  	s1 =	sld [smem:$0x677]  }
0x75a: {  	[smem:$0x6F7] =	sst s2  }
0x75b: {  	s2 =	sld [smem:$0x678];
	_ =	sdelay $0x2  }
0x75c: {  	s1 =	sadd.s32 s2, s1;
	s2 =	sld [smem:$0x67A]  }
0x75d: {  	[smem:$0x781] =	sst s1  }
0x75e: {  	s0 =	sshra.s32 s0, $0x1F;
	s1 =	sld [smem:$0x679]  }
0x75f: {  	s0 =	smul.u32 $0x10624DD3, s0;
	_ =	sdelay $0x1  }
0x760: {  	[smem:$0x6F8] =	sst s0;
	s0 =	spop (v2sf);
	s1 =	sadd.s32 s2, s1  }
0x761: {  	s2 =	smulhi.u32 $0x10624DD3, s0;
	[smem:$0x785] =	sst s1  }
0x762: {  	s1 =	sld [smem:$0x67B]  }
0x763: {  	[smem:$0x6F9] =	sst s2  }
0x764: {  	s2 =	sld [smem:$0x67C];
	_ =	sdelay $0x2  }
0x765: {  	s1 =	sadd.s32 s2, s1;
	s2 =	sld [smem:$0x67E]  }
0x766: {  	[smem:$0x783] =	sst s1  }
0x767: {  	(v2sf) =	vpush v10, $0x9;
	s0 =	sshra.s32 s0, $0x1F;
	s1 =	sld [smem:$0x67D]  }
0x768: {  	s0 =	smul.u32 $0x10624DD3, s0;
	_ =	sdelay $0x1  }
0x769: {  	[smem:$0x6FA] =	sst s0;
	s0 =	spop (v2sf);
	s1 =	sadd.s32 s2, s1  }
0x76a: {  	s2 =	smulhi.u32 $0x10624DD3, s0;
	[smem:$0x787] =	sst s1  }
0x76b: {  	s1 =	sld [smem:$0x67F]  }
0x76c: {  	[smem:$0x6FB] =	sst s2  }
0x76d: {  	s2 =	sld [smem:$0x680];
	_ =	sdelay $0x2  }
0x76e: {  	s1 =	sadd.s32 s2, s1;
	s2 =	sld [smem:$0x682]  }
0x76f: {  	[smem:$0x789] =	sst s1  }
0x770: {  	(v2sf) =	vpush v10, $0x8;
	s0 =	sshra.s32 s0, $0x1F;
	s1 =	sld [smem:$0x681]  }
0x771: {  	s0 =	smul.u32 $0x10624DD3, s0;
	_ =	sdelay $0x1  }
0x772: {  	[smem:$0x6FC] =	sst s0;
	s0 =	spop (v2sf);
	s1 =	sadd.s32 s2, s1  }
0x773: {  	s2 =	smulhi.u32 $0x10624DD3, s0;
	[smem:$0x77C] =	sst s1  }
0x774: {  	s1 =	sld [smem:$0x683]  }
0x775: {  	[smem:$0x6FD] =	sst s2  }
0x776: {  	s2 =	sld [smem:$0x684];
	_ =	sdelay $0x2  }
0x777: {  	s1 =	sadd.s32 s2, s1;
	s2 =	sld [smem:$0x686]  }
0x778: {  	[smem:$0x77F] =	sst s1  }
0x779: {  	(v2sf) =	vpush v10, $0xA;
	s0 =	sshra.s32 s0, $0x1F;
	s1 =	sld [smem:$0x685]  }
0x77a: {  	s0 =	smul.u32 $0x10624DD3, s0;
	_ =	sdelay $0x1  }
0x77b: {  	[smem:$0x6FE] =	sst s0;
	s0 =	spop (v2sf);
	s1 =	sadd.s32 s2, s1  }
0x77c: {  	s2 =	smulhi.u32 $0x10624DD3, s0;
	[smem:$0x782] =	sst s1  }
0x77d: {  	s1 =	sld [smem:$0x687]  }
0x77e: {  	[smem:$0x6FF] =	sst s2  }
0x77f: {  	s2 =	sld [smem:$0x688];
	_ =	sdelay $0x2  }
0x780: {  	s1 =	sadd.s32 s2, s1;
	s2 =	sld [smem:$0x68A]  }
0x781: {  	[smem:$0x784] =	sst s1  }
0x782: {  	(v2sf) =	vpush v10, $0xB;
	s0 =	sshra.s32 s0, $0x1F;
	s1 =	sld [smem:$0x689]  }
0x783: {  	s0 =	smul.u32 $0x10624DD3, s0;
	_ =	sdelay $0x1  }
0x784: {  	[smem:$0x700] =	sst s0;
	s0 =	spop (v2sf);
	s1 =	sadd.s32 s2, s1  }
0x785: {  	s2 =	smulhi.u32 $0x10624DD3, s0;
	[smem:$0x786] =	sst s1  }
0x786: {  	s1 =	sld [smem:$0x68B]  }
0x787: {  	[smem:$0x701] =	sst s2  }
0x788: {  	s2 =	sld [smem:$0x68C];
	_ =	sdelay $0x2  }
0x789: {  	s1 =	sadd.s32 s2, s1;
	s2 =	sld [smem:$0x68E]  }
0x78a: {  	[smem:$0x788] =	sst s1  }
0x78b: {  	(v2sf) =	vpush v10, $0x0;
	s0 =	sshra.s32 s0, $0x1F;
	s1 =	sld [smem:$0x68D]  }
0x78c: {  	s0 =	smul.u32 $0x10624DD3, s0;
	_ =	sdelay $0x1  }
0x78d: {  	[smem:$0x702] =	sst s0;
	s0 =	spop (v2sf);
	s1 =	sadd.s32 s2, s1  }
0x78e: {  	s2 =	smulhi.u32 $0x10624DD3, s0;
	[smem:$0x78A] =	sst s1  }
0x78f: {  	s1 =	sld [smem:$0x68F]  }
0x790: {  	[smem:$0x703] =	sst s2  }
0x791: {  	s2 =	sld [smem:$0x690];
	_ =	sdelay $0x2  }
0x792: {  	s1 =	sadd.s32 s2, s1;
	s2 =	sld [smem:$0x692]  }
0x793: {  	[smem:$0x77B] =	sst s1  }
0x794: {  	(v2sf) =	vpush v10, $0x1;
	s0 =	sshra.s32 s0, $0x1F;
	s1 =	sld [smem:$0x691]  }
0x795: {  	s0 =	smul.u32 $0x10624DD3, s0;
	_ =	sdelay $0x1  }
0x796: {  	[smem:$0x704] =	sst s0;
	s0 =	spop (v2sf);
	s1 =	sadd.s32 s2, s1  }
0x797: {  	s2 =	smulhi.u32 $0x10624DD3, s0;
	[smem:$0x78B] =	sst s1  }
0x798: {  	s1 =	sld [smem:$0x693]  }
0x799: {  	[smem:$0x705] =	sst s2  }
0x79a: {  	s2 =	sld [smem:$0x694];
	_ =	sdelay $0x2  }
0x79b: {  	s1 =	sadd.s32 s2, s1;
	s2 =	sld [smem:$0x696]  }
0x79c: {  	[smem:$0x78D] =	sst s1  }
0x79d: {  	(v2sf) =	vpush v10, $0x2;
	s0 =	sshra.s32 s0, $0x1F;
	s1 =	sld [smem:$0x695]  }
0x79e: {  	s0 =	smul.u32 $0x10624DD3, s0;
	_ =	sdelay $0x1  }
0x79f: {  	[smem:$0x706] =	sst s0;
	s0 =	spop (v2sf);
	s1 =	sadd.s32 s2, s1  }
0x7a0: {  	s2 =	smulhi.u32 $0x10624DD3, s0;
	[smem:$0x78F] =	sst s1  }
0x7a1: {  	s1 =	sld [smem:$0x697]  }
0x7a2: {  	[smem:$0x707] =	sst s2  }
0x7a3: {  	s2 =	sld [smem:$0x698];
	_ =	sdelay $0x2  }
0x7a4: {  	s1 =	sadd.s32 s2, s1;
	s2 =	sld [smem:$0x69A]  }
0x7a5: {  	[smem:$0x791] =	sst s1  }
0x7a6: {  	(v2sf) =	vpush v10, $0x3;
	s0 =	sshra.s32 s0, $0x1F;
	s1 =	sld [smem:$0x699]  }
0x7a7: {  	s0 =	smul.u32 $0x10624DD3, s0;
	_ =	sdelay $0x1  }
0x7a8: {  	[smem:$0x708] =	sst s0;
	s0 =	spop (v2sf);
	s1 =	sadd.s32 s2, s1  }
0x7a9: {  	s2 =	smulhi.u32 $0x10624DD3, s0;
	[smem:$0x795] =	sst s1  }
0x7aa: {  	s1 =	sld [smem:$0x69B]  }
0x7ab: {  	[smem:$0x709] =	sst s2  }
0x7ac: {  	s2 =	sld [smem:$0x69C];
	_ =	sdelay $0x2  }
0x7ad: {  	s1 =	sadd.s32 s2, s1;
	s2 =	sld [smem:$0x69E]  }
0x7ae: {  	[smem:$0x793] =	sst s1  }
0x7af: {  	(v2sf) =	vpush v10, $0x4;
	s0 =	sshra.s32 s0, $0x1F;
	s1 =	sld [smem:$0x69D]  }
0x7b0: {  	s0 =	smul.u32 $0x10624DD3, s0;
	_ =	sdelay $0x1  }
0x7b1: {  	[smem:$0x70A] =	sst s0;
	s0 =	spop (v2sf);
	s1 =	sadd.s32 s2, s1  }
0x7b2: {  	s2 =	smulhi.u32 $0x10624DD3, s0;
	[smem:$0x797] =	sst s1  }
0x7b3: {  	s1 =	sld [smem:$0x69F]  }
0x7b4: {  	[smem:$0x70B] =	sst s2  }
0x7b5: {  	s2 =	sld [smem:$0x6A0];
	_ =	sdelay $0x2  }
0x7b6: {  	s1 =	sadd.s32 s2, s1;
	s2 =	sld [smem:$0x6A2]  }
0x7b7: {  	[smem:$0x799] =	sst s1  }
0x7b8: {  	(v2sf) =	vpush v10, $0x5;
	s0 =	sshra.s32 s0, $0x1F;
	s1 =	sld [smem:$0x6A1]  }
0x7b9: {  	s0 =	smul.u32 $0x10624DD3, s0;
	_ =	sdelay $0x1  }
0x7ba: {  	[smem:$0x70C] =	sst s0;
	s0 =	spop (v2sf);
	s1 =	sadd.s32 s2, s1  }
0x7bb: {  	s2 =	smulhi.u32 $0x10624DD3, s0;
	[smem:$0x78E] =	sst s1  }
0x7bc: {  	s1 =	sld [smem:$0x6A3]  }
0x7bd: {  	[smem:$0x70D] =	sst s2  }
0x7be: {  	s2 =	sld [smem:$0x6A4];
	_ =	sdelay $0x2  }
0x7bf: {  	s1 =	sadd.s32 s2, s1;
	s2 =	sld [smem:$0x6A6]  }
0x7c0: {  	[smem:$0x790] =	sst s1  }
0x7c1: {  	(v2sf) =	vpush v10, $0x6;
	s0 =	sshra.s32 s0, $0x1F;
	s1 =	sld [smem:$0x6A5]  }
0x7c2: {  	s0 =	smul.u32 $0x10624DD3, s0;
	_ =	sdelay $0x1  }
0x7c3: {  	[smem:$0x70E] =	sst s0;
	s0 =	spop (v2sf);
	s1 =	sadd.s32 s2, s1  }
0x7c4: {  	s2 =	smulhi.u32 $0x10624DD3, s0;
	[smem:$0x792] =	sst s1  }
0x7c5: {  	s1 =	sld [smem:$0x6A7]  }
0x7c6: {  	[smem:$0x70F] =	sst s2  }
0x7c7: {  	s2 =	sld [smem:$0x6A8];
	_ =	sdelay $0x2  }
0x7c8: {  	s1 =	sadd.s32 s2, s1;
	s2 =	sld [smem:$0x6AA]  }
0x7c9: {  	[smem:$0x794] =	sst s1  }
0x7ca: {  	(v2sf) =	vpush v10, $0x7;
	s0 =	sshra.s32 s0, $0x1F;
	s1 =	sld [smem:$0x6A9]  }
0x7cb: {  	s0 =	smul.u32 $0x10624DD3, s0;
	_ =	sdelay $0x1  }
0x7cc: {  	[smem:$0x710] =	sst s0;
	s0 =	spop (v2sf);
	s1 =	sadd.s32 s2, s1  }
0x7cd: {  	s2 =	smulhi.u32 $0x10624DD3, s0;
	[smem:$0x796] =	sst s1  }
0x7ce: {  	s1 =	sld [smem:$0x6AB]  }
0x7cf: {  	[smem:$0x711] =	sst s2  }
0x7d0: {  	v11 =	vld [tilespmem:$0x1B0];
	s2 =	sld [smem:$0x6AC];
	_ =	sdelay $0x2  }
0x7d1: {  	s1 =	sadd.s32 s2, s1;
	s2 =	sld [smem:$0x6AE]  }
0x7d2: {  	[smem:$0x798] =	sst s1  }
0x7d3: {  	(v2sf) =	vpush v11, $0xD;
	s0 =	sshra.s32 s0, $0x1F;
	s1 =	sld [smem:$0x6AD]  }
0x7d4: {  	s0 =	smul.u32 $0x10624DD3, s0;
	_ =	sdelay $0x1  }
0x7d5: {  	[smem:$0x712] =	sst s0;
	s0 =	spop (v2sf);
	s1 =	sadd.s32 s2, s1  }
0x7d6: {  	s2 =	smulhi.u32 $0x10624DD3, s0;
	[smem:$0x79A] =	sst s1  }
0x7d7: {  	s1 =	sld [smem:$0x6AF]  }
0x7d8: {  	[smem:$0x713] =	sst s2  }
0x7d9: {  	s2 =	sld [smem:$0x6B0];
	_ =	sdelay $0x2  }
0x7da: {  	s1 =	sadd.s32 s2, s1;
	s2 =	sld [smem:$0x6B2]  }
0x7db: {  	[smem:$0x78C] =	sst s1  }
0x7dc: {  	(v2sf) =	vpush v11, $0xC;
	s0 =	sshra.s32 s0, $0x1F;
	s1 =	sld [smem:$0x6B1]  }
0x7dd: {  	s0 =	smul.u32 $0x10624DD3, s0;
	_ =	sdelay $0x1  }
0x7de: {  	[smem:$0x714] =	sst s0;
	s0 =	spop (v2sf);
	s1 =	sadd.s32 s2, s1  }
0x7df: {  	s2 =	smulhi.u32 $0x10624DD3, s0;
	[smem:$0x79E] =	sst s1  }
0x7e0: {  	s1 =	sld [smem:$0x6B3]  }
0x7e1: {  	[smem:$0x715] =	sst s2  }
0x7e2: {  	s2 =	sld [smem:$0x6B4];
	_ =	sdelay $0x2  }
0x7e3: {  	s1 =	sadd.s32 s2, s1;
	s2 =	sld [smem:$0x6B6]  }
0x7e4: {  	[smem:$0x79C] =	sst s1  }
0x7e5: {  	(v2sf) =	vpush v11, $0xE;
	s0 =	sshra.s32 s0, $0x1F;
	s1 =	sld [smem:$0x6B5]  }
0x7e6: {  	s0 =	smul.u32 $0x10624DD3, s0;
	_ =	sdelay $0x1  }
0x7e7: {  	[smem:$0x716] =	sst s0;
	s0 =	spop (v2sf);
	s1 =	sadd.s32 s2, s1  }
0x7e8: {  	s2 =	smulhi.u32 $0x10624DD3, s0;
	[smem:$0x79F] =	sst s1  }
0x7e9: {  	s1 =	sld [smem:$0x6B7]  }
0x7ea: {  	[smem:$0x717] =	sst s2  }
0x7eb: {  	s2 =	sld [smem:$0x6B8];
	_ =	sdelay $0x2  }
0x7ec: {  	s1 =	sadd.s32 s2, s1;
	s2 =	sld [smem:$0x6BA]  }
0x7ed: {  	[smem:$0x7A1] =	sst s1  }
0x7ee: {  	(v2sf) =	vpush v11, $0xF;
	s0 =	sshra.s32 s0, $0x1F;
	s1 =	sld [smem:$0x6B9]  }
0x7ef: {  	s0 =	smul.u32 $0x10624DD3, s0;
	_ =	sdelay $0x1  }
0x7f0: {  	[smem:$0x718] =	sst s0;
	s0 =	spop (v2sf);
	s1 =	sadd.s32 s2, s1  }
0x7f1: {  	s2 =	smulhi.u32 $0x10624DD3, s0;
	[smem:$0x7A4] =	sst s1  }
0x7f2: {  	s1 =	sld [smem:$0x6BB]  }
0x7f3: {  	[smem:$0x719] =	sst s2  }
0x7f4: {  	s2 =	sld [smem:$0x6BC];
	_ =	sdelay $0x2  }
0x7f5: {  	s1 =	sadd.s32 s2, s1;
	s2 =	sld [smem:$0x6BE]  }
0x7f6: {  	[smem:$0x7A2] =	sst s1  }
0x7f7: {  	(v2sf) =	vpush v11, $0x9;
	s0 =	sshra.s32 s0, $0x1F;
	s1 =	sld [smem:$0x6BD]  }
0x7f8: {  	s0 =	smul.u32 $0x10624DD3, s0;
	_ =	sdelay $0x1  }
0x7f9: {  	[smem:$0x71A] =	sst s0;
	s0 =	spop (v2sf);
	s1 =	sadd.s32 s2, s1  }
0x7fa: {  	s2 =	smulhi.u32 $0x10624DD3, s0;
	[smem:$0x7A6] =	sst s1  }
0x7fb: {  	s1 =	sld [smem:$0x6BF]  }
0x7fc: {  	[smem:$0x71B] =	sst s2  }
0x7fd: {  	s2 =	sld [smem:$0x6C0];
	_ =	sdelay $0x2  }
0x7fe: {  	s1 =	sadd.s32 s2, s1;
	s2 =	sld [smem:$0x6C2]  }
0x7ff: {  	[smem:$0x7A8] =	sst s1  }
0x800: {  	(v2sf) =	vpush v11, $0x8;
	s0 =	sshra.s32 s0, $0x1F;
	s1 =	sld [smem:$0x6C1]  }
0x801: {  	s0 =	smul.u32 $0x10624DD3, s0;
	_ =	sdelay $0x1  }
0x802: {  	[smem:$0x71C] =	sst s0;
	s0 =	spop (v2sf);
	s1 =	sadd.s32 s2, s1  }
0x803: {  	s2 =	smulhi.u32 $0x10624DD3, s0;
	[smem:$0x79D] =	sst s1  }
0x804: {  	s1 =	sld [smem:$0x6C3]  }
0x805: {  	[smem:$0x71D] =	sst s2  }
0x806: {  	s2 =	sld [smem:$0x6C4];
	_ =	sdelay $0x2  }
0x807: {  	s1 =	sadd.s32 s2, s1;
	s2 =	sld [smem:$0x6C6]  }
0x808: {  	[smem:$0x7A0] =	sst s1  }
0x809: {  	(v2sf) =	vpush v11, $0xA;
	s0 =	sshra.s32 s0, $0x1F;
	s1 =	sld [smem:$0x6C5]  }
0x80a: {  	s0 =	smul.u32 $0x10624DD3, s0;
	_ =	sdelay $0x1  }
0x80b: {  	[smem:$0x71E] =	sst s0;
	s0 =	spop (v2sf);
	s1 =	sadd.s32 s2, s1  }
0x80c: {  	s2 =	smulhi.u32 $0x10624DD3, s0;
	[smem:$0x7A3] =	sst s1  }
0x80d: {  	s1 =	sld [smem:$0x6C7]  }
0x80e: {  	[smem:$0x71F] =	sst s2  }
0x80f: {  	s2 =	sld [smem:$0x6C8];
	_ =	sdelay $0x2  }
0x810: {  	s1 =	sadd.s32 s2, s1;
	s2 =	sld [smem:$0x6CA]  }
0x811: {  	[smem:$0x7A5] =	sst s1  }
0x812: {  	(v2sf) =	vpush v11, $0xB;
	s0 =	sshra.s32 s0, $0x1F;
	s1 =	sld [smem:$0x6C9]  }
0x813: {  	s0 =	smul.u32 $0x10624DD3, s0;
	_ =	sdelay $0x1  }
0x814: {  	[smem:$0x720] =	sst s0;
	s0 =	spop (v2sf);
	s1 =	sadd.s32 s2, s1  }
0x815: {  	s2 =	smulhi.u32 $0x10624DD3, s0;
	[smem:$0x7A7] =	sst s1  }
0x816: {  	s1 =	sld [smem:$0x6CB]  }
0x817: {  	[smem:$0x721] =	sst s2  }
0x818: {  	s2 =	sld [smem:$0x6CC];
	_ =	sdelay $0x2  }
0x819: {  	s1 =	sadd.s32 s2, s1;
	s2 =	sld [smem:$0x6CE]  }
0x81a: {  	[smem:$0x7A9] =	sst s1  }
0x81b: {  	(v2sf) =	vpush v11, $0x0;
	s0 =	sshra.s32 s0, $0x1F;
	s1 =	sld [smem:$0x6CD]  }
0x81c: {  	s0 =	smul.u32 $0x10624DD3, s0;
	_ =	sdelay $0x1  }
0x81d: {  	[smem:$0x722] =	sst s0;
	s0 =	spop (v2sf);
	s1 =	sadd.s32 s2, s1  }
0x81e: {  	s2 =	smulhi.u32 $0x10624DD3, s0;
	[smem:$0x7AA] =	sst s1  }
0x81f: {  	s1 =	sld [smem:$0x6CF]  }
0x820: {  	[smem:$0x723] =	sst s2  }
0x821: {  	s2 =	sld [smem:$0x6D0];
	_ =	sdelay $0x2  }
0x822: {  	s1 =	sadd.s32 s2, s1;
	s2 =	sld [smem:$0x6D2]  }
0x823: {  	[smem:$0x79B] =	sst s1  }
0x824: {  	(v2sf) =	vpush v11, $0x1;
	s0 =	sshra.s32 s0, $0x1F;
	s1 =	sld [smem:$0x6D1]  }
0x825: {  	s0 =	smul.u32 $0x10624DD3, s0;
	_ =	sdelay $0x1  }
0x826: {  	[smem:$0x724] =	sst s0;
	s0 =	spop (v2sf);
	s1 =	sadd.s32 s2, s1  }
0x827: {  	s2 =	smulhi.u32 $0x10624DD3, s0;
	[smem:$0x7AE] =	sst s1  }
0x828: {  	s1 =	sld [smem:$0x6D3]  }
0x829: {  	[smem:$0x725] =	sst s2  }
0x82a: {  	s2 =	sld [smem:$0x6D4];
	_ =	sdelay $0x2  }
0x82b: {  	s1 =	sadd.s32 s2, s1;
	s2 =	sld [smem:$0x6D6]  }
0x82c: {  	[smem:$0x7AD] =	sst s1  }
0x82d: {  	s13 =	sadd.s32 s15, s13;
	(v2sf) =	vpush v11, $0x2;
	s0 =	sshra.s32 s0, $0x1F;
	s1 =	sld [smem:$0x6D5]  }
0x82e: {  	s15 =	sadd.s32 s16, s14;
	[smem:$0x7AC] =	sst s13;
	s0 =	smul.u32 $0x10624DD3, s0  }
0x82f: {  	[smem:$0x7AF] =	sst s15  }
0x830: {  	[smem:$0x726] =	sst s0;
	s0 =	spop (v2sf);
	s1 =	sadd.s32 s2, s1  }
0x831: {  	s2 =	smulhi.u32 $0x10624DD3, s0;
	[smem:$0x7B0] =	sst s1  }
0x832: {  	s1 =	sld [smem:$0x6D7]  }
0x833: {  	[smem:$0x727] =	sst s2  }
0x834: {  	s17 =	sadd.s32 s19, s17;
	s2 =	sld [smem:$0x6D8]  }
0x835: {  	s18 =	sadd.s32 s12, s18;
	[smem:$0x7B2] =	sst s17  }
0x836: {  	[smem:$0x7B5] =	sst s18  }
0x837: {  	s1 =	sadd.s32 s2, s1;
	s2 =	sld [smem:$0x6DA]  }
0x838: {  	[smem:$0x7B1] =	sst s1  }
0x839: {  	s8 =	sadd.s32 s8, s6;
	(v2sf) =	vpush v11, $0x3;
	s0 =	sshra.s32 s0, $0x1F;
	s1 =	sld [smem:$0x6D9]  }
0x83a: {  	[smem:$0x7B9] =	sst s8;
	s17 =	sadd.s32 s21, s4;
	s0 =	smul.u32 $0x10624DD3, s0  }
0x83b: {  	[smem:$0x7BA] =	sst s17  }
0x83c: {  	[smem:$0x728] =	sst s0;
	s0 =	spop (v2sf);
	s1 =	sadd.s32 s2, s1  }
0x83d: {  	s2 =	smulhi.u32 $0x10624DD3, s0;
	[smem:$0x7B4] =	sst s1  }
0x83e: {  	s1 =	sld [smem:$0x6DB]  }
0x83f: {  	[smem:$0x729] =	sst s2  }
0x840: {  	s18 =	sadd.s32 s7, s5;
	s2 =	sld [smem:$0x6DC]  }
0x841: {  	s21 =	sadd.s32 s25, s23;
	[smem:$0x7AB] =	sst s18;
	(v2sf) =	vpush v11, $0x4  }
0x842: {  	[smem:$0x7BE] =	sst s21  }
0x843: {  	s1 =	sadd.s32 s2, s1;
	s2 =	sld [smem:$0x6DE]  }
0x844: {  	[smem:$0x7B3] =	sst s1  }
0x845: {  	s23 =	sadd.s32 s29, s26;
	(v2sf) =	vpush v11, $0x5;
	s0 =	sshra.s32 s0, $0x1F;
	s1 =	sld [smem:$0x6DD]  }
0x846: {  	s26 =	sadd.s32 s10, s9;
	[smem:$0x7C0] =	sst s23;
	s0 =	smul.u32 $0x10624DD3, s0  }
0x847: {  	v12 =	vld [tilespmem:$0x1C0];
	[smem:$0x7C5] =	sst s26  }
0x848: {  	(v2sf) =	vpush v11, $0x6;
	[smem:$0x72A] =	sst s0;
	s0 =	spop (v2sf);
	s1 =	sadd.s32 s2, s1  }
0x849: {  	s2 =	smulhi.u32 $0x10624DD3, s0;
	[smem:$0x7B6] =	sst s1  }
0x84a: {  	s1 =	sld [smem:$0x6DF]  }
0x84b: {  	(v2sf) =	vpush v11, $0x7;
	[smem:$0x72B] =	sst s2  }
0x84c: {  	(v2sf) =	vpush v12, $0xD;
	s0 =	sshra.s32 s0, $0x1F;
	s2 =	sld [smem:$0x6E0]  }
0x84d: {  	s23 =	sld [smem:$0x6E8];
	s0 =	smul.u32 $0x10624DD3, s0  }
0x84e: {  	s26 =	sld [smem:$0x6EA]  }
0x84f: {  	(v2sf) =	vpush v12, $0xC;
	[smem:$0x72C] =	sst s0;
	s1 =	sadd.s32 s2, s1  }
0x850: {  	s2 =	spop (v2sf);
	[smem:$0x7B8] =	sst s1  }
0x851: {  	s13 =	smulhi.u32 $0x10624DD3, s2;
	s0 =	sshra.s32 s2, $0x1F;
	s2 =	sadd.s32 s11, s20  }
0x852: {  	s20 =	sadd.s32 s24, s22;
	s24 =	sadd.s32 s30, s28;
	s30 =	sld [smem:$0x6E1]  }
0x853: {  	s28 =	sadd.s32 s31, s3;
	s31 =	sld [smem:$0x6E2]  }
0x854: {  	s16 =	spop (v2sf);
	[smem:$0x7B7] =	sst s2  }
0x855: {  	s15 =	smul.u32 $0x10624DD3, s0;
	[smem:$0x7BD] =	sst s20  }
0x856: {  	s14 =	smulhi.u32 $0x10624DD3, s16;
	[smem:$0x7C1] =	sst s24  }
0x857: {  	s0 =	sshra.s32 s16, $0x1F;
	s19 =	spop (v2sf);
	[smem:$0x7C3] =	sst s28  }
0x858: {  	(v2sf) =	vpush v12, $0xE;
	s2 =	sld [smem:$0x6E3];
	s12 =	smul.u32 $0x10624DD3, s0  }
0x859: {  	s20 =	sld [smem:$0x6E6];
	s11 =	smulhi.u32 $0x10624DD3, s19;
	s0 =	sshra.s32 s19, $0x1F  }
0x85a: {  	s16 =	spop (v2sf);
	s6 =	smul.u32 $0x10624DD3, s0  }
0x85b: {  	(v2sf) =	vpush v12, $0xF;
	s4 =	smulhi.u32 $0x10624DD3, s16;
	s0 =	sshra.s32 s16, $0x1F;
	s19 =	spop (v2sf)  }
0x85c: {  	s16 =	sld [smem:$0x6E4];
	s5 =	smul.u32 $0x10624DD3, s0  }
0x85d: {  	s1 =	sadd.s32 s31, s30;
	s30 =	sld [smem:$0x6EC];
	s7 =	smulhi.u32 $0x10624DD3, s19  }
0x85e: {  	s0 =	sshra.s32 s19, $0x1F;
	s22 =	spop (v2sf);
	[smem:$0x7C7] =	sst s1  }
0x85f: {  	s19 =	sld [smem:$0x6E5];
	s17 =	smul.u32 $0x10624DD3, s0  }
0x860: {  	s8 =	smulhi.u32 $0x10624DD3, s22;
	s0 =	sshra.s32 s22, $0x1F;
	s22 =	sld [smem:$0x6E7]  }
0x861: {  	s1 =	sadd.s32 s16, s2;
	s2 =	sld [smem:$0x6ED]  }
0x862: {  	s16 =	sld [smem:$0x6EE]  }
0x863: {  	[smem:$0x7C9] =	sst s1  }
0x864: {  	s0 =	smul.u32 $0x10624DD3, s0;
	s1 =	sadd.s32 s20, s19;
	s19 =	sld [smem:$0x6EF]  }
0x865: {  	s20 =	sld [smem:$0x6F0]  }
0x866: {  	[smem:$0x72D] =	sst s0  }
0x867: {  	s25 =	spop (v2sf);
	[smem:$0x7BC] =	sst s1  }
0x868: {  	s9 =	smulhi.u32 $0x10624DD3, s25;
	s0 =	sshra.s32 s25, $0x1F;
	s25 =	sld [smem:$0x6E9]  }
0x869: {  	s1 =	sadd.s32 s23, s22;
	s22 =	sld [smem:$0x6F1]  }
0x86a: {  	s29 =	spop (v2sf);
	s23 =	sld [smem:$0x6F2]  }
0x86b: {  	s3 =	smulhi.u32 $0x10624DD3, s29;
	[smem:$0x7BF] =	sst s1  }
0x86c: {  	s10 =	smul.u32 $0x10624DD3, s0;
	s0 =	sshra.s32 s29, $0x1F;
	s29 =	sld [smem:$0x6EB]  }
0x86d: {  	(v2sf) =	vpush v12, $0x9;
	s0 =	smul.u32 $0x10624DD3, s0;
	s1 =	sadd.s32 s26, s25;
	s25 =	sld [smem:$0x6F3]  }
0x86e: {  	s26 =	sld [smem:$0x6F4]  }
0x86f: {  	[smem:$0x72E] =	sst s0  }
0x870: {  	[smem:$0x7C2] =	sst s1  }
0x871: {  	(v2sf) =	vpush v12, $0x8;
	s1 =	sadd.s32 s30, s29;
	s29 =	sld [smem:$0x6F5]  }
0x872: {  	s30 =	sld [smem:$0x6F6]  }
0x873: {  	[smem:$0x7C4] =	sst s1  }
0x874: {  	s1 =	sadd.s32 s16, s2;
	s2 =	sld [smem:$0x6F7]  }
0x875: {  	(v2sf) =	vpush v12, $0xA;
	s16 =	sld [smem:$0x6F8]  }
0x876: {  	[smem:$0x7C6] =	sst s1  }
0x877: {  	s1 =	sadd.s32 s20, s19;
	s19 =	sld [smem:$0x6F9]  }
0x878: {  	(v2sf) =	vpush v12, $0xB;
	s20 =	sld [smem:$0x6FA]  }
0x879: {  	[smem:$0x7C8] =	sst s1  }
0x87a: {  	s1 =	sadd.s32 s23, s22;
	s22 =	sld [smem:$0x6FB]  }
0x87b: {  	s23 =	sld [smem:$0x6FC]  }
0x87c: {  	s18 =	spop (v2sf);
	[smem:$0x7CA] =	sst s1  }
0x87d: {  	s21 =	smulhi.u32 $0x10624DD3, s18;
	s1 =	sadd.s32 s26, s25;
	s25 =	sld [smem:$0x6FD]  }
0x87e: {  	(v2sf) =	vpush v12, $0x0;
	s26 =	sld [smem:$0x6FE]  }
0x87f: {  	(v2sf) =	vpush v12, $0x1;
	[smem:$0x72F] =	sst s21  }
0x880: {  	(v2sf) =	vpush v12, $0x2;
	s0 =	sshra.s32 s18, $0x1F;
	s24 =	spop (v2sf);
	[smem:$0x7BB] =	sst s1  }
0x881: {  	s0 =	smul.u32 $0x10624DD3, s0;
	s1 =	sadd.s32 s30, s29;
	s29 =	sld [smem:$0x6FF]  }
0x882: {  	s28 =	smulhi.u32 $0x10624DD3, s24;
	s30 =	sld [smem:$0x700]  }
0x883: {  	(v2sf) =	vpush v12, $0x3;
	[smem:$0x730] =	sst s0  }
0x884: {  	s31 =	spop (v2sf);
	[smem:$0x731] =	sst s28  }
0x885: {  	s18 =	smulhi.u32 $0x10624DD3, s31;
	[smem:$0x7CB] =	sst s1  }
0x886: {  	s1 =	sadd.s32 s16, s2;
	s16 =	sld [smem:$0x701]  }
0x887: {  	s21 =	spop (v2sf);
	[smem:$0x733] =	sst s18  }
0x888: {  	s0 =	sshra.s32 s24, $0x1F;
	s24 =	smulhi.u32 $0x10624DD3, s21;
	[smem:$0x7CD] =	sst s1  }
0x889: {  	s1 =	sadd.s32 s20, s19;
	s20 =	sld [smem:$0x703]  }
0x88a: {  	[smem:$0x735] =	sst s24  }
0x88b: {  	(v2sf) =	vpush v12, $0x4;
	s0 =	smul.u32 $0x10624DD3, s0;
	[smem:$0x7CF] =	sst s1  }
0x88c: {  	s1 =	sadd.s32 s23, s22;
	s23 =	sld [smem:$0x705]  }
0x88d: {  	s28 =	spop (v2sf);
	[smem:$0x732] =	sst s0  }
0x88e: {  	(v2sf) =	vpush v12, $0x5;
	s18 =	spop (v2sf);
	[smem:$0x7D1] =	sst s1  }
0x88f: {  	s24 =	spop (v2sf);
	s1 =	sadd.s32 s26, s25;
	s26 =	sld [smem:$0x707]  }
0x890: {  	s0 =	sshra.s32 s31, $0x1F;
	s31 =	smulhi.u32 $0x10624DD3, s28;
	[smem:$0x7D5] =	sst s1  }
0x891: {  	s0 =	smul.u32 $0x10624DD3, s0;
	s1 =	sadd.s32 s30, s29;
	s30 =	sld [smem:$0x709]  }
0x892: {  	[smem:$0x737] =	sst s31;
	s31 =	spop (v2sf)  }
0x893: {  	[smem:$0x734] =	sst s0;
	s0 =	sshra.s32 s21, $0x1F;
	s21 =	smulhi.u32 $0x10624DD3, s18  }
0x894: {  	[smem:$0x7D3] =	sst s1;
	s19 =	smulhi.u32 $0x10624DD3, s31  }
0x895: {  	s0 =	smul.u32 $0x10624DD3, s0;
	[smem:$0x739] =	sst s21  }
0x896: {  	[smem:$0x73D] =	sst s19  }
0x897: {  	[smem:$0x736] =	sst s0;
	s0 =	sshra.s32 s28, $0x1F;
	s28 =	smulhi.u32 $0x10624DD3, s24  }
0x898: {  	s21 =	sld [smem:$0x704]  }
0x899: {  	s0 =	smul.u32 $0x10624DD3, s0;
	[smem:$0x73B] =	sst s28  }
0x89a: {  	s22 =	spop (v2sf);
	s28 =	sld [smem:$0x708]  }
0x89b: {  	[smem:$0x738] =	sst s0;
	s0 =	sshra.s32 s18, $0x1F;
	s25 =	smulhi.u32 $0x10624DD3, s22  }
0x89c: {  	s18 =	sld [smem:$0x702];
	s0 =	smul.u32 $0x10624DD3, s0  }
0x89d: {  	s29 =	spop (v2sf);
	[smem:$0x73F] =	sst s25  }
0x89e: {  	s2 =	smulhi.u32 $0x10624DD3, s29;
	[smem:$0x73A] =	sst s0  }
0x89f: {  	s0 =	sshra.s32 s24, $0x1F;
	s24 =	sld [smem:$0x706]  }
0x8a0: {  	[smem:$0x741] =	sst s2  }
0x8a1: {  	s1 =	sadd.s32 s18, s16;
	s16 =	sld [smem:$0x70B]  }
0x8a2: {  	s18 =	sld [smem:$0x70C]  }
0x8a3: {  	(v2sf) =	vpush v12, $0x6;
	[smem:$0x7D7] =	sst s1  }
0x8a4: {  	s1 =	sadd.s32 s21, s20;
	s20 =	sld [smem:$0x70D]  }
0x8a5: {  	v13 =	vld [tilespmem:$0x1D0];
	s0 =	smul.u32 $0x10624DD3, s0;
	s21 =	sld [smem:$0x70E]  }
0x8a6: {  	[smem:$0x7D9] =	sst s1  }
0x8a7: {  	[smem:$0x73C] =	sst s0  }
0x8a8: {  	s0 =	sshra.s32 s31, $0x1F;
	s31 =	sld [smem:$0x70A]  }
0x8a9: {  	(v2sf) =	vpush v12, $0x7;
	s1 =	sadd.s32 s24, s23;
	s23 =	sld [smem:$0x70F]  }
0x8aa: {  	(v2sf) =	vpush v13, $0xD;
	s24 =	sld [smem:$0x710]  }
0x8ab: {  	[smem:$0x7CE] =	sst s1  }
0x8ac: {  	s1 =	sadd.s32 s28, s26;
	s26 =	sld [smem:$0x711]  }
0x8ad: {  	s0 =	smul.u32 $0x10624DD3, s0;
	s28 =	sld [smem:$0x712]  }
0x8ae: {  	[smem:$0x7D0] =	sst s1  }
0x8af: {  	[smem:$0x73E] =	sst s0  }
0x8b0: {  	(v2sf) =	vpush v13, $0xC;
	s1 =	sadd.s32 s31, s30;
	s30 =	sld [smem:$0x713]  }
0x8b1: {  	s31 =	sld [smem:$0x714]  }
0x8b2: {  	s19 =	spop (v2sf);
	s0 =	sshra.s32 s22, $0x1F;
	[smem:$0x7D2] =	sst s1  }
0x8b3: {  	s22 =	smulhi.u32 $0x10624DD3, s19;
	s1 =	sadd.s32 s18, s16;
	s18 =	sld [smem:$0x715]  }
0x8b4: {  	[smem:$0x7D4] =	sst s1  }
0x8b5: {  	[smem:$0x743] =	sst s22  }
0x8b6: {  	s0 =	smul.u32 $0x10624DD3, s0;
	s1 =	sadd.s32 s21, s20;
	s21 =	sld [smem:$0x717]  }
0x8b7: {  	s22 =	sld [smem:$0x718]  }
0x8b8: {  	s25 =	spop (v2sf);
	[smem:$0x740] =	sst s0  }
0x8b9: {  	s16 =	spop (v2sf);
	[smem:$0x7D6] =	sst s1  }
0x8ba: {  	s20 =	smulhi.u32 $0x10624DD3, s16;
	s1 =	sadd.s32 s24, s23;
	s24 =	sld [smem:$0x719]  }
0x8bb: {  	s0 =	sshra.s32 s29, $0x1F;
	[smem:$0x7D8] =	sst s1  }
0x8bc: {  	s29 =	smulhi.u32 $0x10624DD3, s25;
	s1 =	sadd.s32 s28, s26;
	[smem:$0x747] =	sst s20  }
0x8bd: {  	s0 =	smul.u32 $0x10624DD3, s0;
	[smem:$0x7DA] =	sst s1  }
0x8be: {  	[smem:$0x745] =	sst s29  }
0x8bf: {  	s23 =	spop (v2sf);
	s1 =	sadd.s32 s31, s30;
	[smem:$0x742] =	sst s0  }
0x8c0: {  	s26 =	smulhi.u32 $0x10624DD3, s23;
	s0 =	sshra.s32 s19, $0x1F;
	[smem:$0x7CC] =	sst s1  }
0x8c1: {  	s19 =	sld [smem:$0x716];
	s0 =	smul.u32 $0x10624DD3, s0  }
0x8c2: {  	(v2sf) =	vpush v13, $0xE;
	[smem:$0x748] =	sst s26  }
0x8c3: {  	(v2sf) =	vpush v13, $0xF;
	[smem:$0x744] =	sst s0  }
0x8c4: {  	(v2sf) =	vpush v13, $0x9;
	s0 =	sshra.s32 s25, $0x1F;
	s1 =	sadd.s32 s19, s18;
	s25 =	sld [smem:$0x71A]  }
0x8c5: {  	(v2sf) =	vpush v13, $0x8;
	s0 =	smul.u32 $0x10624DD3, s0;
	[smem:$0x7DC] =	sst s1;
	s1 =	sadd.s32 s22, s21  }
0x8c6: {  	(v2sf) =	vpush v13, $0xA;
	[smem:$0x7DB] =	sst s1  }
0x8c7: {  	(v2sf) =	vpush v13, $0xB;
	[smem:$0x746] =	sst s0;
	s1 =	sadd.s32 s25, s24  }
0x8c8: {  	s13 =	sadd.s32 s15, s13;
	(v2sf) =	vpush v13, $0x0;
	[smem:$0x7DE] =	sst s1  }
0x8c9: {  	s15 =	sadd.s32 s12, s14;
	(v2sf) =	vpush v13, $0x1;
	[smem:$0x7E7] =	sst s13  }
0x8ca: {  	[smem:$0x7E9] =	sst s15  }
0x8cb: {  	s28 =	sld [smem:$0x71B]  }
0x8cc: {  	s30 =	sld [smem:$0x71C]  }
0x8cd: {  	s0 =	sshra.s32 s16, $0x1F;
	s16 =	sld [smem:$0x71D]  }
0x8ce: {  	s18 =	sld [smem:$0x71E]  }
0x8cf: {  	s20 =	sld [smem:$0x71F]  }
0x8d0: {  	s21 =	sld [smem:$0x720]  }
0x8d1: {  	s29 =	smul.u32 $0x10624DD3, s0;
	s0 =	sshra.s32 s23, $0x1F;
	s23 =	sld [smem:$0x721]  }
0x8d2: {  	s0 =	smul.u32 $0x10624DD3, s0;
	s24 =	sld [smem:$0x722]  }
0x8d3: {  	s31 =	spop (v2sf);
	s25 =	sld [smem:$0x723]  }
0x8d4: {  	s2 =	sld [smem:$0x725];
	s19 =	smulhi.u32 $0x10624DD3, s31  }
0x8d5: {  	[smem:$0x749] =	sst s0  }
0x8d6: {  	[smem:$0x74A] =	sst s19  }
0x8d7: {  	s1 =	sadd.s32 s30, s28;
	s30 =	sld [smem:$0x724]  }
0x8d8: {  	s19 =	sld [smem:$0x728]  }
0x8d9: {  	[smem:$0x7E0] =	sst s1  }
0x8da: {  	s1 =	sadd.s32 s18, s16;
	s16 =	sld [smem:$0x726]  }
0x8db: {  	s18 =	sld [smem:$0x727]  }
0x8dc: {  	[smem:$0x7E4] =	sst s1  }
0x8dd: {  	s1 =	sadd.s32 s21, s20;
	s21 =	sld [smem:$0x729]  }
0x8de: {  	s0 =	sshra.s32 s31, $0x1F;
	s22 =	spop (v2sf);
	[smem:$0x7E2] =	sst s1  }
0x8df: {  	s26 =	smul.u32 $0x10624DD3, s0;
	s1 =	sadd.s32 s24, s23;
	s23 =	sld [smem:$0x72A]  }
0x8e0: {  	s0 =	sshra.s32 s22, $0x1F;
	s31 =	spop (v2sf);
	[smem:$0x7E6] =	sst s1  }
0x8e1: {  	s24 =	smul.u32 $0x10624DD3, s0;
	s1 =	sadd.s32 s30, s25;
	s30 =	sld [smem:$0x72B]  }
0x8e2: {  	s0 =	sshra.s32 s31, $0x1F;
	s25 =	smulhi.u32 $0x10624DD3, s31;
	s31 =	sld [smem:$0x72C]  }
0x8e3: {  	[smem:$0x7E8] =	sst s1;
	s1 =	sadd.s32 s16, s2  }
0x8e4: {  	s28 =	smulhi.u32 $0x10624DD3, s22;
	[smem:$0x7DF] =	sst s1;
	s1 =	sadd.s32 s19, s18  }
0x8e5: {  	s19 =	sadd.s32 s6, s11;
	s6 =	sadd.s32 s10, s9;
	s9 =	sld [smem:$0x72F]  }
0x8e6: {  	s20 =	spop (v2sf);
	s10 =	sld [smem:$0x730]  }
0x8e7: {  	s22 =	smul.u32 $0x10624DD3, s0;
	s24 =	sadd.s32 s24, s28;
	s11 =	sld [smem:$0x731]  }
0x8e8: {  	s0 =	sshra.s32 s20, $0x1F;
	s2 =	spop (v2sf);
	[dreg:$0x1c] =	wrdreg s24  }
0x8e9: {  	[smem:$0x7E1] =	sst s1;
	s1 =	sadd.s32 s23, s21;
	s23 =	smulhi.u32 $0x10624DD3, s20  }
0x8ea: {  	(v2sf) =	vpush v13, $0x2;
	s21 =	smul.u32 $0x10624DD3, s0;
	[smem:$0x7EA] =	sst s19  }
0x8eb: {  	s20 =	smulhi.u32 $0x10624DD3, s2;
	[smem:$0x7ED] =	sst s6  }
0x8ec: {  	(v2sf) =	vpush v13, $0x3;
	s0 =	sshra.s32 s2, $0x1F;
	s2 =	sadd.s32 s17, s7;
	s7 =	sld [smem:$0x72E]  }
0x8ed: {  	s22 =	sadd.s32 s22, s25;
	s6 =	sld [smem:$0x736]  }
0x8ee: {  	[dreg:$0x19] =	wrdreg s22  }
0x8ef: {  	s16 =	spop (v2sf);
	[smem:$0x7E3] =	sst s1  }
0x8f0: {  	s19 =	smulhi.u32 $0x10624DD3, s16;
	[smem:$0x7EC] =	sst s2  }
0x8f1: {  	s1 =	sadd.s32 s31, s30;
	s30 =	sadd.s32 s5, s4;
	s4 =	sld [smem:$0x72D]  }
0x8f2: {  	s18 =	smul.u32 $0x10624DD3, s0;
	s2 =	sld [smem:$0x739]  }
0x8f3: {  	s0 =	sshra.s32 s16, $0x1F;
	s31 =	spop (v2sf);
	[smem:$0x7E5] =	sst s1  }
0x8f4: {  	[smem:$0x7DD] =	sst s30;
	s16 =	smul.u32 $0x10624DD3, s0  }
0x8f5: {  	(v2sf) =	vpush v13, $0x4;
	s17 =	smulhi.u32 $0x10624DD3, s31;
	s0 =	sshra.s32 s31, $0x1F;
	s30 =	sld [smem:$0x732]  }
0x8f6: {  	s14 =	smul.u32 $0x10624DD3, s0;
	s1 =	sadd.s32 s4, s8;
	s4 =	sld [smem:$0x734]  }
0x8f7: {  	s5 =	spop (v2sf);
	[smem:$0x7EB] =	sst s1  }
0x8f8: {  	s15 =	smulhi.u32 $0x10624DD3, s5;
	s1 =	sadd.s32 s7, s3;
	s3 =	sld [smem:$0x733]  }
0x8f9: {  	(v2sf) =	vpush v13, $0x5;
	s0 =	sshra.s32 s5, $0x1F;
	s8 =	spop (v2sf);
	s5 =	sld [smem:$0x735]  }
0x8fa: {  	[smem:$0x7EF] =	sst s1;
	s12 =	smul.u32 $0x10624DD3, s0;
	s1 =	sadd.s32 s10, s9  }
0x8fb: {  	s0 =	sshra.s32 s8, $0x1F;
	s31 =	spop (v2sf);
	[smem:$0x7F3] =	sst s1  }
0x8fc: {  	s1 =	sadd.s32 s30, s11;
	s10 =	smul.u32 $0x10624DD3, s0;
	s30 =	sld [smem:$0x737]  }
0x8fd: {  	(v2sf) =	vpush v13, $0x6;
	s11 =	smulhi.u32 $0x10624DD3, s31;
	s0 =	sshra.s32 s31, $0x1F;
	s31 =	sld [smem:$0x738]  }
0x8fe: {  	[smem:$0x7F0] =	sst s1  }
0x8ff: {  	s1 =	sadd.s32 s4, s3;
	s3 =	sld [smem:$0x73A]  }
0x900: {  	[smem:$0x7F5] =	sst s1  }
0x901: {  	s1 =	sadd.s32 s6, s5;
	s5 =	sld [smem:$0x73B]  }
0x902: {  	s6 =	sld [smem:$0x73C]  }
0x903: {  	s13 =	smulhi.u32 $0x10624DD3, s8;
	[smem:$0x7F7] =	sst s1  }
0x904: {  	s7 =	spop (v2sf);
	s1 =	sadd.s32 s31, s30;
	s30 =	sld [smem:$0x73D]  }
0x905: {  	s8 =	smul.u32 $0x10624DD3, s0;
	s31 =	sld [smem:$0x73E]  }
0x906: {  	s9 =	smulhi.u32 $0x10624DD3, s7;
	[smem:$0x7EE] =	sst s1  }
0x907: {  	s0 =	sshra.s32 s7, $0x1F;
	s1 =	sadd.s32 s3, s2;
	s2 =	sld [smem:$0x741]  }
0x908: {  	s4 =	spop (v2sf);
	[smem:$0x7F1] =	sst s1;
	s1 =	sadd.s32 s6, s5  }
0x909: {  	s7 =	smul.u32 $0x10624DD3, s0;
	s0 =	sshra.s32 s4, $0x1F;
	[smem:$0x7F4] =	sst s1  }
0x90a: {  	v14 =	vld [tilespmem:$0x1E0];
	s6 =	smulhi.u32 $0x10624DD3, s4;
	s1 =	sadd.s32 s31, s30;
	s30 =	sld [smem:$0x73F]  }
0x90b: {  	s5 =	smul.u32 $0x10624DD3, s0;
	s31 =	sld [smem:$0x740]  }
0x90c: {  	(v2sf) =	vpush v13, $0x7;
	s3 =	spop (v2sf);
	[smem:$0x7F6] =	sst s1  }
0x90d: {  	s4 =	smulhi.u32 $0x10624DD3, s3;
	s0 =	sshra.s32 s3, $0x1F;
	s3 =	sld [smem:$0x742]  }
0x90e: {  	s1 =	sadd.s32 s31, s30;
	s30 =	sld [smem:$0x743]  }
0x90f: {  	(v2sf) =	vpush v14, $0xD;
	s31 =	sld [smem:$0x744]  }
0x910: {  	[smem:$0x7F8] =	sst s1;
	s1 =	sadd.s32 s3, s2  }
0x911: {  	(v2sf) =	vpush v14, $0xC;
	[smem:$0x7F9] =	sst s1  }
0x912: {  	(v2sf) =	vpush v14, $0xE;
	s1 =	sadd.s32 s31, s30;
	s30 =	sld [smem:$0x746]  }
0x913: {  	[smem:$0x7FA] =	sst s1  }
0x914: {  	s21 =	sadd.s32 s21, s23;
	s1 =	sld [smem:$0x745]  }
0x915: {  	[dreg:$0x16] =	wrdreg s21;
	s18 =	sadd.s32 s18, s20  }
0x916: {  	[dreg:$0x15] =	wrdreg s18;
	(v2sf) =	vpush v14, $0xF  }
0x917: {  	s14 =	sadd.s32 s14, s17;
	s1 =	sadd.s32 s30, s1;
	s30 =	sld [smem:$0x747]  }
0x918: {  	[smem:$0x7FC] =	sst s14;
	(v2sf) =	vpush v14, $0x9;
	s12 =	sadd.s32 s12, s15  }
0x919: {  	[dreg:$0x18] =	wrdreg s12  }
0x91a: {  	(v2sf) =	vpush v14, $0x8;
	s3 =	smul.u32 $0x10624DD3, s0;
	s31 =	sadd.s32 s29, s30;
	s29 =	sld [smem:$0x748]  }
0x91b: {  	s10 =	sadd.s32 s10, s13;
	s0 =	spop (v2sf);
	s30 =	sld [smem:$0x749]  }
0x91c: {  	[dreg:$0x17] =	wrdreg s10;
	(v2sf) =	vpush v14, $0xA;
	s2 =	smulhi.u32 $0x10624DD3, s0;
	s0 =	sshra.s32 s0, $0x1F  }
0x91d: {  	[smem:$0x7F2] =	sst s1;
	s1 =	smul.u32 $0x10624DD3, s0  }
0x91e: {  	s0 =	spop (v2sf);
	s29 =	sadd.s32 s30, s29;
	s30 =	sld [smem:$0x74A]  }
0x91f: {  	(v2sf) =	vpush v14, $0xB;
	[dreg:$0x1f] =	wrdreg s31;
	s31 =	smulhi.u32 $0x10624DD3, s0  }
0x920: {  	s0 =	sshra.s32 s0, $0x1F;
	[smem:$0x7FB] =	sst s29;
	s29 =	spop (v2sf)  }
0x921: {  	s0 =	smul.u32 $0x10624DD3, s0;
	s26 =	sadd.s32 s26, s30;
	s30 =	spop (v2sf)  }
0x922: {  	(v2sf) =	vpush v14, $0x0;
	[dreg:$0x1a] =	wrdreg s26;
	s26 =	smulhi.u32 $0x10624DD3, s29  }
0x923: {  	s8 =	sadd.s32 s8, s11;
	s29 =	sshra.s32 s29, $0x1F;
	s22 =	smulhi.u32 $0x10624DD3, s30  }
0x924: {  	[dreg:$0x1e] =	wrdreg s8;
	s24 =	smul.u32 $0x10624DD3, s29;
	s29 =	sshra.s32 s30, $0x1F  }
0x925: {  	s30 =	spop (v2sf);
	s21 =	smul.u32 $0x10624DD3, s29  }
0x926: {  	s0 =	sadd.s32 s0, s31;
	s18 =	smulhi.u32 $0x10624DD3, s30;
	s25 =	sshra.s32 s30, $0x1F  }
0x927: {  	s30 =	sadd.s32 s16, s19;
	s28 =	spop (v2sf);
	s16 =	smul.u32 $0x10624DD3, s25  }
0x928: {  	[dreg:$0x13] =	wrdreg s0;
	s14 =	smulhi.u32 $0x10624DD3, s28;
	s29 =	sshra.s32 s28, $0x1F  }
0x929: {  	(v2sf) =	vpush v14, $0x1;
	s19 =	spop (v2sf);
	s12 =	smul.u32 $0x10624DD3, s29  }
0x92a: {  	s15 =	sadd.s32 s24, s26;
	s10 =	smulhi.u32 $0x10624DD3, s19;
	s20 =	sshra.s32 s19, $0x1F  }
0x92b: {  	(v2sf) =	vpush v14, $0x2;
	s23 =	spop (v2sf);
	s19 =	sadd.s32 s7, s9;
	s29 =	sadd.s32 s3, s4  }
0x92c: {  	[dreg:$0x12] =	wrdreg s15;
	s21 =	sadd.s32 s21, s22;
	s8 =	smul.u32 $0x10624DD3, s20  }
0x92d: {  	s7 =	smulhi.u32 $0x10624DD3, s23;
	s25 =	sshra.s32 s23, $0x1F;
	[dreg:$0x1d] =	wrdreg s21  }
0x92e: {  	s28 =	spop (v2sf);
	s23 =	sadd.s32 s16, s18;
	s16 =	sld [smem:$0x74D]  }
0x92f: {  	s20 =	sadd.s32 s5, s6;
	s6 =	sld [smem:$0x74F];
	s5 =	smul.u32 $0x10624DD3, s25  }
0x930: {  	s3 =	smulhi.u32 $0x10624DD3, s28;
	s9 =	sshra.s32 s28, $0x1F;
	[smem:$0x7FD] =	sst s23  }
0x931: {  	s11 =	spop (v2sf);
	s25 =	sadd.s32 s12, s14;
	s12 =	sld [smem:$0x74B]  }
0x932: {  	s28 =	sadd.s32 s1, s2;
	s14 =	sld [smem:$0x74C];
	s1 =	smul.u32 $0x10624DD3, s9  }
0x933: {  	s23 =	sld [smem:$0x74E];
	s13 =	smulhi.u32 $0x10624DD3, s11  }
0x934: {  	s2 =	sshra.s32 s11, $0x1F;
	[dreg:$0x14] =	wrdreg s25;
	s5 =	sadd.s32 s5, s7  }
0x935: {  	s2 =	smul.u32 $0x10624DD3, s2;
	[dreg:$0x1b] =	wrdreg s5  }
0x936: {  	s31 =	sadd.s32 s1, s3;
	s15 =	sshra.s32 s14, $0x1F;
	s1 =	sshra.s32 s12, $0x6  }
0x937: {  	s25 =	sshra.s32 s23, $0x6;
	s3 =	sshra.s32 s16, $0x6;
	s21 =	sadd.s32 s2, s13  }
0x938: {  	s13 =	sshrl.u32 s12, $0x1F;
	s12 =	sld [smem:$0x751];
	s17 =	spop (v2sf)  }
0x939: {  	v0 =	vmov s15;
	s15 =	sld [smem:$0x752];
	s22 =	smulhi.u32 $0x10624DD3, s17;
	s4 =	sshra.s32 s17, $0x1F  }
0x93a: {  	s5 =	sshra.s32 s23, $0x1F;
	s4 =	smul.u32 $0x10624DD3, s4;
	s24 =	spop (v2sf)  }
0x93b: {  	v35 =	vmov s3;
	s3 =	sld [smem:$0x760];
	s26 =	smulhi.u32 $0x10624DD3, s24;
	s9 =	sshra.s32 s24, $0x1F  }
0x93c: {  	v0 =	vsel vm3, s25, v0;
	s24 =	sadd.s32 s8, s10;
	s8 =	sld [smem:$0x750];
	s10 =	smul.u32 $0x10624DD3, s9  }
0x93d: {  	v0 =	vsel vm9, s5, v0;
	s5 =	sld [smem:$0x75E];
	s17 =	sshrl.u32 s16, $0x1F  }
0x93e: {  	(v2sf) =	vpush v14, $0x3;
	s18 =	sadd.s32 s4, s22;
	s22 =	sadd.s32 s10, s26;
	s26 =	sshrl.u32 s23, $0x1F  }
0x93f: {  	s7 =	sshrl.u32 s6, $0x1F;
	v27 =	vmov s17;
	s9 =	sshra.s32 s8, $0x6;
	v32 =	vmov s26;
	s26 =	sld [smem:$0x754]  }
0x940: {  	s16 =	sshrl.u32 s15, $0x1F;
	v15 =	vsel vm0, s13, v27;
	s10 =	sshrl.u32 s8, $0x1F;
	s11 =	sshra.s32 s8, $0x1F;
	v0 =	vsel vm0, s9, v0;
	v16 =	vnsel vm3, $0x0, v32  }
0x941: {  	s17 =	sshra.s32 s15, $0x6;
	s13 =	sshrl.u32 s12, $0x1F;
	v15 =	vsel vm1, s7, v15;
	s7 =	sld [smem:$0x753];
	v0 =	vsel vm10, s11, v0;
	v16 =	vsel vm0, s10, v16  }
0x942: {  	v31 =	vsel vm2, s13, v15;
	s13 =	sld [smem:$0x756];
	s23 =	sshra.s32 s15, $0x1F;
	v0 =	vsel vm1, s17, v0;
	v33 =	vsel vm1, s16, v16;
	s9 =	sshrl.u32 s26, $0x1F  }
0x943: {  	s0 =	sshra.s32 s12, $0x6;
	v0 =	vsel vm11, s23, v0;
	s12 =	sshra.s32 s26, $0x6;
	v15 =	vsel vm2, s9, v33;
	s9 =	sld [smem:$0x755]  }
0x944: {  	v0 =	vsel vm2, s12, v0;
	s12 =	sld [smem:$0x758]  }
0x945: {  	s4 =	sshra.s32 s6, $0x6;
	s6 =	sshra.s32 s3, $0x6;
	s11 =	sshrl.u32 s13, $0x1F  }
0x946: {  	s25 =	sshrl.u32 s7, $0x1F;
	s15 =	sshra.s32 s26, $0x1F;
	v15 =	vsel vm4, s11, v15;
	s11 =	sld [smem:$0x75A]  }
0x947: {  	v34 =	vmov s25;
	s26 =	sshra.s32 s13, $0x6;
	v0 =	vsel vm12, s15, v0;
	s10 =	sshrl.u32 s9, $0x1F;
	s17 =	sshrl.u32 s12, $0x1F  }
0x948: {  	v0 =	vsel vm4, s26, v0;
	s2 =	sshra.s32 s9, $0x6;
	s9 =	sshra.s32 s13, $0x1F;
	v16 =	vsel vm0, s10, v34;
	s10 =	sld [smem:$0x757]  }
0x949: {  	s8 =	sld [smem:$0x759];
	v15 =	vsel vm5, s17, v15;
	s25 =	sshrl.u32 s11, $0x1F;
	v0 =	vsel vm13, s9, v0;
	s17 =	sshra.s32 s12, $0x6  }
0x94a: {  	s15 =	sshra.s32 s7, $0x6;
	s13 =	sshrl.u32 s14, $0x1F;
	v15 =	vsel vm6, s25, v15;
	v0 =	vsel vm5, s17, v0;
	s25 =	sshra.s32 s12, $0x1F  }
0x94b: {  	v36 =	vmov s15;
	s26 =	sshra.s32 s11, $0x6;
	s9 =	sld [smem:$0x75C];
	v45 =	vsel vm7, s13, v15;
	v0 =	vsel vm14, s25, v0;
	s16 =	sshrl.u32 s10, $0x1F  }
0x94c: {  	s23 =	sshrl.u32 s8, $0x1F;
	s7 =	sshra.s32 s11, $0x1F;
	v15 =	vsel vm0, s1, v35;
	s13 =	sld [smem:$0x75B];
	v0 =	vsel vm6, s26, v0;
	v16 =	vsel vm1, s16, v16  }
0x94d: {  	s16 =	sshra.s32 s10, $0x6;
	s10 =	spop (v2sf);
	v0 =	vsel vm15, s7, v0;
	s7 =	sshrl.u32 s3, $0x1F;
	v43 =	vsel vm2, s23, v16;
	v16 =	vsel vm0, s2, v36  }
0x94e: {  	v15 =	vsel vm1, s4, v15;
	s23 =	sshra.s32 s8, $0x6;
	s4 =	sshra.s32 s10, $0x1F;
	v37 =	vsel vm1, s16, v16;
	s16 =	sld [smem:$0x75D]  }
0x94f: {  	s8 =	sshra.s32 s14, $0x6;
	s14 =	smul.u32 $0x10624DD3, s4;
	s4 =	sld [smem:$0x75F]  }
0x950: {  	s12 =	sshra.s32 s13, $0x1F;
	v57 =	vsel vm7, s8, v0;
	s8 =	sshra.s32 s3, $0x1F;
	s3 =	sld [smem:$0x761]  }
0x951: {  	s15 =	sshrl.u32 s9, $0x1F;
	v38 =	vmov s12;
	s12 =	sld [smem:$0x763]  }
0x952: {  	s26 =	sshrl.u32 s5, $0x1F;
	s11 =	smulhi.u32 $0x10624DD3, s10;
	s17 =	sshra.s32 s16, $0x6  }
0x953: {  	v0 =	vmov s15;
	v47 =	vsel vm2, s23, v37;
	s23 =	sshrl.u32 s16, $0x1F;
	s25 =	sshra.s32 s16, $0x1F;
	s2 =	sshrl.u32 s4, $0x1F  }
0x954: {  	v0 =	vsel vm0, s26, v0;
	s10 =	sshrl.u32 s3, $0x1F;
	s15 =	sshra.s32 s12, $0x6;
	s16 =	sshra.s32 s12, $0x1F  }
0x955: {  	v39 =	vmov s23;
	s23 =	sadd.s32 s14, s11;
	v0 =	vsel vm1, s2, v0;
	s14 =	sshrl.u32 s12, $0x1F;
	s12 =	sld [smem:$0x767]  }
0x956: {  	v46 =	vsel vm2, s0, v15;
	v15 =	vsel vm3, s17, v38;
	v58 =	vsel vm2, s10, v0;
	s10 =	sld [smem:$0x762]  }
0x957: {  	v15 =	vsel vm9, s25, v15;
	s25 =	sld [smem:$0x765]  }
0x958: {  	v16 =	vnsel vm3, $0x0, v39;
	v15 =	vsel vm0, s6, v15;
	s6 =	sld [smem:$0x764]  }
0x959: {  	v0 =	vsel vm0, s7, v16;
	s7 =	sld [smem:$0x768];
	v15 =	vsel vm10, s8, v15  }
0x95a: {  	s8 =	sld [smem:$0x766];
	s2 =	sshrl.u32 s12, $0x1F;
	s11 =	sshrl.u32 s10, $0x1F;
	v15 =	vsel vm1, s15, v15  }
0x95b: {  	v0 =	vsel vm1, s14, v0;
	s26 =	sshrl.u32 s25, $0x1F;
	s14 =	sshra.s32 s25, $0x1F;
	v40 =	vmov s11;
	v15 =	vsel vm11, s16, v15;
	s11 =	sshra.s32 s25, $0x6  }
0x95c: {  	s17 =	sshrl.u32 s6, $0x1F;
	s15 =	sshrl.u32 s7, $0x1F;
	v15 =	vsel vm2, s11, v15;
	s11 =	sld [smem:$0x769]  }
0x95d: {  	v16 =	vsel vm0, s17, v40;
	s1 =	sshrl.u32 s8, $0x1F;
	s17 =	sshra.s32 s9, $0x6;
	s9 =	sld [smem:$0x76A]  }
0x95e: {  	v0 =	vsel vm2, s26, v0;
	s26 =	sshra.s32 s12, $0x6;
	v16 =	vsel vm1, s1, v16;
	v15 =	vsel vm12, s14, v15;
	s14 =	sshra.s32 s5, $0x6;
	s5 =	smov.u32 s13  }
0x95f: {  	v0 =	vsel vm4, s2, v0;
	v41 =	vmov s17;
	s17 =	sshra.s32 s4, $0x6;
	v59 =	vsel vm2, s15, v16;
	s15 =	sshra.s32 s12, $0x1F;
	s16 =	sshrl.u32 s11, $0x1F  }
0x960: {  	s12 =	sshra.s32 s8, $0x6;
	s8 =	sld [smem:$0x76E];
	s25 =	sshrl.u32 s9, $0x1F;
	v0 =	vsel vm5, s16, v0  }
0x961: {  	v15 =	vsel vm4, s26, v15;
	s16 =	sshrl.u32 s13, $0x1F;
	s13 =	sld [smem:$0x76B];
	v0 =	vsel vm6, s25, v0;
	s25 =	sshra.s32 s10, $0x6  }
0x962: {  	s4 =	sshra.s32 s3, $0x6;
	v15 =	vsel vm13, s15, v15;
	s26 =	sshra.s32 s11, $0x6;
	v42 =	vmov s25;
	s25 =	sld [smem:$0x76C]  }
0x963: {  	s11 =	sshra.s32 s11, $0x1F;
	v15 =	vsel vm5, s26, v15;
	s10 =	sshra.s32 s6, $0x6;
	v60 =	vsel vm7, s16, v0;
	v0 =	vsel vm0, s14, v41;
	s14 =	sshra.s32 s9, $0x6  }
0x964: {  	v15 =	vsel vm14, s11, v15;
	v0 =	vsel vm1, s17, v0;
	s15 =	sshra.s32 s13, $0x1F;
	s17 =	sshra.s32 s9, $0x1F;
	s9 =	sld [smem:$0x76D]  }
0x965: {  	s11 =	sld [smem:$0x76F];
	s16 =	sshra.s32 s7, $0x6;
	v61 =	vsel vm2, s4, v0;
	v0 =	vsel vm0, s10, v42;
	v44 =	vmov s15;
	s26 =	sshra.s32 s25, $0x6  }
0x966: {  	v15 =	vsel vm6, s14, v15;
	v0 =	vsel vm1, s12, v0;
	s6 =	sshra.s32 s25, $0x1F;
	s7 =	sshrl.u32 s25, $0x1F;
	s25 =	sld [smem:$0x772];
	v48 =	vsel vm3, s26, v44  }
0x967: {  	s4 =	sshra.s32 s5, $0x6;
	v63 =	vsel vm2, s16, v0;
	v0 =	vsel vm15, s17, v15;
	s5 =	sshrl.u32 s9, $0x1F;
	v15 =	vsel vm9, s6, v48;
	s6 =	sld [smem:$0x770]  }
0x968: {  	s1 =	sshra.s32 s8, $0x6;
	s12 =	sshra.s32 s11, $0x6;
	v62 =	vsel vm7, s4, v0;
	v0 =	vmov s5;
	s5 =	sld [smem:$0x771]  }
0x969: {  	s10 =	sshrl.u32 s8, $0x1F;
	s15 =	sshra.s32 s11, $0x1F;
	s4 =	sld [smem:$0x774];
	v15 =	vsel vm0, s12, v15  }
0x96a: {  	v0 =	vsel vm0, s10, v0;
	s26 =	sshra.s32 s25, $0x6;
	s10 =	sld [smem:$0x773];
	v15 =	vsel vm10, s15, v15;
	s16 =	sshrl.u32 s6, $0x1F  }
0x96b: {  	v49 =	vmov s7;
	s8 =	sshra.s32 s25, $0x1F;
	s17 =	sshrl.u32 s5, $0x1F;
	v15 =	vsel vm1, s26, v15;
	s26 =	sld [smem:$0x777];
	v0 =	vsel vm1, s16, v0  }
0x96c: {  	s14 =	sshrl.u32 s11, $0x1F;
	v16 =	vnsel vm3, $0x0, v49;
	v15 =	vsel vm11, s8, v15;
	s8 =	sld [smem:$0x776];
	v0 =	vsel vm2, s17, v0  }
0x96d: {  	s11 =	sshrl.u32 s10, $0x1F;
	[tilespmem:$0x1FE30] =	vst v0;
	v0 =	vsel vm0, s14, v16;
	s14 =	sld [smem:$0x775]  }
0x96e: {  	s7 =	sshrl.u32 s25, $0x1F;
	s12 =	sshrl.u32 s4, $0x1F;
	v50 =	vmov s11;
	s11 =	sld [smem:$0x779]  }
0x96f: {  	v16 =	vsel vm0, s12, v50;
	v0 =	vsel vm1, s7, v0;
	s25 =	sshrl.u32 s8, $0x1F;
	s7 =	sld [smem:$0x778]  }
0x970: {  	v16 =	vsel vm1, s25, v16;
	s25 =	sshra.s32 s9, $0x6;
	s9 =	sld [smem:$0x77A];
	s15 =	sshrl.u32 s14, $0x1F  }
0x971: {  	s16 =	sshra.s32 s14, $0x6;
	s17 =	sshra.s32 s14, $0x1F;
	s14 =	sshrl.u32 s26, $0x1F;
	v0 =	vsel vm2, s15, v0  }
0x972: {  	s4 =	sshra.s32 s4, $0x6;
	v15 =	vsel vm2, s16, v15;
	s16 =	sshrl.u32 s11, $0x1F;
	v0 =	vsel vm4, s14, v0  }
0x973: {  	v51 =	vmov s25;
	s25 =	sshra.s32 s10, $0x6;
	s15 =	sshrl.u32 s7, $0x1F;
	s12 =	sshrl.u32 s9, $0x1F;
	v0 =	vsel vm5, s16, v0  }
0x974: {  	s10 =	sshra.s32 s13, $0x6;
	v15 =	vsel vm12, s17, v15;
	s17 =	sshra.s32 s26, $0x6;
	v16 =	vsel vm2, s15, v16;
	s15 =	sshrl.u32 s13, $0x1F;
	v0 =	vsel vm6, s12, v0  }
0x975: {  	v52 =	vmov s25;
	s25 =	sld [smem:$0x77E];
	s26 =	sshra.s32 s26, $0x1F;
	s14 =	sshra.s32 s6, $0x6;
	v15 =	vsel vm4, s17, v15;
	v0 =	vsel vm7, s15, v0  }
0x976: {  	s16 =	sshra.s32 s11, $0x6;
	v15 =	vsel vm13, s26, v15;
	s26 =	sshra.s32 s11, $0x1F;
	s11 =	sld [smem:$0x77C];
	[tilespmem:$0x1FEB0] =	vst v0;
	v0 =	vsel vm0, s1, v51  }
0x977: {  	s7 =	sshra.s32 s7, $0x6;
	s17 =	sshra.s32 s5, $0x6;
	v15 =	vsel vm5, s16, v15;
	s16 =	sld [smem:$0x77D];
	v0 =	vsel vm1, s14, v0  }
0x978: {  	s6 =	sshra.s32 s9, $0x6;
	s5 =	sshra.s32 s8, $0x6;
	v15 =	vsel vm14, s26, v15;
	s14 =	sld [smem:$0x77B];
	v0 =	vsel vm2, s17, v0  }
0x979: {  	s8 =	sshra.s32 s9, $0x1F;
	s2 =	sshra.s32 s25, $0x6;
	v15 =	vsel vm6, s6, v15;
	s6 =	sld [smem:$0x77F];
	[tilespmem:$0x1FE50] =	vst v0;
	v0 =	vsel vm0, s4, v52  }
0x97a: {  	s26 =	sshrl.u32 s25, $0x1F;
	s25 =	sld [smem:$0x784];
	s12 =	sshrl.u32 s11, $0x1F;
	v0 =	vsel vm1, s5, v0  }
0x97b: {  	[tilespmem:$0x1FE40] =	vst v16;
	s13 =	sshra.s32 s11, $0x6;
	v15 =	vsel vm15, s8, v15;
	v55 =	vmov s12;
	s12 =	sld [smem:$0x782];
	s9 =	sshra.s32 s14, $0x1F;
	v0 =	vsel vm2, s7, v0  }
0x97c: {  	s15 =	sshra.s32 s11, $0x1F;
	s8 =	sshrl.u32 s6, $0x1F;
	s5 =	sld [smem:$0x781];
	v53 =	vmov s9;
	[tilespmem:$0x1FE60] =	vst v0;
	v0 =	vsel vm7, s10, v15  }
0x97d: {  	v16 =	vnsel vm3, $0x0, v55;
	s7 =	sshra.s32 s6, $0x6;
	s9 =	sshra.s32 s6, $0x1F;
	s6 =	sld [smem:$0x780];
	[tilespmem:$0x1FEC0] =	vst v0;
	v0 =	vsel vm3, s13, v53  }
0x97e: {  	s17 =	sshrl.u32 s16, $0x1F;
	v16 =	vsel vm0, s8, v16;
	s8 =	sld [smem:$0x783];
	s13 =	sshrl.u32 s12, $0x1F;
	v0 =	vsel vm9, s15, v0  }
0x97f: {  	v54 =	vmov s26;
	s0 =	sshra.s32 s16, $0x6;
	s16 =	sshra.s32 s12, $0x1F;
	v56 =	vsel vm1, s13, v16;
	s13 =	sld [smem:$0x786];
	v0 =	vsel vm0, s7, v0  }
0x980: {  	v15 =	vsel vm0, s17, v54;
	s10 =	sshrl.u32 s6, $0x1F;
	s15 =	sshra.s32 s12, $0x6;
	s12 =	sld [smem:$0x788];
	v0 =	vsel vm10, s9, v0  }
0x981: {  	s26 =	sshrl.u32 s25, $0x1F;
	s11 =	sshrl.u32 s5, $0x1F;
	v15 =	vsel vm1, s10, v15;
	s7 =	sld [smem:$0x785];
	v0 =	vsel vm1, s15, v0  }
0x982: {  	s17 =	sshrl.u32 s8, $0x1F;
	s10 =	sshra.s32 s25, $0x6;
	v15 =	vsel vm2, s11, v15;
	s9 =	sld [smem:$0x789];
	v0 =	vsel vm11, s16, v0  }
0x983: {  	s11 =	sshra.s32 s25, $0x1F;
	[tilespmem:$0x1FE70] =	vst v15;
	v15 =	vsel vm2, s26, v56;
	s4 =	sshrl.u32 s13, $0x1F;
	v0 =	vsel vm2, s10, v0;
	s10 =	sld [smem:$0x787]  }
0x984: {  	s26 =	sshra.s32 s13, $0x6;
	s3 =	sshrl.u32 s7, $0x1F;
	v15 =	vsel vm4, s4, v15;
	s16 =	sshrl.u32 s12, $0x1F  }
0x985: {  	v20 =	vmov s17;
	v15 =	vsel vm5, s16, v15;
	s17 =	sshrl.u32 s9, $0x1F;
	s16 =	sshra.s32 s13, $0x1F;
	v0 =	vsel vm12, s11, v0;
	s11 =	sld [smem:$0x78A]  }
0x986: {  	v0 =	vsel vm4, s26, v0;
	s26 =	sshra.s32 s7, $0x6;
	s7 =	sshra.s32 s8, $0x6;
	s15 =	sshrl.u32 s10, $0x1F  }
0x987: {  	v16 =	vsel vm0, s3, v20;
	s8 =	sshra.s32 s10, $0x6;
	s10 =	sshra.s32 s12, $0x1F;
	v22 =	vmov s7;
	s7 =	sld [smem:$0x78D]  }
0x988: {  	v16 =	vsel vm1, s15, v16;
	s25 =	sshrl.u32 s11, $0x1F;
	s15 =	sshra.s32 s6, $0x6;
	s6 =	sshra.s32 s12, $0x6  }
0x989: {  	v0 =	vsel vm13, s16, v0;
	s12 =	sshra.s32 s9, $0x6;
	s9 =	sld [smem:$0x78E];
	v16 =	vsel vm2, s17, v16;
	v15 =	vsel vm6, s25, v15;
	s17 =	sshrl.u32 s14, $0x1F  }
0x98a: {  	v21 =	vmov s2;
	s16 =	sshra.s32 s14, $0x6;
	v0 =	vsel vm5, s6, v0;
	s14 =	sld [smem:$0x78C];
	v15 =	vsel vm7, s17, v15  }
0x98b: {  	s13 =	sshra.s32 s11, $0x6;
	s6 =	sld [smem:$0x791];
	v0 =	vsel vm14, s10, v0;
	[tilespmem:$0x1FED0] =	vst v15;
	v15 =	vsel vm0, s0, v21  }
0x98c: {  	s25 =	sshra.s32 s5, $0x6;
	s17 =	sld [smem:$0x78B];
	v0 =	vsel vm6, s13, v0;
	v15 =	vsel vm1, s15, v15;
	s15 =	sshra.s32 s11, $0x1F  }
0x98d: {  	v23 =	vsel vm0, s26, v22;
	s1 =	sshra.s32 s7, $0x6;
	s10 =	sshra.s32 s9, $0x6;
	s13 =	sld [smem:$0x78F];
	v15 =	vsel vm2, s25, v15;
	v0 =	vsel vm15, s15, v0  }
0x98e: {  	s26 =	sshra.s32 s14, $0x1F;
	s11 =	sshrl.u32 s9, $0x1F;
	[tilespmem:$0x1FE90] =	vst v15;
	v15 =	vsel vm1, s8, v23;
	v0 =	vsel vm7, s16, v0;
	s16 =	sld [smem:$0x790]  }
0x98f: {  	(v2sf) =	vpush v14, $0x4;
	v24 =	vmov s26;
	s8 =	sshrl.u32 s7, $0x1F;
	v15 =	vsel vm2, s12, v15;
	s12 =	sshra.s32 s9, $0x1F;
	s9 =	sld [smem:$0x792]  }
0x990: {  	s25 =	sshrl.u32 s17, $0x1F;
	s0 =	sshra.s32 s17, $0x6;
	s15 =	sshrl.u32 s13, $0x1F;
	[tilespmem:$0x1FF10] =	vst v0;
	v0 =	vsel vm3, s10, v24;
	v25 =	vmov s8  }
0x991: {  	v26 =	vmov s11;
	s7 =	sld [smem:$0x793];
	[tilespmem:$0x1FEA0] =	vst v15;
	v0 =	vsel vm9, s12, v0;
	v15 =	vsel vm0, s25, v25;
	s17 =	sshra.s32 s16, $0x6;
	s25 =	sshrl.u32 s16, $0x1F  }
0x992: {  	[tilespmem:$0x1FE80] =	vst v16;
	v16 =	vnsel vm3, $0x0, v26;
	s26 =	sshra.s32 s16, $0x1F;
	v15 =	vsel vm1, s15, v15;
	s15 =	sld [smem:$0x794];
	v0 =	vsel vm0, s17, v0;
	s10 =	sshrl.u32 s9, $0x1F  }
0x993: {  	v16 =	vsel vm0, s25, v16;
	s11 =	sshra.s32 s9, $0x6;
	s12 =	sshra.s32 s9, $0x1F;
	s9 =	sld [smem:$0x795];
	v0 =	vsel vm10, s26, v0  }
0x994: {  	s4 =	sshra.s32 s13, $0x6;
	s13 =	sshrl.u32 s7, $0x1F;
	v27 =	vsel vm1, s10, v16;
	s10 =	sld [smem:$0x797];
	v0 =	vsel vm1, s11, v0  }
0x995: {  	s8 =	sshrl.u32 s6, $0x1F;
	v32 =	vmov s13;
	s13 =	sld [smem:$0x796];
	s26 =	sshra.s32 s15, $0x6;
	v0 =	vsel vm11, s12, v0  }
0x996: {  	v15 =	vsel vm2, s8, v15;
	s8 =	sshra.s32 s15, $0x1F;
	s17 =	sshrl.u32 s9, $0x1F;
	s12 =	sld [smem:$0x798];
	v0 =	vsel vm2, s26, v0  }
0x997: {  	s16 =	sshrl.u32 s15, $0x1F;
	v16 =	vsel vm0, s17, v32;
	s11 =	sshrl.u32 s10, $0x1F;
	v0 =	vsel vm12, s8, v0;
	s8 =	sld [smem:$0x799]  }
0x998: {  	[tilespmem:$0x1FEE0] =	vst v15;
	v15 =	vsel vm2, s16, v27;
	s25 =	sshrl.u32 s13, $0x1F;
	v16 =	vsel vm1, s11, v16;
	s11 =	sld [smem:$0x79A]  }
0x999: {  	s5 =	sld [smem:$0x79E];
	s2 =	sshra.s32 s6, $0x6;
	v15 =	vsel vm4, s25, v15;
	s25 =	sshra.s32 s13, $0x6  }
0x99a: {  	s26 =	sshra.s32 s13, $0x1F;
	s13 =	sshra.s32 s7, $0x6;
	s15 =	sshrl.u32 s12, $0x1F  }
0x99b: {  	v33 =	vmov s1;
	s3 =	sshra.s32 s9, $0x6;
	v34 =	vmov s13;
	v15 =	vsel vm5, s15, v15;
	s16 =	sshrl.u32 s8, $0x1F;
	s17 =	sshrl.u32 s11, $0x1F  }
0x99c: {  	s9 =	sshrl.u32 s14, $0x1F;
	s13 =	sld [smem:$0x79B];
	v0 =	vsel vm4, s25, v0;
	s25 =	sshra.s32 s12, $0x1F;
	v16 =	vsel vm2, s16, v16;
	v15 =	vsel vm6, s17, v15  }
0x99d: {  	v0 =	vsel vm13, s26, v0;
	s15 =	sshra.s32 s10, $0x6;
	s26 =	sshra.s32 s11, $0x6;
	s16 =	sshra.s32 s12, $0x6;
	[tilespmem:$0x1FEF0] =	vst v16;
	v15 =	vsel vm7, s9, v15;
	v16 =	vsel vm0, s3, v34  }
0x99e: {  	s7 =	sshra.s32 s11, $0x1F;
	v0 =	vsel vm5, s16, v0;
	s9 =	spop (v2sf);
	[tilespmem:$0x1FF20] =	vst v15;
	v15 =	vsel vm0, s0, v33;
	v35 =	vsel vm1, s15, v16;
	s15 =	sld [smem:$0x79D]  }
0x99f: {  	v0 =	vsel vm14, s25, v0;
	s10 =	smulhi.u32 $0x10624DD3, s9;
	v15 =	vsel vm1, s4, v15;
	s4 =	sshra.s32 s9, $0x1F;
	s9 =	sld [smem:$0x79C]  }
0x9a0: {  	s11 =	sshra.s32 s13, $0x1F;
	s17 =	sshra.s32 s8, $0x6;
	s3 =	sld [smem:$0x7A0];
	v0 =	vsel vm6, s26, v0  }
0x9a1: {  	s8 =	sshra.s32 s14, $0x6;
	v15 =	vsel vm2, s2, v15;
	v0 =	vsel vm15, s7, v0;
	s12 =	smul.u32 $0x10624DD3, s4;
	s4 =	sld [smem:$0x79F]  }
0x9a2: {  	v36 =	vmov s11;
	s0 =	sld [smem:$0x7A1];
	[tilespmem:$0x1FF00] =	vst v15;
	s16 =	sshra.s32 s15, $0x6;
	v0 =	vsel vm7, s8, v0;
	s14 =	sshrl.u32 s9, $0x1F  }
0x9a3: {  	v44 =	vsel vm2, s17, v35;
	s26 =	sshrl.u32 s5, $0x1F;
	s17 =	sshrl.u32 s15, $0x1F;
	s25 =	sshra.s32 s15, $0x1F;
	[tilespmem:$0x1FF30] =	vst v0;
	v15 =	vsel vm3, s16, v36;
	v0 =	vmov s14  }
0x9a4: {  	v15 =	vsel vm9, s25, v15;
	s25 =	sadd.s32 s12, s10;
	s2 =	sshrl.u32 s4, $0x1F;
	s12 =	sld [smem:$0x7A3];
	v0 =	vsel vm0, s26, v0  }
0x9a5: {  	v37 =	vmov s17;
	s10 =	sshrl.u32 s0, $0x1F;
	s26 =	sld [smem:$0x7A5];
	v0 =	vsel vm1, s2, v0  }
0x9a6: {  	s6 =	sshra.s32 s3, $0x6;
	s7 =	sshrl.u32 s3, $0x1F;
	v16 =	vnsel vm3, $0x0, v37;
	v0 =	vsel vm2, s10, v0  }
0x9a7: {  	s8 =	sshra.s32 s3, $0x1F;
	v15 =	vsel vm0, s6, v15;
	s10 =	sld [smem:$0x7A2];
	s14 =	sshrl.u32 s12, $0x1F;
	[tilespmem:$0x1FF40] =	vst v0;
	v0 =	vsel vm0, s7, v16  }
0x9a8: {  	s6 =	sld [smem:$0x7A4];
	v15 =	vsel vm10, s8, v15;
	s8 =	sshrl.u32 s26, $0x1F;
	v0 =	vsel vm1, s14, v0  }
0x9a9: {  	v0 =	vsel vm2, s8, v0;
	s8 =	sld [smem:$0x7A6]  }
0x9aa: {  	s11 =	sshrl.u32 s10, $0x1F  }
0x9ab: {  	s15 =	sshra.s32 s12, $0x6;
	s17 =	sshrl.u32 s6, $0x1F;
	v38 =	vmov s11  }
0x9ac: {  	s16 =	sshra.s32 s12, $0x1F;
	s12 =	sld [smem:$0x7A7];
	v16 =	vsel vm0, s17, v38;
	s11 =	sshrl.u32 s8, $0x1F  }
0x9ad: {  	v15 =	vsel vm1, s15, v15;
	v16 =	vsel vm1, s11, v16;
	s11 =	sld [smem:$0x7A9]  }
0x9ae: {  	s3 =	sshra.s32 s9, $0x6;
	s9 =	sld [smem:$0x7AA];
	s15 =	sshra.s32 s26, $0x6;
	v15 =	vsel vm11, s16, v15  }
0x9af: {  	s7 =	sld [smem:$0x7A8];
	s16 =	sshra.s32 s26, $0x1F;
	s14 =	sshrl.u32 s12, $0x1F;
	v15 =	vsel vm2, s15, v15  }
0x9b0: {  	s4 =	sshra.s32 s4, $0x6;
	s15 =	sshra.s32 s12, $0x6;
	v0 =	vsel vm4, s14, v0;
	v15 =	vsel vm12, s16, v15;
	s26 =	sshrl.u32 s11, $0x1F  }
0x9b1: {  	s14 =	sshrl.u32 s9, $0x1F;
	v15 =	vsel vm4, s15, v15;
	s15 =	sshra.s32 s6, $0x6;
	s6 =	sld [smem:$0x7AC];
	v0 =	vsel vm5, s26, v0  }
0x9b2: {  	s16 =	sshra.s32 s5, $0x6;
	s17 =	sshrl.u32 s7, $0x1F;
	s26 =	sshrl.u32 s13, $0x1F;
	v0 =	vsel vm6, s14, v0  }
0x9b3: {  	v39 =	vmov s3;
	s5 =	smov.u32 s13;
	s3 =	sshra.s32 s7, $0x6;
	v16 =	vsel vm2, s17, v16;
	s17 =	sshra.s32 s12, $0x1F;
	v0 =	vsel vm7, s26, v0  }
0x9b4: {  	s12 =	sshra.s32 s10, $0x6;
	s7 =	sshra.s32 s6, $0x6;
	v15 =	vsel vm13, s17, v15;
	s13 =	sshra.s32 s11, $0x6;
	[tilespmem:$0x1FF70] =	vst v0;
	v0 =	vsel vm0, s16, v39  }
0x9b5: {  	v15 =	vsel vm5, s13, v15;
	s14 =	sshra.s32 s0, $0x6;
	s13 =	sld [smem:$0x7AB];
	s26 =	sshra.s32 s9, $0x6;
	v0 =	vsel vm1, s4, v0  }
0x9b6: {  	v40 =	vmov s12;
	s16 =	sshra.s32 s11, $0x1F;
	s4 =	sshra.s32 s9, $0x1F;
	s9 =	sld [smem:$0x7AD];
	v0 =	vsel vm2, s14, v0  }
0x9b7: {  	s17 =	sshra.s32 s8, $0x6;
	s8 =	sshra.s32 s5, $0x6;
	v15 =	vsel vm14, s16, v15;
	s14 =	sld [smem:$0x7AE];
	[tilespmem:$0x1FF60] =	vst v0;
	v0 =	vsel vm0, s15, v40  }
0x9b8: {  	s12 =	sshrl.u32 s6, $0x1F;
	s11 =	sshra.s32 s6, $0x1F;
	s6 =	sld [smem:$0x7B0];
	v15 =	vsel vm6, s26, v15;
	v0 =	vsel vm1, s17, v0  }
0x9b9: {  	s5 =	sld [smem:$0x7B1];
	s0 =	sshra.s32 s13, $0x1F;
	s10 =	sshrl.u32 s9, $0x1F;
	v54 =	vsel vm2, s3, v0;
	v0 =	vsel vm15, s4, v15  }
0x9ba: {  	s16 =	sld [smem:$0x7AF];
	v41 =	vmov s0;
	s15 =	sshrl.u32 s14, $0x1F;
	v51 =	vsel vm7, s8, v0;
	v0 =	vmov s10  }
0x9bb: {  	v42 =	vsel vm3, s7, v41;
	s8 =	sshrl.u32 s6, $0x1F;
	v0 =	vsel vm0, s15, v0  }
0x9bc: {  	v49 =	vmov s12;
	v15 =	vsel vm9, s11, v42;
	s11 =	sld [smem:$0x7B2];
	s10 =	sshrl.u32 s5, $0x1F;
	v0 =	vsel vm1, s8, v0  }
0x9bd: {  	[tilespmem:$0x1FF50] =	vst v16;
	v16 =	vnsel vm3, $0x0, v49;
	s17 =	sshra.s32 s16, $0x6;
	s26 =	sshrl.u32 s16, $0x1F;
	v0 =	vsel vm2, s10, v0  }
0x9be: {  	s7 =	sshra.s32 s16, $0x1F;
	v15 =	vsel vm0, s17, v15;
	[tilespmem:$0x1FF80] =	vst v0;
	v0 =	vsel vm0, s26, v16;
	s26 =	sld [smem:$0x7B5]  }
0x9bf: {  	v15 =	vsel vm10, s7, v15;
	s12 =	sshra.s32 s11, $0x6  }
0x9c0: {  	s15 =	sshra.s32 s11, $0x1F;
	v15 =	vsel vm1, s12, v15;
	s10 =	sld [smem:$0x7B3]  }
0x9c1: {  	s0 =	sld [smem:$0x7B4];
	v15 =	vsel vm11, s15, v15;
	s8 =	sshra.s32 s26, $0x6  }
0x9c2: {  	s2 =	sshra.s32 s14, $0x6;
	v15 =	vsel vm2, s8, v15;
	s8 =	sld [smem:$0x7B6]  }
0x9c3: {  	s7 =	sld [smem:$0x7B8];
	s14 =	sshrl.u32 s11, $0x1F;
	s16 =	sshrl.u32 s10, $0x1F  }
0x9c4: {  	s17 =	sshrl.u32 s0, $0x1F;
	v0 =	vsel vm1, s14, v0;
	s14 =	sld [smem:$0x7B7];
	v50 =	vmov s16;
	s11 =	sshra.s32 s26, $0x1F  }
0x9c5: {  	v16 =	vsel vm0, s17, v50;
	v15 =	vsel vm12, s11, v15;
	s11 =	sld [smem:$0x7B9];
	s12 =	sshrl.u32 s8, $0x1F  }
0x9c6: {  	s4 =	sshrl.u32 s26, $0x1F;
	v16 =	vsel vm1, s12, v16;
	s12 =	sld [smem:$0x7BA]  }
0x9c7: {  	v0 =	vsel vm2, s4, v0;
	s15 =	sshrl.u32 s14, $0x1F  }
0x9c8: {  	s3 =	sshra.s32 s9, $0x6;
	s16 =	sshrl.u32 s7, $0x1F;
	v0 =	vsel vm4, s15, v0;
	s17 =	sshrl.u32 s11, $0x1F  }
0x9c9: {  	s26 =	sshra.s32 s14, $0x6;
	s9 =	sshra.s32 s14, $0x1F;
	v0 =	vsel vm5, s17, v0;
	s14 =	sshrl.u32 s12, $0x1F  }
0x9ca: {  	v16 =	vsel vm2, s16, v16;
	s16 =	sshrl.u32 s13, $0x1F;
	v0 =	vsel vm6, s14, v0  }
0x9cb: {  	v52 =	vmov s3;
	s4 =	sshra.s32 s10, $0x6;
	s15 =	sshra.s32 s6, $0x6;
	v15 =	vsel vm4, s26, v15;
	v0 =	vsel vm7, s16, v0  }
0x9cc: {  	s6 =	sshra.s32 s0, $0x6;
	v15 =	vsel vm13, s9, v15;
	s9 =	sld [smem:$0x7BE];
	s17 =	sshra.s32 s11, $0x6;
	[tilespmem:$0x1FFB0] =	vst v0;
	v0 =	vsel vm0, s2, v52  }
0x9cd: {  	s26 =	sshra.s32 s5, $0x6;
	s5 =	sshra.s32 s11, $0x1F;
	v15 =	vsel vm5, s17, v15;
	s17 =	sld [smem:$0x7BC];
	v0 =	vsel vm1, s15, v0  }
0x9ce: {  	v53 =	vmov s4;
	s10 =	sshra.s32 s12, $0x6;
	s14 =	sshra.s32 s12, $0x1F;
	s12 =	sld [smem:$0x7BB];
	v0 =	vsel vm2, s26, v0  }
0x9cf: {  	s8 =	sshra.s32 s8, $0x6;
	s11 =	sshra.s32 s7, $0x6;
	s7 =	sld [smem:$0x7BD];
	v15 =	vsel vm14, s5, v15;
	[tilespmem:$0x1FFA0] =	vst v0;
	v0 =	vsel vm0, s6, v53  }
0x9d0: {  	s0 =	sld [smem:$0x7C1];
	v15 =	vsel vm6, s10, v15;
	s10 =	sshrl.u32 s9, $0x1F;
	s16 =	sshra.s32 s13, $0x6;
	v0 =	vsel vm1, s8, v0  }
0x9d1: {  	v15 =	vsel vm15, s14, v15;
	s15 =	sshra.s32 s12, $0x1F;
	s26 =	sshrl.u32 s17, $0x1F;
	v48 =	vsel vm2, s11, v0;
	s11 =	sld [smem:$0x7BF]  }
0x9d2: {  	s1 =	sshra.s32 s7, $0x6;
	s5 =	sshra.s32 s17, $0x6;
	v55 =	vmov s15;
	v20 =	vmov s26;
	s26 =	sld [smem:$0x7C2];
	v0 =	vsel vm7, s16, v15  }
0x9d3: {  	s6 =	sshra.s32 s17, $0x1F;
	s8 =	sshrl.u32 s7, $0x1F;
	s7 =	sld [smem:$0x7C5];
	[tilespmem:$0x1FFC0] =	vst v0;
	v0 =	vsel vm3, s5, v55  }
0x9d4: {  	[tilespmem:$0x1FF90] =	vst v16;
	v56 =	vmov s10;
	v16 =	vnsel vm3, $0x0, v20;
	v0 =	vsel vm9, s6, v0;
	s6 =	sld [smem:$0x7C0];
	s13 =	sshra.s32 s11, $0x6;
	s14 =	sshrl.u32 s11, $0x1F  }
0x9d5: {  	v15 =	vsel vm0, s8, v56;
	s8 =	sshrl.u32 s26, $0x1F;
	s15 =	sshra.s32 s11, $0x1F;
	v0 =	vsel vm0, s13, v0;
	v16 =	vsel vm0, s14, v16;
	s13 =	sld [smem:$0x7C4]  }
0x9d6: {  	s3 =	sshra.s32 s9, $0x6;
	s9 =	sshra.s32 s26, $0x6;
	v0 =	vsel vm10, s15, v0;
	v21 =	vsel vm1, s8, v16;
	s8 =	sld [smem:$0x7C3]  }
0x9d7: {  	s10 =	sshra.s32 s26, $0x1F;
	s14 =	sld [smem:$0x7C6];
	s16 =	sshrl.u32 s6, $0x1F;
	v0 =	vsel vm1, s9, v0  }
0x9d8: {  	s15 =	sshrl.u32 s13, $0x1F;
	v0 =	vsel vm11, s10, v0;
	s26 =	sshra.s32 s13, $0x6;
	s10 =	sld [smem:$0x7C7]  }
0x9d9: {  	s9 =	sshra.s32 s13, $0x1F;
	s13 =	sld [smem:$0x7C8];
	s11 =	sshrl.u32 s8, $0x1F;
	v0 =	vsel vm2, s26, v0  }
0x9da: {  	s17 =	sshrl.u32 s0, $0x1F;
	v15 =	vsel vm1, s16, v15;
	s16 =	sshrl.u32 s7, $0x1F;
	v22 =	vmov s11;
	v0 =	vsel vm12, s9, v0;
	s9 =	sld [smem:$0x7C9]  }
0x9db: {  	v15 =	vsel vm2, s17, v15;
	v16 =	vsel vm0, s16, v22;
	s11 =	sshrl.u32 s10, $0x1F  }
0x9dc: {  	s17 =	sshrl.u32 s14, $0x1F;
	[tilespmem:$0x1FFD0] =	vst v15;
	v15 =	vsel vm2, s15, v21;
	s26 =	sshra.s32 s14, $0x6;
	v16 =	vsel vm1, s11, v16;
	s11 =	sld [smem:$0x7CA]  }
0x9dd: {  	s8 =	sshra.s32 s8, $0x6;
	v15 =	vsel vm4, s17, v15;
	s15 =	sshrl.u32 s13, $0x1F;
	s16 =	sshrl.u32 s9, $0x1F  }
0x9de: {  	v24 =	vmov s8;
	v0 =	vsel vm4, s26, v0;
	s26 =	sshra.s32 s0, $0x6;
	s0 =	sshra.s32 s7, $0x6;
	v16 =	vsel vm2, s16, v16;
	s16 =	sshra.s32 s14, $0x1F  }
0x9df: {  	s7 =	sshra.s32 s13, $0x6;
	v15 =	vsel vm5, s15, v15;
	v25 =	vsel vm0, s0, v24;
	s0 =	sld [smem:$0x7D3];
	s17 =	sshrl.u32 s11, $0x1F;
	v0 =	vsel vm13, s16, v0  }
0x9e0: {  	s14 =	sshra.s32 s13, $0x1F;
	v15 =	vsel vm6, s17, v15;
	s17 =	sshrl.u32 s12, $0x1F;
	v0 =	vsel vm5, s7, v0;
	s7 =	sld [smem:$0x7CB]  }
0x9e1: {  	v23 =	vmov s3;
	s15 =	sshra.s32 s6, $0x6;
	v15 =	vsel vm7, s17, v15;
	v0 =	vsel vm14, s14, v0;
	s14 =	sld [smem:$0x7CC]  }
0x9e2: {  	s16 =	sshra.s32 s11, $0x6;
	s17 =	sshra.s32 s11, $0x1F;
	s11 =	sld [smem:$0x7CE];
	[tilespmem:$0x1FFF0] =	vst v15;
	v15 =	vsel vm0, s1, v23  }
0x9e3: {  	s10 =	sshra.s32 s10, $0x6;
	v0 =	vsel vm6, s16, v0;
	s16 =	sld [smem:$0x7CF];
	v15 =	vsel vm1, s15, v15  }
0x9e4: {  	s15 =	sshra.s32 s9, $0x6;
	v0 =	vsel vm15, s17, v0;
	s9 =	sld [smem:$0x7CD];
	v56 =	vsel vm2, s26, v15;
	s26 =	sshra.s32 s12, $0x6  }
0x9e5: {  	s4 =	sshrl.u32 s7, $0x1F;
	s8 =	sshra.s32 s14, $0x1F;
	v55 =	vsel vm7, s26, v0;
	s26 =	sld [smem:$0x7D0]  }
0x9e6: {  	s1 =	sshra.s32 s7, $0x6;
	v15 =	vsel vm1, s10, v25;
	s12 =	sshra.s32 s11, $0x6;
	s13 =	sshrl.u32 s11, $0x1F;
	v26 =	vmov s8  }
0x9e7: {  	v53 =	vsel vm2, s15, v15;
	s15 =	sshra.s32 s11, $0x1F;
	s10 =	sshrl.u32 s9, $0x1F;
	v0 =	vsel vm3, s12, v26;
	s12 =	sld [smem:$0x7D2]  }
0x9e8: {  	(v2sf) =	vpush v14, $0x5;
	v32 =	vmov s13;
	s2 =	sshra.s32 s9, $0x6;
	v27 =	vmov s10;
	s10 =	sld [smem:$0x7D1];
	s7 =	sshra.s32 s26, $0x6  }
0x9e9: {  	[tilespmem:$0x1FFE0] =	vst v16;
	v16 =	vnsel vm3, $0x0, v32;
	s8 =	sshrl.u32 s26, $0x1F;
	s9 =	sshra.s32 s26, $0x1F;
	s26 =	sld [smem:$0x7D4]  }
0x9ea: {  	s6 =	sld [smem:$0x7DE];
	s17 =	sshrl.u32 s16, $0x1F;
	v0 =	vsel vm9, s15, v0;
	v16 =	vsel vm0, s8, v16;
	s13 =	sshrl.u32 s12, $0x1F  }
0x9eb: {  	s5 =	sshra.s32 s16, $0x6;
	v15 =	vsel vm0, s4, v27;
	v0 =	vsel vm0, s7, v0;
	s11 =	sshrl.u32 s10, $0x1F;
	v33 =	vsel vm1, s13, v16;
	s13 =	sld [smem:$0x7D6]  }
0x9ec: {  	v15 =	vsel vm1, s17, v15;
	v0 =	vsel vm10, s9, v0;
	s3 =	sshra.s32 s10, $0x6;
	s9 =	sld [smem:$0x7D5];
	s10 =	sshrl.u32 s26, $0x1F  }
0x9ed: {  	s15 =	sshra.s32 s12, $0x6;
	s16 =	sshra.s32 s12, $0x1F;
	v52 =	vsel vm2, s11, v15;
	v15 =	vsel vm2, s10, v33;
	s10 =	sld [smem:$0x7D7]  }
0x9ee: {  	s17 =	sshrl.u32 s0, $0x1F;
	s8 =	sld [smem:$0x7D9];
	v0 =	vsel vm1, s15, v0;
	s12 =	sshrl.u32 s13, $0x1F  }
0x9ef: {  	v34 =	vmov s17;
	s15 =	sshra.s32 s26, $0x6;
	v0 =	vsel vm11, s16, v0;
	s11 =	sshrl.u32 s9, $0x1F;
	v15 =	vsel vm4, s12, v15;
	s12 =	sld [smem:$0x7D8]  }
0x9f0: {  	s16 =	sshra.s32 s26, $0x1F;
	v0 =	vsel vm2, s15, v0;
	v16 =	vsel vm0, s11, v34;
	s11 =	sld [smem:$0x7DA];
	s17 =	sshrl.u32 s10, $0x1F  }
0x9f1: {  	s7 =	sshrl.u32 s8, $0x1F;
	s4 =	sshra.s32 s9, $0x6;
	v0 =	vsel vm12, s16, v0;
	s16 =	sshra.s32 s13, $0x6;
	v16 =	vsel vm1, s17, v16  }
0x9f2: {  	s9 =	sshra.s32 s10, $0x6;
	s17 =	sshra.s32 s13, $0x1F;
	v49 =	vsel vm2, s7, v16;
	s7 =	sshra.s32 s0, $0x6  }
0x9f3: {  	v0 =	vsel vm4, s16, v0;
	s26 =	sshrl.u32 s12, $0x1F;
	s15 =	sshrl.u32 s11, $0x1F;
	s10 =	sshra.s32 s12, $0x6;
	v36 =	vmov s7  }
0x9f4: {  	v0 =	vsel vm13, s17, v0;
	s16 =	sshra.s32 s11, $0x6;
	s17 =	sshra.s32 s11, $0x1F;
	s11 =	sld [smem:$0x7DC];
	v15 =	vsel vm5, s26, v15;
	v16 =	vsel vm0, s4, v36  }
0x9f5: {  	s26 =	sshrl.u32 s14, $0x1F;
	v0 =	vsel vm5, s10, v0;
	v15 =	vsel vm6, s15, v15;
	s15 =	sshra.s32 s12, $0x1F;
	v37 =	vsel vm1, s9, v16;
	s9 =	sld [smem:$0x7DB]  }
0x9f6: {  	v50 =	vsel vm7, s26, v15;
	v0 =	vsel vm14, s15, v0;
	s26 =	sshra.s32 s14, $0x6;
	s14 =	sld [smem:$0x7DD]  }
0x9f7: {  	v35 =	vmov s2;
	s0 =	spop (v2sf);
	v0 =	vsel vm6, s16, v0;
	s16 =	sld [smem:$0x7DF]  }
0x9f8: {  	s13 =	sshra.s32 s8, $0x6;
	s7 =	smulhi.u32 $0x10624DD3, s0;
	v15 =	vsel vm0, s1, v35;
	s1 =	sld [smem:$0x7E0]  }
0x9f9: {  	s12 =	sshrl.u32 s11, $0x1F;
	s2 =	sshra.s32 s11, $0x6;
	s11 =	sld [smem:$0x7E1]  }
0x9fa: {  	v15 =	vsel vm1, s5, v15;
	s5 =	sshra.s32 s0, $0x1F;
	v40 =	vsel vm2, s13, v37;
	v0 =	vsel vm15, s17, v0;
	s8 =	sshrl.u32 s9, $0x1F;
	s17 =	sshrl.u32 s16, $0x1F  }
0x9fb: {  	v41 =	vsel vm2, s3, v15;
	s10 =	smul.u32 $0x10624DD3, s5;
	s13 =	sshra.s32 s14, $0x1F;
	v38 =	vmov s8;
	v20 =	vmov s17;
	s17 =	sld [smem:$0x7E3]  }
0x9fc: {  	s15 =	sshrl.u32 s6, $0x1F;
	v42 =	vsel vm7, s26, v0;
	v39 =	vmov s13;
	s26 =	sshra.s32 s16, $0x6;
	s8 =	sshra.s32 s16, $0x1F;
	v0 =	vsel vm0, s12, v38  }
0x9fd: {  	v15 =	vsel vm3, s26, v39;
	s26 =	sadd.s32 s10, s7;
	s10 =	sshrl.u32 s1, $0x1F;
	s12 =	sshrl.u32 s11, $0x1F;
	v0 =	vsel vm1, s15, v0;
	v21 =	vnsel vm3, $0x0, v20  }
0x9fe: {  	v39 =	vsel vm2, s10, v0;
	v0 =	vsel vm9, s8, v15;
	v15 =	vsel vm0, s12, v21;
	s10 =	sld [smem:$0x7E2];
	s0 =	sshrl.u32 s17, $0x1F  }
0x9ff: {  	v15 =	vsel vm1, s0, v15;
	s0 =	sld [smem:$0x7E4]  }
0xa00: {  	s13 =	sshra.s32 s11, $0x6  }
0xa01: {  	v0 =	vsel vm0, s13, v0;
	s13 =	sld [smem:$0x7E5];
	s16 =	sshrl.u32 s10, $0x1F  }
0xa02: {  	s7 =	sld [smem:$0x7E8];
	s15 =	sshra.s32 s11, $0x1F;
	v22 =	vmov s16;
	s8 =	sshrl.u32 s0, $0x1F  }
0xa03: {  	s12 =	sshra.s32 s17, $0x6;
	v0 =	vsel vm10, s15, v0;
	v16 =	vsel vm0, s8, v22;
	s8 =	sld [smem:$0x7E6]  }
0xa04: {  	s15 =	sshra.s32 s17, $0x1F;
	v0 =	vsel vm1, s12, v0;
	s12 =	sld [smem:$0x7E7];
	s11 =	sshrl.u32 s13, $0x1F  }
0xa05: {  	v0 =	vsel vm11, s15, v0;
	s15 =	sshra.s32 s13, $0x6;
	v15 =	vsel vm2, s11, v15;
	s11 =	sld [smem:$0x7E9]  }
0xa06: {  	s1 =	sshra.s32 s1, $0x6;
	v0 =	vsel vm2, s15, v0;
	s15 =	sshra.s32 s6, $0x6;
	s16 =	sshrl.u32 s8, $0x1F  }
0xa07: {  	s17 =	sshrl.u32 s12, $0x1F;
	v16 =	vsel vm1, s16, v16;
	s16 =	sshra.s32 s9, $0x6;
	s9 =	sld [smem:$0x7EA]  }
0xa08: {  	s6 =	smov.u32 s14;
	v15 =	vsel vm4, s17, v15;
	s17 =	sshra.s32 s13, $0x1F;
	s5 =	sshrl.u32 s11, $0x1F  }
0xa09: {  	v0 =	vsel vm12, s17, v0;
	s17 =	sshra.s32 s12, $0x6;
	v15 =	vsel vm5, s5, v15;
	s5 =	sshra.s32 s10, $0x6;
	s10 =	sshra.s32 s12, $0x1F  }
0xa0a: {  	(v2sf) =	vpush v14, $0x6;
	v0 =	vsel vm4, s17, v0;
	s12 =	sshra.s32 s0, $0x6;
	s17 =	sld [smem:$0x7EC];
	v23 =	vmov s16;
	s13 =	sshrl.u32 s9, $0x1F  }
0xa0b: {  	s0 =	sshra.s32 s11, $0x1F;
	v25 =	vmov s5;
	s16 =	sshrl.u32 s14, $0x1F;
	s14 =	sld [smem:$0x7EB];
	v24 =	vsel vm0, s2, v23;
	v15 =	vsel vm6, s13, v15  }
0xa0c: {  	v26 =	vsel vm0, s12, v25;
	s13 =	sshra.s32 s8, $0x6;
	v37 =	vsel vm7, s16, v15;
	v15 =	vsel vm1, s15, v24;
	s15 =	sshra.s32 s11, $0x6;
	s11 =	sld [smem:$0x7EF]  }
0xa0d: {  	v0 =	vsel vm13, s10, v0;
	v36 =	vsel vm2, s1, v15;
	v15 =	vsel vm1, s13, v26;
	s13 =	sld [smem:$0x7EE]  }
0xa0e: {  	s4 =	sshrl.u32 s7, $0x1F;
	s8 =	sshra.s32 s9, $0x1F;
	v0 =	vsel vm5, s15, v0;
	s15 =	sld [smem:$0x7ED]  }
0xa0f: {  	s16 =	sshra.s32 s7, $0x6;
	s1 =	sshrl.u32 s14, $0x1F;
	v0 =	vsel vm14, s0, v0;
	s0 =	sld [smem:$0x7F2]  }
0xa10: {  	s7 =	sshra.s32 s9, $0x6;
	s9 =	sshrl.u32 s17, $0x1F;
	v27 =	vmov s1;
	v34 =	vsel vm2, s16, v15;
	s16 =	sshrl.u32 s13, $0x1F  }
0xa11: {  	s10 =	sshra.s32 s6, $0x6;
	v0 =	vsel vm6, s7, v0;
	v19 =	vsel vm0, s9, v27;
	s12 =	sshrl.u32 s15, $0x1F;
	v20 =	vmov s16;
	s16 =	sld [smem:$0x7F1]  }
0xa12: {  	s6 =	sld [smem:$0x7F4];
	v0 =	vsel vm15, s8, v0;
	v15 =	vsel vm1, s12, v19;
	s12 =	sshrl.u32 s11, $0x1F;
	s8 =	sshra.s32 s0, $0x1F  }
0xa13: {  	s1 =	sshra.s32 s13, $0x6;
	v35 =	vsel vm2, s12, v15;
	s12 =	sld [smem:$0x7F0];
	v22 =	vmov s8  }
0xa14: {  	v33 =	vsel vm7, s10, v0;
	v0 =	vnsel vm3, $0x0, v20;
	v17 =	vsel vm3, s1, v22;
	s1 =	sld [smem:$0x7F6];
	s7 =	sshrl.u32 s16, $0x1F  }
0xa15: {  	v38 =	vsel vm2, s4, v16;
	s10 =	sshrl.u32 s6, $0x1F;
	v16 =	vsel vm0, s7, v0;
	s7 =	sld [smem:$0x7F3]  }
0xa16: {  	v16 =	vsel vm1, s10, v16;
	s10 =	sld [smem:$0x7F5]  }
0xa17: {  	s4 =	sshra.s32 s13, $0x1F;
	s8 =	sshra.s32 s16, $0x6;
	s13 =	sshrl.u32 s12, $0x1F  }
0xa18: {  	s2 =	sshra.s32 s16, $0x1F;
	v21 =	vmov s13;
	s16 =	sshrl.u32 s1, $0x1F;
	s9 =	sshrl.u32 s7, $0x1F  }
0xa19: {  	v16 =	vsel vm2, s16, v16;
	s16 =	sld [smem:$0x7F8];
	v15 =	vsel vm0, s9, v21;
	s13 =	sshrl.u32 s10, $0x1F  }
0xa1a: {  	v17 =	vsel vm9, s4, v17;
	v15 =	vsel vm1, s13, v15;
	s13 =	sld [smem:$0x7F7]  }
0xa1b: {  	v24 =	vsel vm0, s8, v17;
	s8 =	sld [smem:$0x7F9]  }
0xa1c: {  	s9 =	spop (v2sf);
	s5 =	sshrl.u32 s16, $0x1F  }
0xa1d: {  	s3 =	smulhi.u32 $0x10624DD3, s9;
	v23 =	vsel vm4, s5, v16;
	v16 =	vsel vm10, s2, v24;
	s5 =	sshra.s32 s6, $0x6;
	s4 =	sshrl.u32 s13, $0x1F  }
0xa1e: {  	v16 =	vsel vm1, s5, v16;
	s5 =	sshra.s32 s6, $0x1F;
	v32 =	vsel vm2, s4, v15;
	s4 =	sshra.s32 s9, $0x1F;
	s9 =	sshrl.u32 s8, $0x1F  }
0xa1f: {  	s6 =	sshra.s32 s1, $0x6;
	v16 =	vsel vm11, s5, v16;
	v15 =	vsel vm5, s9, v23;
	s9 =	sld [smem:$0x7FA]  }
0xa20: {  	s5 =	sshra.s32 s17, $0x6;
	s17 =	sshra.s32 s12, $0x6;
	v16 =	vsel vm2, s6, v16;
	s6 =	sshra.s32 s1, $0x1F  }
0xa21: {  	s1 =	sshra.s32 s16, $0x6;
	s2 =	smul.u32 $0x10624DD3, s4;
	v16 =	vsel vm12, s6, v16;
	s6 =	sshra.s32 s10, $0x6  }
0xa22: {  	s10 =	sshra.s32 s13, $0x6;
	s13 =	sshra.s32 s16, $0x1F;
	s4 =	sshrl.u32 s9, $0x1F  }
0xa23: {  	v27 =	vmov s17;
	s16 =	sshra.s32 s9, $0x6;
	s17 =	sshra.s32 s9, $0x1F;
	s9 =	sshra.s32 s0, $0x6  }
0xa24: {  	v15 =	vsel vm6, s4, v15;
	s4 =	sshra.s32 s14, $0x6;
	s14 =	sshrl.u32 s0, $0x1F;
	s0 =	rddreg [dreg:$0x1f]  }
0xa25: {  	v29 =	vsel vm7, s14, v15;
	v25 =	vmov s4;
	s14 =	sshra.s32 s15, $0x6;
	s15 =	sshra.s32 s11, $0x6;
	s11 =	sshra.s32 s7, $0x6  }
0xa26: {  	v26 =	vsel vm4, s1, v16;
	s2 =	sadd.s32 s2, s3;
	v15 =	vsel vm0, s5, v25;
	v16 =	vsel vm0, s11, v27;
	s11 =	sld [smem:$0x7FB]  }
0xa27: {  	(v2sf) =	vpush v14, $0x7;
	s1 =	sshrl.u32 s0, $0x1F;
	s3 =	sshra.s32 s0, $0x6;
	s0 =	sshra.s32 s28, $0x1F;
	v15 =	vsel vm1, s14, v15  }
0xa28: {  	v23 =	vmov s0;
	s0 =	rddreg [dreg:$0x15];
	s14 =	sshra.s32 s8, $0x6;
	v28 =	vsel vm2, s15, v15;
	v15 =	vsel vm13, s13, v26  }
0xa29: {  	s15 =	sshra.s32 s8, $0x1F;
	s13 =	rddreg [dreg:$0x1a];
	v15 =	vsel vm5, s14, v15;
	s12 =	sshrl.u32 s11, $0x1F  }
0xa2a: {  	v15 =	vsel vm14, s15, v15;
	v20 =	vmov s12;
	s15 =	rddreg [dreg:$0x1c]  }
0xa2b: {  	s8 =	sshra.s32 s0, $0x6;
	s14 =	sshrl.u32 s13, $0x1F;
	v15 =	vsel vm6, s16, v15;
	v21 =	vsel vm0, s1, v20;
	s1 =	sld [smem:$0x7FC]  }
0xa2c: {  	v16 =	vsel vm1, s6, v16;
	s4 =	sshra.s32 s13, $0x6;
	s16 =	sshrl.u32 s15, $0x1F;
	v15 =	vsel vm15, s17, v15;
	s17 =	rddreg [dreg:$0x19]  }
0xa2d: {  	v25 =	vsel vm2, s10, v16;
	s5 =	sshra.s32 s15, $0x6;
	s15 =	rddreg [dreg:$0x16];
	v22 =	vsel vm1, s14, v21;
	s10 =	sshrl.u32 s17, $0x1F  }
0xa2e: {  	s6 =	sshra.s32 s17, $0x6;
	v27 =	vsel vm2, s16, v22;
	s16 =	sshrl.u32 s15, $0x1F;
	s14 =	sshra.s32 s1, $0x6  }
0xa2f: {  	s12 =	sshrl.u32 s1, $0x1F;
	s17 =	sshra.s32 s1, $0x1F;
	s1 =	rddreg [dreg:$0x18];
	v16 =	vsel vm3, s14, v23  }
0xa30: {  	v26 =	vsel vm7, s9, v15;
	s9 =	sshrl.u32 s0, $0x1F;
	v20 =	vmov s12;
	s12 =	sshra.s32 s15, $0x6;
	v16 =	vsel vm9, s17, v16;
	s17 =	sshra.s32 s1, $0x6  }
0xa31: {  	v21 =	vmov s16;
	s15 =	sshrl.u32 s1, $0x1F;
	s0 =	sshra.s32 s1, $0x1F;
	v15 =	vnsel vm3, $0x0, v20;
	s1 =	rddreg [dreg:$0x17];
	v16 =	vsel vm0, s17, v16  }
0xa32: {  	s13 =	rddreg [dreg:$0x1e];
	v17 =	vsel vm0, s10, v21;
	v15 =	vsel vm0, s15, v15;
	s16 =	sshrl.u32 s1, $0x1F;
	v16 =	vsel vm10, s0, v16;
	s0 =	sshra.s32 s1, $0x6  }
0xa33: {  	s7 =	sshra.s32 s11, $0x6;
	v17 =	vsel vm1, s9, v17;
	s17 =	sshrl.u32 s13, $0x1F;
	v15 =	vsel vm1, s16, v15;
	s1 =	sshra.s32 s1, $0x1F;
	v16 =	vsel vm1, s0, v16  }
0xa34: {  	v20 =	vmov s12;
	s16 =	sshrl.u32 s19, $0x1F;
	v15 =	vsel vm2, s17, v15;
	s17 =	sshrl.u32 s30, $0x1F;
	v16 =	vsel vm11, s1, v16;
	s1 =	sshra.s32 s13, $0x6  }
0xa35: {  	s9 =	sshra.s32 s19, $0x1F;
	s0 =	sshrl.u32 s20, $0x1F;
	v15 =	vsel vm4, s16, v15;
	v24 =	vsel vm2, s17, v17;
	s16 =	sshra.s32 s13, $0x1F;
	v16 =	vsel vm2, s1, v16  }
0xa36: {  	s15 =	spop (v2sf);
	s17 =	sshrl.u32 s29, $0x1F;
	v17 =	vmov s7;
	v15 =	vsel vm5, s0, v15;
	s1 =	sshra.s32 s19, $0x6;
	v16 =	vsel vm12, s16, v16  }
0xa37: {  	s0 =	sshrl.u32 s28, $0x1F;
	v22 =	vsel vm0, s3, v17;
	s19 =	sshra.s32 s20, $0x1F;
	v15 =	vsel vm6, s17, v15;
	s16 =	sshra.s32 s30, $0x6;
	v16 =	vsel vm4, s1, v16  }
0xa38: {  	s17 =	sshra.s32 s20, $0x6;
	s20 =	sshra.s32 s29, $0x6;
	s30 =	sshra.s32 s29, $0x1F;
	v23 =	vsel vm7, s0, v15;
	v15 =	vsel vm1, s4, v22;
	v16 =	vsel vm13, s9, v16  }
0xa39: {  	s0 =	smulhi.u32 $0x10624DD3, s15;
	s1 =	sshra.s32 s15, $0x1F;
	v22 =	vsel vm2, s5, v15;
	v15 =	vsel vm0, s6, v20;
	v16 =	vsel vm5, s17, v16;
	s17 =	rddreg [dreg:$0x12]  }
0xa3a: {  	s6 =	smul.u32 $0x10624DD3, s1;
	s1 =	sld [smem:$0x7FD];
	v15 =	vsel vm1, s8, v15;
	v16 =	vsel vm14, s19, v16;
	s15 =	sshrl.u32 s17, $0x1F  }
0xa3b: {  	v20 =	vsel vm2, s16, v15;
	s16 =	sshra.s32 s28, $0x6;
	s19 =	rddreg [dreg:$0x13];
	s28 =	sshrl.u32 s21, $0x1F;
	v16 =	vsel vm6, s20, v16  }
0xa3c: {  	s4 =	sadd.s32 s6, s0;
	s0 =	rddreg [dreg:$0x1d];
	s20 =	sshrl.u32 s19, $0x1F;
	v21 =	vsel vm15, s30, v16;
	v16 =	vmov s15  }
0xa3d: {  	s29 =	sshrl.u32 s0, $0x1F;
	s30 =	sshrl.u32 s24, $0x1F;
	v21 =	vsel vm7, s16, v21;
	v15 =	vsel vm0, s20, v16;
	v16 =	vmov s28;
	s28 =	rddreg [dreg:$0x14]  }
0xa3e: {  	v17 =	vmov s30;
	s16 =	sshrl.u32 s18, $0x1F;
	v15 =	vsel vm1, s29, v15;
	s15 =	sshrl.u32 s28, $0x1F;
	v16 =	vnsel vm3, $0x0, v16;
	s29 =	rddreg [dreg:$0x1b]  }
0xa3f: {  	v45 =	vperm.xlane v45, v1;
	s12 =	sshrl.u32 s1, $0x1F;
	s30 =	sshrl.u32 s22, $0x1F;
	v17 =	vsel vm0, s15, v17;
	v16 =	vsel vm0, s16, v16;
	s20 =	sshrl.u32 s29, $0x1F  }
0xa40: {  	v19 =	vsel vm2, s12, v15;
	s16 =	sshrl.u32 s31, $0x1F;
	v15 =	vsel vm1, s20, v17;
	v16 =	vsel vm1, s30, v16;
	s20 =	sshrl.u32 s23, $0x1F;
	s30 =	sshra.s32 s4, $0x1F  }
0xa41: {  	v18 =	vsel vm2, s16, v15;
	v15 =	vsel vm2, s20, v16;
	v16 =	vmov s30;
	s16 =	sshra.s32 s21, $0x6  }
0xa42: {  	v57 =	vperm.xlane v57, v1;
	v58 =	vcombine.low v59, v58;
	s20 =	sshra.s32 s21, $0x1F;
	s21 =	sshrl.u32 s25, $0x1F;
	v16 =	vsel vm3, s16, v16  }
0xa43: {  	v17 =	vcombine.low v43, v31;
	s30 =	sshrl.u32 s26, $0x1F;
	v15 =	vsel vm4, s21, v15;
	v16 =	vsel vm9, s20, v16;
	s20 =	sshra.s32 s18, $0x6  }
0xa44: {  	v43 =	vcombine.low v47, v46;
	s16 =	sshrl.u32 s2, $0x1F;
	s21 =	sshra.s32 s17, $0x6;
	v15 =	vsel vm5, s30, v15;
	s30 =	sshra.s32 s18, $0x1F;
	v16 =	vsel vm0, s20, v16  }
0xa45: {  	s19 =	sshra.s32 s19, $0x6;
	v46 =	vmov s21;
	s18 =	sshrl.u32 s4, $0x1F;
	v15 =	vsel vm6, s16, v15;
	s20 =	sshra.s32 s22, $0x6;
	v47 =	vsel vm10, s30, v16  }
0xa46: {  	v16 =	vsel vm7, s18, v15;
	v15 =	vsel vm0, s19, v46;
	s30 =	sshra.s32 s22, $0x1F;
	v46 =	vsel vm1, s20, v47  }
0xa47: {  	v59 =	vsel vm11, s30, v46;
	v46 =	vperm.xlane v60, v1;
	v60 =	vcombine.low v63, v61  }
0xa48: {  	v31 =	vld [tilespmem:$0x1FE30];
	v17 =	vperm.xlane v17, v30;
	v43 =	vperm.xlane v43, v30  }
0xa49: {  	v61 =	vperm.xlane v60, v30;
	v60 =	vld [tilespmem:$0x1FE40]  }
0xa4a: {  	v17 =	vsel vm8, v45, v17;
	v43 =	vsel vm8, v57, v43  }
0xa4b: {  	v62 =	vperm.xlane v62, v1;
	v45 =	vperm.xlane v58, v30;
	v17 =	vadd.s32 v17, v43  }
0xa4c: {  	v0 =	vld [tilespmem:$0x1F0];
	v47 =	vmul.u32 $0xFFFFFC18, v17  }
0xa4d: {  	v45 =	vsel vm8, v46, v45;
	v46 =	vsel vm8, v62, v61;
	v61 =	vld [tilespmem:$0x1FE60]  }
0xa4e: {  	v2 =	vadd.s32 v2, v47;
	v47 =	vcombine.low v60, v31;
	v31 =	vld [tilespmem:$0x1FE50];
	_ =	sdelay $0x2  }
0xa4f: {  	(v2sf) =	vpush v0, $0xD  }
0xa50: {  	(v2sf) =	vpush v0, $0xC;
	v62 =	vld [tilespmem:$0x1FE80]  }
0xa51: {  	(v2sf) =	vpush v0, $0xE;
	v58 =	vcombine.low v61, v31;
	v31 =	vld [tilespmem:$0x1FE70]  }
0xa52: {  	(v2sf) =	vpush v0, $0xF  }
0xa53: {  	(v2sf) =	vpush v0, $0x9;
	_ =	sdelay $0x1  }
0xa54: {  	(v2sf) =	vpush v0, $0x8;
	s21 =	sshra.s32 s0, $0x6;
	s0 =	sshra.s32 s1, $0x6;
	s1 =	sshra.s32 s23, $0x6;
	v60 =	vld [tilespmem:$0x1FEA0]  }
0xa55: {  	v43 =	vsel vm2, s1, v59;
	v59 =	vcombine.low v62, v31;
	v31 =	vld [tilespmem:$0x1FE90];
	_ =	sdelay $0x4  }
0xa56: {  	v60 =	vcombine.low v60, v31;
	v31 =	vld [tilespmem:$0x1FEB0];
	_ =	sdelay $0x2  }
0xa57: {  	s14 =	spop (v2sf)  }
0xa58: {  	s13 =	spop (v2sf)  }
0xa59: {  	s11 =	spop (v2sf);
	v15 =	vsel vm1, s21, v15;
	v61 =	vperm.xlane v31, v1;
	v31 =	vld [tilespmem:$0x1FEC0]  }
0xa5a: {  	s10 =	spop (v2sf);
	v15 =	vsel vm2, s0, v15;
	s0 =	sshra.s32 s23, $0x1F  }
0xa5b: {  	s9 =	spop (v2sf);
	s1 =	sshra.s32 s25, $0x6;
	v43 =	vsel vm12, s0, v43  }
0xa5c: {  	s24 =	sshra.s32 s24, $0x6;
	s30 =	sshra.s32 s28, $0x6;
	s28 =	sshra.s32 s25, $0x1F;
	v43 =	vsel vm4, s1, v43  }
0xa5d: {  	s7 =	spop (v2sf);
	v63 =	vmov s24;
	v43 =	vsel vm13, s28, v43;
	s28 =	sshra.s32 s26, $0x6  }
0xa5e: {  	v57 =	vsel vm0, s30, v63;
	s30 =	sshra.s32 s7, $0x1F;
	s1 =	sshra.s32 s29, $0x6;
	s29 =	sshra.s32 s26, $0x1F;
	v43 =	vsel vm5, s28, v43;
	v63 =	vperm.xlane v31, v1;
	v31 =	vld [tilespmem:$0x1FED0]  }
0xa5f: {  	s25 =	smul.u32 $0x10624DD3, s30;
	s30 =	sshra.s32 s2, $0x6;
	v43 =	vsel vm14, s29, v43  }
0xa60: {  	v62 =	vsel vm6, s30, v43;
	v43 =	vadd.s32 v45, v46;
	v45 =	vperm.xlane v58, v30  }
0xa61: {  	v47 =	vperm.xlane v47, v30  }
0xa62: {  	v45 =	vsel vm8, v63, v45;
	v63 =	vld [tilespmem:$0x1FEF0]  }
0xa63: {  	v47 =	vsel vm8, v61, v47;
	v61 =	vperm.xlane v31, v1;
	v31 =	vld [tilespmem:$0x1FEE0];
	_ =	sdelay $0x4  }
0xa64: {  	v46 =	vcombine.low v63, v31;
	v31 =	vld [tilespmem:$0x1FF00];
	_ =	sdelay $0x4  }
0xa65: {  	v44 =	vcombine.low v44, v31;
	v31 =	vld [tilespmem:$0x1FF10];
	_ =	sdelay $0x2  }
0xa66: {  	(v2sf) =	vpush v0, $0xA  }
0xa67: {  	(v2sf) =	vpush v0, $0xB;
	v58 =	vperm.xlane v59, v30  }
0xa68: {  	(v2sf) =	vpush v0, $0x0;
	v59 =	vperm.xlane v60, v30;
	v60 =	vperm.xlane v31, v1;
	v31 =	vld [tilespmem:$0x1FF20]  }
0xa69: {  	(v2sf) =	vpush v0, $0x1  }
0xa6a: {  	(v2sf) =	vpush v0, $0x2  }
0xa6b: {  	(v2sf) =	vpush v0, $0x3  }
0xa6c: {  	(v2sf) =	vpush v0, $0x4  }
0xa6d: {  	v63 =	vperm.xlane v31, v1;
	v31 =	vld [tilespmem:$0x1FF30];
	_ =	sdelay $0x3  }
0xa6e: {  	v58 =	vsel vm8, v61, v58;
	v61 =	vperm.xlane v46, v30;
	v46 =	vmul.u32 $0xFFFFFC18, v43  }
0xa6f: {  	s12 =	smulhi.u32 $0x10624DD3, s14;
	v59 =	vsel vm8, v60, v59;
	v60 =	vperm.xlane v44, v30;
	v31 =	vperm.xlane v31, v1  }
0xa70: {  	s15 =	smulhi.u32 $0x10624DD3, s13;
	s13 =	sshra.s32 s13, $0x1F  }
0xa71: {  	s14 =	sshra.s32 s14, $0x1F;
	s17 =	smul.u32 $0x10624DD3, s13;
	v46 =	vadd.s32 v3, v46;
	v3 =	vsel vm8, v63, v61;
	v61 =	vld [tilespmem:$0x1FF50];
	v31 =	vsel vm8, v31, v60  }
0xa72: {  	s5 =	spop (v2sf);
	s16 =	smul.u32 $0x10624DD3, s14;
	v3 =	vadd.s32 v3, v31;
	v31 =	vld [tilespmem:$0x1FF40]  }
0xa73: {  	s3 =	spop (v2sf);
	s18 =	smulhi.u32 $0x10624DD3, s11;
	s11 =	sshra.s32 s11, $0x1F  }
0xa74: {  	s6 =	spop (v2sf);
	s19 =	smul.u32 $0x10624DD3, s11;
	v60 =	vld [tilespmem:$0x1FF60]  }
0xa75: {  	s8 =	spop (v2sf);
	s20 =	smulhi.u32 $0x10624DD3, s10;
	s10 =	sshra.s32 s10, $0x1F;
	v45 =	vadd.s32 v47, v45  }
0xa76: {  	(v2sf) =	vpush v0, $0x5;
	s13 =	spop (v2sf);
	s23 =	smul.u32 $0x10624DD3, s10;
	v47 =	vmul.u32 $0xFFFFFC18, v45;
	v44 =	vadd.s32 v58, v59  }
0xa77: {  	(v2sf) =	vpush v0, $0x6;
	s14 =	spop (v2sf);
	s10 =	smulhi.u32 $0x10624DD3, s9;
	s9 =	sshra.s32 s9, $0x1F;
	v63 =	vmul.u32 $0xFFFFFC18, v44;
	v31 =	vcombine.low v61, v31  }
0xa78: {  	s11 =	spop (v2sf);
	(v2sf) =	vpush v0, $0x7;
	s24 =	smul.u32 $0x10624DD3, s9;
	v4 =	vadd.s32 v4, v47  }
0xa79: {  	s9 =	smulhi.u32 $0x10624DD3, s7;
	v47 =	vcombine.low v54, v60;
	v54 =	vadd.s32 v5, v63;
	v63 =	vperm.xlane v31, v30;
	v31 =	vld [tilespmem:$0x1FF70]  }
0xa7a: {  	s22 =	sshra.s32 s2, $0x1F;
	s2 =	sadd.s32 s16, s12;
	s16 =	smulhi.u32 $0x10624DD3, s6  }
0xa7b: {  	s0 =	sshra.s32 s31, $0x6;
	s31 =	smulhi.u32 $0x10624DD3, s13  }
0xa7c: {  	s26 =	smulhi.u32 $0x10624DD3, s5;
	s5 =	sshra.s32 s5, $0x1F;
	v60 =	vperm.xlane v51, v1;
	v47 =	vperm.xlane v47, v30  }
0xa7d: {  	s21 =	sshra.s32 s4, $0x6;
	s6 =	sshra.s32 s6, $0x1F;
	s28 =	smul.u32 $0x10624DD3, s5;
	v61 =	vmul.u32 $0xFFFFFC18, v3  }
0xa7e: {  	v53 =	vcombine.low v53, v56;
	s4 =	sadd.s32 s19, s18;
	s5 =	sadd.s32 s17, s15;
	s15 =	smul.u32 $0x10624DD3, s6;
	v47 =	vsel vm8, v60, v47;
	v60 =	vld [tilespmem:$0x1FFA0];
	v31 =	vperm.xlane v31, v1  }
0xa7f: {  	v49 =	vcombine.low v49, v52;
	s12 =	sshrl.u32 s2, $0x1F;
	v57 =	vsel vm1, s1, v57;
	s17 =	smulhi.u32 $0x10624DD3, s8;
	s18 =	sshrl.u32 s5, $0x1F;
	v7 =	vadd.s32 v7, v61  }
0xa80: {  	s6 =	sadd.s32 s24, s10;
	s29 =	smulhi.u32 $0x10624DD3, s3;
	s3 =	sshra.s32 s3, $0x1F;
	v61 =	vsel vm15, s22, v62;
	v62 =	vmov s18;
	v31 =	vsel vm8, v31, v63;
	v63 =	vld [tilespmem:$0x1FF90]  }
0xa81: {  	s30 =	smul.u32 $0x10624DD3, s3;
	s3 =	sadd.s32 s23, s20;
	s23 =	sshrl.u32 s4, $0x1F;
	v51 =	vsel vm2, s0, v57;
	v57 =	vsel vm0, s12, v62;
	v47 =	vadd.s32 v31, v47;
	v31 =	vld [tilespmem:$0x1FF80]  }
0xa82: {  	v40 =	vcombine.low v40, v41;
	s24 =	sshra.s32 s13, $0x1F;
	s10 =	sadd.s32 s25, s9;
	s25 =	sshrl.u32 s3, $0x1F;
	v5 =	vsel vm7, s21, v61;
	v61 =	vsel vm1, s23, v57  }
0xa83: {  	v38 =	vcombine.low v38, v39;
	s19 =	sshra.s32 s8, $0x1F;
	s13 =	smul.u32 $0x10624DD3, s24;
	v58 =	vcombine.low v48, v60;
	v48 =	vsel vm2, s25, v61;
	v61 =	vld [tilespmem:$0x1FFB0]  }
0xa84: {  	v42 =	vperm.xlane v42, v1;
	v40 =	vperm.xlane v40, v30;
	s8 =	sadd.s32 s28, s26;
	s28 =	smulhi.u32 $0x10624DD3, s14;
	s14 =	sshra.s32 s14, $0x1F  }
0xa85: {  	v38 =	vperm.xlane v38, v30;
	v37 =	vperm.xlane v37, v1;
	s7 =	spop (v2sf);
	s14 =	smul.u32 $0x10624DD3, s14  }
0xa86: {  	v34 =	vcombine.low v34, v36;
	s2 =	sshra.s32 s2, $0x6;
	s1 =	spop (v2sf);
	s20 =	smul.u32 $0x10624DD3, s19;
	v31 =	vcombine.low v63, v31  }
0xa87: {  	v32 =	vcombine.low v32, v35;
	v25 =	vcombine.low v25, v28;
	s9 =	sadd.s32 s30, s29;
	s29 =	smulhi.u32 $0x10624DD3, s11;
	s11 =	sshra.s32 s11, $0x1F  }
0xa88: {  	s17 =	sadd.s32 s20, s17;
	s30 =	spop (v2sf);
	s11 =	smul.u32 $0x10624DD3, s11;
	v61 =	vperm.xlane v61, v1;
	v31 =	vperm.xlane v31, v30  }
0xa89: {  	v32 =	vperm.xlane v32, v30;
	v29 =	vperm.xlane v29, v1;
	s20 =	sadd.s32 s13, s31;
	s31 =	smulhi.u32 $0x10624DD3, s30;
	s19 =	sshra.s32 s30, $0x1F  }
0xa8a: {  	v33 =	vperm.xlane v33, v1;
	v25 =	vperm.xlane v25, v30;
	s5 =	sshra.s32 s5, $0x6;
	s15 =	sadd.s32 s15, s16;
	s24 =	smul.u32 $0x10624DD3, s19;
	v31 =	vsel vm8, v61, v31;
	v61 =	vld [tilespmem:$0x1FFC0]  }
0xa8b: {  	v36 =	vsel vm8, v29, v32;
	v26 =	vperm.xlane v26, v1;
	v24 =	vcombine.low v24, v27;
	s26 =	smulhi.u32 $0x10624DD3, s1;
	s11 =	sadd.s32 s11, s29;
	s29 =	sshrl.u32 s15, $0x1F  }
0xa8c: {  	v39 =	vcombine.low v18, v19;
	v16 =	vperm.xlane v16, v1;
	s1 =	sshra.s32 s1, $0x1F;
	s13 =	sadd.s32 s14, s28;
	s0 =	sadd.s32 s24, s31;
	v62 =	vmov s29  }
0xa8d: {  	[tilespmem:$0x320] =	vst v2;
	v2 =	vadd.s32 $0x3E8, v17;
	s28 =	sshrl.u32 s10, $0x1F;
	s30 =	sshrl.u32 s17, $0x1F;
	v3 =	vadd.s32 $0x3E8, v3;
	s23 =	sshra.s32 s0, $0x1F;
	v57 =	vnsel vm3, $0x0, v62  }
0xa8e: {  	s31 =	smulhi.u32 $0x10624DD3, s7;
	s7 =	sshra.s32 s7, $0x1F;
	v62 =	vmov s5;
	v59 =	vmov s23;
	v57 =	vsel vm0, s30, v57;
	s25 =	sshra.s32 s15, $0x6  }
0xa8f: {  	s24 =	sshrl.u32 s20, $0x1F;
	s7 =	smul.u32 $0x10624DD3, s7;
	s15 =	sshra.s32 s15, $0x1F;
	v59 =	vsel vm3, s25, v59;
	v58 =	vperm.xlane v58, v30;
	v61 =	vperm.xlane v61, v1  }
0xa90: {  	s1 =	smul.u32 $0x10624DD3, s1;
	s22 =	sshrl.u32 s6, $0x1F;
	s29 =	sshra.s32 s17, $0x6;
	v57 =	vsel vm1, s24, v57;
	v60 =	vmov s28;
	v59 =	vsel vm9, s15, v59  }
0xa91: {  	s16 =	sshrl.u32 s8, $0x1F;
	s7 =	sadd.s32 s7, s31;
	s31 =	sshra.s32 s17, $0x1F;
	v60 =	vsel vm0, s22, v60;
	v59 =	vsel vm0, s29, v59;
	v63 =	vld [tilespmem:$0x1FFE0];
	v58 =	vsel vm8, v61, v58  }
0xa92: {  	s1 =	sadd.s32 s1, s26;
	s28 =	sshrl.u32 s13, $0x1F;
	v60 =	vsel vm1, s16, v60;
	s16 =	sshra.s32 s20, $0x6;
	v59 =	vsel vm10, s31, v59;
	v31 =	vadd.s32 v31, v58;
	v58 =	vld [tilespmem:$0x1FFD0]  }
0xa93: {  	s26 =	sshra.s32 s4, $0x6;
	s19 =	sshra.s32 s20, $0x1F;
	v5 =	vperm.xlane v5, v1;
	s30 =	sshrl.u32 s11, $0x1F;
	v57 =	vsel vm2, s28, v57;
	v59 =	vsel vm1, s16, v59  }
0xa94: {  	s18 =	sshrl.u32 s1, $0x1F;
	v62 =	vsel vm0, s2, v62;
	v57 =	vsel vm4, s30, v57;
	s15 =	sshrl.u32 s7, $0x1F;
	s20 =	sshra.s32 s13, $0x6;
	v59 =	vsel vm11, s19, v59  }
0xa95: {  	s21 =	sshra.s32 s13, $0x1F;
	s24 =	sshra.s32 s10, $0x6;
	v62 =	vsel vm1, s26, v62;
	s10 =	sshra.s32 s3, $0x6;
	v57 =	vsel vm5, s15, v57;
	v59 =	vsel vm2, s20, v59  }
0xa96: {  	s23 =	sshra.s32 s11, $0x6;
	v62 =	vsel vm2, s10, v62;
	v57 =	vsel vm6, s18, v57;
	v59 =	vsel vm12, s21, v59  }
0xa97: {  	s17 =	sshrl.u32 s9, $0x1F;
	s22 =	sshrl.u32 s0, $0x1F;
	s25 =	sshra.s32 s11, $0x1F;
	v59 =	vsel vm4, s23, v59;
	v58 =	vcombine.low v63, v58;
	v63 =	vmul.u32 $0xFFFFFC18, v47  }
0xa98: {  	s30 =	sshra.s32 s7, $0x6;
	v60 =	vsel vm2, s17, v60;
	v57 =	vsel vm7, s22, v57;
	v59 =	vsel vm13, s25, v59  }
0xa99: {  	s28 =	sshra.s32 s6, $0x6;
	s13 =	sshra.s32 s7, $0x1F;
	v59 =	vsel vm5, s30, v59;
	v61 =	vmov s24;
	v6 =	vadd.s32 v6, v63;
	v63 =	vld [tilespmem:$0x1FFF0]  }
0xa9a: {  	s11 =	sshra.s32 s8, $0x6;
	s17 =	sshra.s32 s1, $0x6;
	v59 =	vsel vm14, s13, v59;
	v61 =	vsel vm0, s28, v61;
	v41 =	vmul.u32 $0xFFFFFC18, v31  }
0xa9b: {  	s14 =	sshra.s32 s9, $0x6;
	[tilespmem:$0x330] =	vst v46;
	v59 =	vsel vm6, s17, v59;
	v61 =	vsel vm1, s11, v61;
	v46 =	vadd.s32 $0x3E8, v31  }
0xa9c: {  	v61 =	vsel vm2, s14, v61;
	v8 =	vadd.s32 v8, v41;
	v52 =	vperm.xlane v58, v30  }
0xa9d: {  	[tilespmem:$0x520] =	vst v2;
	v58 =	vperm.xlane v53, v30;
	v53 =	vsel vm8, v37, v38;
	v38 =	vcombine.low v20, v22  }
0xa9e: {  	[tilespmem:$0x560] =	vst v3;
	v37 =	vsel vm8, v26, v25;
	v56 =	vperm.xlane v63, v1;
	v63 =	vperm.xlane v55, v1  }
0xa9f: {  	[tilespmem:$0x360] =	vst v7;
	v3 =	vadd.s32 v36, v37;
	v7 =	vperm.xlane v38, v30;
	v55 =	vperm.xlane v49, v30  }
0xaa0: {  	[tilespmem:$0x340] =	vst v4;
	v52 =	vsel vm8, v56, v52;
	v41 =	vsel vm8, v63, v58;
	v56 =	vperm.xlane v50, v1  }
0xaa1: {  	[tilespmem:$0x350] =	vst v54;
	v63 =	vperm.xlane v34, v30;
	v41 =	vadd.s32 v52, v41;
	v52 =	vsel vm8, v42, v40  }
0xaa2: {  	[tilespmem:$0x580] =	vst v46;
	v40 =	vadd.s32 $0x3E8, v47;
	v42 =	vperm.xlane v24, v30;
	v58 =	vmul.u32 $0xFFFFFC18, v41  }
0xaa3: {  	[tilespmem:$0x380] =	vst v8;
	v50 =	vsel vm8, v56, v55;
	v17 =	vsel vm8, v33, v63;
	v55 =	vadd.s32 $0x3E8, v43  }
0xaa4: {  	[tilespmem:$0x370] =	vst v6;
	v56 =	vadd.s32 $0x3E8, v45;
	v63 =	vadd.s32 $0x3E8, v44;
	v43 =	vperm.xlane v23, v1  }
0xaa5: {  	[tilespmem:$0x570] =	vst v40;
	v44 =	vmul.u32 $0xFFFFFC18, v3;
	v45 =	vperm.xlane v21, v1;
	v3 =	vadd.s32 $0x3E8, v3  }
0xaa6: {  	[tilespmem:$0x530] =	vst v55;
	v17 =	vadd.s32 v53, v17;
	v53 =	vcombine.low v60, v48;
	v55 =	vcombine.low v61, v62  }
0xaa7: {  	[tilespmem:$0x540] =	vst v56;
	v60 =	vperm.xlane v57, v1;
	v2 =	vadd.s32 v9, v58;
	v9 =	vadd.s32 v50, v52  }
0xaa8: {  	[tilespmem:$0x550] =	vst v63;
	v58 =	vmul.u32 $0xFFFFFC18, v17;
	v6 =	vadd.s32 v12, v44;
	v47 =	vsel vm8, v43, v42  }
0xaa9: {  	[tilespmem:$0x5C0] =	vst v3;
	v7 =	vsel vm8, v45, v7;
	v50 =	vadd.s32 $0x3E8, v41;
	v52 =	vcombine.low v51, v15  }
0xaaa: {  	v54 =	vadd.s32 $0x3E8, v17;
	v28 =	vmul.u32 $0xFFFFFC18, v9;
	[tilespmem:$0x390] =	vst v2;
	v2 =	vadd.s32 v47, v7  }
0xaab: {  	s1 =	sshra.s32 s1, $0x1F;
	[tilespmem:$0x590] =	vst v50;
	v9 =	vadd.s32 $0x3E8, v9;
	v61 =	vperm.xlane v55, v30;
	v4 =	vadd.s32 v11, v58  }
0xaac: {  	s0 =	sshra.s32 s0, $0x6;
	[tilespmem:$0x5B0] =	vst v54;
	v11 =	vperm.xlane v39, v30;
	v8 =	vperm.xlane v52, v30;
	v58 =	vsel vm15, s1, v59  }
0xaad: {  	v56 =	vmul.u32 $0xFFFFFC18, v2;
	[tilespmem:$0x5A0] =	vst v9;
	v59 =	vperm.xlane v53, v30;
	v9 =	vsel vm7, s0, v58  }
0xaae: {  	[tilespmem:$0x3C0] =	vst v6;
	v49 =	vsel vm8, v16, v11;
	v5 =	vsel vm8, v5, v8;
	v9 =	vperm.xlane v9, v1  }
0xaaf: {  	v2 =	vadd.s32 $0x3E8, v2;
	v10 =	vadd.s32 v10, v28;
	[tilespmem:$0x3B0] =	vst v4;
	v5 =	vadd.s32 v49, v5  }
0xab0: {  	[tilespmem:$0x5D0] =	vst v2;
	v3 =	vsel vm8, v60, v59;
	v63 =	vsel vm8, v9, v61;
	v7 =	vmul.u32 $0xFFFFFC18, v5  }
0xab1: {  	[tilespmem:$0x3A0] =	vst v10;
	v62 =	vadd.s32 v13, v56;
	v3 =	vadd.s32 v3, v63  }
0xab2: {  	[tilespmem:$0x3D0] =	vst v62;
	v2 =	vadd.s32 v14, v7;
	v4 =	vmul.u32 $0xFFFFFC18, v3  }
0xab3: {  	[tilespmem:$0x3E0] =	vst v2;
	v2 =	vadd.s32 $0x3E8, v5  }
0xab4: {  	[tilespmem:$0x5E0] =	vst v2;
	v0 =	vadd.s32 v0, v4  }
0xab5: {  	s12 =	rddreg [dreg:$0xc];
	[tilespmem:$0x3F0] =	vst v0;
	v0 =	vadd.s32 $0x3E8, v3  }
0xab6: {  	s18 =	simm.s32 $0x80;
	s19 =	simm.s32 $0x600;
	s20 =	rddreg [dreg:$0x4];
	[tilespmem:$0x5F0] =	vst v0  }
0xab7: {  	[tilespmem:s19], [sflag:$0x1] =	stream.indirect.gather [hbm4b:s12+s18], $0x40, s20, s18, $0xb8;
	[tilespmem:$0x8600] =	vst v63  }
0xab8: {  	s16 =	simm.s32 $0x2600;
	s21 =	rddreg [dreg:$0x5]  }
0xab9: {  	[tilespmem:s16], [sflag:$0x1] =	stream.indirect.gather [hbm4b:s12+s18], $0x40, s21, s18, $0xb8;
	[tilespmem:$0x8600] =	vst v63  }
0xaba: {  	s31 =	simm.s32 $0x4600;
	s22 =	rddreg [dreg:$0x6]  }
0xabb: {  	[tilespmem:s31], [sflag:$0x1] =	stream.indirect.gather [hbm4b:s12+s18], $0x40, s22, s18, $0xb8;
	[tilespmem:$0x8600] =	vst v63  }
0xabc: {  	s29 =	simm.s32 $0x6600;
	s15 =	simm.s32 $0x1;
	s23 =	rddreg [dreg:$0x7]  }
0xabd: {  	[tilespmem:s29], [sflag:$0x1] =	stream.indirect.gather [hbm4b:s12+s18], $0x40, s23, s18, $0xb8;
	[tilespmem:$0x8600] =	vst v63  }
0xabe: {  	_ =	swait.ge [sflag:s15], $0x2000  }
0xabf: {  	[sflag:s15] =	ssyncset.done $0x0  }
0xac0: {  	[sflag:s15] =	ssyncadd.s32 $0xFFFFE000  }
0xac1: {  	_ =	swait.ge [sflag:s15], $0x2000  }
0xac2: {  	[sflag:s15] =	ssyncset.done $0x0  }
0xac3: {  	[sflag:s15] =	ssyncadd.s32 $0xFFFFE000  }
0xac4: {  	_ =	swait.ge [sflag:s15], $0x2000  }
0xac5: {  	[sflag:s15] =	ssyncset.done $0x0  }
0xac6: {  	[sflag:s15] =	ssyncadd.s32 $0xFFFFE000  }
0xac7: {  	_ =	swait.ge [sflag:s15], $0x2000  }
0xac8: {  	[sflag:s15] =	ssyncset.done $0x0  }
0xac9: {  	s24 =	rddreg [dreg:$0x8];
	[sflag:s15] =	ssyncadd.s32 $0xFFFFE000  }
0xaca: {  	[tilespmem:s19], [sflag:$0x2] =	stream.indirect.gather.add.f32 [hbm:s12], $0x40, s24, s18, $0xb8;
	[tilespmem:$0x8600] =	vst v63  }
0xacb: {  	s25 =	rddreg [dreg:$0x9]  }
0xacc: {  	[tilespmem:s16], [sflag:$0x2] =	stream.indirect.gather.add.f32 [hbm:s12], $0x40, s25, s18, $0xb8;
	[tilespmem:$0x8600] =	vst v63  }
0xacd: {  	s26 =	rddreg [dreg:$0xa]  }
0xace: {  	[tilespmem:s31], [sflag:$0x2] =	stream.indirect.gather.add.f32 [hbm:s12], $0x40, s26, s18, $0xb8;
	[tilespmem:$0x8600] =	vst v63  }
0xacf: {  	s30 =	simm.s32 $0x2;
	s28 =	rddreg [dreg:$0xb]  }
0xad0: {  	[tilespmem:s29], [sflag:$0x2] =	stream.indirect.gather.add.f32 [hbm:s12], $0x40, s28, s18, $0xb8;
	[tilespmem:$0x8600] =	vst v63  }
0xad1: {  	s29 =	rddreg [dreg:$0x11];
	_ =	swait.ge [sflag:s30], $0x2000  }
0xad2: {  	[sflag:s30] =	ssyncset.done $0x0  }
0xad3: {  	[sflag:s30] =	ssyncadd.s32 $0xFFFFE000  }
0xad4: {  	_ =	swait.ge [sflag:s30], $0x2000  }
0xad5: {  	[sflag:s30] =	ssyncset.done $0x0  }
0xad6: {  	[sflag:s30] =	ssyncadd.s32 $0xFFFFE000  }
0xad7: {  	_ =	swait.ge [sflag:s30], $0x2000  }
0xad8: {  	[sflag:s30] =	ssyncset.done $0x0  }
0xad9: {  	[sflag:s30] =	ssyncadd.s32 $0xFFFFE000  }
0xada: {  	s7 =	simm.s32 $0x0;
	_ =	swait.ge [sflag:s30], $0x2000  }
0xadb: {  	s1 =	simm.s32 $0x3;
	p0 =	sne.s32 s29, $0xC40;
	[sflag:s30] =	ssyncset.done $0x0  }
.Ltmp0:
0xadc: {  	s31 =	rddreg [dreg:$0x10];
	[sflag:s30] =	ssyncadd.s32 $0xFFFFE000;
	(pc) =	sbr.rel @p0 .LBB2_2-.Ltmp0, $4  }
0xadd: {  	[hbm4b:s31+s7] =	stream.linear.scatter [tilespmem:s19], [sflag:$0x3], $0x8000, $0x38;
	[tilespmem:$0x8600] =	vst v63  }
0xade: {  	_ =	swait.ge [sflag:s1], $0x8000  }
0xadf: {  	[sflag:s1] =	ssyncset.done $0x0  }
0xae0: {  	s2 =	sadd.s32 $0x40, s29;
	s0 =	sadd.s32 $0x1000, s31;
	[sflag:s1] =	ssyncadd.s32 $0xFFFF8000  }
0xae1: {  	s2 =	rddreg [dreg:$0xf]  }
0xae2: {  	s0 =	rddreg [dreg:$0xd];
	s2 =	sadd.s32 $0x1, s2  }
0xae3: {  	p0 =	sne.s32 s2, s0  }
.Ltmp1:
0xae4: {  	_ = 	snop;
	(pc) =	sbr.rel @p0 .LBB2_1-.Ltmp1, $1  }
0xae5: {  	_ =	sdelay $0x3  }
0xae6: {  	_ =	sfence.sel $0x180000  }
0xae7: {  	[bflag:$0x0] =	sbarrier.arrive $0xFFFF  }
0xae8: {  	_ =	strace $0x90000047  }
0xae9: {  	s0 =	stileid.u32;
	[bflag:$0x2] =	sbarrier.arrive $0xFFFF  }
0xaea: {  	p0 =	sne.s32 s0, $0x0;
	s0 =	rddreg [dreg:$0x2]  }
0xaeb: {  	s0 =	sadd.s32 @!p0 $0x100000, s0  }
0xaec: {  	[sflag:s0] =	ssyncadd.tile.s32 @!p0 $0x1;
	_ =	shalt  }
.Lfunc_end2:
_tile_overlayer_lowered:
.L_overlay_start_2:
0xaed: {  	(tag) =	ssettag $0x2  }
0xaee: {  	s0 =	rddreg [dreg:$0x0];
	s2 =	stileid.u32  }
0xaef: {  	s1 =	rddreg [dreg:$0x1];
	p0 =	sne.s32 s2, $0x0  }
0xaf0: {  	s3 =	rddreg [dreg:$0x2];
	[bflag:$0x3] =	sbarrier.arrive $0xFFFF;
	s2 =	simm.s32 @!p0 $0x1C03  }
0xaf1: {  	[timem:s3], [sflag:s2] =	dma.local @!p0 [hbm:s0], s1  }
0xaf2: {  	s0 =	simm.s32 @!p0 $0x3  }
0xaf3: {  	_ =	swait.ge @!p0 [sflag:s0], s1  }
0xaf4: {  	s1 =	ssub.s32 @!p0 $0x0, s1;
	[sflag:s0] =	ssyncset.done @!p0 $0x0  }
0xaf5: {  	[sflag:s0] =	ssyncadd.s32 @!p0 s1  }
0xaf6: {  	[bflag:$0x3] =	sbarrier.arrive $0xFFFF  }
0xaf7: {  	_ =	shalt  }

// kernel: sparse-core-data-format-call.cloned.1.call-start
scs
called_computation_lowered:
.L_overlay_start_0:
0x0: {  	s2 =	sld [smem:$0x3FD9]  }
0x1: {  	s3 =	sld [smem:$0x3FFE];
	_ =	sdelay $0x1  }
0x2: {  	s1 =	srdreg.scid  }
0x3: {  	s0 =	sand.u32 $0x1, s1  }
0x4: {  	s18 =	sshll.u32 s0, $0xA;
	s2 =	sadd.s32 s3, s2  }
0x5: {  	s2 =	sadd.s32 s2, s18  }
0x6: {  	[smem:$0x3FC4] =	sst s2  }
0x7: {  	_ = 	snop  }
0x8: {  	s2 =	sld [smem:$0x3FD0];
	(tm) =	ssettm $0x1  }
0x9: {  	s19 =	sld [smem:$0x3FFB];
	_ =	sdelay $0x3  }
0xa: {  	_ =	strace s19  }
0xb: {  	s3 =	sld [smem:$0x3FFC];
	_ =	sdelay $0x3  }
0xc: {  	_ =	strace s3  }
0xd: {  	s3 =	sld [smem:$0x3FFD];
	_ =	sdelay $0x3  }
0xe: {  	_ =	strace s3  }
0xf: {  	_ =	strace $0x8FFFFFFF  }
0x10: {  	s20 =	sld [smem:$0x3FDB];
	_ =	sdelay $0x1  }
0x11: {  	s4 =	simm.s32 $_scs_section_size  }
0x12: {  	s5 =	simm.s32 $_size__tile_overlayer_lowered;
	s6 =	simm.s32 $_tile_overlayer_lowered  }
0x13: {  	s23 =	simm.s32 $0x1BFF;
	s22 =	sshll.u32 s6, $0x1;
	s3 =	sadd.s32 s4, s20  }
0x14: {  	s7 =	simm.s32 $0x0;
	s21 =	sshll.u32 s5, $0x1;
	s5 =	sadd.s32 s22, s3  }
0x15: {  	[timem:s7], [sflag:s23] =	dma.local [hbm:s5], s21  }
0x16: {  	_ =	swait.ge [sflag:s23], s21  }
0x17: {  	s4 =	ssub.s32 $0x0, s21;
	[sflag:s23] =	ssyncset.done $0x0  }
0x18: {  	[sflag:s23] =	ssyncadd.s32 s4;
	_ =	sdelay $0x1  }
0x19: {  	s24 =	simm.s32 $0x1B8B  }
0x1a: {  	_ =	swait.ge [sflag:s24], $0x1  }
0x1b: {  	[sflag:s24] =	ssyncset.done $0x0  }
0x1c: {  	s26 =	simm.s32 $0x1B8E;
	s25 =	sld [smem:$0x3FFE];
	[sflag:s24] =	ssyncadd.s32 $0xFFFFFFFF  }
0x1d: {  	s27 =	simm.s32 $execute0_lowered;
	[smem:$0x3FD2] =	sst s26  }
0x1e: {  	s5 =	sshll.u32 s27, $0x1;
	_ =	strace $0x80000049;
	[dreg:$0x1] =	wrdreg $0xFFFFFFFF  }
0x1f: {  	s28 =	simm.s32 $_size_execute0_lowered;
	s3 =	sadd.s32 s3, s5;
	[dreg:$0x0] =	wrdreg $0x0  }
0x20: {  	s5 =	sshll.u32 s28, $0x1;
	[dreg:$0x2] =	wrdreg s3  }
0x21: {  	[dreg:$0x3] =	wrdreg s5  }
0x22: {  	[dreg:$0x4] =	wrdreg $0xC0  }
0x23: {  	_ =	task [dreg:s7], $0x5FFFF  }
0x24: {  	[dreg:$0x1] =	wrdreg $0xFFFFFFFF  }
0x25: {  	[dreg:$0x0] =	wrdreg $0x60  }
0x26: {  	[dreg:$0x2] =	wrdreg s25  }
0x27: {  	[dreg:$0x3] =	wrdreg s2  }
0x28: {  	[dreg:$0x4] =	wrdreg $0x9  }
0x29: {  	_ =	task.clear_ibuf [dreg:s7], $0x5FFFF;
	_ =	strace $0x90000049  }
0x2a: {  	s29 =	simm.s32 $0x9;
	_ =	strace $0x8000004B  }
0x2b: {  	_ =	swait.ge [sflag:s29], $0x1  }
0x2c: {  	[sflag:s29] =	ssyncadd.s32 $0xFFFFFFFF  }
0x2d: {  	_ =	strace $0x9000004B  }
0x2e: {  	_ =	sfence  }
0x2f: {  	s30 =	sld [smem:$0x0];
	_ =	sdelay $0x2  }
0x30: {  	s31 =	sshll.u32 s1, $0xD;
	s1 =	sshrl.u32 s1, $0x2  }
0x31: {  	s3 =	sand.u32 $0x4000, s31;
	s1 =	sadd.s32 s1, s30  }
0x32: {  	s0 =	sor.u32 s3, s0;
	s1 =	sshll.u32 s1, $0x11  }
0x33: {  	s0 =	sor.u32 s1, s0  }
0x34: {  	s0 =	sadd.s32 $0x8F2B, s0  }
0x35: {  	[sflag:s0] =	ssyncadd.remote.s32 $0x1  }
0x36: {  	_ =	sfence.sel $0xFFFF  }
0x37: {  	[dreg:$0x0] =	wrdreg $0xFFFFFFFF;
	(pc) =	sbr.abs _section_cstart, $3  }
0x38: {  	[dreg:$0x1] =	wrdreg $0xFFFFFFFF  }
0x39: {  	_ =	task.clear_ibuf [dreg:s7], $0x2FFFF;
	_ =	strace $0x9FFFFFFF  }
0x3a: {  	(tm) =	ssettm $0x7FFFFFFF  }
0x3b: {  	_ =	shalt  }
tec
execute0_lowered:
.L_overlay_start_1:
0x0: {  	(tag) =	ssettag $0x1  }
0x1: {  	s0 =	srdreg.scid  }
0x2: {  	s1 =	sshll.u32 s0, $0x4  }
0x3: {  	s0 =	stileid.u32;
	s1 =	sand.u32 $0x10, s1  }
0x4: {  	s1 =	sor.u32 s0, s1  }
0x5: {  	s6 =	rddreg [dreg:$0x0];
	s4 =	simm.s32 $0x1;
	s2 =	sshll.u32 s1, $0x7  }
0x6: {  	s7 =	simm.s32 $0x2;
	s12 =	simm.s32 $0x0;
	s1 =	ssub.s32 $0x1000, s2  }
0x7: {  	s8 =	simm.s32 $0x8000;
	s13 =	simm.s32 $0x0;
	s3 =	sand.u32 $0xF80, s1  }
0x8: {  	s9 =	simm.s32 $0x0;
	s5 =	sshrl.u32 s1, $0xC;
	p0 =	sne.s32 s3, $0x0  }
.Ltmp0:
0x9: {  	s1 =	rddreg [dreg:$0x2];
	s4 =	simm.s32 @!p0 $0x0;
	(pc) =	sbr.rel .LBB1_1-.Ltmp0, $4  }
0xa: {  	s11 =	simm.s32 $0x0;
	s3 =	rddreg [dreg:$0x1];
	s5 =	sadd.s32 s4, s5  }
0xb: {  	_ =	strace $0x8000004A;
	s4 =	simm.s32 $0x1;
	s5 =	smul.u32 $0xC8, s5  }
0xc: {  	s6 =	sadd.s32 $0xA00, s6;
	s10 =	smov.u32 s2;
	[sflag:s4] =	ssyncpa.u1 $0x0  }
0xd: {  	p0 =	por $0x0, $0x0;
	[sflag:s7] =	ssyncpa.u1 $0x0;
	s7 =	sor.u32 $0x1, s5  }
.LBB1_4:
0xe: {  	s16 =	sshll.u32 s13, $0x3;
	s17 =	sand.u32 $0x78, s13  }
0xf: {  	s30 =	sand.u32 $0x7E00, s13;
	s12 =	sshll.u32 s12, $0xF;
	s16 =	sand.u32 $0xC00, s16  }
0x10: {  	[tilespmem:s15+$0x810 ss:$0x81] =	vst.msk $0xffff, v2;
	s31 =	sand.u32 $0x7, s13;
	s16 =	sor.u32 s17, s16;
	s17 =	sadd.s32 s3, s30  }
0x11: {  	[tilespmem:s15+$0x1020 ss:$0x81] =	vst.msk $0xffff, v0;
	s13 =	sshll.u32 s31, $0x12;
	s12 =	sadd.s32 s12, s17;
	s16 =	sshrl.u32 s16, $0x3  }
0x12: {  	[tilespmem:s15+$0x0 ss:$0x81] =	vst.msk $0xffff, v1;
	s13 =	sor.u32 $0x400, s13;
	s12 =	sadd.s32 s16, s12  }
0x13: {  	[hbm4b:s12+s13] =	stream.strided.scatter [tilespmem:s14], [sflag:$0x2], $0x2000, s8, s13, $0x20;
	[tilespmem:$0x8080] =	vst v63  }
.LBB1_5:
0x14: {  	s14 =	sadd.s32 $0x1, s9  }
0x15: {  	s12 =	sadd.s32 $0x1000, s10;
	s16 =	smov.u32 s10;
	p2 =	sgt.s32 s14, $0xC7  }
0x16: {  	s16 =	smov.u32 @p2 s12  }
0x17: {  	s14 =	simm.s32 @p2 $0x0;
	p2 =	sgt.s32 s16, $0xFFF  }
0x18: {  	s16 =	smov.u32 @p2 s2;
	p2 =	sne.s32 s11, s7  }
.Ltmp1:
0x19: {  	p1 =	slt.u32 s11, $0x2;
	(pc) =	sbr.rel @!p2 .LBB1_6-.Ltmp1, $4  }
0x1a: {  	s15 =	simm.s32 @!p1 $0x2  }
0x1b: {  	s13 =	smov.u32 s10;
	p0 =	por !p0, !p0;
	_ =	swait.ge @!p1 [sflag:s15], $0x2000  }
0x1c: {  	s12 =	smov.u32 s9;
	[sflag:s15] =	ssyncset.done @!p1 $0x0;
	s9 =	smov.u32 s14  }
0x1d: {  	s11 =	sadd.s32 $0x1, s11;
	[sflag:s15] =	ssyncadd.s32 @!p1 $0xFFFFE000;
	s10 =	smov.u32 s16  }
.LBB1_1:
0x1e: {  	p1 =	sge.u32 s11, s5  }
0x1f: {  	s14 =	sand.u32 @!p1 $0x1FFFFFF, s9  }
0x20: {  	s15 =	smulhi.u32 @!p1 $0x147AE15, s14;
	_ =	sdelay $0x1  }
0x21: {  	s15 =	smul.u32 @!p1 $0xC8, s15  }
0x22: {  	s16 =	sxor.u32 @!p1 $0xFFFFFFFF, s11;
	s17 =	smul.u32 @!p1 $0xC80, s10  }
0x23: {  	s31 =	sadd.s32 $0xFFFFFFFF, s11;
	s16 =	sshll.u32 @!p1 s16, $0xD;
	s14 =	ssub.s32 @!p1 s14, s15  }
0x24: {  	s15 =	sand.u32 @!p1 $0x2000, s16;
	s16 =	sadd.s32 @!p1 s6, s17;
	s14 =	sshll.u32 @!p1 s14, $0x4  }
0x25: {  	s17 =	simm.s32 @!p1 $0x6400;
	s14 =	sadd.s32 @!p1 s14, s16;
	s16 =	simm.s32 @!p1 $0x40  }
0x26: {  	[tilespmem:s15], [sflag:$0x1] =	stream.strided.gather @!p1 [hbm4b:s14+s16], $0x2000, s17, s16, $0x38;
	[tilespmem:$0x8080] =	vst v63  }
0x27: {  	p1 =	sge.u32 s31, s5  }
.Ltmp2:
0x28: {  	_ = 	snop;
	(pc) =	sbr.rel @p1 .LBB1_5-.Ltmp2, $1  }
0x29: {  	_ =	sdelay $0x3  }
0x2a: {  	s14 =	simm.s32 $0x1  }
0x2b: {  	_ =	swait.ge [sflag:s4], $0x2000;
	s14 =	simm.s32 @!p0 $0x0  }
0x2c: {  	[sflag:s4] =	ssyncset.done $0x0;
	s15 =	sshll.u32 s14, $0xD  }
0x2d: {  	[sflag:s4] =	ssyncadd.s32 $0xFFFFE000;
	s18 =	sor.u32 $0x20, s15  }
0x2e: {  	s14 =	smul.u32 $0x8100, s14;
	v3 =	vld [tilespmem:s18+$0x10]  }
0x2f: {  	s30 =	sand.u32 $0x1, s11;
	v2 =	vld [tilespmem:s18+$0xFFFFFFF0]  }
0x30: {  	s15 =	smul.u32 $0x8100, s30;
	s14 =	sshrl.u32 s14, $0x2;
	v0 =	vld [tilespmem:s18+$0x0]  }
0x31: {  	v1 =	vld [tilespmem:s18+$0xFFFFFFE0];
	s16 =	sor.u32 $0x4000, s14  }
0x32: {  	s31 =	sshrl.u32 s15, $0x2;
	s15 =	sadd.s32 $0x0, s16  }
0x33: {  	s17 =	simm.s32 $0x4;
	s18 =	sadd.s32 $0x40, s18;
	s14 =	sor.u32 $0x4000, s31;
	[tilespmem:s15+$0x1830 ss:$0x81] =	vst.msk $0xffff, v3  }
.LBB1_3:
0x34: {  	v3 =	vld [tilespmem:s18+$0x10];
	p1 =	sne.s32 s17, $0x1FC;
	[tilespmem:s15+$0x810 ss:$0x81] =	vst.msk $0xffff, v2;
	s19 =	smov.u32 s17;
	s17 =	sadd.s32 $0x4, s17  }
.Ltmp3:
0x35: {  	v2 =	vld [tilespmem:s18+$0xFFFFFFF0];
	[tilespmem:s15+$0x1020 ss:$0x81] =	vst.msk $0xffff, v0;
	(pc) =	sbr.rel @p1 .LBB1_3-.Ltmp3, $4  }
0x36: {  	v0 =	vld [tilespmem:s18+$0x0];
	[tilespmem:s15+$0x0 ss:$0x81] =	vst.msk $0xffff, v1  }
0x37: {  	s15 =	sshra.s32 s19, $0x2;
	v1 =	vld [tilespmem:s18+$0xFFFFFFE0]  }
0x38: {  	s15 =	sadd.s32 s15, s16  }
0x39: {  	s18 =	sadd.s32 $0x40, s18;
	[tilespmem:s15+$0x1830 ss:$0x81] =	vst.msk $0xffff, v3  }
.Ltmp4:
0x3a: {  	_ = 	snop;
	(pc) =	sbr.rel .LBB1_4-.Ltmp4, $1  }
0x3b: {  	_ =	sdelay $0x3  }
.LBB1_6:
0x3c: {  	_ =	sfence.sel $0x180000  }
0x3d: {  	s2 =	simm.s32 $0x1;
	[bflag:$0x0] =	sbarrier.arrive $0xFFFF  }
0x3e: {  	s31 =	simm.s32 $0x2;
	[sflag:s2] =	ssyncpa.u1 $0x1  }
0x3f: {  	[sflag:s31] =	ssyncpa.u1 $0x1  }
0x40: {  	p0 =	sne.s32 s0, $0x0;
	_ =	strace $0x9000004A  }
0x41: {  	s0 =	sadd.s32 @!p0 $0x100000, s1;
	[bflag:$0x2] =	sbarrier.arrive $0xFFFF  }
0x42: {  	[sflag:s0] =	ssyncadd.tile.s32 @!p0 $0x1;
	_ =	shalt  }
.Lfunc_end1:
_tile_overlayer_lowered:
.L_overlay_start_2:
0x43: {  	(tag) =	ssettag $0x2  }
0x44: {  	s0 =	rddreg [dreg:$0x0];
	s2 =	stileid.u32  }
0x45: {  	s1 =	rddreg [dreg:$0x1];
	p0 =	sne.s32 s2, $0x0  }
0x46: {  	s3 =	rddreg [dreg:$0x2];
	[bflag:$0x3] =	sbarrier.arrive $0xFFFF;
	s2 =	simm.s32 @!p0 $0x1C01  }
0x47: {  	[timem:s3], [sflag:s2] =	dma.local @!p0 [hbm:s0], s1  }
0x48: {  	s0 =	simm.s32 @!p0 $0x1  }
0x49: {  	_ =	swait.ge @!p0 [sflag:s0], s1  }
0x4a: {  	s1 =	ssub.s32 @!p0 $0x0, s1;
	[sflag:s0] =	ssyncset.done @!p0 $0x0  }
0x4b: {  	[sflag:s0] =	ssyncadd.s32 @!p0 s1  }
0x4c: {  	[bflag:$0x3] =	sbarrier.arrive $0xFFFF  }
0x4d: {  	_ =	shalt  }

</sc_bundles>
